<compile_context>
chip_gen: v7x
topology: tpu7x:2x2x1
jax: 0.10.2.dev20260603
libtpu: 0.0.44.dev20260713+nightly
codegen_flags: <defaults>
</compile_context>

<pallas_src>
import functools

import jax
import jax.numpy as jnp
from jax import lax
from jax.experimental import pallas as pl
from jax.experimental.pallas import tpu as pltpu
from jax.experimental.pallas import tpu_sc as plsc

N_NODES = 10000
N_EDGES = 320000
FEAT = 128
EMB = 64
NCLS = 41
CPAD = 48
VROW = 64
NEG = -1e30

NC, NS = 2, 16
NW = NC * NS

NPH = 2
EPH = N_EDGES // NPH

GPW = EPH // NW
GCH = 40
GNCH = GPW // GCH

BE = 6400
BGRID = EPH // BE

SRPW = (EPH // 2) // NW
SCH = 50
SNCH = SRPW // SCH

ACC_ROWS = 10240
STRIPE = ACC_ROWS // NS


def _embed_tc(features, W_embed, b_embed2d):
    def body(f, w, b, o):
        o[...] = jnp.dot(f[...], w[...], preferred_element_type=jnp.float32) + b[...]

    return pl.pallas_call(
        body,
        out_shape=jax.ShapeDtypeStruct((N_NODES, EMB), jnp.float32),
    )(features, W_embed, b_embed2d)


def _gather_sc(idx4, table):
    mesh = plsc.VectorSubcoreMesh(core_axis_name="c", subcore_axis_name="s")

    @functools.partial(
        pl.kernel,
        out_type=jax.ShapeDtypeStruct((EPH, 2 * EMB), jnp.float32),
        mesh=mesh,
        compiler_params=pltpu.CompilerParams(use_tc_tiling_on_sc=False),
        scratch_types=[
            pltpu.VMEM((2, GNCH, GCH), jnp.int32),
            pltpu.VMEM((2, 2, GCH, EMB), jnp.float32),
            pltpu.SemaphoreType.DMA,
            pltpu.SemaphoreType.DMA,
            pltpu.SemaphoreType.DMA,
            pltpu.SemaphoreType.DMA,
        ],
    )
    def k(idx_hbm, table_hbm, out_hbm, idx_v, rows_v, ss0, ss1, sd0, sd1):
        cid = lax.axis_index("c")
        sid = lax.axis_index("s")
        wid = sid * NC + cid
        base = wid * GPW
        sems = ((ss0, ss1), (sd0, sd1))
        pltpu.sync_copy(idx_hbm.at[:, wid], idx_v)

        def start(kind, j, b):
            pltpu.make_async_copy(
                table_hbm.at[idx_v.at[kind, j]], rows_v.at[kind, b],
                sems[kind][b],
            ).start()

        def finish(kind, j, b):
            pltpu.make_async_copy(
                table_hbm.at[idx_v.at[kind, j]], rows_v.at[kind, b],
                sems[kind][b],
            ).wait()
            pltpu.sync_copy(
                rows_v.at[kind, b],
                out_hbm.at[pl.ds(base + j * GCH, GCH), pl.ds(kind * EMB, EMB)],
            )

        for b in range(2):
            for kind in range(2):
                start(kind, b, b)

        def step(i, carry):
            j0 = 2 * i
            for b in range(2):
                j = j0 + b
                for kind in range(2):
                    finish(kind, j, b)

                    @pl.when(j + 2 < GNCH)
                    def _():
                        start(kind, j + 2, b)

            return carry

        lax.fori_loop(0, (GNCH - 1) // 2, step, 0)
        for kind in range(2):
            finish(kind, GNCH - 1, 0)

    return k(idx4, table)


def _edge_mlp_tc(sd2, W48, b48, wts, h, poss_prev):
    def body(*refs):
        sd_ref, w_ref, bt_ref, wt_ref, colt_ref, eye_ref = refs[:6]
        poss_ref, val_ref = refs[-2:]
        sd = sd_ref[...]
        s = sd[:, :EMB]
        d = sd[:, EMB:]
        e1 = (s + d) * 0.5
        dd = s - d
        ecat = jnp.concatenate([e1, dd * dd], axis=1)
        logits_t = lax.dot_general(
            w_ref[...], ecat, (((0,), (1,)), ((), ())),
            preferred_element_type=jnp.float32,
        ) + bt_ref[...]
        mt = jnp.max(logits_t, axis=0, keepdims=True)
        et = jnp.exp(logits_t - mt)
        pt = et / jnp.sum(et, axis=0, keepdims=True)
        poss_ref[...] = pt[:NCLS, :]
        valw_t = (pt + colt_ref[...]) * wt_ref[0]
        left = lax.dot_general(
            valw_t[:, :BE // 2], eye_ref[...], (((0,), (0,)), ((), ())),
            preferred_element_type=jnp.float32,
        )
        right = lax.dot_general(
            valw_t[:, BE // 2:], eye_ref[...], (((0,), (0,)), ((), ())),
            preferred_element_type=jnp.float32,
        )
        val_ref[...] = jnp.concatenate([left, right], axis=1)

    in_specs = [
        pl.BlockSpec((BE, 2 * EMB), lambda i: (i, 0)),
        pl.BlockSpec((2 * EMB, CPAD), lambda i: (0, 0)),
        pl.BlockSpec((CPAD, 1), lambda i: (0, 0)),
        pl.BlockSpec((1, 1, BE), lambda i: (i, 0, 0)),
        pl.BlockSpec((CPAD, 1), lambda i: (0, 0)),
        pl.BlockSpec((CPAD, VROW), lambda i: (0, 0)),
    ]
    ins = [sd2, W48, b48.reshape(CPAD, 1), wts.reshape(BGRID, 1, BE),
           (jnp.arange(CPAD) == NCLS).astype(jnp.float32).reshape(CPAD, 1),
           (jnp.arange(CPAD)[:, None] == jnp.arange(VROW)[None, :]).astype(jnp.float32)]
    aliases = {}
    if poss_prev is not None:
        ins.append(poss_prev)
        in_specs.append(pl.BlockSpec(memory_space=pl.ANY))
        aliases = {6: 0}
    return pl.pallas_call(
        body,
        grid=(BGRID,),
        in_specs=in_specs,
        out_specs=[
            pl.BlockSpec((NCLS, BE), lambda i, h=h: (0, i + h * BGRID)),
            pl.BlockSpec((BE // 2, 2 * VROW), lambda i: (i, 0)),
        ],
        out_shape=[
            jax.ShapeDtypeStruct((NCLS, N_EDGES), jnp.float32),
            jax.ShapeDtypeStruct((EPH // 2, 2 * VROW), jnp.float32),
        ],
        input_output_aliases=aliases,
        compiler_params=pltpu.CompilerParams(fuse_transposed_lhs_in_matmul=True),
    )(*ins)


def _scatter_sc(value, src2d):
    mesh = plsc.VectorSubcoreMesh(core_axis_name="c", subcore_axis_name="s")

    @functools.partial(
        pl.kernel,
        out_type=jax.ShapeDtypeStruct((NC, ACC_ROWS, VROW), jnp.float32),
        mesh=mesh,
        compiler_params=pltpu.CompilerParams(use_tc_tiling_on_sc=False),
        scratch_types=[
            pltpu.VMEM((2, SNCH, SCH), jnp.int32),
            pltpu.VMEM((2, 2, SCH, VROW), jnp.float32),
            pltpu.VMEM((128, VROW), jnp.float32),
            pltpu.VMEM_SHARED((ACC_ROWS, VROW), jnp.float32),
            pltpu.SemaphoreType.DMA,
            pltpu.SemaphoreType.DMA,
            pltpu.SemaphoreType.DMA,
            pltpu.SemaphoreType.DMA,
        ],
    )
    def k(val_hbm, src_hbm, out_hbm, src_v, rows_v, zbuf, acc, sa0, sa1, sb0, sb1):
        cid = lax.axis_index("c")
        sid = lax.axis_index("s")
        wid = sid * NC + cid
        rbase = wid * SRPW
        sems = ((sa0, sa1), (sb0, sb1))

        def zrow(r, carry):
            for c in range(VROW // 16):
                zbuf[r, pl.ds(c * 16, 16)] = jnp.zeros((16,), jnp.float32)
            return carry

        lax.fori_loop(0, 128, zrow, 0)
        for t in range(STRIPE // 128):
            pltpu.sync_copy(zbuf, acc.at[pl.ds(sid * STRIPE + t * 128, 128)])
        plsc.subcore_barrier()

        pltpu.sync_copy(src_hbm.at[:, wid], src_v)

        def start(j, b):
            for h in range(2):
                pltpu.make_async_copy(
                    val_hbm.at[pl.ds(rbase + j * SCH, SCH),
                               pl.ds(h * VROW, VROW)],
                    rows_v.at[h, b], sems[h][b],
                ).start()

        def finish(j, b):
            for h in range(2):
                pltpu.make_async_copy(
                    val_hbm.at[pl.ds(rbase + j * SCH, SCH),
                               pl.ds(h * VROW, VROW)],
                    rows_v.at[h, b], sems[h][b],
                ).wait()
                pltpu.sync_copy(rows_v.at[h, b], acc.at[src_v.at[h, j]], add=True)

        for b in range(2):
            start(b, b)

        def step(i, carry):
            j0 = 2 * i
            for b in range(2):
                j = j0 + b
                finish(j, b)

                @pl.when(j + 2 < SNCH)
                def _():
                    start(j + 2, b)

            return carry

        lax.fori_loop(0, SNCH // 2, step, 0)

        plsc.subcore_barrier()
        pltpu.sync_copy(
            acc.at[pl.ds(sid * STRIPE, STRIPE)],
            out_hbm.at[cid, pl.ds(sid * STRIPE, STRIPE)],
        )

    return k(value, src2d)


def _finalize_tc(acc0, acc1):
    def body(a0_ref, a1_ref, norm_ref, poss_ref):
        a = (a0_ref[0] + a0_ref[1]) + (a1_ref[0] + a1_ref[1])
        p = a[:N_NODES, :NCLS]
        deg = jnp.maximum(a[:N_NODES, NCLS:NCLS + 1], 1e-12)
        poss_ref[...] = p
        norm_ref[...] = p / deg

    return pl.pallas_call(
        body,
        out_shape=[
            jax.ShapeDtypeStruct((N_NODES, NCLS), jnp.float32),
            jax.ShapeDtypeStruct((N_NODES, NCLS), jnp.float32),
        ],
    )(acc0, acc1)


def kernel(features, edges, weights, W_embed, b_embed, W_trans, b_trans):
    edges = edges.astype(jnp.int32)
    embed = _embed_tc(features, W_embed, b_embed.reshape(1, EMB))
    W48 = jnp.concatenate(
        [W_trans, jnp.zeros((2 * EMB, CPAD - NCLS), jnp.float32)], axis=1
    )
    b48 = jnp.concatenate(
        [b_trans, jnp.full((CPAD - NCLS,), NEG, jnp.float32)], axis=0
    ).reshape(1, CPAD)
    e_t = edges.T
    accs, poss_buf = [], None
    for h in range(NPH):
        eh = e_t[:, h * EPH:(h + 1) * EPH]
        sd2 = _gather_sc(eh.reshape(2, NW, GNCH, GCH), embed)
        wts = weights[h * EPH:(h + 1) * EPH]
        poss_buf, value2 = _edge_mlp_tc(sd2, W48, b48, wts, h, poss_buf)
        srcr = eh[0].reshape(BGRID, BE)
        src2 = jnp.concatenate(
            [srcr[:, :BE // 2].reshape(-1), srcr[:, BE // 2:].reshape(-1)]
        ).reshape(2, NW, SNCH, SCH)
        accs.append(_scatter_sc(value2, src2))
    poss_edge = poss_buf.T
    norm, poss_node = _finalize_tc(accs[0], accs[1])
    return (norm, poss_edge, poss_node)

# --- scband reference (transcript-rebuilt; emitter-appended) ---
"""Pipeline reference for scband-embedding-p-39479339385295 (READ-ONLY COPY).

The authoritative reference and input builder live on the scoring server;
editing this copy changes nothing except your own understanding.
"""

import jax, jax.numpy as jnp
import numpy as np

N_NODES = 10000
N_EDGES = 320000
FEAT_DIM = 128
EMBED_DIM = 64
NUM_CLASS = 40


def setup_inputs(seed: int = 0) -> dict:
    key = jax.random.key(seed)
    ks = jax.random.split(key, 6)
    features = jax.random.normal(ks[0], (N_NODES, FEAT_DIM), dtype=jnp.float32)
    edges = jax.random.randint(ks[1], (N_EDGES, 2), 0, N_NODES)
    weights = jax.random.uniform(ks[2], (N_EDGES,), dtype=jnp.float32)
    # Learned parameters (nn.Linear(feature_dim, num_dims) and nn.Linear(2*num_dims, num_class+1))
    W_embed = jax.random.normal(ks[3], (FEAT_DIM, EMBED_DIM), dtype=jnp.float32) * (1.0 / np.sqrt(FEAT_DIM))
    b_embed = jnp.zeros((EMBED_DIM,), dtype=jnp.float32)
    W_trans = jax.random.normal(ks[4], (2 * EMBED_DIM, NUM_CLASS + 1), dtype=jnp.float32) * (1.0 / np.sqrt(2 * EMBED_DIM))
    b_trans = jnp.zeros((NUM_CLASS + 1,), dtype=jnp.float32)
    return {
        'features': features,
        'edges': edges,
        'weights': weights,
        'W_embed': W_embed,
        'b_embed': b_embed,
        'W_trans': W_trans,
        'b_trans': b_trans,
    }


def reference(features, edges, weights, W_embed, b_embed, W_trans, b_trans):
    # predict_edges: embed all node features, gather src/dst, operator_sy1, trans (Linear + Softmax)
    embed = features @ W_embed + b_embed
    src_embed = jnp.take(embed, edges[:, 0], axis=0)
    dst_embed = jnp.take(embed, edges[:, 1], axis=0)
    E1 = (src_embed + dst_embed) / 2.0
    E2 = jnp.square(src_embed - dst_embed)
    Ecat = jnp.concatenate([E1, E2], axis=1)
    logits = Ecat @ W_trans + b_trans
    poss_edge = jax.nn.softmax(logits, axis=1)
    # forward_withEdge: weighted scatter-add of edge predictions onto src nodes
    dims = poss_edge.shape[-1]
    value = poss_edge * weights[:, None]
    n_nodes = features.shape[0]
    poss_node = jnp.zeros((n_nodes, dims), dtype=poss_edge.dtype).at[edges[:, 0]].add(value)
    recall_node = poss_node
    # neighbours_sum: per-src-node sum of edge weights (degree normalization)
    deg = jnp.zeros((n_nodes,), dtype=weights.dtype).at[edges[:, 0]].add(weights)
    deg = jnp.maximum(deg, 1e-12)
    poss_node_norm = poss_node / deg[:, None]
    return (poss_node_norm, poss_edge, recall_node)

if __name__ == "__main__":
    import jax
    _d = setup_inputs()
    print(jax.jit(kernel)(*tuple(_d.values())))

</pallas_src>

<mosaic_0001>
#map = affine_map<(d0, d1) -> (0, 0, 0, 0)>
#map1 = affine_map<(d0, d1) -> (0, 0)>
module attributes {stable_mosaic.version = 14 : i64} {
  func.func @k(%arg0: i32, %arg1: i32, %arg2: memref<2x32x125x40xi32, #tpu.memory_space<hbm>>, %arg3: memref<10000x64xf32, #tpu.memory_space<hbm>>, %arg4: memref<160000x128xf32, #tpu.memory_space<hbm>>, %arg5: memref<2x125x40xi32, #tpu.memory_space<vmem>>, %arg6: memref<2x2x40x64xf32, #tpu.memory_space<vmem>>, %arg7: memref<!tpu.dma_semaphore, #tpu.memory_space<semaphore_mem>>, %arg8: memref<!tpu.dma_semaphore, #tpu.memory_space<semaphore_mem>>, %arg9: memref<!tpu.dma_semaphore, #tpu.memory_space<semaphore_mem>>, %arg10: memref<!tpu.dma_semaphore, #tpu.memory_space<semaphore_mem>>) attributes {dimension_semantics = [#tpu.dimension_semantics<core_parallel>, #tpu.dimension_semantics<subcore_parallel>], iteration_bounds = array<i64: 2, 16>, scalar_prefetch = 0 : i64, scratch_operands = 6 : i64, tpu.core_type = #tpu.core_type<sc_vector_subcore>, window_params = [{transform_indices = #map}, {transform_indices = #map1}, {transform_indices = #map1}]} {
    %mul3A = arith.constant 2 : i32
    %mul3A_0 = arith.muli %arg1, %mul3A : i32
    %add3A = arith.addi %mul3A_0, %arg0 : i32
    %mul3A_1 = arith.constant 5000 : i32
    %mul3A_2 = arith.muli %add3A, %mul3A_1 : i32
    "tpu.region"() ({
      %run_scoped3A_97 = tpu.sem_alloc : memref<!tpu.dma_semaphore, #tpu.memory_space<semaphore_mem>>
      %dma_start3A_98 = arith.constant 0 : i32
      %dma_start3A_99 = arith.constant 0 : i32
      %dma_start3A_100 = arith.constant 0 : i32
      %dma_start3A_101 = tpu.memref_slice %arg2[%dma_start3A_98, %add3A, %dma_start3A_99, %dma_start3A_100] : memref<2x32x125x40xi32, #tpu.memory_space<hbm>> -> memref<2x1x125x40xi32, #tpu.memory_space<hbm>>
      %dma_start3A_102 = tpu.memref_squeeze %dma_start3A_101 : memref<2x1x125x40xi32, #tpu.memory_space<hbm>> -> memref<2x125x40xi32, #tpu.memory_space<hbm>>
      %dma_start3A_103 = arith.constant 0 : i32
      %dma_start3A_104 = arith.constant 0 : i32
      %dma_start3A_105 = arith.constant 0 : i32
      %dma_start3A_106 = tpu.memref_slice %arg2[%dma_start3A_103, %add3A, %dma_start3A_104, %dma_start3A_105] : memref<2x32x125x40xi32, #tpu.memory_space<hbm>> -> memref<2x1x125x40xi32, #tpu.memory_space<hbm>>
      %dma_start3A_107 = tpu.memref_squeeze %dma_start3A_106 : memref<2x1x125x40xi32, #tpu.memory_space<hbm>> -> memref<2x125x40xi32, #tpu.memory_space<hbm>>
      tpu.enqueue_dma source(%dma_start3A_107 : memref<2x125x40xi32, #tpu.memory_space<hbm>>) target(%arg5 : memref<2x125x40xi32, #tpu.memory_space<vmem>>) target_semaphore(%run_scoped3A_97 : memref<!tpu.dma_semaphore, #tpu.memory_space<semaphore_mem>>)
      %dma_wait3A_108 = arith.constant 0 : i32
      %dma_wait3A_109 = arith.constant 0 : i32
      %dma_wait3A_110 = arith.constant 0 : i32
      %dma_wait3A_111 = tpu.memref_slice %arg2[%dma_wait3A_108, %add3A, %dma_wait3A_109, %dma_wait3A_110] : memref<2x32x125x40xi32, #tpu.memory_space<hbm>> -> memref<2x1x125x40xi32, #tpu.memory_space<hbm>>
      %dma_wait3A_112 = tpu.memref_squeeze %dma_wait3A_111 : memref<2x1x125x40xi32, #tpu.memory_space<hbm>> -> memref<2x125x40xi32, #tpu.memory_space<hbm>>
      %dma_wait3A_113 = arith.constant 0 : i32
      %dma_wait3A_114 = arith.constant 0 : i32
      %dma_wait3A_115 = arith.constant 0 : i32
      %dma_wait3A_116 = tpu.memref_slice %arg2[%dma_wait3A_113, %add3A, %dma_wait3A_114, %dma_wait3A_115] : memref<2x32x125x40xi32, #tpu.memory_space<hbm>> -> memref<2x1x125x40xi32, #tpu.memory_space<hbm>>
      %dma_wait3A_117 = tpu.memref_squeeze %dma_wait3A_116 : memref<2x1x125x40xi32, #tpu.memory_space<hbm>> -> memref<2x125x40xi32, #tpu.memory_space<hbm>>
      tpu.wait_dma2 semaphore(%run_scoped3A_97 : memref<!tpu.dma_semaphore, #tpu.memory_space<semaphore_mem>>) src(%dma_wait3A_117 : memref<2x125x40xi32, #tpu.memory_space<hbm>>) dst(%arg5 : memref<2x125x40xi32, #tpu.memory_space<vmem>>)
      tpu.yield
    }) : () -> ()
    %dma_start3A = arith.constant 0 : i32
    %dma_start3A_3 = arith.constant 0 : i32
    %dma_start3A_4 = arith.constant 0 : i32
    %dma_start3A_5 = arith.constant 0 : i32
    %dma_start3A_6 = arith.constant 0 : i32
    %dma_start3A_7 = arith.constant 0 : i32
    %dma_start3A_8 = tpu.memref_slice %arg6[%dma_start3A_4, %dma_start3A_5, %dma_start3A_6, %dma_start3A_7] : memref<2x2x40x64xf32, #tpu.memory_space<vmem>> -> memref<1x1x40x64xf32, #tpu.memory_space<vmem>>
    %dma_start3A_9 = tpu.memref_squeeze %dma_start3A_8 : memref<1x1x40x64xf32, #tpu.memory_space<vmem>> -> memref<40x64xf32, #tpu.memory_space<vmem>>
    %dma_start3A_10 = arith.constant 0 : i32
    %dma_start3A_11 = tpu.memref_slice %arg5[%dma_start3A, %dma_start3A_3, %dma_start3A_10] : memref<2x125x40xi32, #tpu.memory_space<vmem>> -> memref<1x1x40xi32, #tpu.memory_space<vmem>>
    %dma_start3A_12 = tpu.memref_squeeze %dma_start3A_11 : memref<1x1x40xi32, #tpu.memory_space<vmem>> -> memref<40xi32, #tpu.memory_space<vmem>>
    %dma_start3A_13 = arith.constant 0 : i32
    %dma_start3A_14 = arith.constant 0 : i32
    %dma_start3A_15 = tpu.memref_slice %arg3[%dma_start3A_13, %dma_start3A_14] : memref<10000x64xf32, #tpu.memory_space<hbm>> -> memref<10000x64xf32, #tpu.memory_space<hbm>>
    tpu.enqueue_indirect_dma source(%dma_start3A_15 : memref<10000x64xf32, #tpu.memory_space<hbm>>) target(%dma_start3A_9 : memref<40x64xf32, #tpu.memory_space<vmem>>) offsets(%dma_start3A_12 : memref<40xi32, #tpu.memory_space<vmem>>) semaphore(%arg7 : memref<!tpu.dma_semaphore, #tpu.memory_space<semaphore_mem>>)
    %dma_start3A_16 = arith.constant 1 : i32
    %dma_start3A_17 = arith.constant 0 : i32
    %dma_start3A_18 = arith.constant 1 : i32
    %dma_start3A_19 = arith.constant 0 : i32
    %dma_start3A_20 = arith.constant 0 : i32
    %dma_start3A_21 = arith.constant 0 : i32
    %dma_start3A_22 = tpu.memref_slice %arg6[%dma_start3A_18, %dma_start3A_19, %dma_start3A_20, %dma_start3A_21] : memref<2x2x40x64xf32, #tpu.memory_space<vmem>> -> memref<1x1x40x64xf32, #tpu.memory_space<vmem>>
    %dma_start3A_23 = tpu.memref_squeeze %dma_start3A_22 : memref<1x1x40x64xf32, #tpu.memory_space<vmem>> -> memref<40x64xf32, #tpu.memory_space<vmem>>
    %dma_start3A_24 = arith.constant 0 : i32
    %dma_start3A_25 = tpu.memref_slice %arg5[%dma_start3A_16, %dma_start3A_17, %dma_start3A_24] : memref<2x125x40xi32, #tpu.memory_space<vmem>> -> memref<1x1x40xi32, #tpu.memory_space<vmem>>
    %dma_start3A_26 = tpu.memref_squeeze %dma_start3A_25 : memref<1x1x40xi32, #tpu.memory_space<vmem>> -> memref<40xi32, #tpu.memory_space<vmem>>
    %dma_start3A_27 = arith.constant 0 : i32
    %dma_start3A_28 = arith.constant 0 : i32
    %dma_start3A_29 = tpu.memref_slice %arg3[%dma_start3A_27, %dma_start3A_28] : memref<10000x64xf32, #tpu.memory_space<hbm>> -> memref<10000x64xf32, #tpu.memory_space<hbm>>
    tpu.enqueue_indirect_dma source(%dma_start3A_29 : memref<10000x64xf32, #tpu.memory_space<hbm>>) target(%dma_start3A_23 : memref<40x64xf32, #tpu.memory_space<vmem>>) offsets(%dma_start3A_26 : memref<40xi32, #tpu.memory_space<vmem>>) semaphore(%arg9 : memref<!tpu.dma_semaphore, #tpu.memory_space<semaphore_mem>>)
    %dma_start3A_30 = arith.constant 0 : i32
    %dma_start3A_31 = arith.constant 1 : i32
    %dma_start3A_32 = arith.constant 0 : i32
    %dma_start3A_33 = arith.constant 1 : i32
    %dma_start3A_34 = arith.constant 0 : i32
    %dma_start3A_35 = arith.constant 0 : i32
    %dma_start3A_36 = tpu.memref_slice %arg6[%dma_start3A_32, %dma_start3A_33, %dma_start3A_34, %dma_start3A_35] : memref<2x2x40x64xf32, #tpu.memory_space<vmem>> -> memref<1x1x40x64xf32, #tpu.memory_space<vmem>>
    %dma_start3A_37 = tpu.memref_squeeze %dma_start3A_36 : memref<1x1x40x64xf32, #tpu.memory_space<vmem>> -> memref<40x64xf32, #tpu.memory_space<vmem>>
    %dma_start3A_38 = arith.constant 0 : i32
    %dma_start3A_39 = tpu.memref_slice %arg5[%dma_start3A_30, %dma_start3A_31, %dma_start3A_38] : memref<2x125x40xi32, #tpu.memory_space<vmem>> -> memref<1x1x40xi32, #tpu.memory_space<vmem>>
    %dma_start3A_40 = tpu.memref_squeeze %dma_start3A_39 : memref<1x1x40xi32, #tpu.memory_space<vmem>> -> memref<40xi32, #tpu.memory_space<vmem>>
    %dma_start3A_41 = arith.constant 0 : i32
    %dma_start3A_42 = arith.constant 0 : i32
    %dma_start3A_43 = tpu.memref_slice %arg3[%dma_start3A_41, %dma_start3A_42] : memref<10000x64xf32, #tpu.memory_space<hbm>> -> memref<10000x64xf32, #tpu.memory_space<hbm>>
    tpu.enqueue_indirect_dma source(%dma_start3A_43 : memref<10000x64xf32, #tpu.memory_space<hbm>>) target(%dma_start3A_37 : memref<40x64xf32, #tpu.memory_space<vmem>>) offsets(%dma_start3A_40 : memref<40xi32, #tpu.memory_space<vmem>>) semaphore(%arg8 : memref<!tpu.dma_semaphore, #tpu.memory_space<semaphore_mem>>)
    %dma_start3A_44 = arith.constant 1 : i32
    %dma_start3A_45 = arith.constant 1 : i32
    %dma_start3A_46 = arith.constant 1 : i32
    %dma_start3A_47 = arith.constant 1 : i32
    %dma_start3A_48 = arith.constant 0 : i32
    %dma_start3A_49 = arith.constant 0 : i32
    %dma_start3A_50 = tpu.memref_slice %arg6[%dma_start3A_46, %dma_start3A_47, %dma_start3A_48, %dma_start3A_49] : memref<2x2x40x64xf32, #tpu.memory_space<vmem>> -> memref<1x1x40x64xf32, #tpu.memory_space<vmem>>
    %dma_start3A_51 = tpu.memref_squeeze %dma_start3A_50 : memref<1x1x40x64xf32, #tpu.memory_space<vmem>> -> memref<40x64xf32, #tpu.memory_space<vmem>>
    %dma_start3A_52 = arith.constant 0 : i32
    %dma_start3A_53 = tpu.memref_slice %arg5[%dma_start3A_44, %dma_start3A_45, %dma_start3A_52] : memref<2x125x40xi32, #tpu.memory_space<vmem>> -> memref<1x1x40xi32, #tpu.memory_space<vmem>>
    %dma_start3A_54 = tpu.memref_squeeze %dma_start3A_53 : memref<1x1x40xi32, #tpu.memory_space<vmem>> -> memref<40xi32, #tpu.memory_space<vmem>>
    %dma_start3A_55 = arith.constant 0 : i32
    %dma_start3A_56 = arith.constant 0 : i32
    %dma_start3A_57 = tpu.memref_slice %arg3[%dma_start3A_55, %dma_start3A_56] : memref<10000x64xf32, #tpu.memory_space<hbm>> -> memref<10000x64xf32, #tpu.memory_space<hbm>>
    tpu.enqueue_indirect_dma source(%dma_start3A_57 : memref<10000x64xf32, #tpu.memory_space<hbm>>) target(%dma_start3A_51 : memref<40x64xf32, #tpu.memory_space<vmem>>) offsets(%dma_start3A_54 : memref<40xi32, #tpu.memory_space<vmem>>) semaphore(%arg10 : memref<!tpu.dma_semaphore, #tpu.memory_space<semaphore_mem>>)
    %scan3A = arith.constant 0 : i32
    %scan3A_58 = arith.constant 0 : i32
    %scan3A_59 = arith.constant 62 : i32
    %scan3A_60 = arith.addi %scan3A_58, %scan3A_59 : i32
    %scan3A_61 = arith.constant 1 : i32
    scf.for %scan3A_97 = %scan3A_58 to %scan3A_60 step %scan3A_61  : i32 {
      %mul3A_98 = arith.constant 2 : i32
      %mul3A_99 = arith.muli %mul3A_98, %scan3A_97 : i32
      %add3A_100 = arith.constant 0 : i32
      %add3A_101 = arith.addi %mul3A_99, %add3A_100 : i32
      %dma_wait3A_102 = arith.constant 0 : i32
      %dma_wait3A_103 = arith.constant 0 : i32
      %dma_wait3A_104 = arith.constant 0 : i32
      %dma_wait3A_105 = arith.constant 0 : i32
      %dma_wait3A_106 = arith.constant 0 : i32
      %dma_wait3A_107 = tpu.memref_slice %arg6[%dma_wait3A_103, %dma_wait3A_104, %dma_wait3A_105, %dma_wait3A_106] : memref<2x2x40x64xf32, #tpu.memory_space<vmem>> -> memref<1x1x40x64xf32, #tpu.memory_space<vmem>>
      %dma_wait3A_108 = tpu.memref_squeeze %dma_wait3A_107 : memref<1x1x40x64xf32, #tpu.memory_space<vmem>> -> memref<40x64xf32, #tpu.memory_space<vmem>>
      %dma_wait3A_109 = arith.constant 0 : i32
      %dma_wait3A_110 = tpu.memref_slice %arg5[%dma_wait3A_102, %add3A_101, %dma_wait3A_109] : memref<2x125x40xi32, #tpu.memory_space<vmem>> -> memref<1x1x40xi32, #tpu.memory_space<vmem>>
      %dma_wait3A_111 = tpu.memref_squeeze %dma_wait3A_110 : memref<1x1x40xi32, #tpu.memory_space<vmem>> -> memref<40xi32, #tpu.memory_space<vmem>>
      %dma_wait3A_112 = arith.constant 0 : i32
      %dma_wait3A_113 = arith.constant 0 : i32
      %dma_wait3A_114 = tpu.memref_slice %arg3[%dma_wait3A_112, %dma_wait3A_113] : memref<10000x64xf32, #tpu.memory_space<hbm>> -> memref<10000x64xf32, #tpu.memory_space<hbm>>
      tpu.wait_indirect_dma semaphore(%arg7 : memref<!tpu.dma_semaphore, #tpu.memory_space<semaphore_mem>>) src(%dma_wait3A_114 : memref<10000x64xf32, #tpu.memory_space<hbm>>) dst(%dma_wait3A_108 : memref<40x64xf32, #tpu.memory_space<vmem>>)
      %mul3A_115 = arith.constant 40 : i32
      %mul3A_116 = arith.muli %add3A_101, %mul3A_115 : i32
      %add3A_117 = arith.addi %mul3A_2, %mul3A_116 : i32
      %run_scoped3A_118 = arith.constant 0 : i32
      %run_scoped3A_119 = arith.constant 0 : i32
      "tpu.region"() ({
        %run_scoped3A_201 = tpu.sem_alloc : memref<!tpu.dma_semaphore, #tpu.memory_space<semaphore_mem>>
        %dma_start3A_202 = arith.constant 0 : i32
        %dma_start3A_203 = arith.constant 0 : i32
        %dma_start3A_204 = tpu.memref_slice %arg6[%run_scoped3A_118, %run_scoped3A_119, %dma_start3A_202, %dma_start3A_203] : memref<2x2x40x64xf32, #tpu.memory_space<vmem>> -> memref<1x1x40x64xf32, #tpu.memory_space<vmem>>
        %dma_start3A_205 = tpu.memref_squeeze %dma_start3A_204 : memref<1x1x40x64xf32, #tpu.memory_space<vmem>> -> memref<40x64xf32, #tpu.memory_space<vmem>>
        %dma_start3A_206 = arith.constant 0 : i32
        %dma_start3A_207 = tpu.memref_slice %arg4[%add3A_117, %dma_start3A_206] : memref<160000x128xf32, #tpu.memory_space<hbm>> -> memref<40x64xf32, #tpu.memory_space<hbm>>
        %dma_start3A_208 = arith.constant 0 : i32
        %dma_start3A_209 = tpu.memref_slice %arg4[%add3A_117, %dma_start3A_208] : memref<160000x128xf32, #tpu.memory_space<hbm>> -> memref<40x64xf32, #tpu.memory_space<hbm>>
        %dma_start3A_210 = arith.constant 0 : i32
        %dma_start3A_211 = arith.constant 0 : i32
        %dma_start3A_212 = tpu.memref_slice %arg6[%run_scoped3A_118, %run_scoped3A_119, %dma_start3A_210, %dma_start3A_211] : memref<2x2x40x64xf32, #tpu.memory_space<vmem>> -> memref<1x1x40x64xf32, #tpu.memory_space<vmem>>
        %dma_start3A_213 = tpu.memref_squeeze %dma_start3A_212 : memref<1x1x40x64xf32, #tpu.memory_space<vmem>> -> memref<40x64xf32, #tpu.memory_space<vmem>>
        tpu.enqueue_dma source(%dma_start3A_213 : memref<40x64xf32, #tpu.memory_space<vmem>>) target(%dma_start3A_209 : memref<40x64xf32, #tpu.memory_space<hbm>>) target_semaphore(%run_scoped3A_201 : memref<!tpu.dma_semaphore, #tpu.memory_space<semaphore_mem>>)
        %dma_wait3A_214 = arith.constant 0 : i32
        %dma_wait3A_215 = arith.constant 0 : i32
        %dma_wait3A_216 = tpu.memref_slice %arg6[%run_scoped3A_118, %run_scoped3A_119, %dma_wait3A_214, %dma_wait3A_215] : memref<2x2x40x64xf32, #tpu.memory_space<vmem>> -> memref<1x1x40x64xf32, #tpu.memory_space<vmem>>
        %dma_wait3A_217 = tpu.memref_squeeze %dma_wait3A_216 : memref<1x1x40x64xf32, #tpu.memory_space<vmem>> -> memref<40x64xf32, #tpu.memory_space<vmem>>
        %dma_wait3A_218 = arith.constant 0 : i32
        %dma_wait3A_219 = tpu.memref_slice %arg4[%add3A_117, %dma_wait3A_218] : memref<160000x128xf32, #tpu.memory_space<hbm>> -> memref<40x64xf32, #tpu.memory_space<hbm>>
        %dma_wait3A_220 = arith.constant 0 : i32
        %dma_wait3A_221 = tpu.memref_slice %arg4[%add3A_117, %dma_wait3A_220] : memref<160000x128xf32, #tpu.memory_space<hbm>> -> memref<40x64xf32, #tpu.memory_space<hbm>>
        %dma_wait3A_222 = arith.constant 0 : i32
        %dma_wait3A_223 = arith.constant 0 : i32
        %dma_wait3A_224 = tpu.memref_slice %arg6[%run_scoped3A_118, %run_scoped3A_119, %dma_wait3A_222, %dma_wait3A_223] : memref<2x2x40x64xf32, #tpu.memory_space<vmem>> -> memref<1x1x40x64xf32, #tpu.memory_space<vmem>>
        %dma_wait3A_225 = tpu.memref_squeeze %dma_wait3A_224 : memref<1x1x40x64xf32, #tpu.memory_space<vmem>> -> memref<40x64xf32, #tpu.memory_space<vmem>>
        tpu.wait_dma2 semaphore(%run_scoped3A_201 : memref<!tpu.dma_semaphore, #tpu.memory_space<semaphore_mem>>) src(%dma_wait3A_225 : memref<40x64xf32, #tpu.memory_space<vmem>>) dst(%dma_wait3A_221 : memref<40x64xf32, #tpu.memory_space<hbm>>)
        tpu.yield
      }) : () -> ()
      %add3A_120 = arith.constant 2 : i32
      %add3A_121 = arith.addi %add3A_101, %add3A_120 : i32
      %lt3A = arith.constant 125 : i32
      %lt3A_122 = arith.cmpi slt, %add3A_121, %lt3A : i32
      %convert_element_type3A = arith.extui %lt3A_122 : i1 to i32
      %cond3A = arith.constant 0 : i32
      %cond3A_123 = arith.cmpi ne, %convert_element_type3A, %cond3A : i32
      scf.if %cond3A_123 {
        %add3A_201 = arith.constant 2 : i32
        %add3A_202 = arith.addi %add3A_101, %add3A_201 : i32
        %dma_start3A_203 = arith.constant 0 : i32
        %dma_start3A_204 = arith.constant 0 : i32
        %dma_start3A_205 = arith.constant 0 : i32
        %dma_start3A_206 = arith.constant 0 : i32
        %dma_start3A_207 = arith.constant 0 : i32
        %dma_start3A_208 = tpu.memref_slice %arg6[%dma_start3A_204, %dma_start3A_205, %dma_start3A_206, %dma_start3A_207] : memref<2x2x40x64xf32, #tpu.memory_space<vmem>> -> memref<1x1x40x64xf32, #tpu.memory_space<vmem>>
        %dma_start3A_209 = tpu.memref_squeeze %dma_start3A_208 : memref<1x1x40x64xf32, #tpu.memory_space<vmem>> -> memref<40x64xf32, #tpu.memory_space<vmem>>
        %dma_start3A_210 = arith.constant 0 : i32
        %dma_start3A_211 = tpu.memref_slice %arg5[%dma_start3A_203, %add3A_202, %dma_start3A_210] : memref<2x125x40xi32, #tpu.memory_space<vmem>> -> memref<1x1x40xi32, #tpu.memory_space<vmem>>
        %dma_start3A_212 = tpu.memref_squeeze %dma_start3A_211 : memref<1x1x40xi32, #tpu.memory_space<vmem>> -> memref<40xi32, #tpu.memory_space<vmem>>
        %dma_start3A_213 = arith.constant 0 : i32
        %dma_start3A_214 = arith.constant 0 : i32
        %dma_start3A_215 = tpu.memref_slice %arg3[%dma_start3A_213, %dma_start3A_214] : memref<10000x64xf32, #tpu.memory_space<hbm>> -> memref<10000x64xf32, #tpu.memory_space<hbm>>
        tpu.enqueue_indirect_dma source(%dma_start3A_215 : memref<10000x64xf32, #tpu.memory_space<hbm>>) target(%dma_start3A_209 : memref<40x64xf32, #tpu.memory_space<vmem>>) offsets(%dma_start3A_212 : memref<40xi32, #tpu.memory_space<vmem>>) semaphore(%arg7 : memref<!tpu.dma_semaphore, #tpu.memory_space<semaphore_mem>>)
      } else {
      }
      %dma_wait3A_124 = arith.constant 1 : i32
      %dma_wait3A_125 = arith.constant 1 : i32
      %dma_wait3A_126 = arith.constant 0 : i32
      %dma_wait3A_127 = arith.constant 0 : i32
      %dma_wait3A_128 = arith.constant 0 : i32
      %dma_wait3A_129 = tpu.memref_slice %arg6[%dma_wait3A_125, %dma_wait3A_126, %dma_wait3A_127, %dma_wait3A_128] : memref<2x2x40x64xf32, #tpu.memory_space<vmem>> -> memref<1x1x40x64xf32, #tpu.memory_space<vmem>>
      %dma_wait3A_130 = tpu.memref_squeeze %dma_wait3A_129 : memref<1x1x40x64xf32, #tpu.memory_space<vmem>> -> memref<40x64xf32, #tpu.memory_space<vmem>>
      %dma_wait3A_131 = arith.constant 0 : i32
      %dma_wait3A_132 = tpu.memref_slice %arg5[%dma_wait3A_124, %add3A_101, %dma_wait3A_131] : memref<2x125x40xi32, #tpu.memory_space<vmem>> -> memref<1x1x40xi32, #tpu.memory_space<vmem>>
      %dma_wait3A_133 = tpu.memref_squeeze %dma_wait3A_132 : memref<1x1x40xi32, #tpu.memory_space<vmem>> -> memref<40xi32, #tpu.memory_space<vmem>>
      %dma_wait3A_134 = arith.constant 0 : i32
      %dma_wait3A_135 = arith.constant 0 : i32
      %dma_wait3A_136 = tpu.memref_slice %arg3[%dma_wait3A_134, %dma_wait3A_135] : memref<10000x64xf32, #tpu.memory_space<hbm>> -> memref<10000x64xf32, #tpu.memory_space<hbm>>
      tpu.wait_indirect_dma semaphore(%arg9 : memref<!tpu.dma_semaphore, #tpu.memory_space<semaphore_mem>>) src(%dma_wait3A_136 : memref<10000x64xf32, #tpu.memory_space<hbm>>) dst(%dma_wait3A_130 : memref<40x64xf32, #tpu.memory_space<vmem>>)
      %mul3A_137 = arith.constant 40 : i32
      %mul3A_138 = arith.muli %add3A_101, %mul3A_137 : i32
      %add3A_139 = arith.addi %mul3A_2, %mul3A_138 : i32
      %run_scoped3A_140 = arith.constant 1 : i32
      %run_scoped3A_141 = arith.constant 0 : i32
      "tpu.region"() ({
        %run_scoped3A_201 = tpu.sem_alloc : memref<!tpu.dma_semaphore, #tpu.memory_space<semaphore_mem>>
        %dma_start3A_202 = arith.constant 0 : i32
        %dma_start3A_203 = arith.constant 0 : i32
        %dma_start3A_204 = tpu.memref_slice %arg6[%run_scoped3A_140, %run_scoped3A_141, %dma_start3A_202, %dma_start3A_203] : memref<2x2x40x64xf32, #tpu.memory_space<vmem>> -> memref<1x1x40x64xf32, #tpu.memory_space<vmem>>
        %dma_start3A_205 = tpu.memref_squeeze %dma_start3A_204 : memref<1x1x40x64xf32, #tpu.memory_space<vmem>> -> memref<40x64xf32, #tpu.memory_space<vmem>>
        %dma_start3A_206 = arith.constant 64 : i32
        %dma_start3A_207 = tpu.memref_slice %arg4[%add3A_139, %dma_start3A_206] : memref<160000x128xf32, #tpu.memory_space<hbm>> -> memref<40x64xf32, #tpu.memory_space<hbm>>
        %dma_start3A_208 = arith.constant 64 : i32
        %dma_start3A_209 = tpu.memref_slice %arg4[%add3A_139, %dma_start3A_208] : memref<160000x128xf32, #tpu.memory_space<hbm>> -> memref<40x64xf32, #tpu.memory_space<hbm>>
        %dma_start3A_210 = arith.constant 0 : i32
        %dma_start3A_211 = arith.constant 0 : i32
        %dma_start3A_212 = tpu.memref_slice %arg6[%run_scoped3A_140, %run_scoped3A_141, %dma_start3A_210, %dma_start3A_211] : memref<2x2x40x64xf32, #tpu.memory_space<vmem>> -> memref<1x1x40x64xf32, #tpu.memory_space<vmem>>
        %dma_start3A_213 = tpu.memref_squeeze %dma_start3A_212 : memref<1x1x40x64xf32, #tpu.memory_space<vmem>> -> memref<40x64xf32, #tpu.memory_space<vmem>>
        tpu.enqueue_dma source(%dma_start3A_213 : memref<40x64xf32, #tpu.memory_space<vmem>>) target(%dma_start3A_209 : memref<40x64xf32, #tpu.memory_space<hbm>>) target_semaphore(%run_scoped3A_201 : memref<!tpu.dma_semaphore, #tpu.memory_space<semaphore_mem>>)
        %dma_wait3A_214 = arith.constant 0 : i32
        %dma_wait3A_215 = arith.constant 0 : i32
        %dma_wait3A_216 = tpu.memref_slice %arg6[%run_scoped3A_140, %run_scoped3A_141, %dma_wait3A_214, %dma_wait3A_215] : memref<2x2x40x64xf32, #tpu.memory_space<vmem>> -> memref<1x1x40x64xf32, #tpu.memory_space<vmem>>
        %dma_wait3A_217 = tpu.memref_squeeze %dma_wait3A_216 : memref<1x1x40x64xf32, #tpu.memory_space<vmem>> -> memref<40x64xf32, #tpu.memory_space<vmem>>
        %dma_wait3A_218 = arith.constant 64 : i32
        %dma_wait3A_219 = tpu.memref_slice %arg4[%add3A_139, %dma_wait3A_218] : memref<160000x128xf32, #tpu.memory_space<hbm>> -> memref<40x64xf32, #tpu.memory_space<hbm>>
        %dma_wait3A_220 = arith.constant 64 : i32
        %dma_wait3A_221 = tpu.memref_slice %arg4[%add3A_139, %dma_wait3A_220] : memref<160000x128xf32, #tpu.memory_space<hbm>> -> memref<40x64xf32, #tpu.memory_space<hbm>>
        %dma_wait3A_222 = arith.constant 0 : i32
        %dma_wait3A_223 = arith.constant 0 : i32
        %dma_wait3A_224 = tpu.memref_slice %arg6[%run_scoped3A_140, %run_scoped3A_141, %dma_wait3A_222, %dma_wait3A_223] : memref<2x2x40x64xf32, #tpu.memory_space<vmem>> -> memref<1x1x40x64xf32, #tpu.memory_space<vmem>>
        %dma_wait3A_225 = tpu.memref_squeeze %dma_wait3A_224 : memref<1x1x40x64xf32, #tpu.memory_space<vmem>> -> memref<40x64xf32, #tpu.memory_space<vmem>>
        tpu.wait_dma2 semaphore(%run_scoped3A_201 : memref<!tpu.dma_semaphore, #tpu.memory_space<semaphore_mem>>) src(%dma_wait3A_225 : memref<40x64xf32, #tpu.memory_space<vmem>>) dst(%dma_wait3A_221 : memref<40x64xf32, #tpu.memory_space<hbm>>)
        tpu.yield
      }) : () -> ()
      %add3A_142 = arith.constant 2 : i32
      %add3A_143 = arith.addi %add3A_101, %add3A_142 : i32
      %lt3A_144 = arith.constant 125 : i32
      %lt3A_145 = arith.cmpi slt, %add3A_143, %lt3A_144 : i32
      %convert_element_type3A_146 = arith.extui %lt3A_145 : i1 to i32
      %cond3A_147 = arith.constant 0 : i32
      %cond3A_148 = arith.cmpi ne, %convert_element_type3A_146, %cond3A_147 : i32
      scf.if %cond3A_148 {
        %add3A_201 = arith.constant 2 : i32
        %add3A_202 = arith.addi %add3A_101, %add3A_201 : i32
        %dma_start3A_203 = arith.constant 1 : i32
        %dma_start3A_204 = arith.constant 1 : i32
        %dma_start3A_205 = arith.constant 0 : i32
        %dma_start3A_206 = arith.constant 0 : i32
        %dma_start3A_207 = arith.constant 0 : i32
        %dma_start3A_208 = tpu.memref_slice %arg6[%dma_start3A_204, %dma_start3A_205, %dma_start3A_206, %dma_start3A_207] : memref<2x2x40x64xf32, #tpu.memory_space<vmem>> -> memref<1x1x40x64xf32, #tpu.memory_space<vmem>>
        %dma_start3A_209 = tpu.memref_squeeze %dma_start3A_208 : memref<1x1x40x64xf32, #tpu.memory_space<vmem>> -> memref<40x64xf32, #tpu.memory_space<vmem>>
        %dma_start3A_210 = arith.constant 0 : i32
        %dma_start3A_211 = tpu.memref_slice %arg5[%dma_start3A_203, %add3A_202, %dma_start3A_210] : memref<2x125x40xi32, #tpu.memory_space<vmem>> -> memref<1x1x40xi32, #tpu.memory_space<vmem>>
        %dma_start3A_212 = tpu.memref_squeeze %dma_start3A_211 : memref<1x1x40xi32, #tpu.memory_space<vmem>> -> memref<40xi32, #tpu.memory_space<vmem>>
        %dma_start3A_213 = arith.constant 0 : i32
        %dma_start3A_214 = arith.constant 0 : i32
        %dma_start3A_215 = tpu.memref_slice %arg3[%dma_start3A_213, %dma_start3A_214] : memref<10000x64xf32, #tpu.memory_space<hbm>> -> memref<10000x64xf32, #tpu.memory_space<hbm>>
        tpu.enqueue_indirect_dma source(%dma_start3A_215 : memref<10000x64xf32, #tpu.memory_space<hbm>>) target(%dma_start3A_209 : memref<40x64xf32, #tpu.memory_space<vmem>>) offsets(%dma_start3A_212 : memref<40xi32, #tpu.memory_space<vmem>>) semaphore(%arg9 : memref<!tpu.dma_semaphore, #tpu.memory_space<semaphore_mem>>)
      } else {
      }
      %add3A_149 = arith.constant 1 : i32
      %add3A_150 = arith.addi %mul3A_99, %add3A_149 : i32
      %dma_wait3A_151 = arith.constant 0 : i32
      %dma_wait3A_152 = arith.constant 0 : i32
      %dma_wait3A_153 = arith.constant 1 : i32
      %dma_wait3A_154 = arith.constant 0 : i32
      %dma_wait3A_155 = arith.constant 0 : i32
      %dma_wait3A_156 = tpu.memref_slice %arg6[%dma_wait3A_152, %dma_wait3A_153, %dma_wait3A_154, %dma_wait3A_155] : memref<2x2x40x64xf32, #tpu.memory_space<vmem>> -> memref<1x1x40x64xf32, #tpu.memory_space<vmem>>
      %dma_wait3A_157 = tpu.memref_squeeze %dma_wait3A_156 : memref<1x1x40x64xf32, #tpu.memory_space<vmem>> -> memref<40x64xf32, #tpu.memory_space<vmem>>
      %dma_wait3A_158 = arith.constant 0 : i32
      %dma_wait3A_159 = tpu.memref_slice %arg5[%dma_wait3A_151, %add3A_150, %dma_wait3A_158] : memref<2x125x40xi32, #tpu.memory_space<vmem>> -> memref<1x1x40xi32, #tpu.memory_space<vmem>>
      %dma_wait3A_160 = tpu.memref_squeeze %dma_wait3A_159 : memref<1x1x40xi32, #tpu.memory_space<vmem>> -> memref<40xi32, #tpu.memory_space<vmem>>
      %dma_wait3A_161 = arith.constant 0 : i32
      %dma_wait3A_162 = arith.constant 0 : i32
      %dma_wait3A_163 = tpu.memref_slice %arg3[%dma_wait3A_161, %dma_wait3A_162] : memref<10000x64xf32, #tpu.memory_space<hbm>> -> memref<10000x64xf32, #tpu.memory_space<hbm>>
      tpu.wait_indirect_dma semaphore(%arg8 : memref<!tpu.dma_semaphore, #tpu.memory_space<semaphore_mem>>) src(%dma_wait3A_163 : memref<10000x64xf32, #tpu.memory_space<hbm>>) dst(%dma_wait3A_157 : memref<40x64xf32, #tpu.memory_space<vmem>>)
      %mul3A_164 = arith.constant 40 : i32
      %mul3A_165 = arith.muli %add3A_150, %mul3A_164 : i32
      %add3A_166 = arith.addi %mul3A_2, %mul3A_165 : i32
      %run_scoped3A_167 = arith.constant 0 : i32
      %run_scoped3A_168 = arith.constant 1 : i32
      "tpu.region"() ({
        %run_scoped3A_201 = tpu.sem_alloc : memref<!tpu.dma_semaphore, #tpu.memory_space<semaphore_mem>>
        %dma_start3A_202 = arith.constant 0 : i32
        %dma_start3A_203 = arith.constant 0 : i32
        %dma_start3A_204 = tpu.memref_slice %arg6[%run_scoped3A_167, %run_scoped3A_168, %dma_start3A_202, %dma_start3A_203] : memref<2x2x40x64xf32, #tpu.memory_space<vmem>> -> memref<1x1x40x64xf32, #tpu.memory_space<vmem>>
        %dma_start3A_205 = tpu.memref_squeeze %dma_start3A_204 : memref<1x1x40x64xf32, #tpu.memory_space<vmem>> -> memref<40x64xf32, #tpu.memory_space<vmem>>
        %dma_start3A_206 = arith.constant 0 : i32
        %dma_start3A_207 = tpu.memref_slice %arg4[%add3A_166, %dma_start3A_206] : memref<160000x128xf32, #tpu.memory_space<hbm>> -> memref<40x64xf32, #tpu.memory_space<hbm>>
        %dma_start3A_208 = arith.constant 0 : i32
        %dma_start3A_209 = tpu.memref_slice %arg4[%add3A_166, %dma_start3A_208] : memref<160000x128xf32, #tpu.memory_space<hbm>> -> memref<40x64xf32, #tpu.memory_space<hbm>>
        %dma_start3A_210 = arith.constant 0 : i32
        %dma_start3A_211 = arith.constant 0 : i32
        %dma_start3A_212 = tpu.memref_slice %arg6[%run_scoped3A_167, %run_scoped3A_168, %dma_start3A_210, %dma_start3A_211] : memref<2x2x40x64xf32, #tpu.memory_space<vmem>> -> memref<1x1x40x64xf32, #tpu.memory_space<vmem>>
        %dma_start3A_213 = tpu.memref_squeeze %dma_start3A_212 : memref<1x1x40x64xf32, #tpu.memory_space<vmem>> -> memref<40x64xf32, #tpu.memory_space<vmem>>
        tpu.enqueue_dma source(%dma_start3A_213 : memref<40x64xf32, #tpu.memory_space<vmem>>) target(%dma_start3A_209 : memref<40x64xf32, #tpu.memory_space<hbm>>) target_semaphore(%run_scoped3A_201 : memref<!tpu.dma_semaphore, #tpu.memory_space<semaphore_mem>>)
        %dma_wait3A_214 = arith.constant 0 : i32
        %dma_wait3A_215 = arith.constant 0 : i32
        %dma_wait3A_216 = tpu.memref_slice %arg6[%run_scoped3A_167, %run_scoped3A_168, %dma_wait3A_214, %dma_wait3A_215] : memref<2x2x40x64xf32, #tpu.memory_space<vmem>> -> memref<1x1x40x64xf32, #tpu.memory_space<vmem>>
        %dma_wait3A_217 = tpu.memref_squeeze %dma_wait3A_216 : memref<1x1x40x64xf32, #tpu.memory_space<vmem>> -> memref<40x64xf32, #tpu.memory_space<vmem>>
        %dma_wait3A_218 = arith.constant 0 : i32
        %dma_wait3A_219 = tpu.memref_slice %arg4[%add3A_166, %dma_wait3A_218] : memref<160000x128xf32, #tpu.memory_space<hbm>> -> memref<40x64xf32, #tpu.memory_space<hbm>>
        %dma_wait3A_220 = arith.constant 0 : i32
        %dma_wait3A_221 = tpu.memref_slice %arg4[%add3A_166, %dma_wait3A_220] : memref<160000x128xf32, #tpu.memory_space<hbm>> -> memref<40x64xf32, #tpu.memory_space<hbm>>
        %dma_wait3A_222 = arith.constant 0 : i32
        %dma_wait3A_223 = arith.constant 0 : i32
        %dma_wait3A_224 = tpu.memref_slice %arg6[%run_scoped3A_167, %run_scoped3A_168, %dma_wait3A_222, %dma_wait3A_223] : memref<2x2x40x64xf32, #tpu.memory_space<vmem>> -> memref<1x1x40x64xf32, #tpu.memory_space<vmem>>
        %dma_wait3A_225 = tpu.memref_squeeze %dma_wait3A_224 : memref<1x1x40x64xf32, #tpu.memory_space<vmem>> -> memref<40x64xf32, #tpu.memory_space<vmem>>
        tpu.wait_dma2 semaphore(%run_scoped3A_201 : memref<!tpu.dma_semaphore, #tpu.memory_space<semaphore_mem>>) src(%dma_wait3A_225 : memref<40x64xf32, #tpu.memory_space<vmem>>) dst(%dma_wait3A_221 : memref<40x64xf32, #tpu.memory_space<hbm>>)
        tpu.yield
      }) : () -> ()
      %add3A_169 = arith.constant 2 : i32
      %add3A_170 = arith.addi %add3A_150, %add3A_169 : i32
      %lt3A_171 = arith.constant 125 : i32
      %lt3A_172 = arith.cmpi slt, %add3A_170, %lt3A_171 : i32
      %convert_element_type3A_173 = arith.extui %lt3A_172 : i1 to i32
      %cond3A_174 = arith.constant 0 : i32
      %cond3A_175 = arith.cmpi ne, %convert_element_type3A_173, %cond3A_174 : i32
      scf.if %cond3A_175 {
        %add3A_201 = arith.constant 2 : i32
        %add3A_202 = arith.addi %add3A_150, %add3A_201 : i32
        %dma_start3A_203 = arith.constant 0 : i32
        %dma_start3A_204 = arith.constant 0 : i32
        %dma_start3A_205 = arith.constant 1 : i32
        %dma_start3A_206 = arith.constant 0 : i32
        %dma_start3A_207 = arith.constant 0 : i32
        %dma_start3A_208 = tpu.memref_slice %arg6[%dma_start3A_204, %dma_start3A_205, %dma_start3A_206, %dma_start3A_207] : memref<2x2x40x64xf32, #tpu.memory_space<vmem>> -> memref<1x1x40x64xf32, #tpu.memory_space<vmem>>
        %dma_start3A_209 = tpu.memref_squeeze %dma_start3A_208 : memref<1x1x40x64xf32, #tpu.memory_space<vmem>> -> memref<40x64xf32, #tpu.memory_space<vmem>>
        %dma_start3A_210 = arith.constant 0 : i32
        %dma_start3A_211 = tpu.memref_slice %arg5[%dma_start3A_203, %add3A_202, %dma_start3A_210] : memref<2x125x40xi32, #tpu.memory_space<vmem>> -> memref<1x1x40xi32, #tpu.memory_space<vmem>>
        %dma_start3A_212 = tpu.memref_squeeze %dma_start3A_211 : memref<1x1x40xi32, #tpu.memory_space<vmem>> -> memref<40xi32, #tpu.memory_space<vmem>>
        %dma_start3A_213 = arith.constant 0 : i32
        %dma_start3A_214 = arith.constant 0 : i32
        %dma_start3A_215 = tpu.memref_slice %arg3[%dma_start3A_213, %dma_start3A_214] : memref<10000x64xf32, #tpu.memory_space<hbm>> -> memref<10000x64xf32, #tpu.memory_space<hbm>>
        tpu.enqueue_indirect_dma source(%dma_start3A_215 : memref<10000x64xf32, #tpu.memory_space<hbm>>) target(%dma_start3A_209 : memref<40x64xf32, #tpu.memory_space<vmem>>) offsets(%dma_start3A_212 : memref<40xi32, #tpu.memory_space<vmem>>) semaphore(%arg8 : memref<!tpu.dma_semaphore, #tpu.memory_space<semaphore_mem>>)
      } else {
      }
      %dma_wait3A_176 = arith.constant 1 : i32
      %dma_wait3A_177 = arith.constant 1 : i32
      %dma_wait3A_178 = arith.constant 1 : i32
      %dma_wait3A_179 = arith.constant 0 : i32
      %dma_wait3A_180 = arith.constant 0 : i32
      %dma_wait3A_181 = tpu.memref_slice %arg6[%dma_wait3A_177, %dma_wait3A_178, %dma_wait3A_179, %dma_wait3A_180] : memref<2x2x40x64xf32, #tpu.memory_space<vmem>> -> memref<1x1x40x64xf32, #tpu.memory_space<vmem>>
      %dma_wait3A_182 = tpu.memref_squeeze %dma_wait3A_181 : memref<1x1x40x64xf32, #tpu.memory_space<vmem>> -> memref<40x64xf32, #tpu.memory_space<vmem>>
      %dma_wait3A_183 = arith.constant 0 : i32
      %dma_wait3A_184 = tpu.memref_slice %arg5[%dma_wait3A_176, %add3A_150, %dma_wait3A_183] : memref<2x125x40xi32, #tpu.memory_space<vmem>> -> memref<1x1x40xi32, #tpu.memory_space<vmem>>
      %dma_wait3A_185 = tpu.memref_squeeze %dma_wait3A_184 : memref<1x1x40xi32, #tpu.memory_space<vmem>> -> memref<40xi32, #tpu.memory_space<vmem>>
      %dma_wait3A_186 = arith.constant 0 : i32
      %dma_wait3A_187 = arith.constant 0 : i32
      %dma_wait3A_188 = tpu.memref_slice %arg3[%dma_wait3A_186, %dma_wait3A_187] : memref<10000x64xf32, #tpu.memory_space<hbm>> -> memref<10000x64xf32, #tpu.memory_space<hbm>>
      tpu.wait_indirect_dma semaphore(%arg10 : memref<!tpu.dma_semaphore, #tpu.memory_space<semaphore_mem>>) src(%dma_wait3A_188 : memref<10000x64xf32, #tpu.memory_space<hbm>>) dst(%dma_wait3A_182 : memref<40x64xf32, #tpu.memory_space<vmem>>)
      %mul3A_189 = arith.constant 40 : i32
      %mul3A_190 = arith.muli %add3A_150, %mul3A_189 : i32
      %add3A_191 = arith.addi %mul3A_2, %mul3A_190 : i32
      %run_scoped3A_192 = arith.constant 1 : i32
      %run_scoped3A_193 = arith.constant 1 : i32
      "tpu.region"() ({
        %run_scoped3A_201 = tpu.sem_alloc : memref<!tpu.dma_semaphore, #tpu.memory_space<semaphore_mem>>
        %dma_start3A_202 = arith.constant 0 : i32
        %dma_start3A_203 = arith.constant 0 : i32
        %dma_start3A_204 = tpu.memref_slice %arg6[%run_scoped3A_192, %run_scoped3A_193, %dma_start3A_202, %dma_start3A_203] : memref<2x2x40x64xf32, #tpu.memory_space<vmem>> -> memref<1x1x40x64xf32, #tpu.memory_space<vmem>>
        %dma_start3A_205 = tpu.memref_squeeze %dma_start3A_204 : memref<1x1x40x64xf32, #tpu.memory_space<vmem>> -> memref<40x64xf32, #tpu.memory_space<vmem>>
        %dma_start3A_206 = arith.constant 64 : i32
        %dma_start3A_207 = tpu.memref_slice %arg4[%add3A_191, %dma_start3A_206] : memref<160000x128xf32, #tpu.memory_space<hbm>> -> memref<40x64xf32, #tpu.memory_space<hbm>>
        %dma_start3A_208 = arith.constant 64 : i32
        %dma_start3A_209 = tpu.memref_slice %arg4[%add3A_191, %dma_start3A_208] : memref<160000x128xf32, #tpu.memory_space<hbm>> -> memref<40x64xf32, #tpu.memory_space<hbm>>
        %dma_start3A_210 = arith.constant 0 : i32
        %dma_start3A_211 = arith.constant 0 : i32
        %dma_start3A_212 = tpu.memref_slice %arg6[%run_scoped3A_192, %run_scoped3A_193, %dma_start3A_210, %dma_start3A_211] : memref<2x2x40x64xf32, #tpu.memory_space<vmem>> -> memref<1x1x40x64xf32, #tpu.memory_space<vmem>>
        %dma_start3A_213 = tpu.memref_squeeze %dma_start3A_212 : memref<1x1x40x64xf32, #tpu.memory_space<vmem>> -> memref<40x64xf32, #tpu.memory_space<vmem>>
        tpu.enqueue_dma source(%dma_start3A_213 : memref<40x64xf32, #tpu.memory_space<vmem>>) target(%dma_start3A_209 : memref<40x64xf32, #tpu.memory_space<hbm>>) target_semaphore(%run_scoped3A_201 : memref<!tpu.dma_semaphore, #tpu.memory_space<semaphore_mem>>)
        %dma_wait3A_214 = arith.constant 0 : i32
        %dma_wait3A_215 = arith.constant 0 : i32
        %dma_wait3A_216 = tpu.memref_slice %arg6[%run_scoped3A_192, %run_scoped3A_193, %dma_wait3A_214, %dma_wait3A_215] : memref<2x2x40x64xf32, #tpu.memory_space<vmem>> -> memref<1x1x40x64xf32, #tpu.memory_space<vmem>>
        %dma_wait3A_217 = tpu.memref_squeeze %dma_wait3A_216 : memref<1x1x40x64xf32, #tpu.memory_space<vmem>> -> memref<40x64xf32, #tpu.memory_space<vmem>>
        %dma_wait3A_218 = arith.constant 64 : i32
        %dma_wait3A_219 = tpu.memref_slice %arg4[%add3A_191, %dma_wait3A_218] : memref<160000x128xf32, #tpu.memory_space<hbm>> -> memref<40x64xf32, #tpu.memory_space<hbm>>
        %dma_wait3A_220 = arith.constant 64 : i32
        %dma_wait3A_221 = tpu.memref_slice %arg4[%add3A_191, %dma_wait3A_220] : memref<160000x128xf32, #tpu.memory_space<hbm>> -> memref<40x64xf32, #tpu.memory_space<hbm>>
        %dma_wait3A_222 = arith.constant 0 : i32
        %dma_wait3A_223 = arith.constant 0 : i32
        %dma_wait3A_224 = tpu.memref_slice %arg6[%run_scoped3A_192, %run_scoped3A_193, %dma_wait3A_222, %dma_wait3A_223] : memref<2x2x40x64xf32, #tpu.memory_space<vmem>> -> memref<1x1x40x64xf32, #tpu.memory_space<vmem>>
        %dma_wait3A_225 = tpu.memref_squeeze %dma_wait3A_224 : memref<1x1x40x64xf32, #tpu.memory_space<vmem>> -> memref<40x64xf32, #tpu.memory_space<vmem>>
        tpu.wait_dma2 semaphore(%run_scoped3A_201 : memref<!tpu.dma_semaphore, #tpu.memory_space<semaphore_mem>>) src(%dma_wait3A_225 : memref<40x64xf32, #tpu.memory_space<vmem>>) dst(%dma_wait3A_221 : memref<40x64xf32, #tpu.memory_space<hbm>>)
        tpu.yield
      }) : () -> ()
      %add3A_194 = arith.constant 2 : i32
      %add3A_195 = arith.addi %add3A_150, %add3A_194 : i32
      %lt3A_196 = arith.constant 125 : i32
      %lt3A_197 = arith.cmpi slt, %add3A_195, %lt3A_196 : i32
      %convert_element_type3A_198 = arith.extui %lt3A_197 : i1 to i32
      %cond3A_199 = arith.constant 0 : i32
      %cond3A_200 = arith.cmpi ne, %convert_element_type3A_198, %cond3A_199 : i32
      scf.if %cond3A_200 {
        %add3A_201 = arith.constant 2 : i32
        %add3A_202 = arith.addi %add3A_150, %add3A_201 : i32
        %dma_start3A_203 = arith.constant 1 : i32
        %dma_start3A_204 = arith.constant 1 : i32
        %dma_start3A_205 = arith.constant 1 : i32
        %dma_start3A_206 = arith.constant 0 : i32
        %dma_start3A_207 = arith.constant 0 : i32
        %dma_start3A_208 = tpu.memref_slice %arg6[%dma_start3A_204, %dma_start3A_205, %dma_start3A_206, %dma_start3A_207] : memref<2x2x40x64xf32, #tpu.memory_space<vmem>> -> memref<1x1x40x64xf32, #tpu.memory_space<vmem>>
        %dma_start3A_209 = tpu.memref_squeeze %dma_start3A_208 : memref<1x1x40x64xf32, #tpu.memory_space<vmem>> -> memref<40x64xf32, #tpu.memory_space<vmem>>
        %dma_start3A_210 = arith.constant 0 : i32
        %dma_start3A_211 = tpu.memref_slice %arg5[%dma_start3A_203, %add3A_202, %dma_start3A_210] : memref<2x125x40xi32, #tpu.memory_space<vmem>> -> memref<1x1x40xi32, #tpu.memory_space<vmem>>
        %dma_start3A_212 = tpu.memref_squeeze %dma_start3A_211 : memref<1x1x40xi32, #tpu.memory_space<vmem>> -> memref<40xi32, #tpu.memory_space<vmem>>
        %dma_start3A_213 = arith.constant 0 : i32
        %dma_start3A_214 = arith.constant 0 : i32
        %dma_start3A_215 = tpu.memref_slice %arg3[%dma_start3A_213, %dma_start3A_214] : memref<10000x64xf32, #tpu.memory_space<hbm>> -> memref<10000x64xf32, #tpu.memory_space<hbm>>
        tpu.enqueue_indirect_dma source(%dma_start3A_215 : memref<10000x64xf32, #tpu.memory_space<hbm>>) target(%dma_start3A_209 : memref<40x64xf32, #tpu.memory_space<vmem>>) offsets(%dma_start3A_212 : memref<40xi32, #tpu.memory_space<vmem>>) semaphore(%arg10 : memref<!tpu.dma_semaphore, #tpu.memory_space<semaphore_mem>>)
      } else {
      }
    }
    %scan3A_62 = arith.constant 62 : i32
    %dma_wait3A = arith.constant 0 : i32
    %dma_wait3A_63 = arith.constant 124 : i32
    %dma_wait3A_64 = arith.constant 0 : i32
    %dma_wait3A_65 = arith.constant 0 : i32
    %dma_wait3A_66 = arith.constant 0 : i32
    %dma_wait3A_67 = arith.constant 0 : i32
    %dma_wait3A_68 = tpu.memref_slice %arg6[%dma_wait3A_64, %dma_wait3A_65, %dma_wait3A_66, %dma_wait3A_67] : memref<2x2x40x64xf32, #tpu.memory_space<vmem>> -> memref<1x1x40x64xf32, #tpu.memory_space<vmem>>
    %dma_wait3A_69 = tpu.memref_squeeze %dma_wait3A_68 : memref<1x1x40x64xf32, #tpu.memory_space<vmem>> -> memref<40x64xf32, #tpu.memory_space<vmem>>
    %dma_wait3A_70 = arith.constant 0 : i32
    %dma_wait3A_71 = tpu.memref_slice %arg5[%dma_wait3A, %dma_wait3A_63, %dma_wait3A_70] : memref<2x125x40xi32, #tpu.memory_space<vmem>> -> memref<1x1x40xi32, #tpu.memory_space<vmem>>
    %dma_wait3A_72 = tpu.memref_squeeze %dma_wait3A_71 : memref<1x1x40xi32, #tpu.memory_space<vmem>> -> memref<40xi32, #tpu.memory_space<vmem>>
    %dma_wait3A_73 = arith.constant 0 : i32
    %dma_wait3A_74 = arith.constant 0 : i32
    %dma_wait3A_75 = tpu.memref_slice %arg3[%dma_wait3A_73, %dma_wait3A_74] : memref<10000x64xf32, #tpu.memory_space<hbm>> -> memref<10000x64xf32, #tpu.memory_space<hbm>>
    tpu.wait_indirect_dma semaphore(%arg7 : memref<!tpu.dma_semaphore, #tpu.memory_space<semaphore_mem>>) src(%dma_wait3A_75 : memref<10000x64xf32, #tpu.memory_space<hbm>>) dst(%dma_wait3A_69 : memref<40x64xf32, #tpu.memory_space<vmem>>)
    %add3A_76 = arith.constant 4960 : i32
    %add3A_77 = arith.addi %mul3A_2, %add3A_76 : i32
    %run_scoped3A = arith.constant 0 : i32
    %run_scoped3A_78 = arith.constant 0 : i32
    "tpu.region"() ({
      %run_scoped3A_97 = tpu.sem_alloc : memref<!tpu.dma_semaphore, #tpu.memory_space<semaphore_mem>>
      %dma_start3A_98 = arith.constant 0 : i32
      %dma_start3A_99 = arith.constant 0 : i32
      %dma_start3A_100 = tpu.memref_slice %arg6[%run_scoped3A, %run_scoped3A_78, %dma_start3A_98, %dma_start3A_99] : memref<2x2x40x64xf32, #tpu.memory_space<vmem>> -> memref<1x1x40x64xf32, #tpu.memory_space<vmem>>
      %dma_start3A_101 = tpu.memref_squeeze %dma_start3A_100 : memref<1x1x40x64xf32, #tpu.memory_space<vmem>> -> memref<40x64xf32, #tpu.memory_space<vmem>>
      %dma_start3A_102 = arith.constant 0 : i32
      %dma_start3A_103 = tpu.memref_slice %arg4[%add3A_77, %dma_start3A_102] : memref<160000x128xf32, #tpu.memory_space<hbm>> -> memref<40x64xf32, #tpu.memory_space<hbm>>
      %dma_start3A_104 = arith.constant 0 : i32
      %dma_start3A_105 = tpu.memref_slice %arg4[%add3A_77, %dma_start3A_104] : memref<160000x128xf32, #tpu.memory_space<hbm>> -> memref<40x64xf32, #tpu.memory_space<hbm>>
      %dma_start3A_106 = arith.constant 0 : i32
      %dma_start3A_107 = arith.constant 0 : i32
      %dma_start3A_108 = tpu.memref_slice %arg6[%run_scoped3A, %run_scoped3A_78, %dma_start3A_106, %dma_start3A_107] : memref<2x2x40x64xf32, #tpu.memory_space<vmem>> -> memref<1x1x40x64xf32, #tpu.memory_space<vmem>>
      %dma_start3A_109 = tpu.memref_squeeze %dma_start3A_108 : memref<1x1x40x64xf32, #tpu.memory_space<vmem>> -> memref<40x64xf32, #tpu.memory_space<vmem>>
      tpu.enqueue_dma source(%dma_start3A_109 : memref<40x64xf32, #tpu.memory_space<vmem>>) target(%dma_start3A_105 : memref<40x64xf32, #tpu.memory_space<hbm>>) target_semaphore(%run_scoped3A_97 : memref<!tpu.dma_semaphore, #tpu.memory_space<semaphore_mem>>)
      %dma_wait3A_110 = arith.constant 0 : i32
      %dma_wait3A_111 = arith.constant 0 : i32
      %dma_wait3A_112 = tpu.memref_slice %arg6[%run_scoped3A, %run_scoped3A_78, %dma_wait3A_110, %dma_wait3A_111] : memref<2x2x40x64xf32, #tpu.memory_space<vmem>> -> memref<1x1x40x64xf32, #tpu.memory_space<vmem>>
      %dma_wait3A_113 = tpu.memref_squeeze %dma_wait3A_112 : memref<1x1x40x64xf32, #tpu.memory_space<vmem>> -> memref<40x64xf32, #tpu.memory_space<vmem>>
      %dma_wait3A_114 = arith.constant 0 : i32
      %dma_wait3A_115 = tpu.memref_slice %arg4[%add3A_77, %dma_wait3A_114] : memref<160000x128xf32, #tpu.memory_space<hbm>> -> memref<40x64xf32, #tpu.memory_space<hbm>>
      %dma_wait3A_116 = arith.constant 0 : i32
      %dma_wait3A_117 = tpu.memref_slice %arg4[%add3A_77, %dma_wait3A_116] : memref<160000x128xf32, #tpu.memory_space<hbm>> -> memref<40x64xf32, #tpu.memory_space<hbm>>
      %dma_wait3A_118 = arith.constant 0 : i32
      %dma_wait3A_119 = arith.constant 0 : i32
      %dma_wait3A_120 = tpu.memref_slice %arg6[%run_scoped3A, %run_scoped3A_78, %dma_wait3A_118, %dma_wait3A_119] : memref<2x2x40x64xf32, #tpu.memory_space<vmem>> -> memref<1x1x40x64xf32, #tpu.memory_space<vmem>>
      %dma_wait3A_121 = tpu.memref_squeeze %dma_wait3A_120 : memref<1x1x40x64xf32, #tpu.memory_space<vmem>> -> memref<40x64xf32, #tpu.memory_space<vmem>>
      tpu.wait_dma2 semaphore(%run_scoped3A_97 : memref<!tpu.dma_semaphore, #tpu.memory_space<semaphore_mem>>) src(%dma_wait3A_121 : memref<40x64xf32, #tpu.memory_space<vmem>>) dst(%dma_wait3A_117 : memref<40x64xf32, #tpu.memory_space<hbm>>)
      tpu.yield
    }) : () -> ()
    %dma_wait3A_79 = arith.constant 1 : i32
    %dma_wait3A_80 = arith.constant 124 : i32
    %dma_wait3A_81 = arith.constant 1 : i32
    %dma_wait3A_82 = arith.constant 0 : i32
    %dma_wait3A_83 = arith.constant 0 : i32
    %dma_wait3A_84 = arith.constant 0 : i32
    %dma_wait3A_85 = tpu.memref_slice %arg6[%dma_wait3A_81, %dma_wait3A_82, %dma_wait3A_83, %dma_wait3A_84] : memref<2x2x40x64xf32, #tpu.memory_space<vmem>> -> memref<1x1x40x64xf32, #tpu.memory_space<vmem>>
    %dma_wait3A_86 = tpu.memref_squeeze %dma_wait3A_85 : memref<1x1x40x64xf32, #tpu.memory_space<vmem>> -> memref<40x64xf32, #tpu.memory_space<vmem>>
    %dma_wait3A_87 = arith.constant 0 : i32
    %dma_wait3A_88 = tpu.memref_slice %arg5[%dma_wait3A_79, %dma_wait3A_80, %dma_wait3A_87] : memref<2x125x40xi32, #tpu.memory_space<vmem>> -> memref<1x1x40xi32, #tpu.memory_space<vmem>>
    %dma_wait3A_89 = tpu.memref_squeeze %dma_wait3A_88 : memref<1x1x40xi32, #tpu.memory_space<vmem>> -> memref<40xi32, #tpu.memory_space<vmem>>
    %dma_wait3A_90 = arith.constant 0 : i32
    %dma_wait3A_91 = arith.constant 0 : i32
    %dma_wait3A_92 = tpu.memref_slice %arg3[%dma_wait3A_90, %dma_wait3A_91] : memref<10000x64xf32, #tpu.memory_space<hbm>> -> memref<10000x64xf32, #tpu.memory_space<hbm>>
    tpu.wait_indirect_dma semaphore(%arg9 : memref<!tpu.dma_semaphore, #tpu.memory_space<semaphore_mem>>) src(%dma_wait3A_92 : memref<10000x64xf32, #tpu.memory_space<hbm>>) dst(%dma_wait3A_86 : memref<40x64xf32, #tpu.memory_space<vmem>>)
    %add3A_93 = arith.constant 4960 : i32
    %add3A_94 = arith.addi %mul3A_2, %add3A_93 : i32
    %run_scoped3A_95 = arith.constant 1 : i32
    %run_scoped3A_96 = arith.constant 0 : i32
    "tpu.region"() ({
      %run_scoped3A_97 = tpu.sem_alloc : memref<!tpu.dma_semaphore, #tpu.memory_space<semaphore_mem>>
      %dma_start3A_98 = arith.constant 0 : i32
      %dma_start3A_99 = arith.constant 0 : i32
      %dma_start3A_100 = tpu.memref_slice %arg6[%run_scoped3A_95, %run_scoped3A_96, %dma_start3A_98, %dma_start3A_99] : memref<2x2x40x64xf32, #tpu.memory_space<vmem>> -> memref<1x1x40x64xf32, #tpu.memory_space<vmem>>
      %dma_start3A_101 = tpu.memref_squeeze %dma_start3A_100 : memref<1x1x40x64xf32, #tpu.memory_space<vmem>> -> memref<40x64xf32, #tpu.memory_space<vmem>>
      %dma_start3A_102 = arith.constant 64 : i32
      %dma_start3A_103 = tpu.memref_slice %arg4[%add3A_94, %dma_start3A_102] : memref<160000x128xf32, #tpu.memory_space<hbm>> -> memref<40x64xf32, #tpu.memory_space<hbm>>
      %dma_start3A_104 = arith.constant 64 : i32
      %dma_start3A_105 = tpu.memref_slice %arg4[%add3A_94, %dma_start3A_104] : memref<160000x128xf32, #tpu.memory_space<hbm>> -> memref<40x64xf32, #tpu.memory_space<hbm>>
      %dma_start3A_106 = arith.constant 0 : i32
      %dma_start3A_107 = arith.constant 0 : i32
      %dma_start3A_108 = tpu.memref_slice %arg6[%run_scoped3A_95, %run_scoped3A_96, %dma_start3A_106, %dma_start3A_107] : memref<2x2x40x64xf32, #tpu.memory_space<vmem>> -> memref<1x1x40x64xf32, #tpu.memory_space<vmem>>
      %dma_start3A_109 = tpu.memref_squeeze %dma_start3A_108 : memref<1x1x40x64xf32, #tpu.memory_space<vmem>> -> memref<40x64xf32, #tpu.memory_space<vmem>>
      tpu.enqueue_dma source(%dma_start3A_109 : memref<40x64xf32, #tpu.memory_space<vmem>>) target(%dma_start3A_105 : memref<40x64xf32, #tpu.memory_space<hbm>>) target_semaphore(%run_scoped3A_97 : memref<!tpu.dma_semaphore, #tpu.memory_space<semaphore_mem>>)
      %dma_wait3A_110 = arith.constant 0 : i32
      %dma_wait3A_111 = arith.constant 0 : i32
      %dma_wait3A_112 = tpu.memref_slice %arg6[%run_scoped3A_95, %run_scoped3A_96, %dma_wait3A_110, %dma_wait3A_111] : memref<2x2x40x64xf32, #tpu.memory_space<vmem>> -> memref<1x1x40x64xf32, #tpu.memory_space<vmem>>
      %dma_wait3A_113 = tpu.memref_squeeze %dma_wait3A_112 : memref<1x1x40x64xf32, #tpu.memory_space<vmem>> -> memref<40x64xf32, #tpu.memory_space<vmem>>
      %dma_wait3A_114 = arith.constant 64 : i32
      %dma_wait3A_115 = tpu.memref_slice %arg4[%add3A_94, %dma_wait3A_114] : memref<160000x128xf32, #tpu.memory_space<hbm>> -> memref<40x64xf32, #tpu.memory_space<hbm>>
      %dma_wait3A_116 = arith.constant 64 : i32
      %dma_wait3A_117 = tpu.memref_slice %arg4[%add3A_94, %dma_wait3A_116] : memref<160000x128xf32, #tpu.memory_space<hbm>> -> memref<40x64xf32, #tpu.memory_space<hbm>>
      %dma_wait3A_118 = arith.constant 0 : i32
      %dma_wait3A_119 = arith.constant 0 : i32
      %dma_wait3A_120 = tpu.memref_slice %arg6[%run_scoped3A_95, %run_scoped3A_96, %dma_wait3A_118, %dma_wait3A_119] : memref<2x2x40x64xf32, #tpu.memory_space<vmem>> -> memref<1x1x40x64xf32, #tpu.memory_space<vmem>>
      %dma_wait3A_121 = tpu.memref_squeeze %dma_wait3A_120 : memref<1x1x40x64xf32, #tpu.memory_space<vmem>> -> memref<40x64xf32, #tpu.memory_space<vmem>>
      tpu.wait_dma2 semaphore(%run_scoped3A_97 : memref<!tpu.dma_semaphore, #tpu.memory_space<semaphore_mem>>) src(%dma_wait3A_121 : memref<40x64xf32, #tpu.memory_space<vmem>>) dst(%dma_wait3A_117 : memref<40x64xf32, #tpu.memory_space<hbm>>)
      tpu.yield
    }) : () -> ()
    return
  }
}

#map = affine_map<(d0, d1) -> (0, 0)>
#map1 = affine_map<(d0, d1) -> (0, 0, 0, 0)>
#map2 = affine_map<(d0, d1) -> (0, 0, 0)>
module attributes {stable_mosaic.version = 14 : i64} {
  func.func @k(%arg0: i32, %arg1: i32, %arg2: memref<80000x128xf32, #tpu.memory_space<hbm>>, %arg3: memref<2x32x50x50xi32, #tpu.memory_space<hbm>>, %arg4: memref<2x10240x64xf32, #tpu.memory_space<hbm>>, %arg5: memref<2x50x50xi32, #tpu.memory_space<vmem>>, %arg6: memref<2x2x50x64xf32, #tpu.memory_space<vmem>>, %arg7: memref<128x64xf32, #tpu.memory_space<vmem>>, %arg8: memref<10240x64xf32, #tpu.memory_space<vmem_shared>>, %arg9: memref<!tpu.dma_semaphore, #tpu.memory_space<semaphore_mem>>, %arg10: memref<!tpu.dma_semaphore, #tpu.memory_space<semaphore_mem>>, %arg11: memref<!tpu.dma_semaphore, #tpu.memory_space<semaphore_mem>>, %arg12: memref<!tpu.dma_semaphore, #tpu.memory_space<semaphore_mem>>) attributes {dimension_semantics = [#tpu.dimension_semantics<core_parallel>, #tpu.dimension_semantics<subcore_parallel>], iteration_bounds = array<i64: 2, 16>, scalar_prefetch = 0 : i64, scratch_operands = 8 : i64, tpu.core_type = #tpu.core_type<sc_vector_subcore>, window_params = [{transform_indices = #map}, {transform_indices = #map1}, {transform_indices = #map2}]} {
    %mul3A = arith.constant 2 : i32
    %mul3A_0 = arith.muli %arg1, %mul3A : i32
    %add3A = arith.addi %mul3A_0, %arg0 : i32
    %mul3A_1 = arith.constant 2500 : i32
    %mul3A_2 = arith.muli %add3A, %mul3A_1 : i32
    %scan3A = arith.constant 0 : i32
    %scan3A_3 = arith.constant 0 : i32
    %scan3A_4 = arith.constant 128 : i32
    %scan3A_5 = arith.addi %scan3A_3, %scan3A_4 : i32
    %scan3A_6 = arith.constant 1 : i32
    scf.for %scan3A_102 = %scan3A_3 to %scan3A_5 step %scan3A_6  : i32 {
      %broadcast_in_dim3A = arith.constant 0.000000e+00 : f32
      %broadcast_in_dim3A_103 = vector.broadcast %broadcast_in_dim3A : f32 to vector<16xf32>
      %swap3A = arith.index_cast %scan3A_102 : i32 to index
      %swap3A_104 = arith.constant 0 : index
      %swap3A_105 = tpu.vector_load %arg7[%swap3A, %swap3A_104] {strides = array<i32>} : memref<128x64xf32, #tpu.memory_space<vmem>>, vector<1x16xf32>,
      %swap3A_106 = vector.shape_cast %swap3A_105 : vector<1x16xf32> to vector<16xf32>
      %swap3A_107 = vector.shape_cast %broadcast_in_dim3A_103 : vector<16xf32> to vector<1x16xf32>
      tpu.vector_store %arg7[%swap3A, %swap3A_104], %swap3A_107 {strides = array<i32>} : memref<128x64xf32, #tpu.memory_space<vmem>>, vector<1x16xf32>,
      %broadcast_in_dim3A_108 = arith.constant 0.000000e+00 : f32
      %broadcast_in_dim3A_109 = vector.broadcast %broadcast_in_dim3A_108 : f32 to vector<16xf32>
      %swap3A_110 = arith.index_cast %scan3A_102 : i32 to index
      %swap3A_111 = arith.constant 16 : index
      %swap3A_112 = tpu.vector_load %arg7[%swap3A_110, %swap3A_111] {strides = array<i32>} : memref<128x64xf32, #tpu.memory_space<vmem>>, vector<1x16xf32>,
      %swap3A_113 = vector.shape_cast %swap3A_112 : vector<1x16xf32> to vector<16xf32>
      %swap3A_114 = vector.shape_cast %broadcast_in_dim3A_109 : vector<16xf32> to vector<1x16xf32>
      tpu.vector_store %arg7[%swap3A_110, %swap3A_111], %swap3A_114 {strides = array<i32>} : memref<128x64xf32, #tpu.memory_space<vmem>>, vector<1x16xf32>,
      %broadcast_in_dim3A_115 = arith.constant 0.000000e+00 : f32
      %broadcast_in_dim3A_116 = vector.broadcast %broadcast_in_dim3A_115 : f32 to vector<16xf32>
      %swap3A_117 = arith.index_cast %scan3A_102 : i32 to index
      %swap3A_118 = arith.constant 32 : index
      %swap3A_119 = tpu.vector_load %arg7[%swap3A_117, %swap3A_118] {strides = array<i32>} : memref<128x64xf32, #tpu.memory_space<vmem>>, vector<1x16xf32>,
      %swap3A_120 = vector.shape_cast %swap3A_119 : vector<1x16xf32> to vector<16xf32>
      %swap3A_121 = vector.shape_cast %broadcast_in_dim3A_116 : vector<16xf32> to vector<1x16xf32>
      tpu.vector_store %arg7[%swap3A_117, %swap3A_118], %swap3A_121 {strides = array<i32>} : memref<128x64xf32, #tpu.memory_space<vmem>>, vector<1x16xf32>,
      %broadcast_in_dim3A_122 = arith.constant 0.000000e+00 : f32
      %broadcast_in_dim3A_123 = vector.broadcast %broadcast_in_dim3A_122 : f32 to vector<16xf32>
      %swap3A_124 = arith.index_cast %scan3A_102 : i32 to index
      %swap3A_125 = arith.constant 48 : index
      %swap3A_126 = tpu.vector_load %arg7[%swap3A_124, %swap3A_125] {strides = array<i32>} : memref<128x64xf32, #tpu.memory_space<vmem>>, vector<1x16xf32>,
      %swap3A_127 = vector.shape_cast %swap3A_126 : vector<1x16xf32> to vector<16xf32>
      %swap3A_128 = vector.shape_cast %broadcast_in_dim3A_123 : vector<16xf32> to vector<1x16xf32>
      tpu.vector_store %arg7[%swap3A_124, %swap3A_125], %swap3A_128 {strides = array<i32>} : memref<128x64xf32, #tpu.memory_space<vmem>>, vector<1x16xf32>,
    }
    %scan3A_7 = arith.constant 128 : i32
    %mul3A_8 = arith.constant 640 : i32
    %mul3A_9 = arith.muli %arg1, %mul3A_8 : i32
    %add3A_10 = arith.constant 0 : i32
    %add3A_11 = arith.addi %mul3A_9, %add3A_10 : i32
    "tpu.region"() ({
      %run_scoped3A = tpu.sem_alloc : memref<!tpu.dma_semaphore, #tpu.memory_space<semaphore_mem>>
      %dma_start3A_102 = arith.constant 0 : i32
      %dma_start3A_103 = tpu.memref_slice %arg8[%add3A_11, %dma_start3A_102] : memref<10240x64xf32, #tpu.memory_space<vmem_shared>> -> memref<128x64xf32, #tpu.memory_space<vmem_shared>>
      %dma_start3A_104 = arith.constant 0 : i32
      %dma_start3A_105 = tpu.memref_slice %arg8[%add3A_11, %dma_start3A_104] : memref<10240x64xf32, #tpu.memory_space<vmem_shared>> -> memref<128x64xf32, #tpu.memory_space<vmem_shared>>
      tpu.enqueue_dma source(%arg7 : memref<128x64xf32, #tpu.memory_space<vmem>>) target(%dma_start3A_105 : memref<128x64xf32, #tpu.memory_space<vmem_shared>>) target_semaphore(%run_scoped3A : memref<!tpu.dma_semaphore, #tpu.memory_space<semaphore_mem>>)
      %dma_wait3A = arith.constant 0 : i32
      %dma_wait3A_106 = tpu.memref_slice %arg8[%add3A_11, %dma_wait3A] : memref<10240x64xf32, #tpu.memory_space<vmem_shared>> -> memref<128x64xf32, #tpu.memory_space<vmem_shared>>
      %dma_wait3A_107 = arith.constant 0 : i32
      %dma_wait3A_108 = tpu.memref_slice %arg8[%add3A_11, %dma_wait3A_107] : memref<10240x64xf32, #tpu.memory_space<vmem_shared>> -> memref<128x64xf32, #tpu.memory_space<vmem_shared>>
      tpu.wait_dma2 semaphore(%run_scoped3A : memref<!tpu.dma_semaphore, #tpu.memory_space<semaphore_mem>>) src(%arg7 : memref<128x64xf32, #tpu.memory_space<vmem>>) dst(%dma_wait3A_108 : memref<128x64xf32, #tpu.memory_space<vmem_shared>>)
      tpu.yield
    }) : () -> ()
    %mul3A_12 = arith.constant 640 : i32
    %mul3A_13 = arith.muli %arg1, %mul3A_12 : i32
    %add3A_14 = arith.constant 128 : i32
    %add3A_15 = arith.addi %mul3A_13, %add3A_14 : i32
    "tpu.region"() ({
      %run_scoped3A = tpu.sem_alloc : memref<!tpu.dma_semaphore, #tpu.memory_space<semaphore_mem>>
      %dma_start3A_102 = arith.constant 0 : i32
      %dma_start3A_103 = tpu.memref_slice %arg8[%add3A_15, %dma_start3A_102] : memref<10240x64xf32, #tpu.memory_space<vmem_shared>> -> memref<128x64xf32, #tpu.memory_space<vmem_shared>>
      %dma_start3A_104 = arith.constant 0 : i32
      %dma_start3A_105 = tpu.memref_slice %arg8[%add3A_15, %dma_start3A_104] : memref<10240x64xf32, #tpu.memory_space<vmem_shared>> -> memref<128x64xf32, #tpu.memory_space<vmem_shared>>
      tpu.enqueue_dma source(%arg7 : memref<128x64xf32, #tpu.memory_space<vmem>>) target(%dma_start3A_105 : memref<128x64xf32, #tpu.memory_space<vmem_shared>>) target_semaphore(%run_scoped3A : memref<!tpu.dma_semaphore, #tpu.memory_space<semaphore_mem>>)
      %dma_wait3A = arith.constant 0 : i32
      %dma_wait3A_106 = tpu.memref_slice %arg8[%add3A_15, %dma_wait3A] : memref<10240x64xf32, #tpu.memory_space<vmem_shared>> -> memref<128x64xf32, #tpu.memory_space<vmem_shared>>
      %dma_wait3A_107 = arith.constant 0 : i32
      %dma_wait3A_108 = tpu.memref_slice %arg8[%add3A_15, %dma_wait3A_107] : memref<10240x64xf32, #tpu.memory_space<vmem_shared>> -> memref<128x64xf32, #tpu.memory_space<vmem_shared>>
      tpu.wait_dma2 semaphore(%run_scoped3A : memref<!tpu.dma_semaphore, #tpu.memory_space<semaphore_mem>>) src(%arg7 : memref<128x64xf32, #tpu.memory_space<vmem>>) dst(%dma_wait3A_108 : memref<128x64xf32, #tpu.memory_space<vmem_shared>>)
      tpu.yield
    }) : () -> ()
    %mul3A_16 = arith.constant 640 : i32
    %mul3A_17 = arith.muli %arg1, %mul3A_16 : i32
    %add3A_18 = arith.constant 256 : i32
    %add3A_19 = arith.addi %mul3A_17, %add3A_18 : i32
    "tpu.region"() ({
      %run_scoped3A = tpu.sem_alloc : memref<!tpu.dma_semaphore, #tpu.memory_space<semaphore_mem>>
      %dma_start3A_102 = arith.constant 0 : i32
      %dma_start3A_103 = tpu.memref_slice %arg8[%add3A_19, %dma_start3A_102] : memref<10240x64xf32, #tpu.memory_space<vmem_shared>> -> memref<128x64xf32, #tpu.memory_space<vmem_shared>>
      %dma_start3A_104 = arith.constant 0 : i32
      %dma_start3A_105 = tpu.memref_slice %arg8[%add3A_19, %dma_start3A_104] : memref<10240x64xf32, #tpu.memory_space<vmem_shared>> -> memref<128x64xf32, #tpu.memory_space<vmem_shared>>
      tpu.enqueue_dma source(%arg7 : memref<128x64xf32, #tpu.memory_space<vmem>>) target(%dma_start3A_105 : memref<128x64xf32, #tpu.memory_space<vmem_shared>>) target_semaphore(%run_scoped3A : memref<!tpu.dma_semaphore, #tpu.memory_space<semaphore_mem>>)
      %dma_wait3A = arith.constant 0 : i32
      %dma_wait3A_106 = tpu.memref_slice %arg8[%add3A_19, %dma_wait3A] : memref<10240x64xf32, #tpu.memory_space<vmem_shared>> -> memref<128x64xf32, #tpu.memory_space<vmem_shared>>
      %dma_wait3A_107 = arith.constant 0 : i32
      %dma_wait3A_108 = tpu.memref_slice %arg8[%add3A_19, %dma_wait3A_107] : memref<10240x64xf32, #tpu.memory_space<vmem_shared>> -> memref<128x64xf32, #tpu.memory_space<vmem_shared>>
      tpu.wait_dma2 semaphore(%run_scoped3A : memref<!tpu.dma_semaphore, #tpu.memory_space<semaphore_mem>>) src(%arg7 : memref<128x64xf32, #tpu.memory_space<vmem>>) dst(%dma_wait3A_108 : memref<128x64xf32, #tpu.memory_space<vmem_shared>>)
      tpu.yield
    }) : () -> ()
    %mul3A_20 = arith.constant 640 : i32
    %mul3A_21 = arith.muli %arg1, %mul3A_20 : i32
    %add3A_22 = arith.constant 384 : i32
    %add3A_23 = arith.addi %mul3A_21, %add3A_22 : i32
    "tpu.region"() ({
      %run_scoped3A = tpu.sem_alloc : memref<!tpu.dma_semaphore, #tpu.memory_space<semaphore_mem>>
      %dma_start3A_102 = arith.constant 0 : i32
      %dma_start3A_103 = tpu.memref_slice %arg8[%add3A_23, %dma_start3A_102] : memref<10240x64xf32, #tpu.memory_space<vmem_shared>> -> memref<128x64xf32, #tpu.memory_space<vmem_shared>>
      %dma_start3A_104 = arith.constant 0 : i32
      %dma_start3A_105 = tpu.memref_slice %arg8[%add3A_23, %dma_start3A_104] : memref<10240x64xf32, #tpu.memory_space<vmem_shared>> -> memref<128x64xf32, #tpu.memory_space<vmem_shared>>
      tpu.enqueue_dma source(%arg7 : memref<128x64xf32, #tpu.memory_space<vmem>>) target(%dma_start3A_105 : memref<128x64xf32, #tpu.memory_space<vmem_shared>>) target_semaphore(%run_scoped3A : memref<!tpu.dma_semaphore, #tpu.memory_space<semaphore_mem>>)
      %dma_wait3A = arith.constant 0 : i32
      %dma_wait3A_106 = tpu.memref_slice %arg8[%add3A_23, %dma_wait3A] : memref<10240x64xf32, #tpu.memory_space<vmem_shared>> -> memref<128x64xf32, #tpu.memory_space<vmem_shared>>
      %dma_wait3A_107 = arith.constant 0 : i32
      %dma_wait3A_108 = tpu.memref_slice %arg8[%add3A_23, %dma_wait3A_107] : memref<10240x64xf32, #tpu.memory_space<vmem_shared>> -> memref<128x64xf32, #tpu.memory_space<vmem_shared>>
      tpu.wait_dma2 semaphore(%run_scoped3A : memref<!tpu.dma_semaphore, #tpu.memory_space<semaphore_mem>>) src(%arg7 : memref<128x64xf32, #tpu.memory_space<vmem>>) dst(%dma_wait3A_108 : memref<128x64xf32, #tpu.memory_space<vmem_shared>>)
      tpu.yield
    }) : () -> ()
    %mul3A_24 = arith.constant 640 : i32
    %mul3A_25 = arith.muli %arg1, %mul3A_24 : i32
    %add3A_26 = arith.constant 512 : i32
    %add3A_27 = arith.addi %mul3A_25, %add3A_26 : i32
    "tpu.region"() ({
      %run_scoped3A = tpu.sem_alloc : memref<!tpu.dma_semaphore, #tpu.memory_space<semaphore_mem>>
      %dma_start3A_102 = arith.constant 0 : i32
      %dma_start3A_103 = tpu.memref_slice %arg8[%add3A_27, %dma_start3A_102] : memref<10240x64xf32, #tpu.memory_space<vmem_shared>> -> memref<128x64xf32, #tpu.memory_space<vmem_shared>>
      %dma_start3A_104 = arith.constant 0 : i32
      %dma_start3A_105 = tpu.memref_slice %arg8[%add3A_27, %dma_start3A_104] : memref<10240x64xf32, #tpu.memory_space<vmem_shared>> -> memref<128x64xf32, #tpu.memory_space<vmem_shared>>
      tpu.enqueue_dma source(%arg7 : memref<128x64xf32, #tpu.memory_space<vmem>>) target(%dma_start3A_105 : memref<128x64xf32, #tpu.memory_space<vmem_shared>>) target_semaphore(%run_scoped3A : memref<!tpu.dma_semaphore, #tpu.memory_space<semaphore_mem>>)
      %dma_wait3A = arith.constant 0 : i32
      %dma_wait3A_106 = tpu.memref_slice %arg8[%add3A_27, %dma_wait3A] : memref<10240x64xf32, #tpu.memory_space<vmem_shared>> -> memref<128x64xf32, #tpu.memory_space<vmem_shared>>
      %dma_wait3A_107 = arith.constant 0 : i32
      %dma_wait3A_108 = tpu.memref_slice %arg8[%add3A_27, %dma_wait3A_107] : memref<10240x64xf32, #tpu.memory_space<vmem_shared>> -> memref<128x64xf32, #tpu.memory_space<vmem_shared>>
      tpu.wait_dma2 semaphore(%run_scoped3A : memref<!tpu.dma_semaphore, #tpu.memory_space<semaphore_mem>>) src(%arg7 : memref<128x64xf32, #tpu.memory_space<vmem>>) dst(%dma_wait3A_108 : memref<128x64xf32, #tpu.memory_space<vmem_shared>>)
      tpu.yield
    }) : () -> ()
    %barrier3A = arith.constant 0 : index
    tpu.barrier barrier_id(%barrier3A)
    "tpu.region"() ({
      %run_scoped3A = tpu.sem_alloc : memref<!tpu.dma_semaphore, #tpu.memory_space<semaphore_mem>>
      %dma_start3A_102 = arith.constant 0 : i32
      %dma_start3A_103 = arith.constant 0 : i32
      %dma_start3A_104 = arith.constant 0 : i32
      %dma_start3A_105 = tpu.memref_slice %arg3[%dma_start3A_102, %add3A, %dma_start3A_103, %dma_start3A_104] : memref<2x32x50x50xi32, #tpu.memory_space<hbm>> -> memref<2x1x50x50xi32, #tpu.memory_space<hbm>>
      %dma_start3A_106 = tpu.memref_squeeze %dma_start3A_105 : memref<2x1x50x50xi32, #tpu.memory_space<hbm>> -> memref<2x50x50xi32, #tpu.memory_space<hbm>>
      %dma_start3A_107 = arith.constant 0 : i32
      %dma_start3A_108 = arith.constant 0 : i32
      %dma_start3A_109 = arith.constant 0 : i32
      %dma_start3A_110 = tpu.memref_slice %arg3[%dma_start3A_107, %add3A, %dma_start3A_108, %dma_start3A_109] : memref<2x32x50x50xi32, #tpu.memory_space<hbm>> -> memref<2x1x50x50xi32, #tpu.memory_space<hbm>>
      %dma_start3A_111 = tpu.memref_squeeze %dma_start3A_110 : memref<2x1x50x50xi32, #tpu.memory_space<hbm>> -> memref<2x50x50xi32, #tpu.memory_space<hbm>>
      tpu.enqueue_dma source(%dma_start3A_111 : memref<2x50x50xi32, #tpu.memory_space<hbm>>) target(%arg5 : memref<2x50x50xi32, #tpu.memory_space<vmem>>) target_semaphore(%run_scoped3A : memref<!tpu.dma_semaphore, #tpu.memory_space<semaphore_mem>>)
      %dma_wait3A = arith.constant 0 : i32
      %dma_wait3A_112 = arith.constant 0 : i32
      %dma_wait3A_113 = arith.constant 0 : i32
      %dma_wait3A_114 = tpu.memref_slice %arg3[%dma_wait3A, %add3A, %dma_wait3A_112, %dma_wait3A_113] : memref<2x32x50x50xi32, #tpu.memory_space<hbm>> -> memref<2x1x50x50xi32, #tpu.memory_space<hbm>>
      %dma_wait3A_115 = tpu.memref_squeeze %dma_wait3A_114 : memref<2x1x50x50xi32, #tpu.memory_space<hbm>> -> memref<2x50x50xi32, #tpu.memory_space<hbm>>
      %dma_wait3A_116 = arith.constant 0 : i32
      %dma_wait3A_117 = arith.constant 0 : i32
      %dma_wait3A_118 = arith.constant 0 : i32
      %dma_wait3A_119 = tpu.memref_slice %arg3[%dma_wait3A_116, %add3A, %dma_wait3A_117, %dma_wait3A_118] : memref<2x32x50x50xi32, #tpu.memory_space<hbm>> -> memref<2x1x50x50xi32, #tpu.memory_space<hbm>>
      %dma_wait3A_120 = tpu.memref_squeeze %dma_wait3A_119 : memref<2x1x50x50xi32, #tpu.memory_space<hbm>> -> memref<2x50x50xi32, #tpu.memory_space<hbm>>
      tpu.wait_dma2 semaphore(%run_scoped3A : memref<!tpu.dma_semaphore, #tpu.memory_space<semaphore_mem>>) src(%dma_wait3A_120 : memref<2x50x50xi32, #tpu.memory_space<hbm>>) dst(%arg5 : memref<2x50x50xi32, #tpu.memory_space<vmem>>)
      tpu.yield
    }) : () -> ()
    %add3A_28 = arith.constant 0 : i32
    %add3A_29 = arith.addi %mul3A_2, %add3A_28 : i32
    %dma_start3A = arith.constant 0 : i32
    %dma_start3A_30 = arith.constant 0 : i32
    %dma_start3A_31 = arith.constant 0 : i32
    %dma_start3A_32 = arith.constant 0 : i32
    %dma_start3A_33 = tpu.memref_slice %arg6[%dma_start3A, %dma_start3A_30, %dma_start3A_31, %dma_start3A_32] : memref<2x2x50x64xf32, #tpu.memory_space<vmem>> -> memref<1x1x50x64xf32, #tpu.memory_space<vmem>>
    %dma_start3A_34 = tpu.memref_squeeze %dma_start3A_33 : memref<1x1x50x64xf32, #tpu.memory_space<vmem>> -> memref<50x64xf32, #tpu.memory_space<vmem>>
    %dma_start3A_35 = arith.constant 0 : i32
    %dma_start3A_36 = tpu.memref_slice %arg2[%add3A_29, %dma_start3A_35] : memref<80000x128xf32, #tpu.memory_space<hbm>> -> memref<50x64xf32, #tpu.memory_space<hbm>>
    %dma_start3A_37 = arith.constant 0 : i32
    %dma_start3A_38 = arith.constant 0 : i32
    %dma_start3A_39 = tpu.memref_slice %arg6[%dma_start3A, %dma_start3A_30, %dma_start3A_37, %dma_start3A_38] : memref<2x2x50x64xf32, #tpu.memory_space<vmem>> -> memref<1x1x50x64xf32, #tpu.memory_space<vmem>>
    %dma_start3A_40 = tpu.memref_squeeze %dma_start3A_39 : memref<1x1x50x64xf32, #tpu.memory_space<vmem>> -> memref<50x64xf32, #tpu.memory_space<vmem>>
    %dma_start3A_41 = arith.constant 0 : i32
    %dma_start3A_42 = tpu.memref_slice %arg2[%add3A_29, %dma_start3A_41] : memref<80000x128xf32, #tpu.memory_space<hbm>> -> memref<50x64xf32, #tpu.memory_space<hbm>>
    tpu.enqueue_dma source(%dma_start3A_42 : memref<50x64xf32, #tpu.memory_space<hbm>>) target(%dma_start3A_40 : memref<50x64xf32, #tpu.memory_space<vmem>>) target_semaphore(%arg9 : memref<!tpu.dma_semaphore, #tpu.memory_space<semaphore_mem>>)
    %add3A_43 = arith.constant 0 : i32
    %add3A_44 = arith.addi %mul3A_2, %add3A_43 : i32
    %dma_start3A_45 = arith.constant 1 : i32
    %dma_start3A_46 = arith.constant 0 : i32
    %dma_start3A_47 = arith.constant 0 : i32
    %dma_start3A_48 = arith.constant 0 : i32
    %dma_start3A_49 = tpu.memref_slice %arg6[%dma_start3A_45, %dma_start3A_46, %dma_start3A_47, %dma_start3A_48] : memref<2x2x50x64xf32, #tpu.memory_space<vmem>> -> memref<1x1x50x64xf32, #tpu.memory_space<vmem>>
    %dma_start3A_50 = tpu.memref_squeeze %dma_start3A_49 : memref<1x1x50x64xf32, #tpu.memory_space<vmem>> -> memref<50x64xf32, #tpu.memory_space<vmem>>
    %dma_start3A_51 = arith.constant 64 : i32
    %dma_start3A_52 = tpu.memref_slice %arg2[%add3A_44, %dma_start3A_51] : memref<80000x128xf32, #tpu.memory_space<hbm>> -> memref<50x64xf32, #tpu.memory_space<hbm>>
    %dma_start3A_53 = arith.constant 0 : i32
    %dma_start3A_54 = arith.constant 0 : i32
    %dma_start3A_55 = tpu.memref_slice %arg6[%dma_start3A_45, %dma_start3A_46, %dma_start3A_53, %dma_start3A_54] : memref<2x2x50x64xf32, #tpu.memory_space<vmem>> -> memref<1x1x50x64xf32, #tpu.memory_space<vmem>>
    %dma_start3A_56 = tpu.memref_squeeze %dma_start3A_55 : memref<1x1x50x64xf32, #tpu.memory_space<vmem>> -> memref<50x64xf32, #tpu.memory_space<vmem>>
    %dma_start3A_57 = arith.constant 64 : i32
    %dma_start3A_58 = tpu.memref_slice %arg2[%add3A_44, %dma_start3A_57] : memref<80000x128xf32, #tpu.memory_space<hbm>> -> memref<50x64xf32, #tpu.memory_space<hbm>>
    tpu.enqueue_dma source(%dma_start3A_58 : memref<50x64xf32, #tpu.memory_space<hbm>>) target(%dma_start3A_56 : memref<50x64xf32, #tpu.memory_space<vmem>>) target_semaphore(%arg11 : memref<!tpu.dma_semaphore, #tpu.memory_space<semaphore_mem>>)
    %add3A_59 = arith.constant 50 : i32
    %add3A_60 = arith.addi %mul3A_2, %add3A_59 : i32
    %dma_start3A_61 = arith.constant 0 : i32
    %dma_start3A_62 = arith.constant 1 : i32
    %dma_start3A_63 = arith.constant 0 : i32
    %dma_start3A_64 = arith.constant 0 : i32
    %dma_start3A_65 = tpu.memref_slice %arg6[%dma_start3A_61, %dma_start3A_62, %dma_start3A_63, %dma_start3A_64] : memref<2x2x50x64xf32, #tpu.memory_space<vmem>> -> memref<1x1x50x64xf32, #tpu.memory_space<vmem>>
    %dma_start3A_66 = tpu.memref_squeeze %dma_start3A_65 : memref<1x1x50x64xf32, #tpu.memory_space<vmem>> -> memref<50x64xf32, #tpu.memory_space<vmem>>
    %dma_start3A_67 = arith.constant 0 : i32
    %dma_start3A_68 = tpu.memref_slice %arg2[%add3A_60, %dma_start3A_67] : memref<80000x128xf32, #tpu.memory_space<hbm>> -> memref<50x64xf32, #tpu.memory_space<hbm>>
    %dma_start3A_69 = arith.constant 0 : i32
    %dma_start3A_70 = arith.constant 0 : i32
    %dma_start3A_71 = tpu.memref_slice %arg6[%dma_start3A_61, %dma_start3A_62, %dma_start3A_69, %dma_start3A_70] : memref<2x2x50x64xf32, #tpu.memory_space<vmem>> -> memref<1x1x50x64xf32, #tpu.memory_space<vmem>>
    %dma_start3A_72 = tpu.memref_squeeze %dma_start3A_71 : memref<1x1x50x64xf32, #tpu.memory_space<vmem>> -> memref<50x64xf32, #tpu.memory_space<vmem>>
    %dma_start3A_73 = arith.constant 0 : i32
    %dma_start3A_74 = tpu.memref_slice %arg2[%add3A_60, %dma_start3A_73] : memref<80000x128xf32, #tpu.memory_space<hbm>> -> memref<50x64xf32, #tpu.memory_space<hbm>>
    tpu.enqueue_dma source(%dma_start3A_74 : memref<50x64xf32, #tpu.memory_space<hbm>>) target(%dma_start3A_72 : memref<50x64xf32, #tpu.memory_space<vmem>>) target_semaphore(%arg10 : memref<!tpu.dma_semaphore, #tpu.memory_space<semaphore_mem>>)
    %add3A_75 = arith.constant 50 : i32
    %add3A_76 = arith.addi %mul3A_2, %add3A_75 : i32
    %dma_start3A_77 = arith.constant 1 : i32
    %dma_start3A_78 = arith.constant 1 : i32
    %dma_start3A_79 = arith.constant 0 : i32
    %dma_start3A_80 = arith.constant 0 : i32
    %dma_start3A_81 = tpu.memref_slice %arg6[%dma_start3A_77, %dma_start3A_78, %dma_start3A_79, %dma_start3A_80] : memref<2x2x50x64xf32, #tpu.memory_space<vmem>> -> memref<1x1x50x64xf32, #tpu.memory_space<vmem>>
    %dma_start3A_82 = tpu.memref_squeeze %dma_start3A_81 : memref<1x1x50x64xf32, #tpu.memory_space<vmem>> -> memref<50x64xf32, #tpu.memory_space<vmem>>
    %dma_start3A_83 = arith.constant 64 : i32
    %dma_start3A_84 = tpu.memref_slice %arg2[%add3A_76, %dma_start3A_83] : memref<80000x128xf32, #tpu.memory_space<hbm>> -> memref<50x64xf32, #tpu.memory_space<hbm>>
    %dma_start3A_85 = arith.constant 0 : i32
    %dma_start3A_86 = arith.constant 0 : i32
    %dma_start3A_87 = tpu.memref_slice %arg6[%dma_start3A_77, %dma_start3A_78, %dma_start3A_85, %dma_start3A_86] : memref<2x2x50x64xf32, #tpu.memory_space<vmem>> -> memref<1x1x50x64xf32, #tpu.memory_space<vmem>>
    %dma_start3A_88 = tpu.memref_squeeze %dma_start3A_87 : memref<1x1x50x64xf32, #tpu.memory_space<vmem>> -> memref<50x64xf32, #tpu.memory_space<vmem>>
    %dma_start3A_89 = arith.constant 64 : i32
    %dma_start3A_90 = tpu.memref_slice %arg2[%add3A_76, %dma_start3A_89] : memref<80000x128xf32, #tpu.memory_space<hbm>> -> memref<50x64xf32, #tpu.memory_space<hbm>>
    tpu.enqueue_dma source(%dma_start3A_90 : memref<50x64xf32, #tpu.memory_space<hbm>>) target(%dma_start3A_88 : memref<50x64xf32, #tpu.memory_space<vmem>>) target_semaphore(%arg12 : memref<!tpu.dma_semaphore, #tpu.memory_space<semaphore_mem>>)
    %scan3A_91 = arith.constant 0 : i32
    %scan3A_92 = arith.constant 0 : i32
    %scan3A_93 = arith.constant 25 : i32
    %scan3A_94 = arith.addi %scan3A_92, %scan3A_93 : i32
    %scan3A_95 = arith.constant 1 : i32
    scf.for %scan3A_102 = %scan3A_92 to %scan3A_94 step %scan3A_95  : i32 {
      %mul3A_103 = arith.constant 2 : i32
      %mul3A_104 = arith.muli %mul3A_103, %scan3A_102 : i32
      %add3A_105 = arith.constant 0 : i32
      %add3A_106 = arith.addi %mul3A_104, %add3A_105 : i32
      %mul3A_107 = arith.constant 50 : i32
      %mul3A_108 = arith.muli %add3A_106, %mul3A_107 : i32
      %add3A_109 = arith.addi %mul3A_2, %mul3A_108 : i32
      %dma_wait3A = arith.constant 0 : i32
      %dma_wait3A_110 = arith.constant 0 : i32
      %dma_wait3A_111 = arith.constant 0 : i32
      %dma_wait3A_112 = arith.constant 0 : i32
      %dma_wait3A_113 = tpu.memref_slice %arg6[%dma_wait3A, %dma_wait3A_110, %dma_wait3A_111, %dma_wait3A_112] : memref<2x2x50x64xf32, #tpu.memory_space<vmem>> -> memref<1x1x50x64xf32, #tpu.memory_space<vmem>>
      %dma_wait3A_114 = tpu.memref_squeeze %dma_wait3A_113 : memref<1x1x50x64xf32, #tpu.memory_space<vmem>> -> memref<50x64xf32, #tpu.memory_space<vmem>>
      %dma_wait3A_115 = arith.constant 0 : i32
      %dma_wait3A_116 = tpu.memref_slice %arg2[%add3A_109, %dma_wait3A_115] : memref<80000x128xf32, #tpu.memory_space<hbm>> -> memref<50x64xf32, #tpu.memory_space<hbm>>
      %dma_wait3A_117 = arith.constant 0 : i32
      %dma_wait3A_118 = arith.constant 0 : i32
      %dma_wait3A_119 = tpu.memref_slice %arg6[%dma_wait3A, %dma_wait3A_110, %dma_wait3A_117, %dma_wait3A_118] : memref<2x2x50x64xf32, #tpu.memory_space<vmem>> -> memref<1x1x50x64xf32, #tpu.memory_space<vmem>>
      %dma_wait3A_120 = tpu.memref_squeeze %dma_wait3A_119 : memref<1x1x50x64xf32, #tpu.memory_space<vmem>> -> memref<50x64xf32, #tpu.memory_space<vmem>>
      %dma_wait3A_121 = arith.constant 0 : i32
      %dma_wait3A_122 = tpu.memref_slice %arg2[%add3A_109, %dma_wait3A_121] : memref<80000x128xf32, #tpu.memory_space<hbm>> -> memref<50x64xf32, #tpu.memory_space<hbm>>
      tpu.wait_dma2 semaphore(%arg9 : memref<!tpu.dma_semaphore, #tpu.memory_space<semaphore_mem>>) src(%dma_wait3A_122 : memref<50x64xf32, #tpu.memory_space<hbm>>) dst(%dma_wait3A_120 : memref<50x64xf32, #tpu.memory_space<vmem>>)
      %run_scoped3A = arith.constant 0 : i32
      %run_scoped3A_123 = arith.constant 0 : i32
      %run_scoped3A_124 = arith.constant 0 : i32
      "tpu.region"() ({
        %run_scoped3A_198 = tpu.sem_alloc : memref<!tpu.dma_semaphore, #tpu.memory_space<semaphore_mem>>
        %dma_start3A_199 = arith.constant 0 : i32
        %dma_start3A_200 = arith.constant 0 : i32
        %dma_start3A_201 = tpu.memref_slice %arg6[%run_scoped3A, %run_scoped3A_123, %dma_start3A_199, %dma_start3A_200] : memref<2x2x50x64xf32, #tpu.memory_space<vmem>> -> memref<1x1x50x64xf32, #tpu.memory_space<vmem>>
        %dma_start3A_202 = tpu.memref_squeeze %dma_start3A_201 : memref<1x1x50x64xf32, #tpu.memory_space<vmem>> -> memref<50x64xf32, #tpu.memory_space<vmem>>
        %dma_start3A_203 = arith.constant 0 : i32
        %dma_start3A_204 = tpu.memref_slice %arg5[%run_scoped3A_124, %add3A_106, %dma_start3A_203] : memref<2x50x50xi32, #tpu.memory_space<vmem>> -> memref<1x1x50xi32, #tpu.memory_space<vmem>>
        %dma_start3A_205 = tpu.memref_squeeze %dma_start3A_204 : memref<1x1x50xi32, #tpu.memory_space<vmem>> -> memref<50xi32, #tpu.memory_space<vmem>>
        %dma_start3A_206 = arith.constant 0 : i32
        %dma_start3A_207 = arith.constant 0 : i32
        %dma_start3A_208 = tpu.memref_slice %arg8[%dma_start3A_206, %dma_start3A_207] : memref<10240x64xf32, #tpu.memory_space<vmem_shared>> -> memref<10240x64xf32, #tpu.memory_space<vmem_shared>>
        tpu.enqueue_indirect_dma source(%dma_start3A_202 : memref<50x64xf32, #tpu.memory_space<vmem>>) target(%dma_start3A_208 : memref<10240x64xf32, #tpu.memory_space<vmem_shared>>) offsets(%dma_start3A_205 : memref<50xi32, #tpu.memory_space<vmem>>) semaphore(%run_scoped3A_198 : memref<!tpu.dma_semaphore, #tpu.memory_space<semaphore_mem>>) {add = true}
        %dma_wait3A_209 = arith.constant 0 : i32
        %dma_wait3A_210 = arith.constant 0 : i32
        %dma_wait3A_211 = tpu.memref_slice %arg6[%run_scoped3A, %run_scoped3A_123, %dma_wait3A_209, %dma_wait3A_210] : memref<2x2x50x64xf32, #tpu.memory_space<vmem>> -> memref<1x1x50x64xf32, #tpu.memory_space<vmem>>
        %dma_wait3A_212 = tpu.memref_squeeze %dma_wait3A_211 : memref<1x1x50x64xf32, #tpu.memory_space<vmem>> -> memref<50x64xf32, #tpu.memory_space<vmem>>
        %dma_wait3A_213 = arith.constant 0 : i32
        %dma_wait3A_214 = tpu.memref_slice %arg5[%run_scoped3A_124, %add3A_106, %dma_wait3A_213] : memref<2x50x50xi32, #tpu.memory_space<vmem>> -> memref<1x1x50xi32, #tpu.memory_space<vmem>>
        %dma_wait3A_215 = tpu.memref_squeeze %dma_wait3A_214 : memref<1x1x50xi32, #tpu.memory_space<vmem>> -> memref<50xi32, #tpu.memory_space<vmem>>
        %dma_wait3A_216 = arith.constant 0 : i32
        %dma_wait3A_217 = arith.constant 0 : i32
        %dma_wait3A_218 = tpu.memref_slice %arg8[%dma_wait3A_216, %dma_wait3A_217] : memref<10240x64xf32, #tpu.memory_space<vmem_shared>> -> memref<10240x64xf32, #tpu.memory_space<vmem_shared>>
        tpu.wait_indirect_dma semaphore(%run_scoped3A_198 : memref<!tpu.dma_semaphore, #tpu.memory_space<semaphore_mem>>) src(%dma_wait3A_212 : memref<50x64xf32, #tpu.memory_space<vmem>>) dst(%dma_wait3A_218 : memref<10240x64xf32, #tpu.memory_space<vmem_shared>>)
        tpu.yield
      }) : () -> ()
      %mul3A_125 = arith.constant 50 : i32
      %mul3A_126 = arith.muli %add3A_106, %mul3A_125 : i32
      %add3A_127 = arith.addi %mul3A_2, %mul3A_126 : i32
      %dma_wait3A_128 = arith.constant 1 : i32
      %dma_wait3A_129 = arith.constant 0 : i32
      %dma_wait3A_130 = arith.constant 0 : i32
      %dma_wait3A_131 = arith.constant 0 : i32
      %dma_wait3A_132 = tpu.memref_slice %arg6[%dma_wait3A_128, %dma_wait3A_129, %dma_wait3A_130, %dma_wait3A_131] : memref<2x2x50x64xf32, #tpu.memory_space<vmem>> -> memref<1x1x50x64xf32, #tpu.memory_space<vmem>>
      %dma_wait3A_133 = tpu.memref_squeeze %dma_wait3A_132 : memref<1x1x50x64xf32, #tpu.memory_space<vmem>> -> memref<50x64xf32, #tpu.memory_space<vmem>>
      %dma_wait3A_134 = arith.constant 64 : i32
      %dma_wait3A_135 = tpu.memref_slice %arg2[%add3A_127, %dma_wait3A_134] : memref<80000x128xf32, #tpu.memory_space<hbm>> -> memref<50x64xf32, #tpu.memory_space<hbm>>
      %dma_wait3A_136 = arith.constant 0 : i32
      %dma_wait3A_137 = arith.constant 0 : i32
      %dma_wait3A_138 = tpu.memref_slice %arg6[%dma_wait3A_128, %dma_wait3A_129, %dma_wait3A_136, %dma_wait3A_137] : memref<2x2x50x64xf32, #tpu.memory_space<vmem>> -> memref<1x1x50x64xf32, #tpu.memory_space<vmem>>
      %dma_wait3A_139 = tpu.memref_squeeze %dma_wait3A_138 : memref<1x1x50x64xf32, #tpu.memory_space<vmem>> -> memref<50x64xf32, #tpu.memory_space<vmem>>
      %dma_wait3A_140 = arith.constant 64 : i32
      %dma_wait3A_141 = tpu.memref_slice %arg2[%add3A_127, %dma_wait3A_140] : memref<80000x128xf32, #tpu.memory_space<hbm>> -> memref<50x64xf32, #tpu.memory_space<hbm>>
      tpu.wait_dma2 semaphore(%arg11 : memref<!tpu.dma_semaphore, #tpu.memory_space<semaphore_mem>>) src(%dma_wait3A_141 : memref<50x64xf32, #tpu.memory_space<hbm>>) dst(%dma_wait3A_139 : memref<50x64xf32, #tpu.memory_space<vmem>>)
      %run_scoped3A_142 = arith.constant 1 : i32
      %run_scoped3A_143 = arith.constant 0 : i32
      %run_scoped3A_144 = arith.constant 1 : i32
      "tpu.region"() ({
        %run_scoped3A_198 = tpu.sem_alloc : memref<!tpu.dma_semaphore, #tpu.memory_space<semaphore_mem>>
        %dma_start3A_199 = arith.constant 0 : i32
        %dma_start3A_200 = arith.constant 0 : i32
        %dma_start3A_201 = tpu.memref_slice %arg6[%run_scoped3A_142, %run_scoped3A_143, %dma_start3A_199, %dma_start3A_200] : memref<2x2x50x64xf32, #tpu.memory_space<vmem>> -> memref<1x1x50x64xf32, #tpu.memory_space<vmem>>
        %dma_start3A_202 = tpu.memref_squeeze %dma_start3A_201 : memref<1x1x50x64xf32, #tpu.memory_space<vmem>> -> memref<50x64xf32, #tpu.memory_space<vmem>>
        %dma_start3A_203 = arith.constant 0 : i32
        %dma_start3A_204 = tpu.memref_slice %arg5[%run_scoped3A_144, %add3A_106, %dma_start3A_203] : memref<2x50x50xi32, #tpu.memory_space<vmem>> -> memref<1x1x50xi32, #tpu.memory_space<vmem>>
        %dma_start3A_205 = tpu.memref_squeeze %dma_start3A_204 : memref<1x1x50xi32, #tpu.memory_space<vmem>> -> memref<50xi32, #tpu.memory_space<vmem>>
        %dma_start3A_206 = arith.constant 0 : i32
        %dma_start3A_207 = arith.constant 0 : i32
        %dma_start3A_208 = tpu.memref_slice %arg8[%dma_start3A_206, %dma_start3A_207] : memref<10240x64xf32, #tpu.memory_space<vmem_shared>> -> memref<10240x64xf32, #tpu.memory_space<vmem_shared>>
        tpu.enqueue_indirect_dma source(%dma_start3A_202 : memref<50x64xf32, #tpu.memory_space<vmem>>) target(%dma_start3A_208 : memref<10240x64xf32, #tpu.memory_space<vmem_shared>>) offsets(%dma_start3A_205 : memref<50xi32, #tpu.memory_space<vmem>>) semaphore(%run_scoped3A_198 : memref<!tpu.dma_semaphore, #tpu.memory_space<semaphore_mem>>) {add = true}
        %dma_wait3A_209 = arith.constant 0 : i32
        %dma_wait3A_210 = arith.constant 0 : i32
        %dma_wait3A_211 = tpu.memref_slice %arg6[%run_scoped3A_142, %run_scoped3A_143, %dma_wait3A_209, %dma_wait3A_210] : memref<2x2x50x64xf32, #tpu.memory_space<vmem>> -> memref<1x1x50x64xf32, #tpu.memory_space<vmem>>
        %dma_wait3A_212 = tpu.memref_squeeze %dma_wait3A_211 : memref<1x1x50x64xf32, #tpu.memory_space<vmem>> -> memref<50x64xf32, #tpu.memory_space<vmem>>
        %dma_wait3A_213 = arith.constant 0 : i32
        %dma_wait3A_214 = tpu.memref_slice %arg5[%run_scoped3A_144, %add3A_106, %dma_wait3A_213] : memref<2x50x50xi32, #tpu.memory_space<vmem>> -> memref<1x1x50xi32, #tpu.memory_space<vmem>>
        %dma_wait3A_215 = tpu.memref_squeeze %dma_wait3A_214 : memref<1x1x50xi32, #tpu.memory_space<vmem>> -> memref<50xi32, #tpu.memory_space<vmem>>
        %dma_wait3A_216 = arith.constant 0 : i32
        %dma_wait3A_217 = arith.constant 0 : i32
        %dma_wait3A_218 = tpu.memref_slice %arg8[%dma_wait3A_216, %dma_wait3A_217] : memref<10240x64xf32, #tpu.memory_space<vmem_shared>> -> memref<10240x64xf32, #tpu.memory_space<vmem_shared>>
        tpu.wait_indirect_dma semaphore(%run_scoped3A_198 : memref<!tpu.dma_semaphore, #tpu.memory_space<semaphore_mem>>) src(%dma_wait3A_212 : memref<50x64xf32, #tpu.memory_space<vmem>>) dst(%dma_wait3A_218 : memref<10240x64xf32, #tpu.memory_space<vmem_shared>>)
        tpu.yield
      }) : () -> ()
      %add3A_145 = arith.constant 2 : i32
      %add3A_146 = arith.addi %add3A_106, %add3A_145 : i32
      %lt3A = arith.constant 50 : i32
      %lt3A_147 = arith.cmpi slt, %add3A_146, %lt3A : i32
      %convert_element_type3A = arith.extui %lt3A_147 : i1 to i32
      %cond3A = arith.constant 0 : i32
      %cond3A_148 = arith.cmpi ne, %convert_element_type3A, %cond3A : i32
      scf.if %cond3A_148 {
        %add3A_198 = arith.constant 2 : i32
        %add3A_199 = arith.addi %add3A_106, %add3A_198 : i32
        %mul3A_200 = arith.constant 50 : i32
        %mul3A_201 = arith.muli %add3A_199, %mul3A_200 : i32
        %add3A_202 = arith.addi %mul3A_2, %mul3A_201 : i32
        %dma_start3A_203 = arith.constant 0 : i32
        %dma_start3A_204 = arith.constant 0 : i32
        %dma_start3A_205 = arith.constant 0 : i32
        %dma_start3A_206 = arith.constant 0 : i32
        %dma_start3A_207 = tpu.memref_slice %arg6[%dma_start3A_203, %dma_start3A_204, %dma_start3A_205, %dma_start3A_206] : memref<2x2x50x64xf32, #tpu.memory_space<vmem>> -> memref<1x1x50x64xf32, #tpu.memory_space<vmem>>
        %dma_start3A_208 = tpu.memref_squeeze %dma_start3A_207 : memref<1x1x50x64xf32, #tpu.memory_space<vmem>> -> memref<50x64xf32, #tpu.memory_space<vmem>>
        %dma_start3A_209 = arith.constant 0 : i32
        %dma_start3A_210 = tpu.memref_slice %arg2[%add3A_202, %dma_start3A_209] : memref<80000x128xf32, #tpu.memory_space<hbm>> -> memref<50x64xf32, #tpu.memory_space<hbm>>
        %dma_start3A_211 = arith.constant 0 : i32
        %dma_start3A_212 = arith.constant 0 : i32
        %dma_start3A_213 = tpu.memref_slice %arg6[%dma_start3A_203, %dma_start3A_204, %dma_start3A_211, %dma_start3A_212] : memref<2x2x50x64xf32, #tpu.memory_space<vmem>> -> memref<1x1x50x64xf32, #tpu.memory_space<vmem>>
        %dma_start3A_214 = tpu.memref_squeeze %dma_start3A_213 : memref<1x1x50x64xf32, #tpu.memory_space<vmem>> -> memref<50x64xf32, #tpu.memory_space<vmem>>
        %dma_start3A_215 = arith.constant 0 : i32
        %dma_start3A_216 = tpu.memref_slice %arg2[%add3A_202, %dma_start3A_215] : memref<80000x128xf32, #tpu.memory_space<hbm>> -> memref<50x64xf32, #tpu.memory_space<hbm>>
        tpu.enqueue_dma source(%dma_start3A_216 : memref<50x64xf32, #tpu.memory_space<hbm>>) target(%dma_start3A_214 : memref<50x64xf32, #tpu.memory_space<vmem>>) target_semaphore(%arg9 : memref<!tpu.dma_semaphore, #tpu.memory_space<semaphore_mem>>)
        %mul3A_217 = arith.constant 50 : i32
        %mul3A_218 = arith.muli %add3A_199, %mul3A_217 : i32
        %add3A_219 = arith.addi %mul3A_2, %mul3A_218 : i32
        %dma_start3A_220 = arith.constant 1 : i32
        %dma_start3A_221 = arith.constant 0 : i32
        %dma_start3A_222 = arith.constant 0 : i32
        %dma_start3A_223 = arith.constant 0 : i32
        %dma_start3A_224 = tpu.memref_slice %arg6[%dma_start3A_220, %dma_start3A_221, %dma_start3A_222, %dma_start3A_223] : memref<2x2x50x64xf32, #tpu.memory_space<vmem>> -> memref<1x1x50x64xf32, #tpu.memory_space<vmem>>
        %dma_start3A_225 = tpu.memref_squeeze %dma_start3A_224 : memref<1x1x50x64xf32, #tpu.memory_space<vmem>> -> memref<50x64xf32, #tpu.memory_space<vmem>>
        %dma_start3A_226 = arith.constant 64 : i32
        %dma_start3A_227 = tpu.memref_slice %arg2[%add3A_219, %dma_start3A_226] : memref<80000x128xf32, #tpu.memory_space<hbm>> -> memref<50x64xf32, #tpu.memory_space<hbm>>
        %dma_start3A_228 = arith.constant 0 : i32
        %dma_start3A_229 = arith.constant 0 : i32
        %dma_start3A_230 = tpu.memref_slice %arg6[%dma_start3A_220, %dma_start3A_221, %dma_start3A_228, %dma_start3A_229] : memref<2x2x50x64xf32, #tpu.memory_space<vmem>> -> memref<1x1x50x64xf32, #tpu.memory_space<vmem>>
        %dma_start3A_231 = tpu.memref_squeeze %dma_start3A_230 : memref<1x1x50x64xf32, #tpu.memory_space<vmem>> -> memref<50x64xf32, #tpu.memory_space<vmem>>
        %dma_start3A_232 = arith.constant 64 : i32
        %dma_start3A_233 = tpu.memref_slice %arg2[%add3A_219, %dma_start3A_232] : memref<80000x128xf32, #tpu.memory_space<hbm>> -> memref<50x64xf32, #tpu.memory_space<hbm>>
        tpu.enqueue_dma source(%dma_start3A_233 : memref<50x64xf32, #tpu.memory_space<hbm>>) target(%dma_start3A_231 : memref<50x64xf32, #tpu.memory_space<vmem>>) target_semaphore(%arg11 : memref<!tpu.dma_semaphore, #tpu.memory_space<semaphore_mem>>)
      } else {
      }
      %add3A_149 = arith.constant 1 : i32
      %add3A_150 = arith.addi %mul3A_104, %add3A_149 : i32
      %mul3A_151 = arith.constant 50 : i32
      %mul3A_152 = arith.muli %add3A_150, %mul3A_151 : i32
      %add3A_153 = arith.addi %mul3A_2, %mul3A_152 : i32
      %dma_wait3A_154 = arith.constant 0 : i32
      %dma_wait3A_155 = arith.constant 1 : i32
      %dma_wait3A_156 = arith.constant 0 : i32
      %dma_wait3A_157 = arith.constant 0 : i32
      %dma_wait3A_158 = tpu.memref_slice %arg6[%dma_wait3A_154, %dma_wait3A_155, %dma_wait3A_156, %dma_wait3A_157] : memref<2x2x50x64xf32, #tpu.memory_space<vmem>> -> memref<1x1x50x64xf32, #tpu.memory_space<vmem>>
      %dma_wait3A_159 = tpu.memref_squeeze %dma_wait3A_158 : memref<1x1x50x64xf32, #tpu.memory_space<vmem>> -> memref<50x64xf32, #tpu.memory_space<vmem>>
      %dma_wait3A_160 = arith.constant 0 : i32
      %dma_wait3A_161 = tpu.memref_slice %arg2[%add3A_153, %dma_wait3A_160] : memref<80000x128xf32, #tpu.memory_space<hbm>> -> memref<50x64xf32, #tpu.memory_space<hbm>>
      %dma_wait3A_162 = arith.constant 0 : i32
      %dma_wait3A_163 = arith.constant 0 : i32
      %dma_wait3A_164 = tpu.memref_slice %arg6[%dma_wait3A_154, %dma_wait3A_155, %dma_wait3A_162, %dma_wait3A_163] : memref<2x2x50x64xf32, #tpu.memory_space<vmem>> -> memref<1x1x50x64xf32, #tpu.memory_space<vmem>>
      %dma_wait3A_165 = tpu.memref_squeeze %dma_wait3A_164 : memref<1x1x50x64xf32, #tpu.memory_space<vmem>> -> memref<50x64xf32, #tpu.memory_space<vmem>>
      %dma_wait3A_166 = arith.constant 0 : i32
      %dma_wait3A_167 = tpu.memref_slice %arg2[%add3A_153, %dma_wait3A_166] : memref<80000x128xf32, #tpu.memory_space<hbm>> -> memref<50x64xf32, #tpu.memory_space<hbm>>
      tpu.wait_dma2 semaphore(%arg10 : memref<!tpu.dma_semaphore, #tpu.memory_space<semaphore_mem>>) src(%dma_wait3A_167 : memref<50x64xf32, #tpu.memory_space<hbm>>) dst(%dma_wait3A_165 : memref<50x64xf32, #tpu.memory_space<vmem>>)
      %run_scoped3A_168 = arith.constant 0 : i32
      %run_scoped3A_169 = arith.constant 1 : i32
      %run_scoped3A_170 = arith.constant 0 : i32
      "tpu.region"() ({
        %run_scoped3A_198 = tpu.sem_alloc : memref<!tpu.dma_semaphore, #tpu.memory_space<semaphore_mem>>
        %dma_start3A_199 = arith.constant 0 : i32
        %dma_start3A_200 = arith.constant 0 : i32
        %dma_start3A_201 = tpu.memref_slice %arg6[%run_scoped3A_168, %run_scoped3A_169, %dma_start3A_199, %dma_start3A_200] : memref<2x2x50x64xf32, #tpu.memory_space<vmem>> -> memref<1x1x50x64xf32, #tpu.memory_space<vmem>>
        %dma_start3A_202 = tpu.memref_squeeze %dma_start3A_201 : memref<1x1x50x64xf32, #tpu.memory_space<vmem>> -> memref<50x64xf32, #tpu.memory_space<vmem>>
        %dma_start3A_203 = arith.constant 0 : i32
        %dma_start3A_204 = tpu.memref_slice %arg5[%run_scoped3A_170, %add3A_150, %dma_start3A_203] : memref<2x50x50xi32, #tpu.memory_space<vmem>> -> memref<1x1x50xi32, #tpu.memory_space<vmem>>
        %dma_start3A_205 = tpu.memref_squeeze %dma_start3A_204 : memref<1x1x50xi32, #tpu.memory_space<vmem>> -> memref<50xi32, #tpu.memory_space<vmem>>
        %dma_start3A_206 = arith.constant 0 : i32
        %dma_start3A_207 = arith.constant 0 : i32
        %dma_start3A_208 = tpu.memref_slice %arg8[%dma_start3A_206, %dma_start3A_207] : memref<10240x64xf32, #tpu.memory_space<vmem_shared>> -> memref<10240x64xf32, #tpu.memory_space<vmem_shared>>
        tpu.enqueue_indirect_dma source(%dma_start3A_202 : memref<50x64xf32, #tpu.memory_space<vmem>>) target(%dma_start3A_208 : memref<10240x64xf32, #tpu.memory_space<vmem_shared>>) offsets(%dma_start3A_205 : memref<50xi32, #tpu.memory_space<vmem>>) semaphore(%run_scoped3A_198 : memref<!tpu.dma_semaphore, #tpu.memory_space<semaphore_mem>>) {add = true}
        %dma_wait3A_209 = arith.constant 0 : i32
        %dma_wait3A_210 = arith.constant 0 : i32
        %dma_wait3A_211 = tpu.memref_slice %arg6[%run_scoped3A_168, %run_scoped3A_169, %dma_wait3A_209, %dma_wait3A_210] : memref<2x2x50x64xf32, #tpu.memory_space<vmem>> -> memref<1x1x50x64xf32, #tpu.memory_space<vmem>>
        %dma_wait3A_212 = tpu.memref_squeeze %dma_wait3A_211 : memref<1x1x50x64xf32, #tpu.memory_space<vmem>> -> memref<50x64xf32, #tpu.memory_space<vmem>>
        %dma_wait3A_213 = arith.constant 0 : i32
        %dma_wait3A_214 = tpu.memref_slice %arg5[%run_scoped3A_170, %add3A_150, %dma_wait3A_213] : memref<2x50x50xi32, #tpu.memory_space<vmem>> -> memref<1x1x50xi32, #tpu.memory_space<vmem>>
        %dma_wait3A_215 = tpu.memref_squeeze %dma_wait3A_214 : memref<1x1x50xi32, #tpu.memory_space<vmem>> -> memref<50xi32, #tpu.memory_space<vmem>>
        %dma_wait3A_216 = arith.constant 0 : i32
        %dma_wait3A_217 = arith.constant 0 : i32
        %dma_wait3A_218 = tpu.memref_slice %arg8[%dma_wait3A_216, %dma_wait3A_217] : memref<10240x64xf32, #tpu.memory_space<vmem_shared>> -> memref<10240x64xf32, #tpu.memory_space<vmem_shared>>
        tpu.wait_indirect_dma semaphore(%run_scoped3A_198 : memref<!tpu.dma_semaphore, #tpu.memory_space<semaphore_mem>>) src(%dma_wait3A_212 : memref<50x64xf32, #tpu.memory_space<vmem>>) dst(%dma_wait3A_218 : memref<10240x64xf32, #tpu.memory_space<vmem_shared>>)
        tpu.yield
      }) : () -> ()
      %mul3A_171 = arith.constant 50 : i32
      %mul3A_172 = arith.muli %add3A_150, %mul3A_171 : i32
      %add3A_173 = arith.addi %mul3A_2, %mul3A_172 : i32
      %dma_wait3A_174 = arith.constant 1 : i32
      %dma_wait3A_175 = arith.constant 1 : i32
      %dma_wait3A_176 = arith.constant 0 : i32
      %dma_wait3A_177 = arith.constant 0 : i32
      %dma_wait3A_178 = tpu.memref_slice %arg6[%dma_wait3A_174, %dma_wait3A_175, %dma_wait3A_176, %dma_wait3A_177] : memref<2x2x50x64xf32, #tpu.memory_space<vmem>> -> memref<1x1x50x64xf32, #tpu.memory_space<vmem>>
      %dma_wait3A_179 = tpu.memref_squeeze %dma_wait3A_178 : memref<1x1x50x64xf32, #tpu.memory_space<vmem>> -> memref<50x64xf32, #tpu.memory_space<vmem>>
      %dma_wait3A_180 = arith.constant 64 : i32
      %dma_wait3A_181 = tpu.memref_slice %arg2[%add3A_173, %dma_wait3A_180] : memref<80000x128xf32, #tpu.memory_space<hbm>> -> memref<50x64xf32, #tpu.memory_space<hbm>>
      %dma_wait3A_182 = arith.constant 0 : i32
      %dma_wait3A_183 = arith.constant 0 : i32
      %dma_wait3A_184 = tpu.memref_slice %arg6[%dma_wait3A_174, %dma_wait3A_175, %dma_wait3A_182, %dma_wait3A_183] : memref<2x2x50x64xf32, #tpu.memory_space<vmem>> -> memref<1x1x50x64xf32, #tpu.memory_space<vmem>>
      %dma_wait3A_185 = tpu.memref_squeeze %dma_wait3A_184 : memref<1x1x50x64xf32, #tpu.memory_space<vmem>> -> memref<50x64xf32, #tpu.memory_space<vmem>>
      %dma_wait3A_186 = arith.constant 64 : i32
      %dma_wait3A_187 = tpu.memref_slice %arg2[%add3A_173, %dma_wait3A_186] : memref<80000x128xf32, #tpu.memory_space<hbm>> -> memref<50x64xf32, #tpu.memory_space<hbm>>
      tpu.wait_dma2 semaphore(%arg12 : memref<!tpu.dma_semaphore, #tpu.memory_space<semaphore_mem>>) src(%dma_wait3A_187 : memref<50x64xf32, #tpu.memory_space<hbm>>) dst(%dma_wait3A_185 : memref<50x64xf32, #tpu.memory_space<vmem>>)
      %run_scoped3A_188 = arith.constant 1 : i32
      %run_scoped3A_189 = arith.constant 1 : i32
      %run_scoped3A_190 = arith.constant 1 : i32
      "tpu.region"() ({
        %run_scoped3A_198 = tpu.sem_alloc : memref<!tpu.dma_semaphore, #tpu.memory_space<semaphore_mem>>
        %dma_start3A_199 = arith.constant 0 : i32
        %dma_start3A_200 = arith.constant 0 : i32
        %dma_start3A_201 = tpu.memref_slice %arg6[%run_scoped3A_188, %run_scoped3A_189, %dma_start3A_199, %dma_start3A_200] : memref<2x2x50x64xf32, #tpu.memory_space<vmem>> -> memref<1x1x50x64xf32, #tpu.memory_space<vmem>>
        %dma_start3A_202 = tpu.memref_squeeze %dma_start3A_201 : memref<1x1x50x64xf32, #tpu.memory_space<vmem>> -> memref<50x64xf32, #tpu.memory_space<vmem>>
        %dma_start3A_203 = arith.constant 0 : i32
        %dma_start3A_204 = tpu.memref_slice %arg5[%run_scoped3A_190, %add3A_150, %dma_start3A_203] : memref<2x50x50xi32, #tpu.memory_space<vmem>> -> memref<1x1x50xi32, #tpu.memory_space<vmem>>
        %dma_start3A_205 = tpu.memref_squeeze %dma_start3A_204 : memref<1x1x50xi32, #tpu.memory_space<vmem>> -> memref<50xi32, #tpu.memory_space<vmem>>
        %dma_start3A_206 = arith.constant 0 : i32
        %dma_start3A_207 = arith.constant 0 : i32
        %dma_start3A_208 = tpu.memref_slice %arg8[%dma_start3A_206, %dma_start3A_207] : memref<10240x64xf32, #tpu.memory_space<vmem_shared>> -> memref<10240x64xf32, #tpu.memory_space<vmem_shared>>
        tpu.enqueue_indirect_dma source(%dma_start3A_202 : memref<50x64xf32, #tpu.memory_space<vmem>>) target(%dma_start3A_208 : memref<10240x64xf32, #tpu.memory_space<vmem_shared>>) offsets(%dma_start3A_205 : memref<50xi32, #tpu.memory_space<vmem>>) semaphore(%run_scoped3A_198 : memref<!tpu.dma_semaphore, #tpu.memory_space<semaphore_mem>>) {add = true}
        %dma_wait3A_209 = arith.constant 0 : i32
        %dma_wait3A_210 = arith.constant 0 : i32
        %dma_wait3A_211 = tpu.memref_slice %arg6[%run_scoped3A_188, %run_scoped3A_189, %dma_wait3A_209, %dma_wait3A_210] : memref<2x2x50x64xf32, #tpu.memory_space<vmem>> -> memref<1x1x50x64xf32, #tpu.memory_space<vmem>>
        %dma_wait3A_212 = tpu.memref_squeeze %dma_wait3A_211 : memref<1x1x50x64xf32, #tpu.memory_space<vmem>> -> memref<50x64xf32, #tpu.memory_space<vmem>>
        %dma_wait3A_213 = arith.constant 0 : i32
        %dma_wait3A_214 = tpu.memref_slice %arg5[%run_scoped3A_190, %add3A_150, %dma_wait3A_213] : memref<2x50x50xi32, #tpu.memory_space<vmem>> -> memref<1x1x50xi32, #tpu.memory_space<vmem>>
        %dma_wait3A_215 = tpu.memref_squeeze %dma_wait3A_214 : memref<1x1x50xi32, #tpu.memory_space<vmem>> -> memref<50xi32, #tpu.memory_space<vmem>>
        %dma_wait3A_216 = arith.constant 0 : i32
        %dma_wait3A_217 = arith.constant 0 : i32
        %dma_wait3A_218 = tpu.memref_slice %arg8[%dma_wait3A_216, %dma_wait3A_217] : memref<10240x64xf32, #tpu.memory_space<vmem_shared>> -> memref<10240x64xf32, #tpu.memory_space<vmem_shared>>
        tpu.wait_indirect_dma semaphore(%run_scoped3A_198 : memref<!tpu.dma_semaphore, #tpu.memory_space<semaphore_mem>>) src(%dma_wait3A_212 : memref<50x64xf32, #tpu.memory_space<vmem>>) dst(%dma_wait3A_218 : memref<10240x64xf32, #tpu.memory_space<vmem_shared>>)
        tpu.yield
      }) : () -> ()
      %add3A_191 = arith.constant 2 : i32
      %add3A_192 = arith.addi %add3A_150, %add3A_191 : i32
      %lt3A_193 = arith.constant 50 : i32
      %lt3A_194 = arith.cmpi slt, %add3A_192, %lt3A_193 : i32
      %convert_element_type3A_195 = arith.extui %lt3A_194 : i1 to i32
      %cond3A_196 = arith.constant 0 : i32
      %cond3A_197 = arith.cmpi ne, %convert_element_type3A_195, %cond3A_196 : i32
      scf.if %cond3A_197 {
        %add3A_198 = arith.constant 2 : i32
        %add3A_199 = arith.addi %add3A_150, %add3A_198 : i32
        %mul3A_200 = arith.constant 50 : i32
        %mul3A_201 = arith.muli %add3A_199, %mul3A_200 : i32
        %add3A_202 = arith.addi %mul3A_2, %mul3A_201 : i32
        %dma_start3A_203 = arith.constant 0 : i32
        %dma_start3A_204 = arith.constant 1 : i32
        %dma_start3A_205 = arith.constant 0 : i32
        %dma_start3A_206 = arith.constant 0 : i32
        %dma_start3A_207 = tpu.memref_slice %arg6[%dma_start3A_203, %dma_start3A_204, %dma_start3A_205, %dma_start3A_206] : memref<2x2x50x64xf32, #tpu.memory_space<vmem>> -> memref<1x1x50x64xf32, #tpu.memory_space<vmem>>
        %dma_start3A_208 = tpu.memref_squeeze %dma_start3A_207 : memref<1x1x50x64xf32, #tpu.memory_space<vmem>> -> memref<50x64xf32, #tpu.memory_space<vmem>>
        %dma_start3A_209 = arith.constant 0 : i32
        %dma_start3A_210 = tpu.memref_slice %arg2[%add3A_202, %dma_start3A_209] : memref<80000x128xf32, #tpu.memory_space<hbm>> -> memref<50x64xf32, #tpu.memory_space<hbm>>
        %dma_start3A_211 = arith.constant 0 : i32
        %dma_start3A_212 = arith.constant 0 : i32
        %dma_start3A_213 = tpu.memref_slice %arg6[%dma_start3A_203, %dma_start3A_204, %dma_start3A_211, %dma_start3A_212] : memref<2x2x50x64xf32, #tpu.memory_space<vmem>> -> memref<1x1x50x64xf32, #tpu.memory_space<vmem>>
        %dma_start3A_214 = tpu.memref_squeeze %dma_start3A_213 : memref<1x1x50x64xf32, #tpu.memory_space<vmem>> -> memref<50x64xf32, #tpu.memory_space<vmem>>
        %dma_start3A_215 = arith.constant 0 : i32
        %dma_start3A_216 = tpu.memref_slice %arg2[%add3A_202, %dma_start3A_215] : memref<80000x128xf32, #tpu.memory_space<hbm>> -> memref<50x64xf32, #tpu.memory_space<hbm>>
        tpu.enqueue_dma source(%dma_start3A_216 : memref<50x64xf32, #tpu.memory_space<hbm>>) target(%dma_start3A_214 : memref<50x64xf32, #tpu.memory_space<vmem>>) target_semaphore(%arg10 : memref<!tpu.dma_semaphore, #tpu.memory_space<semaphore_mem>>)
        %mul3A_217 = arith.constant 50 : i32
        %mul3A_218 = arith.muli %add3A_199, %mul3A_217 : i32
        %add3A_219 = arith.addi %mul3A_2, %mul3A_218 : i32
        %dma_start3A_220 = arith.constant 1 : i32
        %dma_start3A_221 = arith.constant 1 : i32
        %dma_start3A_222 = arith.constant 0 : i32
        %dma_start3A_223 = arith.constant 0 : i32
        %dma_start3A_224 = tpu.memref_slice %arg6[%dma_start3A_220, %dma_start3A_221, %dma_start3A_222, %dma_start3A_223] : memref<2x2x50x64xf32, #tpu.memory_space<vmem>> -> memref<1x1x50x64xf32, #tpu.memory_space<vmem>>
        %dma_start3A_225 = tpu.memref_squeeze %dma_start3A_224 : memref<1x1x50x64xf32, #tpu.memory_space<vmem>> -> memref<50x64xf32, #tpu.memory_space<vmem>>
        %dma_start3A_226 = arith.constant 64 : i32
        %dma_start3A_227 = tpu.memref_slice %arg2[%add3A_219, %dma_start3A_226] : memref<80000x128xf32, #tpu.memory_space<hbm>> -> memref<50x64xf32, #tpu.memory_space<hbm>>
        %dma_start3A_228 = arith.constant 0 : i32
        %dma_start3A_229 = arith.constant 0 : i32
        %dma_start3A_230 = tpu.memref_slice %arg6[%dma_start3A_220, %dma_start3A_221, %dma_start3A_228, %dma_start3A_229] : memref<2x2x50x64xf32, #tpu.memory_space<vmem>> -> memref<1x1x50x64xf32, #tpu.memory_space<vmem>>
        %dma_start3A_231 = tpu.memref_squeeze %dma_start3A_230 : memref<1x1x50x64xf32, #tpu.memory_space<vmem>> -> memref<50x64xf32, #tpu.memory_space<vmem>>
        %dma_start3A_232 = arith.constant 64 : i32
        %dma_start3A_233 = tpu.memref_slice %arg2[%add3A_219, %dma_start3A_232] : memref<80000x128xf32, #tpu.memory_space<hbm>> -> memref<50x64xf32, #tpu.memory_space<hbm>>
        tpu.enqueue_dma source(%dma_start3A_233 : memref<50x64xf32, #tpu.memory_space<hbm>>) target(%dma_start3A_231 : memref<50x64xf32, #tpu.memory_space<vmem>>) target_semaphore(%arg12 : memref<!tpu.dma_semaphore, #tpu.memory_space<semaphore_mem>>)
      } else {
      }
    }
    %scan3A_96 = arith.constant 25 : i32
    %barrier3A_97 = arith.constant 0 : index
    tpu.barrier barrier_id(%barrier3A_97)
    %mul3A_98 = arith.constant 640 : i32
    %mul3A_99 = arith.muli %arg1, %mul3A_98 : i32
    %mul3A_100 = arith.constant 640 : i32
    %mul3A_101 = arith.muli %arg1, %mul3A_100 : i32
    "tpu.region"() ({
      %run_scoped3A = tpu.sem_alloc : memref<!tpu.dma_semaphore, #tpu.memory_space<semaphore_mem>>
      %dma_start3A_102 = arith.constant 0 : i32
      %dma_start3A_103 = tpu.memref_slice %arg4[%arg0, %mul3A_101, %dma_start3A_102] : memref<2x10240x64xf32, #tpu.memory_space<hbm>> -> memref<1x640x64xf32, #tpu.memory_space<hbm>>
      %dma_start3A_104 = tpu.memref_squeeze %dma_start3A_103 : memref<1x640x64xf32, #tpu.memory_space<hbm>> -> memref<640x64xf32, #tpu.memory_space<hbm>>
      %dma_start3A_105 = arith.constant 0 : i32
      %dma_start3A_106 = tpu.memref_slice %arg8[%mul3A_99, %dma_start3A_105] : memref<10240x64xf32, #tpu.memory_space<vmem_shared>> -> memref<640x64xf32, #tpu.memory_space<vmem_shared>>
      tpu.enqueue_dma source(%dma_start3A_106 : memref<640x64xf32, #tpu.memory_space<vmem_shared>>) target(%dma_start3A_104 : memref<640x64xf32, #tpu.memory_space<hbm>>) target_semaphore(%run_scoped3A : memref<!tpu.dma_semaphore, #tpu.memory_space<semaphore_mem>>)
      %dma_wait3A = arith.constant 0 : i32
      %dma_wait3A_107 = tpu.memref_slice %arg4[%arg0, %mul3A_101, %dma_wait3A] : memref<2x10240x64xf32, #tpu.memory_space<hbm>> -> memref<1x640x64xf32, #tpu.memory_space<hbm>>
      %dma_wait3A_108 = tpu.memref_squeeze %dma_wait3A_107 : memref<1x640x64xf32, #tpu.memory_space<hbm>> -> memref<640x64xf32, #tpu.memory_space<hbm>>
      %dma_wait3A_109 = arith.constant 0 : i32
      %dma_wait3A_110 = tpu.memref_slice %arg8[%mul3A_99, %dma_wait3A_109] : memref<10240x64xf32, #tpu.memory_space<vmem_shared>> -> memref<640x64xf32, #tpu.memory_space<vmem_shared>>
      tpu.wait_dma2 semaphore(%run_scoped3A : memref<!tpu.dma_semaphore, #tpu.memory_space<semaphore_mem>>) src(%dma_wait3A_110 : memref<640x64xf32, #tpu.memory_space<vmem_shared>>) dst(%dma_wait3A_108 : memref<640x64xf32, #tpu.memory_space<hbm>>)
      tpu.yield
    }) : () -> ()
    return
  }
}

#map = affine_map<(d0, d1) -> (0, 0, 0, 0)>
#map1 = affine_map<(d0, d1) -> (0, 0)>
module attributes {stable_mosaic.version = 14 : i64} {
  func.func @k(%arg0: i32, %arg1: i32, %arg2: memref<2x32x125x40xi32, #tpu.memory_space<hbm>>, %arg3: memref<10000x64xf32, #tpu.memory_space<hbm>>, %arg4: memref<160000x128xf32, #tpu.memory_space<hbm>>, %arg5: memref<2x125x40xi32, #tpu.memory_space<vmem>>, %arg6: memref<2x2x40x64xf32, #tpu.memory_space<vmem>>, %arg7: memref<!tpu.dma_semaphore, #tpu.memory_space<semaphore_mem>>, %arg8: memref<!tpu.dma_semaphore, #tpu.memory_space<semaphore_mem>>, %arg9: memref<!tpu.dma_semaphore, #tpu.memory_space<semaphore_mem>>, %arg10: memref<!tpu.dma_semaphore, #tpu.memory_space<semaphore_mem>>) attributes {dimension_semantics = [#tpu.dimension_semantics<core_parallel>, #tpu.dimension_semantics<subcore_parallel>], iteration_bounds = array<i64: 2, 16>, scalar_prefetch = 0 : i64, scratch_operands = 6 : i64, tpu.core_type = #tpu.core_type<sc_vector_subcore>, window_params = [{transform_indices = #map}, {transform_indices = #map1}, {transform_indices = #map1}]} {
    %mul3A = arith.constant 2 : i32
    %mul3A_0 = arith.muli %arg1, %mul3A : i32
    %add3A = arith.addi %mul3A_0, %arg0 : i32
    %mul3A_1 = arith.constant 5000 : i32
    %mul3A_2 = arith.muli %add3A, %mul3A_1 : i32
    "tpu.region"() ({
      %run_scoped3A_97 = tpu.sem_alloc : memref<!tpu.dma_semaphore, #tpu.memory_space<semaphore_mem>>
      %dma_start3A_98 = arith.constant 0 : i32
      %dma_start3A_99 = arith.constant 0 : i32
      %dma_start3A_100 = arith.constant 0 : i32
      %dma_start3A_101 = tpu.memref_slice %arg2[%dma_start3A_98, %add3A, %dma_start3A_99, %dma_start3A_100] : memref<2x32x125x40xi32, #tpu.memory_space<hbm>> -> memref<2x1x125x40xi32, #tpu.memory_space<hbm>>
      %dma_start3A_102 = tpu.memref_squeeze %dma_start3A_101 : memref<2x1x125x40xi32, #tpu.memory_space<hbm>> -> memref<2x125x40xi32, #tpu.memory_space<hbm>>
      %dma_start3A_103 = arith.constant 0 : i32
      %dma_start3A_104 = arith.constant 0 : i32
      %dma_start3A_105 = arith.constant 0 : i32
      %dma_start3A_106 = tpu.memref_slice %arg2[%dma_start3A_103, %add3A, %dma_start3A_104, %dma_start3A_105] : memref<2x32x125x40xi32, #tpu.memory_space<hbm>> -> memref<2x1x125x40xi32, #tpu.memory_space<hbm>>
      %dma_start3A_107 = tpu.memref_squeeze %dma_start3A_106 : memref<2x1x125x40xi32, #tpu.memory_space<hbm>> -> memref<2x125x40xi32, #tpu.memory_space<hbm>>
      tpu.enqueue_dma source(%dma_start3A_107 : memref<2x125x40xi32, #tpu.memory_space<hbm>>) target(%arg5 : memref<2x125x40xi32, #tpu.memory_space<vmem>>) target_semaphore(%run_scoped3A_97 : memref<!tpu.dma_semaphore, #tpu.memory_space<semaphore_mem>>)
      %dma_wait3A_108 = arith.constant 0 : i32
      %dma_wait3A_109 = arith.constant 0 : i32
      %dma_wait3A_110 = arith.constant 0 : i32
      %dma_wait3A_111 = tpu.memref_slice %arg2[%dma_wait3A_108, %add3A, %dma_wait3A_109, %dma_wait3A_110] : memref<2x32x125x40xi32, #tpu.memory_space<hbm>> -> memref<2x1x125x40xi32, #tpu.memory_space<hbm>>
      %dma_wait3A_112 = tpu.memref_squeeze %dma_wait3A_111 : memref<2x1x125x40xi32, #tpu.memory_space<hbm>> -> memref<2x125x40xi32, #tpu.memory_space<hbm>>
      %dma_wait3A_113 = arith.constant 0 : i32
      %dma_wait3A_114 = arith.constant 0 : i32
      %dma_wait3A_115 = arith.constant 0 : i32
      %dma_wait3A_116 = tpu.memref_slice %arg2[%dma_wait3A_113, %add3A, %dma_wait3A_114, %dma_wait3A_115] : memref<2x32x125x40xi32, #tpu.memory_space<hbm>> -> memref<2x1x125x40xi32, #tpu.memory_space<hbm>>
      %dma_wait3A_117 = tpu.memref_squeeze %dma_wait3A_116 : memref<2x1x125x40xi32, #tpu.memory_space<hbm>> -> memref<2x125x40xi32, #tpu.memory_space<hbm>>
      tpu.wait_dma2 semaphore(%run_scoped3A_97 : memref<!tpu.dma_semaphore, #tpu.memory_space<semaphore_mem>>) src(%dma_wait3A_117 : memref<2x125x40xi32, #tpu.memory_space<hbm>>) dst(%arg5 : memref<2x125x40xi32, #tpu.memory_space<vmem>>)
      tpu.yield
    }) : () -> ()
    %dma_start3A = arith.constant 0 : i32
    %dma_start3A_3 = arith.constant 0 : i32
    %dma_start3A_4 = arith.constant 0 : i32
    %dma_start3A_5 = arith.constant 0 : i32
    %dma_start3A_6 = arith.constant 0 : i32
    %dma_start3A_7 = arith.constant 0 : i32
    %dma_start3A_8 = tpu.memref_slice %arg6[%dma_start3A_4, %dma_start3A_5, %dma_start3A_6, %dma_start3A_7] : memref<2x2x40x64xf32, #tpu.memory_space<vmem>> -> memref<1x1x40x64xf32, #tpu.memory_space<vmem>>
    %dma_start3A_9 = tpu.memref_squeeze %dma_start3A_8 : memref<1x1x40x64xf32, #tpu.memory_space<vmem>> -> memref<40x64xf32, #tpu.memory_space<vmem>>
    %dma_start3A_10 = arith.constant 0 : i32
    %dma_start3A_11 = tpu.memref_slice %arg5[%dma_start3A, %dma_start3A_3, %dma_start3A_10] : memref<2x125x40xi32, #tpu.memory_space<vmem>> -> memref<1x1x40xi32, #tpu.memory_space<vmem>>
    %dma_start3A_12 = tpu.memref_squeeze %dma_start3A_11 : memref<1x1x40xi32, #tpu.memory_space<vmem>> -> memref<40xi32, #tpu.memory_space<vmem>>
    %dma_start3A_13 = arith.constant 0 : i32
    %dma_start3A_14 = arith.constant 0 : i32
    %dma_start3A_15 = tpu.memref_slice %arg3[%dma_start3A_13, %dma_start3A_14] : memref<10000x64xf32, #tpu.memory_space<hbm>> -> memref<10000x64xf32, #tpu.memory_space<hbm>>
    tpu.enqueue_indirect_dma source(%dma_start3A_15 : memref<10000x64xf32, #tpu.memory_space<hbm>>) target(%dma_start3A_9 : memref<40x64xf32, #tpu.memory_space<vmem>>) offsets(%dma_start3A_12 : memref<40xi32, #tpu.memory_space<vmem>>) semaphore(%arg7 : memref<!tpu.dma_semaphore, #tpu.memory_space<semaphore_mem>>)
    %dma_start3A_16 = arith.constant 1 : i32
    %dma_start3A_17 = arith.constant 0 : i32
    %dma_start3A_18 = arith.constant 1 : i32
    %dma_start3A_19 = arith.constant 0 : i32
    %dma_start3A_20 = arith.constant 0 : i32
    %dma_start3A_21 = arith.constant 0 : i32
    %dma_start3A_22 = tpu.memref_slice %arg6[%dma_start3A_18, %dma_start3A_19, %dma_start3A_20, %dma_start3A_21] : memref<2x2x40x64xf32, #tpu.memory_space<vmem>> -> memref<1x1x40x64xf32, #tpu.memory_space<vmem>>
    %dma_start3A_23 = tpu.memref_squeeze %dma_start3A_22 : memref<1x1x40x64xf32, #tpu.memory_space<vmem>> -> memref<40x64xf32, #tpu.memory_space<vmem>>
    %dma_start3A_24 = arith.constant 0 : i32
    %dma_start3A_25 = tpu.memref_slice %arg5[%dma_start3A_16, %dma_start3A_17, %dma_start3A_24] : memref<2x125x40xi32, #tpu.memory_space<vmem>> -> memref<1x1x40xi32, #tpu.memory_space<vmem>>
    %dma_start3A_26 = tpu.memref_squeeze %dma_start3A_25 : memref<1x1x40xi32, #tpu.memory_space<vmem>> -> memref<40xi32, #tpu.memory_space<vmem>>
    %dma_start3A_27 = arith.constant 0 : i32
    %dma_start3A_28 = arith.constant 0 : i32
    %dma_start3A_29 = tpu.memref_slice %arg3[%dma_start3A_27, %dma_start3A_28] : memref<10000x64xf32, #tpu.memory_space<hbm>> -> memref<10000x64xf32, #tpu.memory_space<hbm>>
    tpu.enqueue_indirect_dma source(%dma_start3A_29 : memref<10000x64xf32, #tpu.memory_space<hbm>>) target(%dma_start3A_23 : memref<40x64xf32, #tpu.memory_space<vmem>>) offsets(%dma_start3A_26 : memref<40xi32, #tpu.memory_space<vmem>>) semaphore(%arg9 : memref<!tpu.dma_semaphore, #tpu.memory_space<semaphore_mem>>)
    %dma_start3A_30 = arith.constant 0 : i32
    %dma_start3A_31 = arith.constant 1 : i32
    %dma_start3A_32 = arith.constant 0 : i32
    %dma_start3A_33 = arith.constant 1 : i32
    %dma_start3A_34 = arith.constant 0 : i32
    %dma_start3A_35 = arith.constant 0 : i32
    %dma_start3A_36 = tpu.memref_slice %arg6[%dma_start3A_32, %dma_start3A_33, %dma_start3A_34, %dma_start3A_35] : memref<2x2x40x64xf32, #tpu.memory_space<vmem>> -> memref<1x1x40x64xf32, #tpu.memory_space<vmem>>
    %dma_start3A_37 = tpu.memref_squeeze %dma_start3A_36 : memref<1x1x40x64xf32, #tpu.memory_space<vmem>> -> memref<40x64xf32, #tpu.memory_space<vmem>>
    %dma_start3A_38 = arith.constant 0 : i32
    %dma_start3A_39 = tpu.memref_slice %arg5[%dma_start3A_30, %dma_start3A_31, %dma_start3A_38] : memref<2x125x40xi32, #tpu.memory_space<vmem>> -> memref<1x1x40xi32, #tpu.memory_space<vmem>>
    %dma_start3A_40 = tpu.memref_squeeze %dma_start3A_39 : memref<1x1x40xi32, #tpu.memory_space<vmem>> -> memref<40xi32, #tpu.memory_space<vmem>>
    %dma_start3A_41 = arith.constant 0 : i32
    %dma_start3A_42 = arith.constant 0 : i32
    %dma_start3A_43 = tpu.memref_slice %arg3[%dma_start3A_41, %dma_start3A_42] : memref<10000x64xf32, #tpu.memory_space<hbm>> -> memref<10000x64xf32, #tpu.memory_space<hbm>>
    tpu.enqueue_indirect_dma source(%dma_start3A_43 : memref<10000x64xf32, #tpu.memory_space<hbm>>) target(%dma_start3A_37 : memref<40x64xf32, #tpu.memory_space<vmem>>) offsets(%dma_start3A_40 : memref<40xi32, #tpu.memory_space<vmem>>) semaphore(%arg8 : memref<!tpu.dma_semaphore, #tpu.memory_space<semaphore_mem>>)
    %dma_start3A_44 = arith.constant 1 : i32
    %dma_start3A_45 = arith.constant 1 : i32
    %dma_start3A_46 = arith.constant 1 : i32
    %dma_start3A_47 = arith.constant 1 : i32
    %dma_start3A_48 = arith.constant 0 : i32
    %dma_start3A_49 = arith.constant 0 : i32
    %dma_start3A_50 = tpu.memref_slice %arg6[%dma_start3A_46, %dma_start3A_47, %dma_start3A_48, %dma_start3A_49] : memref<2x2x40x64xf32, #tpu.memory_space<vmem>> -> memref<1x1x40x64xf32, #tpu.memory_space<vmem>>
    %dma_start3A_51 = tpu.memref_squeeze %dma_start3A_50 : memref<1x1x40x64xf32, #tpu.memory_space<vmem>> -> memref<40x64xf32, #tpu.memory_space<vmem>>
    %dma_start3A_52 = arith.constant 0 : i32
    %dma_start3A_53 = tpu.memref_slice %arg5[%dma_start3A_44, %dma_start3A_45, %dma_start3A_52] : memref<2x125x40xi32, #tpu.memory_space<vmem>> -> memref<1x1x40xi32, #tpu.memory_space<vmem>>
    %dma_start3A_54 = tpu.memref_squeeze %dma_start3A_53 : memref<1x1x40xi32, #tpu.memory_space<vmem>> -> memref<40xi32, #tpu.memory_space<vmem>>
    %dma_start3A_55 = arith.constant 0 : i32
    %dma_start3A_56 = arith.constant 0 : i32
    %dma_start3A_57 = tpu.memref_slice %arg3[%dma_start3A_55, %dma_start3A_56] : memref<10000x64xf32, #tpu.memory_space<hbm>> -> memref<10000x64xf32, #tpu.memory_space<hbm>>
    tpu.enqueue_indirect_dma source(%dma_start3A_57 : memref<10000x64xf32, #tpu.memory_space<hbm>>) target(%dma_start3A_51 : memref<40x64xf32, #tpu.memory_space<vmem>>) offsets(%dma_start3A_54 : memref<40xi32, #tpu.memory_space<vmem>>) semaphore(%arg10 : memref<!tpu.dma_semaphore, #tpu.memory_space<semaphore_mem>>)
    %scan3A = arith.constant 0 : i32
    %scan3A_58 = arith.constant 0 : i32
    %scan3A_59 = arith.constant 62 : i32
    %scan3A_60 = arith.addi %scan3A_58, %scan3A_59 : i32
    %scan3A_61 = arith.constant 1 : i32
    scf.for %scan3A_97 = %scan3A_58 to %scan3A_60 step %scan3A_61  : i32 {
      %mul3A_98 = arith.constant 2 : i32
      %mul3A_99 = arith.muli %mul3A_98, %scan3A_97 : i32
      %add3A_100 = arith.constant 0 : i32
      %add3A_101 = arith.addi %mul3A_99, %add3A_100 : i32
      %dma_wait3A_102 = arith.constant 0 : i32
      %dma_wait3A_103 = arith.constant 0 : i32
      %dma_wait3A_104 = arith.constant 0 : i32
      %dma_wait3A_105 = arith.constant 0 : i32
      %dma_wait3A_106 = arith.constant 0 : i32
      %dma_wait3A_107 = tpu.memref_slice %arg6[%dma_wait3A_103, %dma_wait3A_104, %dma_wait3A_105, %dma_wait3A_106] : memref<2x2x40x64xf32, #tpu.memory_space<vmem>> -> memref<1x1x40x64xf32, #tpu.memory_space<vmem>>
      %dma_wait3A_108 = tpu.memref_squeeze %dma_wait3A_107 : memref<1x1x40x64xf32, #tpu.memory_space<vmem>> -> memref<40x64xf32, #tpu.memory_space<vmem>>
      %dma_wait3A_109 = arith.constant 0 : i32
      %dma_wait3A_110 = tpu.memref_slice %arg5[%dma_wait3A_102, %add3A_101, %dma_wait3A_109] : memref<2x125x40xi32, #tpu.memory_space<vmem>> -> memref<1x1x40xi32, #tpu.memory_space<vmem>>
      %dma_wait3A_111 = tpu.memref_squeeze %dma_wait3A_110 : memref<1x1x40xi32, #tpu.memory_space<vmem>> -> memref<40xi32, #tpu.memory_space<vmem>>
      %dma_wait3A_112 = arith.constant 0 : i32
      %dma_wait3A_113 = arith.constant 0 : i32
      %dma_wait3A_114 = tpu.memref_slice %arg3[%dma_wait3A_112, %dma_wait3A_113] : memref<10000x64xf32, #tpu.memory_space<hbm>> -> memref<10000x64xf32, #tpu.memory_space<hbm>>
      tpu.wait_indirect_dma semaphore(%arg7 : memref<!tpu.dma_semaphore, #tpu.memory_space<semaphore_mem>>) src(%dma_wait3A_114 : memref<10000x64xf32, #tpu.memory_space<hbm>>) dst(%dma_wait3A_108 : memref<40x64xf32, #tpu.memory_space<vmem>>)
      %mul3A_115 = arith.constant 40 : i32
      %mul3A_116 = arith.muli %add3A_101, %mul3A_115 : i32
      %add3A_117 = arith.addi %mul3A_2, %mul3A_116 : i32
      %run_scoped3A_118 = arith.constant 0 : i32
      %run_scoped3A_119 = arith.constant 0 : i32
      "tpu.region"() ({
        %run_scoped3A_201 = tpu.sem_alloc : memref<!tpu.dma_semaphore, #tpu.memory_space<semaphore_mem>>
        %dma_start3A_202 = arith.constant 0 : i32
        %dma_start3A_203 = arith.constant 0 : i32
        %dma_start3A_204 = tpu.memref_slice %arg6[%run_scoped3A_118, %run_scoped3A_119, %dma_start3A_202, %dma_start3A_203] : memref<2x2x40x64xf32, #tpu.memory_space<vmem>> -> memref<1x1x40x64xf32, #tpu.memory_space<vmem>>
        %dma_start3A_205 = tpu.memref_squeeze %dma_start3A_204 : memref<1x1x40x64xf32, #tpu.memory_space<vmem>> -> memref<40x64xf32, #tpu.memory_space<vmem>>
        %dma_start3A_206 = arith.constant 0 : i32
        %dma_start3A_207 = tpu.memref_slice %arg4[%add3A_117, %dma_start3A_206] : memref<160000x128xf32, #tpu.memory_space<hbm>> -> memref<40x64xf32, #tpu.memory_space<hbm>>
        %dma_start3A_208 = arith.constant 0 : i32
        %dma_start3A_209 = tpu.memref_slice %arg4[%add3A_117, %dma_start3A_208] : memref<160000x128xf32, #tpu.memory_space<hbm>> -> memref<40x64xf32, #tpu.memory_space<hbm>>
        %dma_start3A_210 = arith.constant 0 : i32
        %dma_start3A_211 = arith.constant 0 : i32
        %dma_start3A_212 = tpu.memref_slice %arg6[%run_scoped3A_118, %run_scoped3A_119, %dma_start3A_210, %dma_start3A_211] : memref<2x2x40x64xf32, #tpu.memory_space<vmem>> -> memref<1x1x40x64xf32, #tpu.memory_space<vmem>>
        %dma_start3A_213 = tpu.memref_squeeze %dma_start3A_212 : memref<1x1x40x64xf32, #tpu.memory_space<vmem>> -> memref<40x64xf32, #tpu.memory_space<vmem>>
        tpu.enqueue_dma source(%dma_start3A_213 : memref<40x64xf32, #tpu.memory_space<vmem>>) target(%dma_start3A_209 : memref<40x64xf32, #tpu.memory_space<hbm>>) target_semaphore(%run_scoped3A_201 : memref<!tpu.dma_semaphore, #tpu.memory_space<semaphore_mem>>)
        %dma_wait3A_214 = arith.constant 0 : i32
        %dma_wait3A_215 = arith.constant 0 : i32
        %dma_wait3A_216 = tpu.memref_slice %arg6[%run_scoped3A_118, %run_scoped3A_119, %dma_wait3A_214, %dma_wait3A_215] : memref<2x2x40x64xf32, #tpu.memory_space<vmem>> -> memref<1x1x40x64xf32, #tpu.memory_space<vmem>>
        %dma_wait3A_217 = tpu.memref_squeeze %dma_wait3A_216 : memref<1x1x40x64xf32, #tpu.memory_space<vmem>> -> memref<40x64xf32, #tpu.memory_space<vmem>>
        %dma_wait3A_218 = arith.constant 0 : i32
        %dma_wait3A_219 = tpu.memref_slice %arg4[%add3A_117, %dma_wait3A_218] : memref<160000x128xf32, #tpu.memory_space<hbm>> -> memref<40x64xf32, #tpu.memory_space<hbm>>
        %dma_wait3A_220 = arith.constant 0 : i32
        %dma_wait3A_221 = tpu.memref_slice %arg4[%add3A_117, %dma_wait3A_220] : memref<160000x128xf32, #tpu.memory_space<hbm>> -> memref<40x64xf32, #tpu.memory_space<hbm>>
        %dma_wait3A_222 = arith.constant 0 : i32
        %dma_wait3A_223 = arith.constant 0 : i32
        %dma_wait3A_224 = tpu.memref_slice %arg6[%run_scoped3A_118, %run_scoped3A_119, %dma_wait3A_222, %dma_wait3A_223] : memref<2x2x40x64xf32, #tpu.memory_space<vmem>> -> memref<1x1x40x64xf32, #tpu.memory_space<vmem>>
        %dma_wait3A_225 = tpu.memref_squeeze %dma_wait3A_224 : memref<1x1x40x64xf32, #tpu.memory_space<vmem>> -> memref<40x64xf32, #tpu.memory_space<vmem>>
        tpu.wait_dma2 semaphore(%run_scoped3A_201 : memref<!tpu.dma_semaphore, #tpu.memory_space<semaphore_mem>>) src(%dma_wait3A_225 : memref<40x64xf32, #tpu.memory_space<vmem>>) dst(%dma_wait3A_221 : memref<40x64xf32, #tpu.memory_space<hbm>>)
        tpu.yield
      }) : () -> ()
      %add3A_120 = arith.constant 2 : i32
      %add3A_121 = arith.addi %add3A_101, %add3A_120 : i32
      %lt3A = arith.constant 125 : i32
      %lt3A_122 = arith.cmpi slt, %add3A_121, %lt3A : i32
      %convert_element_type3A = arith.extui %lt3A_122 : i1 to i32
      %cond3A = arith.constant 0 : i32
      %cond3A_123 = arith.cmpi ne, %convert_element_type3A, %cond3A : i32
      scf.if %cond3A_123 {
        %add3A_201 = arith.constant 2 : i32
        %add3A_202 = arith.addi %add3A_101, %add3A_201 : i32
        %dma_start3A_203 = arith.constant 0 : i32
        %dma_start3A_204 = arith.constant 0 : i32
        %dma_start3A_205 = arith.constant 0 : i32
        %dma_start3A_206 = arith.constant 0 : i32
        %dma_start3A_207 = arith.constant 0 : i32
        %dma_start3A_208 = tpu.memref_slice %arg6[%dma_start3A_204, %dma_start3A_205, %dma_start3A_206, %dma_start3A_207] : memref<2x2x40x64xf32, #tpu.memory_space<vmem>> -> memref<1x1x40x64xf32, #tpu.memory_space<vmem>>
        %dma_start3A_209 = tpu.memref_squeeze %dma_start3A_208 : memref<1x1x40x64xf32, #tpu.memory_space<vmem>> -> memref<40x64xf32, #tpu.memory_space<vmem>>
        %dma_start3A_210 = arith.constant 0 : i32
        %dma_start3A_211 = tpu.memref_slice %arg5[%dma_start3A_203, %add3A_202, %dma_start3A_210] : memref<2x125x40xi32, #tpu.memory_space<vmem>> -> memref<1x1x40xi32, #tpu.memory_space<vmem>>
        %dma_start3A_212 = tpu.memref_squeeze %dma_start3A_211 : memref<1x1x40xi32, #tpu.memory_space<vmem>> -> memref<40xi32, #tpu.memory_space<vmem>>
        %dma_start3A_213 = arith.constant 0 : i32
        %dma_start3A_214 = arith.constant 0 : i32
        %dma_start3A_215 = tpu.memref_slice %arg3[%dma_start3A_213, %dma_start3A_214] : memref<10000x64xf32, #tpu.memory_space<hbm>> -> memref<10000x64xf32, #tpu.memory_space<hbm>>
        tpu.enqueue_indirect_dma source(%dma_start3A_215 : memref<10000x64xf32, #tpu.memory_space<hbm>>) target(%dma_start3A_209 : memref<40x64xf32, #tpu.memory_space<vmem>>) offsets(%dma_start3A_212 : memref<40xi32, #tpu.memory_space<vmem>>) semaphore(%arg7 : memref<!tpu.dma_semaphore, #tpu.memory_space<semaphore_mem>>)
      } else {
      }
      %dma_wait3A_124 = arith.constant 1 : i32
      %dma_wait3A_125 = arith.constant 1 : i32
      %dma_wait3A_126 = arith.constant 0 : i32
      %dma_wait3A_127 = arith.constant 0 : i32
      %dma_wait3A_128 = arith.constant 0 : i32
      %dma_wait3A_129 = tpu.memref_slice %arg6[%dma_wait3A_125, %dma_wait3A_126, %dma_wait3A_127, %dma_wait3A_128] : memref<2x2x40x64xf32, #tpu.memory_space<vmem>> -> memref<1x1x40x64xf32, #tpu.memory_space<vmem>>
      %dma_wait3A_130 = tpu.memref_squeeze %dma_wait3A_129 : memref<1x1x40x64xf32, #tpu.memory_space<vmem>> -> memref<40x64xf32, #tpu.memory_space<vmem>>
      %dma_wait3A_131 = arith.constant 0 : i32
      %dma_wait3A_132 = tpu.memref_slice %arg5[%dma_wait3A_124, %add3A_101, %dma_wait3A_131] : memref<2x125x40xi32, #tpu.memory_space<vmem>> -> memref<1x1x40xi32, #tpu.memory_space<vmem>>
      %dma_wait3A_133 = tpu.memref_squeeze %dma_wait3A_132 : memref<1x1x40xi32, #tpu.memory_space<vmem>> -> memref<40xi32, #tpu.memory_space<vmem>>
      %dma_wait3A_134 = arith.constant 0 : i32
      %dma_wait3A_135 = arith.constant 0 : i32
      %dma_wait3A_136 = tpu.memref_slice %arg3[%dma_wait3A_134, %dma_wait3A_135] : memref<10000x64xf32, #tpu.memory_space<hbm>> -> memref<10000x64xf32, #tpu.memory_space<hbm>>
      tpu.wait_indirect_dma semaphore(%arg9 : memref<!tpu.dma_semaphore, #tpu.memory_space<semaphore_mem>>) src(%dma_wait3A_136 : memref<10000x64xf32, #tpu.memory_space<hbm>>) dst(%dma_wait3A_130 : memref<40x64xf32, #tpu.memory_space<vmem>>)
      %mul3A_137 = arith.constant 40 : i32
      %mul3A_138 = arith.muli %add3A_101, %mul3A_137 : i32
      %add3A_139 = arith.addi %mul3A_2, %mul3A_138 : i32
      %run_scoped3A_140 = arith.constant 1 : i32
      %run_scoped3A_141 = arith.constant 0 : i32
      "tpu.region"() ({
        %run_scoped3A_201 = tpu.sem_alloc : memref<!tpu.dma_semaphore, #tpu.memory_space<semaphore_mem>>
        %dma_start3A_202 = arith.constant 0 : i32
        %dma_start3A_203 = arith.constant 0 : i32
        %dma_start3A_204 = tpu.memref_slice %arg6[%run_scoped3A_140, %run_scoped3A_141, %dma_start3A_202, %dma_start3A_203] : memref<2x2x40x64xf32, #tpu.memory_space<vmem>> -> memref<1x1x40x64xf32, #tpu.memory_space<vmem>>
        %dma_start3A_205 = tpu.memref_squeeze %dma_start3A_204 : memref<1x1x40x64xf32, #tpu.memory_space<vmem>> -> memref<40x64xf32, #tpu.memory_space<vmem>>
        %dma_start3A_206 = arith.constant 64 : i32
        %dma_start3A_207 = tpu.memref_slice %arg4[%add3A_139, %dma_start3A_206] : memref<160000x128xf32, #tpu.memory_space<hbm>> -> memref<40x64xf32, #tpu.memory_space<hbm>>
        %dma_start3A_208 = arith.constant 64 : i32
        %dma_start3A_209 = tpu.memref_slice %arg4[%add3A_139, %dma_start3A_208] : memref<160000x128xf32, #tpu.memory_space<hbm>> -> memref<40x64xf32, #tpu.memory_space<hbm>>
        %dma_start3A_210 = arith.constant 0 : i32
        %dma_start3A_211 = arith.constant 0 : i32
        %dma_start3A_212 = tpu.memref_slice %arg6[%run_scoped3A_140, %run_scoped3A_141, %dma_start3A_210, %dma_start3A_211] : memref<2x2x40x64xf32, #tpu.memory_space<vmem>> -> memref<1x1x40x64xf32, #tpu.memory_space<vmem>>
        %dma_start3A_213 = tpu.memref_squeeze %dma_start3A_212 : memref<1x1x40x64xf32, #tpu.memory_space<vmem>> -> memref<40x64xf32, #tpu.memory_space<vmem>>
        tpu.enqueue_dma source(%dma_start3A_213 : memref<40x64xf32, #tpu.memory_space<vmem>>) target(%dma_start3A_209 : memref<40x64xf32, #tpu.memory_space<hbm>>) target_semaphore(%run_scoped3A_201 : memref<!tpu.dma_semaphore, #tpu.memory_space<semaphore_mem>>)
        %dma_wait3A_214 = arith.constant 0 : i32
        %dma_wait3A_215 = arith.constant 0 : i32
        %dma_wait3A_216 = tpu.memref_slice %arg6[%run_scoped3A_140, %run_scoped3A_141, %dma_wait3A_214, %dma_wait3A_215] : memref<2x2x40x64xf32, #tpu.memory_space<vmem>> -> memref<1x1x40x64xf32, #tpu.memory_space<vmem>>
        %dma_wait3A_217 = tpu.memref_squeeze %dma_wait3A_216 : memref<1x1x40x64xf32, #tpu.memory_space<vmem>> -> memref<40x64xf32, #tpu.memory_space<vmem>>
        %dma_wait3A_218 = arith.constant 64 : i32
        %dma_wait3A_219 = tpu.memref_slice %arg4[%add3A_139, %dma_wait3A_218] : memref<160000x128xf32, #tpu.memory_space<hbm>> -> memref<40x64xf32, #tpu.memory_space<hbm>>
        %dma_wait3A_220 = arith.constant 64 : i32
        %dma_wait3A_221 = tpu.memref_slice %arg4[%add3A_139, %dma_wait3A_220] : memref<160000x128xf32, #tpu.memory_space<hbm>> -> memref<40x64xf32, #tpu.memory_space<hbm>>
        %dma_wait3A_222 = arith.constant 0 : i32
        %dma_wait3A_223 = arith.constant 0 : i32
        %dma_wait3A_224 = tpu.memref_slice %arg6[%run_scoped3A_140, %run_scoped3A_141, %dma_wait3A_222, %dma_wait3A_223] : memref<2x2x40x64xf32, #tpu.memory_space<vmem>> -> memref<1x1x40x64xf32, #tpu.memory_space<vmem>>
        %dma_wait3A_225 = tpu.memref_squeeze %dma_wait3A_224 : memref<1x1x40x64xf32, #tpu.memory_space<vmem>> -> memref<40x64xf32, #tpu.memory_space<vmem>>
        tpu.wait_dma2 semaphore(%run_scoped3A_201 : memref<!tpu.dma_semaphore, #tpu.memory_space<semaphore_mem>>) src(%dma_wait3A_225 : memref<40x64xf32, #tpu.memory_space<vmem>>) dst(%dma_wait3A_221 : memref<40x64xf32, #tpu.memory_space<hbm>>)
        tpu.yield
      }) : () -> ()
      %add3A_142 = arith.constant 2 : i32
      %add3A_143 = arith.addi %add3A_101, %add3A_142 : i32
      %lt3A_144 = arith.constant 125 : i32
      %lt3A_145 = arith.cmpi slt, %add3A_143, %lt3A_144 : i32
      %convert_element_type3A_146 = arith.extui %lt3A_145 : i1 to i32
      %cond3A_147 = arith.constant 0 : i32
      %cond3A_148 = arith.cmpi ne, %convert_element_type3A_146, %cond3A_147 : i32
      scf.if %cond3A_148 {
        %add3A_201 = arith.constant 2 : i32
        %add3A_202 = arith.addi %add3A_101, %add3A_201 : i32
        %dma_start3A_203 = arith.constant 1 : i32
        %dma_start3A_204 = arith.constant 1 : i32
        %dma_start3A_205 = arith.constant 0 : i32
        %dma_start3A_206 = arith.constant 0 : i32
        %dma_start3A_207 = arith.constant 0 : i32
        %dma_start3A_208 = tpu.memref_slice %arg6[%dma_start3A_204, %dma_start3A_205, %dma_start3A_206, %dma_start3A_207] : memref<2x2x40x64xf32, #tpu.memory_space<vmem>> -> memref<1x1x40x64xf32, #tpu.memory_space<vmem>>
        %dma_start3A_209 = tpu.memref_squeeze %dma_start3A_208 : memref<1x1x40x64xf32, #tpu.memory_space<vmem>> -> memref<40x64xf32, #tpu.memory_space<vmem>>
        %dma_start3A_210 = arith.constant 0 : i32
        %dma_start3A_211 = tpu.memref_slice %arg5[%dma_start3A_203, %add3A_202, %dma_start3A_210] : memref<2x125x40xi32, #tpu.memory_space<vmem>> -> memref<1x1x40xi32, #tpu.memory_space<vmem>>
        %dma_start3A_212 = tpu.memref_squeeze %dma_start3A_211 : memref<1x1x40xi32, #tpu.memory_space<vmem>> -> memref<40xi32, #tpu.memory_space<vmem>>
        %dma_start3A_213 = arith.constant 0 : i32
        %dma_start3A_214 = arith.constant 0 : i32
        %dma_start3A_215 = tpu.memref_slice %arg3[%dma_start3A_213, %dma_start3A_214] : memref<10000x64xf32, #tpu.memory_space<hbm>> -> memref<10000x64xf32, #tpu.memory_space<hbm>>
        tpu.enqueue_indirect_dma source(%dma_start3A_215 : memref<10000x64xf32, #tpu.memory_space<hbm>>) target(%dma_start3A_209 : memref<40x64xf32, #tpu.memory_space<vmem>>) offsets(%dma_start3A_212 : memref<40xi32, #tpu.memory_space<vmem>>) semaphore(%arg9 : memref<!tpu.dma_semaphore, #tpu.memory_space<semaphore_mem>>)
      } else {
      }
      %add3A_149 = arith.constant 1 : i32
      %add3A_150 = arith.addi %mul3A_99, %add3A_149 : i32
      %dma_wait3A_151 = arith.constant 0 : i32
      %dma_wait3A_152 = arith.constant 0 : i32
      %dma_wait3A_153 = arith.constant 1 : i32
      %dma_wait3A_154 = arith.constant 0 : i32
      %dma_wait3A_155 = arith.constant 0 : i32
      %dma_wait3A_156 = tpu.memref_slice %arg6[%dma_wait3A_152, %dma_wait3A_153, %dma_wait3A_154, %dma_wait3A_155] : memref<2x2x40x64xf32, #tpu.memory_space<vmem>> -> memref<1x1x40x64xf32, #tpu.memory_space<vmem>>
      %dma_wait3A_157 = tpu.memref_squeeze %dma_wait3A_156 : memref<1x1x40x64xf32, #tpu.memory_space<vmem>> -> memref<40x64xf32, #tpu.memory_space<vmem>>
      %dma_wait3A_158 = arith.constant 0 : i32
      %dma_wait3A_159 = tpu.memref_slice %arg5[%dma_wait3A_151, %add3A_150, %dma_wait3A_158] : memref<2x125x40xi32, #tpu.memory_space<vmem>> -> memref<1x1x40xi32, #tpu.memory_space<vmem>>
      %dma_wait3A_160 = tpu.memref_squeeze %dma_wait3A_159 : memref<1x1x40xi32, #tpu.memory_space<vmem>> -> memref<40xi32, #tpu.memory_space<vmem>>
      %dma_wait3A_161 = arith.constant 0 : i32
      %dma_wait3A_162 = arith.constant 0 : i32
      %dma_wait3A_163 = tpu.memref_slice %arg3[%dma_wait3A_161, %dma_wait3A_162] : memref<10000x64xf32, #tpu.memory_space<hbm>> -> memref<10000x64xf32, #tpu.memory_space<hbm>>
      tpu.wait_indirect_dma semaphore(%arg8 : memref<!tpu.dma_semaphore, #tpu.memory_space<semaphore_mem>>) src(%dma_wait3A_163 : memref<10000x64xf32, #tpu.memory_space<hbm>>) dst(%dma_wait3A_157 : memref<40x64xf32, #tpu.memory_space<vmem>>)
      %mul3A_164 = arith.constant 40 : i32
      %mul3A_165 = arith.muli %add3A_150, %mul3A_164 : i32
      %add3A_166 = arith.addi %mul3A_2, %mul3A_165 : i32
      %run_scoped3A_167 = arith.constant 0 : i32
      %run_scoped3A_168 = arith.constant 1 : i32
      "tpu.region"() ({
        %run_scoped3A_201 = tpu.sem_alloc : memref<!tpu.dma_semaphore, #tpu.memory_space<semaphore_mem>>
        %dma_start3A_202 = arith.constant 0 : i32
        %dma_start3A_203 = arith.constant 0 : i32
        %dma_start3A_204 = tpu.memref_slice %arg6[%run_scoped3A_167, %run_scoped3A_168, %dma_start3A_202, %dma_start3A_203] : memref<2x2x40x64xf32, #tpu.memory_space<vmem>> -> memref<1x1x40x64xf32, #tpu.memory_space<vmem>>
        %dma_start3A_205 = tpu.memref_squeeze %dma_start3A_204 : memref<1x1x40x64xf32, #tpu.memory_space<vmem>> -> memref<40x64xf32, #tpu.memory_space<vmem>>
        %dma_start3A_206 = arith.constant 0 : i32
        %dma_start3A_207 = tpu.memref_slice %arg4[%add3A_166, %dma_start3A_206] : memref<160000x128xf32, #tpu.memory_space<hbm>> -> memref<40x64xf32, #tpu.memory_space<hbm>>
        %dma_start3A_208 = arith.constant 0 : i32
        %dma_start3A_209 = tpu.memref_slice %arg4[%add3A_166, %dma_start3A_208] : memref<160000x128xf32, #tpu.memory_space<hbm>> -> memref<40x64xf32, #tpu.memory_space<hbm>>
        %dma_start3A_210 = arith.constant 0 : i32
        %dma_start3A_211 = arith.constant 0 : i32
        %dma_start3A_212 = tpu.memref_slice %arg6[%run_scoped3A_167, %run_scoped3A_168, %dma_start3A_210, %dma_start3A_211] : memref<2x2x40x64xf32, #tpu.memory_space<vmem>> -> memref<1x1x40x64xf32, #tpu.memory_space<vmem>>
        %dma_start3A_213 = tpu.memref_squeeze %dma_start3A_212 : memref<1x1x40x64xf32, #tpu.memory_space<vmem>> -> memref<40x64xf32, #tpu.memory_space<vmem>>
        tpu.enqueue_dma source(%dma_start3A_213 : memref<40x64xf32, #tpu.memory_space<vmem>>) target(%dma_start3A_209 : memref<40x64xf32, #tpu.memory_space<hbm>>) target_semaphore(%run_scoped3A_201 : memref<!tpu.dma_semaphore, #tpu.memory_space<semaphore_mem>>)
        %dma_wait3A_214 = arith.constant 0 : i32
        %dma_wait3A_215 = arith.constant 0 : i32
        %dma_wait3A_216 = tpu.memref_slice %arg6[%run_scoped3A_167, %run_scoped3A_168, %dma_wait3A_214, %dma_wait3A_215] : memref<2x2x40x64xf32, #tpu.memory_space<vmem>> -> memref<1x1x40x64xf32, #tpu.memory_space<vmem>>
        %dma_wait3A_217 = tpu.memref_squeeze %dma_wait3A_216 : memref<1x1x40x64xf32, #tpu.memory_space<vmem>> -> memref<40x64xf32, #tpu.memory_space<vmem>>
        %dma_wait3A_218 = arith.constant 0 : i32
        %dma_wait3A_219 = tpu.memref_slice %arg4[%add3A_166, %dma_wait3A_218] : memref<160000x128xf32, #tpu.memory_space<hbm>> -> memref<40x64xf32, #tpu.memory_space<hbm>>
        %dma_wait3A_220 = arith.constant 0 : i32
        %dma_wait3A_221 = tpu.memref_slice %arg4[%add3A_166, %dma_wait3A_220] : memref<160000x128xf32, #tpu.memory_space<hbm>> -> memref<40x64xf32, #tpu.memory_space<hbm>>
        %dma_wait3A_222 = arith.constant 0 : i32
        %dma_wait3A_223 = arith.constant 0 : i32
        %dma_wait3A_224 = tpu.memref_slice %arg6[%run_scoped3A_167, %run_scoped3A_168, %dma_wait3A_222, %dma_wait3A_223] : memref<2x2x40x64xf32, #tpu.memory_space<vmem>> -> memref<1x1x40x64xf32, #tpu.memory_space<vmem>>
        %dma_wait3A_225 = tpu.memref_squeeze %dma_wait3A_224 : memref<1x1x40x64xf32, #tpu.memory_space<vmem>> -> memref<40x64xf32, #tpu.memory_space<vmem>>
        tpu.wait_dma2 semaphore(%run_scoped3A_201 : memref<!tpu.dma_semaphore, #tpu.memory_space<semaphore_mem>>) src(%dma_wait3A_225 : memref<40x64xf32, #tpu.memory_space<vmem>>) dst(%dma_wait3A_221 : memref<40x64xf32, #tpu.memory_space<hbm>>)
        tpu.yield
      }) : () -> ()
      %add3A_169 = arith.constant 2 : i32
      %add3A_170 = arith.addi %add3A_150, %add3A_169 : i32
      %lt3A_171 = arith.constant 125 : i32
      %lt3A_172 = arith.cmpi slt, %add3A_170, %lt3A_171 : i32
      %convert_element_type3A_173 = arith.extui %lt3A_172 : i1 to i32
      %cond3A_174 = arith.constant 0 : i32
      %cond3A_175 = arith.cmpi ne, %convert_element_type3A_173, %cond3A_174 : i32
      scf.if %cond3A_175 {
        %add3A_201 = arith.constant 2 : i32
        %add3A_202 = arith.addi %add3A_150, %add3A_201 : i32
        %dma_start3A_203 = arith.constant 0 : i32
        %dma_start3A_204 = arith.constant 0 : i32
        %dma_start3A_205 = arith.constant 1 : i32
        %dma_start3A_206 = arith.constant 0 : i32
        %dma_start3A_207 = arith.constant 0 : i32
        %dma_start3A_208 = tpu.memref_slice %arg6[%dma_start3A_204, %dma_start3A_205, %dma_start3A_206, %dma_start3A_207] : memref<2x2x40x64xf32, #tpu.memory_space<vmem>> -> memref<1x1x40x64xf32, #tpu.memory_space<vmem>>
        %dma_start3A_209 = tpu.memref_squeeze %dma_start3A_208 : memref<1x1x40x64xf32, #tpu.memory_space<vmem>> -> memref<40x64xf32, #tpu.memory_space<vmem>>
        %dma_start3A_210 = arith.constant 0 : i32
        %dma_start3A_211 = tpu.memref_slice %arg5[%dma_start3A_203, %add3A_202, %dma_start3A_210] : memref<2x125x40xi32, #tpu.memory_space<vmem>> -> memref<1x1x40xi32, #tpu.memory_space<vmem>>
        %dma_start3A_212 = tpu.memref_squeeze %dma_start3A_211 : memref<1x1x40xi32, #tpu.memory_space<vmem>> -> memref<40xi32, #tpu.memory_space<vmem>>
        %dma_start3A_213 = arith.constant 0 : i32
        %dma_start3A_214 = arith.constant 0 : i32
        %dma_start3A_215 = tpu.memref_slice %arg3[%dma_start3A_213, %dma_start3A_214] : memref<10000x64xf32, #tpu.memory_space<hbm>> -> memref<10000x64xf32, #tpu.memory_space<hbm>>
        tpu.enqueue_indirect_dma source(%dma_start3A_215 : memref<10000x64xf32, #tpu.memory_space<hbm>>) target(%dma_start3A_209 : memref<40x64xf32, #tpu.memory_space<vmem>>) offsets(%dma_start3A_212 : memref<40xi32, #tpu.memory_space<vmem>>) semaphore(%arg8 : memref<!tpu.dma_semaphore, #tpu.memory_space<semaphore_mem>>)
      } else {
      }
      %dma_wait3A_176 = arith.constant 1 : i32
      %dma_wait3A_177 = arith.constant 1 : i32
      %dma_wait3A_178 = arith.constant 1 : i32
      %dma_wait3A_179 = arith.constant 0 : i32
      %dma_wait3A_180 = arith.constant 0 : i32
      %dma_wait3A_181 = tpu.memref_slice %arg6[%dma_wait3A_177, %dma_wait3A_178, %dma_wait3A_179, %dma_wait3A_180] : memref<2x2x40x64xf32, #tpu.memory_space<vmem>> -> memref<1x1x40x64xf32, #tpu.memory_space<vmem>>
      %dma_wait3A_182 = tpu.memref_squeeze %dma_wait3A_181 : memref<1x1x40x64xf32, #tpu.memory_space<vmem>> -> memref<40x64xf32, #tpu.memory_space<vmem>>
      %dma_wait3A_183 = arith.constant 0 : i32
      %dma_wait3A_184 = tpu.memref_slice %arg5[%dma_wait3A_176, %add3A_150, %dma_wait3A_183] : memref<2x125x40xi32, #tpu.memory_space<vmem>> -> memref<1x1x40xi32, #tpu.memory_space<vmem>>
      %dma_wait3A_185 = tpu.memref_squeeze %dma_wait3A_184 : memref<1x1x40xi32, #tpu.memory_space<vmem>> -> memref<40xi32, #tpu.memory_space<vmem>>
      %dma_wait3A_186 = arith.constant 0 : i32
      %dma_wait3A_187 = arith.constant 0 : i32
      %dma_wait3A_188 = tpu.memref_slice %arg3[%dma_wait3A_186, %dma_wait3A_187] : memref<10000x64xf32, #tpu.memory_space<hbm>> -> memref<10000x64xf32, #tpu.memory_space<hbm>>
      tpu.wait_indirect_dma semaphore(%arg10 : memref<!tpu.dma_semaphore, #tpu.memory_space<semaphore_mem>>) src(%dma_wait3A_188 : memref<10000x64xf32, #tpu.memory_space<hbm>>) dst(%dma_wait3A_182 : memref<40x64xf32, #tpu.memory_space<vmem>>)
      %mul3A_189 = arith.constant 40 : i32
      %mul3A_190 = arith.muli %add3A_150, %mul3A_189 : i32
      %add3A_191 = arith.addi %mul3A_2, %mul3A_190 : i32
      %run_scoped3A_192 = arith.constant 1 : i32
      %run_scoped3A_193 = arith.constant 1 : i32
      "tpu.region"() ({
        %run_scoped3A_201 = tpu.sem_alloc : memref<!tpu.dma_semaphore, #tpu.memory_space<semaphore_mem>>
        %dma_start3A_202 = arith.constant 0 : i32
        %dma_start3A_203 = arith.constant 0 : i32
        %dma_start3A_204 = tpu.memref_slice %arg6[%run_scoped3A_192, %run_scoped3A_193, %dma_start3A_202, %dma_start3A_203] : memref<2x2x40x64xf32, #tpu.memory_space<vmem>> -> memref<1x1x40x64xf32, #tpu.memory_space<vmem>>
        %dma_start3A_205 = tpu.memref_squeeze %dma_start3A_204 : memref<1x1x40x64xf32, #tpu.memory_space<vmem>> -> memref<40x64xf32, #tpu.memory_space<vmem>>
        %dma_start3A_206 = arith.constant 64 : i32
        %dma_start3A_207 = tpu.memref_slice %arg4[%add3A_191, %dma_start3A_206] : memref<160000x128xf32, #tpu.memory_space<hbm>> -> memref<40x64xf32, #tpu.memory_space<hbm>>
        %dma_start3A_208 = arith.constant 64 : i32
        %dma_start3A_209 = tpu.memref_slice %arg4[%add3A_191, %dma_start3A_208] : memref<160000x128xf32, #tpu.memory_space<hbm>> -> memref<40x64xf32, #tpu.memory_space<hbm>>
        %dma_start3A_210 = arith.constant 0 : i32
        %dma_start3A_211 = arith.constant 0 : i32
        %dma_start3A_212 = tpu.memref_slice %arg6[%run_scoped3A_192, %run_scoped3A_193, %dma_start3A_210, %dma_start3A_211] : memref<2x2x40x64xf32, #tpu.memory_space<vmem>> -> memref<1x1x40x64xf32, #tpu.memory_space<vmem>>
        %dma_start3A_213 = tpu.memref_squeeze %dma_start3A_212 : memref<1x1x40x64xf32, #tpu.memory_space<vmem>> -> memref<40x64xf32, #tpu.memory_space<vmem>>
        tpu.enqueue_dma source(%dma_start3A_213 : memref<40x64xf32, #tpu.memory_space<vmem>>) target(%dma_start3A_209 : memref<40x64xf32, #tpu.memory_space<hbm>>) target_semaphore(%run_scoped3A_201 : memref<!tpu.dma_semaphore, #tpu.memory_space<semaphore_mem>>)
        %dma_wait3A_214 = arith.constant 0 : i32
        %dma_wait3A_215 = arith.constant 0 : i32
        %dma_wait3A_216 = tpu.memref_slice %arg6[%run_scoped3A_192, %run_scoped3A_193, %dma_wait3A_214, %dma_wait3A_215] : memref<2x2x40x64xf32, #tpu.memory_space<vmem>> -> memref<1x1x40x64xf32, #tpu.memory_space<vmem>>
        %dma_wait3A_217 = tpu.memref_squeeze %dma_wait3A_216 : memref<1x1x40x64xf32, #tpu.memory_space<vmem>> -> memref<40x64xf32, #tpu.memory_space<vmem>>
        %dma_wait3A_218 = arith.constant 64 : i32
        %dma_wait3A_219 = tpu.memref_slice %arg4[%add3A_191, %dma_wait3A_218] : memref<160000x128xf32, #tpu.memory_space<hbm>> -> memref<40x64xf32, #tpu.memory_space<hbm>>
        %dma_wait3A_220 = arith.constant 64 : i32
        %dma_wait3A_221 = tpu.memref_slice %arg4[%add3A_191, %dma_wait3A_220] : memref<160000x128xf32, #tpu.memory_space<hbm>> -> memref<40x64xf32, #tpu.memory_space<hbm>>
        %dma_wait3A_222 = arith.constant 0 : i32
        %dma_wait3A_223 = arith.constant 0 : i32
        %dma_wait3A_224 = tpu.memref_slice %arg6[%run_scoped3A_192, %run_scoped3A_193, %dma_wait3A_222, %dma_wait3A_223] : memref<2x2x40x64xf32, #tpu.memory_space<vmem>> -> memref<1x1x40x64xf32, #tpu.memory_space<vmem>>
        %dma_wait3A_225 = tpu.memref_squeeze %dma_wait3A_224 : memref<1x1x40x64xf32, #tpu.memory_space<vmem>> -> memref<40x64xf32, #tpu.memory_space<vmem>>
        tpu.wait_dma2 semaphore(%run_scoped3A_201 : memref<!tpu.dma_semaphore, #tpu.memory_space<semaphore_mem>>) src(%dma_wait3A_225 : memref<40x64xf32, #tpu.memory_space<vmem>>) dst(%dma_wait3A_221 : memref<40x64xf32, #tpu.memory_space<hbm>>)
        tpu.yield
      }) : () -> ()
      %add3A_194 = arith.constant 2 : i32
      %add3A_195 = arith.addi %add3A_150, %add3A_194 : i32
      %lt3A_196 = arith.constant 125 : i32
      %lt3A_197 = arith.cmpi slt, %add3A_195, %lt3A_196 : i32
      %convert_element_type3A_198 = arith.extui %lt3A_197 : i1 to i32
      %cond3A_199 = arith.constant 0 : i32
      %cond3A_200 = arith.cmpi ne, %convert_element_type3A_198, %cond3A_199 : i32
      scf.if %cond3A_200 {
        %add3A_201 = arith.constant 2 : i32
        %add3A_202 = arith.addi %add3A_150, %add3A_201 : i32
        %dma_start3A_203 = arith.constant 1 : i32
        %dma_start3A_204 = arith.constant 1 : i32
        %dma_start3A_205 = arith.constant 1 : i32
        %dma_start3A_206 = arith.constant 0 : i32
        %dma_start3A_207 = arith.constant 0 : i32
        %dma_start3A_208 = tpu.memref_slice %arg6[%dma_start3A_204, %dma_start3A_205, %dma_start3A_206, %dma_start3A_207] : memref<2x2x40x64xf32, #tpu.memory_space<vmem>> -> memref<1x1x40x64xf32, #tpu.memory_space<vmem>>
        %dma_start3A_209 = tpu.memref_squeeze %dma_start3A_208 : memref<1x1x40x64xf32, #tpu.memory_space<vmem>> -> memref<40x64xf32, #tpu.memory_space<vmem>>
        %dma_start3A_210 = arith.constant 0 : i32
        %dma_start3A_211 = tpu.memref_slice %arg5[%dma_start3A_203, %add3A_202, %dma_start3A_210] : memref<2x125x40xi32, #tpu.memory_space<vmem>> -> memref<1x1x40xi32, #tpu.memory_space<vmem>>
        %dma_start3A_212 = tpu.memref_squeeze %dma_start3A_211 : memref<1x1x40xi32, #tpu.memory_space<vmem>> -> memref<40xi32, #tpu.memory_space<vmem>>
        %dma_start3A_213 = arith.constant 0 : i32
        %dma_start3A_214 = arith.constant 0 : i32
        %dma_start3A_215 = tpu.memref_slice %arg3[%dma_start3A_213, %dma_start3A_214] : memref<10000x64xf32, #tpu.memory_space<hbm>> -> memref<10000x64xf32, #tpu.memory_space<hbm>>
        tpu.enqueue_indirect_dma source(%dma_start3A_215 : memref<10000x64xf32, #tpu.memory_space<hbm>>) target(%dma_start3A_209 : memref<40x64xf32, #tpu.memory_space<vmem>>) offsets(%dma_start3A_212 : memref<40xi32, #tpu.memory_space<vmem>>) semaphore(%arg10 : memref<!tpu.dma_semaphore, #tpu.memory_space<semaphore_mem>>)
      } else {
      }
    }
    %scan3A_62 = arith.constant 62 : i32
    %dma_wait3A = arith.constant 0 : i32
    %dma_wait3A_63 = arith.constant 124 : i32
    %dma_wait3A_64 = arith.constant 0 : i32
    %dma_wait3A_65 = arith.constant 0 : i32
    %dma_wait3A_66 = arith.constant 0 : i32
    %dma_wait3A_67 = arith.constant 0 : i32
    %dma_wait3A_68 = tpu.memref_slice %arg6[%dma_wait3A_64, %dma_wait3A_65, %dma_wait3A_66, %dma_wait3A_67] : memref<2x2x40x64xf32, #tpu.memory_space<vmem>> -> memref<1x1x40x64xf32, #tpu.memory_space<vmem>>
    %dma_wait3A_69 = tpu.memref_squeeze %dma_wait3A_68 : memref<1x1x40x64xf32, #tpu.memory_space<vmem>> -> memref<40x64xf32, #tpu.memory_space<vmem>>
    %dma_wait3A_70 = arith.constant 0 : i32
    %dma_wait3A_71 = tpu.memref_slice %arg5[%dma_wait3A, %dma_wait3A_63, %dma_wait3A_70] : memref<2x125x40xi32, #tpu.memory_space<vmem>> -> memref<1x1x40xi32, #tpu.memory_space<vmem>>
    %dma_wait3A_72 = tpu.memref_squeeze %dma_wait3A_71 : memref<1x1x40xi32, #tpu.memory_space<vmem>> -> memref<40xi32, #tpu.memory_space<vmem>>
    %dma_wait3A_73 = arith.constant 0 : i32
    %dma_wait3A_74 = arith.constant 0 : i32
    %dma_wait3A_75 = tpu.memref_slice %arg3[%dma_wait3A_73, %dma_wait3A_74] : memref<10000x64xf32, #tpu.memory_space<hbm>> -> memref<10000x64xf32, #tpu.memory_space<hbm>>
    tpu.wait_indirect_dma semaphore(%arg7 : memref<!tpu.dma_semaphore, #tpu.memory_space<semaphore_mem>>) src(%dma_wait3A_75 : memref<10000x64xf32, #tpu.memory_space<hbm>>) dst(%dma_wait3A_69 : memref<40x64xf32, #tpu.memory_space<vmem>>)
    %add3A_76 = arith.constant 4960 : i32
    %add3A_77 = arith.addi %mul3A_2, %add3A_76 : i32
    %run_scoped3A = arith.constant 0 : i32
    %run_scoped3A_78 = arith.constant 0 : i32
    "tpu.region"() ({
      %run_scoped3A_97 = tpu.sem_alloc : memref<!tpu.dma_semaphore, #tpu.memory_space<semaphore_mem>>
      %dma_start3A_98 = arith.constant 0 : i32
      %dma_start3A_99 = arith.constant 0 : i32
      %dma_start3A_100 = tpu.memref_slice %arg6[%run_scoped3A, %run_scoped3A_78, %dma_start3A_98, %dma_start3A_99] : memref<2x2x40x64xf32, #tpu.memory_space<vmem>> -> memref<1x1x40x64xf32, #tpu.memory_space<vmem>>
      %dma_start3A_101 = tpu.memref_squeeze %dma_start3A_100 : memref<1x1x40x64xf32, #tpu.memory_space<vmem>> -> memref<40x64xf32, #tpu.memory_space<vmem>>
      %dma_start3A_102 = arith.constant 0 : i32
      %dma_start3A_103 = tpu.memref_slice %arg4[%add3A_77, %dma_start3A_102] : memref<160000x128xf32, #tpu.memory_space<hbm>> -> memref<40x64xf32, #tpu.memory_space<hbm>>
      %dma_start3A_104 = arith.constant 0 : i32
      %dma_start3A_105 = tpu.memref_slice %arg4[%add3A_77, %dma_start3A_104] : memref<160000x128xf32, #tpu.memory_space<hbm>> -> memref<40x64xf32, #tpu.memory_space<hbm>>
      %dma_start3A_106 = arith.constant 0 : i32
      %dma_start3A_107 = arith.constant 0 : i32
      %dma_start3A_108 = tpu.memref_slice %arg6[%run_scoped3A, %run_scoped3A_78, %dma_start3A_106, %dma_start3A_107] : memref<2x2x40x64xf32, #tpu.memory_space<vmem>> -> memref<1x1x40x64xf32, #tpu.memory_space<vmem>>
      %dma_start3A_109 = tpu.memref_squeeze %dma_start3A_108 : memref<1x1x40x64xf32, #tpu.memory_space<vmem>> -> memref<40x64xf32, #tpu.memory_space<vmem>>
      tpu.enqueue_dma source(%dma_start3A_109 : memref<40x64xf32, #tpu.memory_space<vmem>>) target(%dma_start3A_105 : memref<40x64xf32, #tpu.memory_space<hbm>>) target_semaphore(%run_scoped3A_97 : memref<!tpu.dma_semaphore, #tpu.memory_space<semaphore_mem>>)
      %dma_wait3A_110 = arith.constant 0 : i32
      %dma_wait3A_111 = arith.constant 0 : i32
      %dma_wait3A_112 = tpu.memref_slice %arg6[%run_scoped3A, %run_scoped3A_78, %dma_wait3A_110, %dma_wait3A_111] : memref<2x2x40x64xf32, #tpu.memory_space<vmem>> -> memref<1x1x40x64xf32, #tpu.memory_space<vmem>>
      %dma_wait3A_113 = tpu.memref_squeeze %dma_wait3A_112 : memref<1x1x40x64xf32, #tpu.memory_space<vmem>> -> memref<40x64xf32, #tpu.memory_space<vmem>>
      %dma_wait3A_114 = arith.constant 0 : i32
      %dma_wait3A_115 = tpu.memref_slice %arg4[%add3A_77, %dma_wait3A_114] : memref<160000x128xf32, #tpu.memory_space<hbm>> -> memref<40x64xf32, #tpu.memory_space<hbm>>
      %dma_wait3A_116 = arith.constant 0 : i32
      %dma_wait3A_117 = tpu.memref_slice %arg4[%add3A_77, %dma_wait3A_116] : memref<160000x128xf32, #tpu.memory_space<hbm>> -> memref<40x64xf32, #tpu.memory_space<hbm>>
      %dma_wait3A_118 = arith.constant 0 : i32
      %dma_wait3A_119 = arith.constant 0 : i32
      %dma_wait3A_120 = tpu.memref_slice %arg6[%run_scoped3A, %run_scoped3A_78, %dma_wait3A_118, %dma_wait3A_119] : memref<2x2x40x64xf32, #tpu.memory_space<vmem>> -> memref<1x1x40x64xf32, #tpu.memory_space<vmem>>
      %dma_wait3A_121 = tpu.memref_squeeze %dma_wait3A_120 : memref<1x1x40x64xf32, #tpu.memory_space<vmem>> -> memref<40x64xf32, #tpu.memory_space<vmem>>
      tpu.wait_dma2 semaphore(%run_scoped3A_97 : memref<!tpu.dma_semaphore, #tpu.memory_space<semaphore_mem>>) src(%dma_wait3A_121 : memref<40x64xf32, #tpu.memory_space<vmem>>) dst(%dma_wait3A_117 : memref<40x64xf32, #tpu.memory_space<hbm>>)
      tpu.yield
    }) : () -> ()
    %dma_wait3A_79 = arith.constant 1 : i32
    %dma_wait3A_80 = arith.constant 124 : i32
    %dma_wait3A_81 = arith.constant 1 : i32
    %dma_wait3A_82 = arith.constant 0 : i32
    %dma_wait3A_83 = arith.constant 0 : i32
    %dma_wait3A_84 = arith.constant 0 : i32
    %dma_wait3A_85 = tpu.memref_slice %arg6[%dma_wait3A_81, %dma_wait3A_82, %dma_wait3A_83, %dma_wait3A_84] : memref<2x2x40x64xf32, #tpu.memory_space<vmem>> -> memref<1x1x40x64xf32, #tpu.memory_space<vmem>>
    %dma_wait3A_86 = tpu.memref_squeeze %dma_wait3A_85 : memref<1x1x40x64xf32, #tpu.memory_space<vmem>> -> memref<40x64xf32, #tpu.memory_space<vmem>>
    %dma_wait3A_87 = arith.constant 0 : i32
    %dma_wait3A_88 = tpu.memref_slice %arg5[%dma_wait3A_79, %dma_wait3A_80, %dma_wait3A_87] : memref<2x125x40xi32, #tpu.memory_space<vmem>> -> memref<1x1x40xi32, #tpu.memory_space<vmem>>
    %dma_wait3A_89 = tpu.memref_squeeze %dma_wait3A_88 : memref<1x1x40xi32, #tpu.memory_space<vmem>> -> memref<40xi32, #tpu.memory_space<vmem>>
    %dma_wait3A_90 = arith.constant 0 : i32
    %dma_wait3A_91 = arith.constant 0 : i32
    %dma_wait3A_92 = tpu.memref_slice %arg3[%dma_wait3A_90, %dma_wait3A_91] : memref<10000x64xf32, #tpu.memory_space<hbm>> -> memref<10000x64xf32, #tpu.memory_space<hbm>>
    tpu.wait_indirect_dma semaphore(%arg9 : memref<!tpu.dma_semaphore, #tpu.memory_space<semaphore_mem>>) src(%dma_wait3A_92 : memref<10000x64xf32, #tpu.memory_space<hbm>>) dst(%dma_wait3A_86 : memref<40x64xf32, #tpu.memory_space<vmem>>)
    %add3A_93 = arith.constant 4960 : i32
    %add3A_94 = arith.addi %mul3A_2, %add3A_93 : i32
    %run_scoped3A_95 = arith.constant 1 : i32
    %run_scoped3A_96 = arith.constant 0 : i32
    "tpu.region"() ({
      %run_scoped3A_97 = tpu.sem_alloc : memref<!tpu.dma_semaphore, #tpu.memory_space<semaphore_mem>>
      %dma_start3A_98 = arith.constant 0 : i32
      %dma_start3A_99 = arith.constant 0 : i32
      %dma_start3A_100 = tpu.memref_slice %arg6[%run_scoped3A_95, %run_scoped3A_96, %dma_start3A_98, %dma_start3A_99] : memref<2x2x40x64xf32, #tpu.memory_space<vmem>> -> memref<1x1x40x64xf32, #tpu.memory_space<vmem>>
      %dma_start3A_101 = tpu.memref_squeeze %dma_start3A_100 : memref<1x1x40x64xf32, #tpu.memory_space<vmem>> -> memref<40x64xf32, #tpu.memory_space<vmem>>
      %dma_start3A_102 = arith.constant 64 : i32
      %dma_start3A_103 = tpu.memref_slice %arg4[%add3A_94, %dma_start3A_102] : memref<160000x128xf32, #tpu.memory_space<hbm>> -> memref<40x64xf32, #tpu.memory_space<hbm>>
      %dma_start3A_104 = arith.constant 64 : i32
      %dma_start3A_105 = tpu.memref_slice %arg4[%add3A_94, %dma_start3A_104] : memref<160000x128xf32, #tpu.memory_space<hbm>> -> memref<40x64xf32, #tpu.memory_space<hbm>>
      %dma_start3A_106 = arith.constant 0 : i32
      %dma_start3A_107 = arith.constant 0 : i32
      %dma_start3A_108 = tpu.memref_slice %arg6[%run_scoped3A_95, %run_scoped3A_96, %dma_start3A_106, %dma_start3A_107] : memref<2x2x40x64xf32, #tpu.memory_space<vmem>> -> memref<1x1x40x64xf32, #tpu.memory_space<vmem>>
      %dma_start3A_109 = tpu.memref_squeeze %dma_start3A_108 : memref<1x1x40x64xf32, #tpu.memory_space<vmem>> -> memref<40x64xf32, #tpu.memory_space<vmem>>
      tpu.enqueue_dma source(%dma_start3A_109 : memref<40x64xf32, #tpu.memory_space<vmem>>) target(%dma_start3A_105 : memref<40x64xf32, #tpu.memory_space<hbm>>) target_semaphore(%run_scoped3A_97 : memref<!tpu.dma_semaphore, #tpu.memory_space<semaphore_mem>>)
      %dma_wait3A_110 = arith.constant 0 : i32
      %dma_wait3A_111 = arith.constant 0 : i32
      %dma_wait3A_112 = tpu.memref_slice %arg6[%run_scoped3A_95, %run_scoped3A_96, %dma_wait3A_110, %dma_wait3A_111] : memref<2x2x40x64xf32, #tpu.memory_space<vmem>> -> memref<1x1x40x64xf32, #tpu.memory_space<vmem>>
      %dma_wait3A_113 = tpu.memref_squeeze %dma_wait3A_112 : memref<1x1x40x64xf32, #tpu.memory_space<vmem>> -> memref<40x64xf32, #tpu.memory_space<vmem>>
      %dma_wait3A_114 = arith.constant 64 : i32
      %dma_wait3A_115 = tpu.memref_slice %arg4[%add3A_94, %dma_wait3A_114] : memref<160000x128xf32, #tpu.memory_space<hbm>> -> memref<40x64xf32, #tpu.memory_space<hbm>>
      %dma_wait3A_116 = arith.constant 64 : i32
      %dma_wait3A_117 = tpu.memref_slice %arg4[%add3A_94, %dma_wait3A_116] : memref<160000x128xf32, #tpu.memory_space<hbm>> -> memref<40x64xf32, #tpu.memory_space<hbm>>
      %dma_wait3A_118 = arith.constant 0 : i32
      %dma_wait3A_119 = arith.constant 0 : i32
      %dma_wait3A_120 = tpu.memref_slice %arg6[%run_scoped3A_95, %run_scoped3A_96, %dma_wait3A_118, %dma_wait3A_119] : memref<2x2x40x64xf32, #tpu.memory_space<vmem>> -> memref<1x1x40x64xf32, #tpu.memory_space<vmem>>
      %dma_wait3A_121 = tpu.memref_squeeze %dma_wait3A_120 : memref<1x1x40x64xf32, #tpu.memory_space<vmem>> -> memref<40x64xf32, #tpu.memory_space<vmem>>
      tpu.wait_dma2 semaphore(%run_scoped3A_97 : memref<!tpu.dma_semaphore, #tpu.memory_space<semaphore_mem>>) src(%dma_wait3A_121 : memref<40x64xf32, #tpu.memory_space<vmem>>) dst(%dma_wait3A_117 : memref<40x64xf32, #tpu.memory_space<hbm>>)
      tpu.yield
    }) : () -> ()
    return
  }
}

#map = affine_map<(d0, d1) -> (0, 0)>
#map1 = affine_map<(d0, d1) -> (0, 0, 0, 0)>
#map2 = affine_map<(d0, d1) -> (0, 0, 0)>
module attributes {stable_mosaic.version = 14 : i64} {
  func.func @k(%arg0: i32, %arg1: i32, %arg2: memref<80000x128xf32, #tpu.memory_space<hbm>>, %arg3: memref<2x32x50x50xi32, #tpu.memory_space<hbm>>, %arg4: memref<2x10240x64xf32, #tpu.memory_space<hbm>>, %arg5: memref<2x50x50xi32, #tpu.memory_space<vmem>>, %arg6: memref<2x2x50x64xf32, #tpu.memory_space<vmem>>, %arg7: memref<128x64xf32, #tpu.memory_space<vmem>>, %arg8: memref<10240x64xf32, #tpu.memory_space<vmem_shared>>, %arg9: memref<!tpu.dma_semaphore, #tpu.memory_space<semaphore_mem>>, %arg10: memref<!tpu.dma_semaphore, #tpu.memory_space<semaphore_mem>>, %arg11: memref<!tpu.dma_semaphore, #tpu.memory_space<semaphore_mem>>, %arg12: memref<!tpu.dma_semaphore, #tpu.memory_space<semaphore_mem>>) attributes {dimension_semantics = [#tpu.dimension_semantics<core_parallel>, #tpu.dimension_semantics<subcore_parallel>], iteration_bounds = array<i64: 2, 16>, scalar_prefetch = 0 : i64, scratch_operands = 8 : i64, tpu.core_type = #tpu.core_type<sc_vector_subcore>, window_params = [{transform_indices = #map}, {transform_indices = #map1}, {transform_indices = #map2}]} {
    %mul3A = arith.constant 2 : i32
    %mul3A_0 = arith.muli %arg1, %mul3A : i32
    %add3A = arith.addi %mul3A_0, %arg0 : i32
    %mul3A_1 = arith.constant 2500 : i32
    %mul3A_2 = arith.muli %add3A, %mul3A_1 : i32
    %scan3A = arith.constant 0 : i32
    %scan3A_3 = arith.constant 0 : i32
    %scan3A_4 = arith.constant 128 : i32
    %scan3A_5 = arith.addi %scan3A_3, %scan3A_4 : i32
    %scan3A_6 = arith.constant 1 : i32
    scf.for %scan3A_102 = %scan3A_3 to %scan3A_5 step %scan3A_6  : i32 {
      %broadcast_in_dim3A = arith.constant 0.000000e+00 : f32
      %broadcast_in_dim3A_103 = vector.broadcast %broadcast_in_dim3A : f32 to vector<16xf32>
      %swap3A = arith.index_cast %scan3A_102 : i32 to index
      %swap3A_104 = arith.constant 0 : index
      %swap3A_105 = tpu.vector_load %arg7[%swap3A, %swap3A_104] {strides = array<i32>} : memref<128x64xf32, #tpu.memory_space<vmem>>, vector<1x16xf32>,
      %swap3A_106 = vector.shape_cast %swap3A_105 : vector<1x16xf32> to vector<16xf32>
      %swap3A_107 = vector.shape_cast %broadcast_in_dim3A_103 : vector<16xf32> to vector<1x16xf32>
      tpu.vector_store %arg7[%swap3A, %swap3A_104], %swap3A_107 {strides = array<i32>} : memref<128x64xf32, #tpu.memory_space<vmem>>, vector<1x16xf32>,
      %broadcast_in_dim3A_108 = arith.constant 0.000000e+00 : f32
      %broadcast_in_dim3A_109 = vector.broadcast %broadcast_in_dim3A_108 : f32 to vector<16xf32>
      %swap3A_110 = arith.index_cast %scan3A_102 : i32 to index
      %swap3A_111 = arith.constant 16 : index
      %swap3A_112 = tpu.vector_load %arg7[%swap3A_110, %swap3A_111] {strides = array<i32>} : memref<128x64xf32, #tpu.memory_space<vmem>>, vector<1x16xf32>,
      %swap3A_113 = vector.shape_cast %swap3A_112 : vector<1x16xf32> to vector<16xf32>
      %swap3A_114 = vector.shape_cast %broadcast_in_dim3A_109 : vector<16xf32> to vector<1x16xf32>
      tpu.vector_store %arg7[%swap3A_110, %swap3A_111], %swap3A_114 {strides = array<i32>} : memref<128x64xf32, #tpu.memory_space<vmem>>, vector<1x16xf32>,
      %broadcast_in_dim3A_115 = arith.constant 0.000000e+00 : f32
      %broadcast_in_dim3A_116 = vector.broadcast %broadcast_in_dim3A_115 : f32 to vector<16xf32>
      %swap3A_117 = arith.index_cast %scan3A_102 : i32 to index
      %swap3A_118 = arith.constant 32 : index
      %swap3A_119 = tpu.vector_load %arg7[%swap3A_117, %swap3A_118] {strides = array<i32>} : memref<128x64xf32, #tpu.memory_space<vmem>>, vector<1x16xf32>,
      %swap3A_120 = vector.shape_cast %swap3A_119 : vector<1x16xf32> to vector<16xf32>
      %swap3A_121 = vector.shape_cast %broadcast_in_dim3A_116 : vector<16xf32> to vector<1x16xf32>
      tpu.vector_store %arg7[%swap3A_117, %swap3A_118], %swap3A_121 {strides = array<i32>} : memref<128x64xf32, #tpu.memory_space<vmem>>, vector<1x16xf32>,
      %broadcast_in_dim3A_122 = arith.constant 0.000000e+00 : f32
      %broadcast_in_dim3A_123 = vector.broadcast %broadcast_in_dim3A_122 : f32 to vector<16xf32>
      %swap3A_124 = arith.index_cast %scan3A_102 : i32 to index
      %swap3A_125 = arith.constant 48 : index
      %swap3A_126 = tpu.vector_load %arg7[%swap3A_124, %swap3A_125] {strides = array<i32>} : memref<128x64xf32, #tpu.memory_space<vmem>>, vector<1x16xf32>,
      %swap3A_127 = vector.shape_cast %swap3A_126 : vector<1x16xf32> to vector<16xf32>
      %swap3A_128 = vector.shape_cast %broadcast_in_dim3A_123 : vector<16xf32> to vector<1x16xf32>
      tpu.vector_store %arg7[%swap3A_124, %swap3A_125], %swap3A_128 {strides = array<i32>} : memref<128x64xf32, #tpu.memory_space<vmem>>, vector<1x16xf32>,
    }
    %scan3A_7 = arith.constant 128 : i32
    %mul3A_8 = arith.constant 640 : i32
    %mul3A_9 = arith.muli %arg1, %mul3A_8 : i32
    %add3A_10 = arith.constant 0 : i32
    %add3A_11 = arith.addi %mul3A_9, %add3A_10 : i32
    "tpu.region"() ({
      %run_scoped3A = tpu.sem_alloc : memref<!tpu.dma_semaphore, #tpu.memory_space<semaphore_mem>>
      %dma_start3A_102 = arith.constant 0 : i32
      %dma_start3A_103 = tpu.memref_slice %arg8[%add3A_11, %dma_start3A_102] : memref<10240x64xf32, #tpu.memory_space<vmem_shared>> -> memref<128x64xf32, #tpu.memory_space<vmem_shared>>
      %dma_start3A_104 = arith.constant 0 : i32
      %dma_start3A_105 = tpu.memref_slice %arg8[%add3A_11, %dma_start3A_104] : memref<10240x64xf32, #tpu.memory_space<vmem_shared>> -> memref<128x64xf32, #tpu.memory_space<vmem_shared>>
      tpu.enqueue_dma source(%arg7 : memref<128x64xf32, #tpu.memory_space<vmem>>) target(%dma_start3A_105 : memref<128x64xf32, #tpu.memory_space<vmem_shared>>) target_semaphore(%run_scoped3A : memref<!tpu.dma_semaphore, #tpu.memory_space<semaphore_mem>>)
      %dma_wait3A = arith.constant 0 : i32
      %dma_wait3A_106 = tpu.memref_slice %arg8[%add3A_11, %dma_wait3A] : memref<10240x64xf32, #tpu.memory_space<vmem_shared>> -> memref<128x64xf32, #tpu.memory_space<vmem_shared>>
      %dma_wait3A_107 = arith.constant 0 : i32
      %dma_wait3A_108 = tpu.memref_slice %arg8[%add3A_11, %dma_wait3A_107] : memref<10240x64xf32, #tpu.memory_space<vmem_shared>> -> memref<128x64xf32, #tpu.memory_space<vmem_shared>>
      tpu.wait_dma2 semaphore(%run_scoped3A : memref<!tpu.dma_semaphore, #tpu.memory_space<semaphore_mem>>) src(%arg7 : memref<128x64xf32, #tpu.memory_space<vmem>>) dst(%dma_wait3A_108 : memref<128x64xf32, #tpu.memory_space<vmem_shared>>)
      tpu.yield
    }) : () -> ()
    %mul3A_12 = arith.constant 640 : i32
    %mul3A_13 = arith.muli %arg1, %mul3A_12 : i32
    %add3A_14 = arith.constant 128 : i32
    %add3A_15 = arith.addi %mul3A_13, %add3A_14 : i32
    "tpu.region"() ({
      %run_scoped3A = tpu.sem_alloc : memref<!tpu.dma_semaphore, #tpu.memory_space<semaphore_mem>>
      %dma_start3A_102 = arith.constant 0 : i32
      %dma_start3A_103 = tpu.memref_slice %arg8[%add3A_15, %dma_start3A_102] : memref<10240x64xf32, #tpu.memory_space<vmem_shared>> -> memref<128x64xf32, #tpu.memory_space<vmem_shared>>
      %dma_start3A_104 = arith.constant 0 : i32
      %dma_start3A_105 = tpu.memref_slice %arg8[%add3A_15, %dma_start3A_104] : memref<10240x64xf32, #tpu.memory_space<vmem_shared>> -> memref<128x64xf32, #tpu.memory_space<vmem_shared>>
      tpu.enqueue_dma source(%arg7 : memref<128x64xf32, #tpu.memory_space<vmem>>) target(%dma_start3A_105 : memref<128x64xf32, #tpu.memory_space<vmem_shared>>) target_semaphore(%run_scoped3A : memref<!tpu.dma_semaphore, #tpu.memory_space<semaphore_mem>>)
      %dma_wait3A = arith.constant 0 : i32
      %dma_wait3A_106 = tpu.memref_slice %arg8[%add3A_15, %dma_wait3A] : memref<10240x64xf32, #tpu.memory_space<vmem_shared>> -> memref<128x64xf32, #tpu.memory_space<vmem_shared>>
      %dma_wait3A_107 = arith.constant 0 : i32
      %dma_wait3A_108 = tpu.memref_slice %arg8[%add3A_15, %dma_wait3A_107] : memref<10240x64xf32, #tpu.memory_space<vmem_shared>> -> memref<128x64xf32, #tpu.memory_space<vmem_shared>>
      tpu.wait_dma2 semaphore(%run_scoped3A : memref<!tpu.dma_semaphore, #tpu.memory_space<semaphore_mem>>) src(%arg7 : memref<128x64xf32, #tpu.memory_space<vmem>>) dst(%dma_wait3A_108 : memref<128x64xf32, #tpu.memory_space<vmem_shared>>)
      tpu.yield
    }) : () -> ()
    %mul3A_16 = arith.constant 640 : i32
    %mul3A_17 = arith.muli %arg1, %mul3A_16 : i32
    %add3A_18 = arith.constant 256 : i32
    %add3A_19 = arith.addi %mul3A_17, %add3A_18 : i32
    "tpu.region"() ({
      %run_scoped3A = tpu.sem_alloc : memref<!tpu.dma_semaphore, #tpu.memory_space<semaphore_mem>>
      %dma_start3A_102 = arith.constant 0 : i32
      %dma_start3A_103 = tpu.memref_slice %arg8[%add3A_19, %dma_start3A_102] : memref<10240x64xf32, #tpu.memory_space<vmem_shared>> -> memref<128x64xf32, #tpu.memory_space<vmem_shared>>
      %dma_start3A_104 = arith.constant 0 : i32
      %dma_start3A_105 = tpu.memref_slice %arg8[%add3A_19, %dma_start3A_104] : memref<10240x64xf32, #tpu.memory_space<vmem_shared>> -> memref<128x64xf32, #tpu.memory_space<vmem_shared>>
      tpu.enqueue_dma source(%arg7 : memref<128x64xf32, #tpu.memory_space<vmem>>) target(%dma_start3A_105 : memref<128x64xf32, #tpu.memory_space<vmem_shared>>) target_semaphore(%run_scoped3A : memref<!tpu.dma_semaphore, #tpu.memory_space<semaphore_mem>>)
      %dma_wait3A = arith.constant 0 : i32
      %dma_wait3A_106 = tpu.memref_slice %arg8[%add3A_19, %dma_wait3A] : memref<10240x64xf32, #tpu.memory_space<vmem_shared>> -> memref<128x64xf32, #tpu.memory_space<vmem_shared>>
      %dma_wait3A_107 = arith.constant 0 : i32
      %dma_wait3A_108 = tpu.memref_slice %arg8[%add3A_19, %dma_wait3A_107] : memref<10240x64xf32, #tpu.memory_space<vmem_shared>> -> memref<128x64xf32, #tpu.memory_space<vmem_shared>>
      tpu.wait_dma2 semaphore(%run_scoped3A : memref<!tpu.dma_semaphore, #tpu.memory_space<semaphore_mem>>) src(%arg7 : memref<128x64xf32, #tpu.memory_space<vmem>>) dst(%dma_wait3A_108 : memref<128x64xf32, #tpu.memory_space<vmem_shared>>)
      tpu.yield
    }) : () -> ()
    %mul3A_20 = arith.constant 640 : i32
    %mul3A_21 = arith.muli %arg1, %mul3A_20 : i32
    %add3A_22 = arith.constant 384 : i32
    %add3A_23 = arith.addi %mul3A_21, %add3A_22 : i32
    "tpu.region"() ({
      %run_scoped3A = tpu.sem_alloc : memref<!tpu.dma_semaphore, #tpu.memory_space<semaphore_mem>>
      %dma_start3A_102 = arith.constant 0 : i32
      %dma_start3A_103 = tpu.memref_slice %arg8[%add3A_23, %dma_start3A_102] : memref<10240x64xf32, #tpu.memory_space<vmem_shared>> -> memref<128x64xf32, #tpu.memory_space<vmem_shared>>
      %dma_start3A_104 = arith.constant 0 : i32
      %dma_start3A_105 = tpu.memref_slice %arg8[%add3A_23, %dma_start3A_104] : memref<10240x64xf32, #tpu.memory_space<vmem_shared>> -> memref<128x64xf32, #tpu.memory_space<vmem_shared>>
      tpu.enqueue_dma source(%arg7 : memref<128x64xf32, #tpu.memory_space<vmem>>) target(%dma_start3A_105 : memref<128x64xf32, #tpu.memory_space<vmem_shared>>) target_semaphore(%run_scoped3A : memref<!tpu.dma_semaphore, #tpu.memory_space<semaphore_mem>>)
      %dma_wait3A = arith.constant 0 : i32
      %dma_wait3A_106 = tpu.memref_slice %arg8[%add3A_23, %dma_wait3A] : memref<10240x64xf32, #tpu.memory_space<vmem_shared>> -> memref<128x64xf32, #tpu.memory_space<vmem_shared>>
      %dma_wait3A_107 = arith.constant 0 : i32
      %dma_wait3A_108 = tpu.memref_slice %arg8[%add3A_23, %dma_wait3A_107] : memref<10240x64xf32, #tpu.memory_space<vmem_shared>> -> memref<128x64xf32, #tpu.memory_space<vmem_shared>>
      tpu.wait_dma2 semaphore(%run_scoped3A : memref<!tpu.dma_semaphore, #tpu.memory_space<semaphore_mem>>) src(%arg7 : memref<128x64xf32, #tpu.memory_space<vmem>>) dst(%dma_wait3A_108 : memref<128x64xf32, #tpu.memory_space<vmem_shared>>)
      tpu.yield
    }) : () -> ()
    %mul3A_24 = arith.constant 640 : i32
    %mul3A_25 = arith.muli %arg1, %mul3A_24 : i32
    %add3A_26 = arith.constant 512 : i32
    %add3A_27 = arith.addi %mul3A_25, %add3A_26 : i32
    "tpu.region"() ({
      %run_scoped3A = tpu.sem_alloc : memref<!tpu.dma_semaphore, #tpu.memory_space<semaphore_mem>>
      %dma_start3A_102 = arith.constant 0 : i32
      %dma_start3A_103 = tpu.memref_slice %arg8[%add3A_27, %dma_start3A_102] : memref<10240x64xf32, #tpu.memory_space<vmem_shared>> -> memref<128x64xf32, #tpu.memory_space<vmem_shared>>
      %dma_start3A_104 = arith.constant 0 : i32
      %dma_start3A_105 = tpu.memref_slice %arg8[%add3A_27, %dma_start3A_104] : memref<10240x64xf32, #tpu.memory_space<vmem_shared>> -> memref<128x64xf32, #tpu.memory_space<vmem_shared>>
      tpu.enqueue_dma source(%arg7 : memref<128x64xf32, #tpu.memory_space<vmem>>) target(%dma_start3A_105 : memref<128x64xf32, #tpu.memory_space<vmem_shared>>) target_semaphore(%run_scoped3A : memref<!tpu.dma_semaphore, #tpu.memory_space<semaphore_mem>>)
      %dma_wait3A = arith.constant 0 : i32
      %dma_wait3A_106 = tpu.memref_slice %arg8[%add3A_27, %dma_wait3A] : memref<10240x64xf32, #tpu.memory_space<vmem_shared>> -> memref<128x64xf32, #tpu.memory_space<vmem_shared>>
      %dma_wait3A_107 = arith.constant 0 : i32
      %dma_wait3A_108 = tpu.memref_slice %arg8[%add3A_27, %dma_wait3A_107] : memref<10240x64xf32, #tpu.memory_space<vmem_shared>> -> memref<128x64xf32, #tpu.memory_space<vmem_shared>>
      tpu.wait_dma2 semaphore(%run_scoped3A : memref<!tpu.dma_semaphore, #tpu.memory_space<semaphore_mem>>) src(%arg7 : memref<128x64xf32, #tpu.memory_space<vmem>>) dst(%dma_wait3A_108 : memref<128x64xf32, #tpu.memory_space<vmem_shared>>)
      tpu.yield
    }) : () -> ()
    %barrier3A = arith.constant 0 : index
    tpu.barrier barrier_id(%barrier3A)
    "tpu.region"() ({
      %run_scoped3A = tpu.sem_alloc : memref<!tpu.dma_semaphore, #tpu.memory_space<semaphore_mem>>
      %dma_start3A_102 = arith.constant 0 : i32
      %dma_start3A_103 = arith.constant 0 : i32
      %dma_start3A_104 = arith.constant 0 : i32
      %dma_start3A_105 = tpu.memref_slice %arg3[%dma_start3A_102, %add3A, %dma_start3A_103, %dma_start3A_104] : memref<2x32x50x50xi32, #tpu.memory_space<hbm>> -> memref<2x1x50x50xi32, #tpu.memory_space<hbm>>
      %dma_start3A_106 = tpu.memref_squeeze %dma_start3A_105 : memref<2x1x50x50xi32, #tpu.memory_space<hbm>> -> memref<2x50x50xi32, #tpu.memory_space<hbm>>
      %dma_start3A_107 = arith.constant 0 : i32
      %dma_start3A_108 = arith.constant 0 : i32
      %dma_start3A_109 = arith.constant 0 : i32
      %dma_start3A_110 = tpu.memref_slice %arg3[%dma_start3A_107, %add3A, %dma_start3A_108, %dma_start3A_109] : memref<2x32x50x50xi32, #tpu.memory_space<hbm>> -> memref<2x1x50x50xi32, #tpu.memory_space<hbm>>
      %dma_start3A_111 = tpu.memref_squeeze %dma_start3A_110 : memref<2x1x50x50xi32, #tpu.memory_space<hbm>> -> memref<2x50x50xi32, #tpu.memory_space<hbm>>
      tpu.enqueue_dma source(%dma_start3A_111 : memref<2x50x50xi32, #tpu.memory_space<hbm>>) target(%arg5 : memref<2x50x50xi32, #tpu.memory_space<vmem>>) target_semaphore(%run_scoped3A : memref<!tpu.dma_semaphore, #tpu.memory_space<semaphore_mem>>)
      %dma_wait3A = arith.constant 0 : i32
      %dma_wait3A_112 = arith.constant 0 : i32
      %dma_wait3A_113 = arith.constant 0 : i32
      %dma_wait3A_114 = tpu.memref_slice %arg3[%dma_wait3A, %add3A, %dma_wait3A_112, %dma_wait3A_113] : memref<2x32x50x50xi32, #tpu.memory_space<hbm>> -> memref<2x1x50x50xi32, #tpu.memory_space<hbm>>
      %dma_wait3A_115 = tpu.memref_squeeze %dma_wait3A_114 : memref<2x1x50x50xi32, #tpu.memory_space<hbm>> -> memref<2x50x50xi32, #tpu.memory_space<hbm>>
      %dma_wait3A_116 = arith.constant 0 : i32
      %dma_wait3A_117 = arith.constant 0 : i32
      %dma_wait3A_118 = arith.constant 0 : i32
      %dma_wait3A_119 = tpu.memref_slice %arg3[%dma_wait3A_116, %add3A, %dma_wait3A_117, %dma_wait3A_118] : memref<2x32x50x50xi32, #tpu.memory_space<hbm>> -> memref<2x1x50x50xi32, #tpu.memory_space<hbm>>
      %dma_wait3A_120 = tpu.memref_squeeze %dma_wait3A_119 : memref<2x1x50x50xi32, #tpu.memory_space<hbm>> -> memref<2x50x50xi32, #tpu.memory_space<hbm>>
      tpu.wait_dma2 semaphore(%run_scoped3A : memref<!tpu.dma_semaphore, #tpu.memory_space<semaphore_mem>>) src(%dma_wait3A_120 : memref<2x50x50xi32, #tpu.memory_space<hbm>>) dst(%arg5 : memref<2x50x50xi32, #tpu.memory_space<vmem>>)
      tpu.yield
    }) : () -> ()
    %add3A_28 = arith.constant 0 : i32
    %add3A_29 = arith.addi %mul3A_2, %add3A_28 : i32
    %dma_start3A = arith.constant 0 : i32
    %dma_start3A_30 = arith.constant 0 : i32
    %dma_start3A_31 = arith.constant 0 : i32
    %dma_start3A_32 = arith.constant 0 : i32
    %dma_start3A_33 = tpu.memref_slice %arg6[%dma_start3A, %dma_start3A_30, %dma_start3A_31, %dma_start3A_32] : memref<2x2x50x64xf32, #tpu.memory_space<vmem>> -> memref<1x1x50x64xf32, #tpu.memory_space<vmem>>
    %dma_start3A_34 = tpu.memref_squeeze %dma_start3A_33 : memref<1x1x50x64xf32, #tpu.memory_space<vmem>> -> memref<50x64xf32, #tpu.memory_space<vmem>>
    %dma_start3A_35 = arith.constant 0 : i32
    %dma_start3A_36 = tpu.memref_slice %arg2[%add3A_29, %dma_start3A_35] : memref<80000x128xf32, #tpu.memory_space<hbm>> -> memref<50x64xf32, #tpu.memory_space<hbm>>
    %dma_start3A_37 = arith.constant 0 : i32
    %dma_start3A_38 = arith.constant 0 : i32
    %dma_start3A_39 = tpu.memref_slice %arg6[%dma_start3A, %dma_start3A_30, %dma_start3A_37, %dma_start3A_38] : memref<2x2x50x64xf32, #tpu.memory_space<vmem>> -> memref<1x1x50x64xf32, #tpu.memory_space<vmem>>
    %dma_start3A_40 = tpu.memref_squeeze %dma_start3A_39 : memref<1x1x50x64xf32, #tpu.memory_space<vmem>> -> memref<50x64xf32, #tpu.memory_space<vmem>>
    %dma_start3A_41 = arith.constant 0 : i32
    %dma_start3A_42 = tpu.memref_slice %arg2[%add3A_29, %dma_start3A_41] : memref<80000x128xf32, #tpu.memory_space<hbm>> -> memref<50x64xf32, #tpu.memory_space<hbm>>
    tpu.enqueue_dma source(%dma_start3A_42 : memref<50x64xf32, #tpu.memory_space<hbm>>) target(%dma_start3A_40 : memref<50x64xf32, #tpu.memory_space<vmem>>) target_semaphore(%arg9 : memref<!tpu.dma_semaphore, #tpu.memory_space<semaphore_mem>>)
    %add3A_43 = arith.constant 0 : i32
    %add3A_44 = arith.addi %mul3A_2, %add3A_43 : i32
    %dma_start3A_45 = arith.constant 1 : i32
    %dma_start3A_46 = arith.constant 0 : i32
    %dma_start3A_47 = arith.constant 0 : i32
    %dma_start3A_48 = arith.constant 0 : i32
    %dma_start3A_49 = tpu.memref_slice %arg6[%dma_start3A_45, %dma_start3A_46, %dma_start3A_47, %dma_start3A_48] : memref<2x2x50x64xf32, #tpu.memory_space<vmem>> -> memref<1x1x50x64xf32, #tpu.memory_space<vmem>>
    %dma_start3A_50 = tpu.memref_squeeze %dma_start3A_49 : memref<1x1x50x64xf32, #tpu.memory_space<vmem>> -> memref<50x64xf32, #tpu.memory_space<vmem>>
    %dma_start3A_51 = arith.constant 64 : i32
    %dma_start3A_52 = tpu.memref_slice %arg2[%add3A_44, %dma_start3A_51] : memref<80000x128xf32, #tpu.memory_space<hbm>> -> memref<50x64xf32, #tpu.memory_space<hbm>>
    %dma_start3A_53 = arith.constant 0 : i32
    %dma_start3A_54 = arith.constant 0 : i32
    %dma_start3A_55 = tpu.memref_slice %arg6[%dma_start3A_45, %dma_start3A_46, %dma_start3A_53, %dma_start3A_54] : memref<2x2x50x64xf32, #tpu.memory_space<vmem>> -> memref<1x1x50x64xf32, #tpu.memory_space<vmem>>
    %dma_start3A_56 = tpu.memref_squeeze %dma_start3A_55 : memref<1x1x50x64xf32, #tpu.memory_space<vmem>> -> memref<50x64xf32, #tpu.memory_space<vmem>>
    %dma_start3A_57 = arith.constant 64 : i32
    %dma_start3A_58 = tpu.memref_slice %arg2[%add3A_44, %dma_start3A_57] : memref<80000x128xf32, #tpu.memory_space<hbm>> -> memref<50x64xf32, #tpu.memory_space<hbm>>
    tpu.enqueue_dma source(%dma_start3A_58 : memref<50x64xf32, #tpu.memory_space<hbm>>) target(%dma_start3A_56 : memref<50x64xf32, #tpu.memory_space<vmem>>) target_semaphore(%arg11 : memref<!tpu.dma_semaphore, #tpu.memory_space<semaphore_mem>>)
    %add3A_59 = arith.constant 50 : i32
    %add3A_60 = arith.addi %mul3A_2, %add3A_59 : i32
    %dma_start3A_61 = arith.constant 0 : i32
    %dma_start3A_62 = arith.constant 1 : i32
    %dma_start3A_63 = arith.constant 0 : i32
    %dma_start3A_64 = arith.constant 0 : i32
    %dma_start3A_65 = tpu.memref_slice %arg6[%dma_start3A_61, %dma_start3A_62, %dma_start3A_63, %dma_start3A_64] : memref<2x2x50x64xf32, #tpu.memory_space<vmem>> -> memref<1x1x50x64xf32, #tpu.memory_space<vmem>>
    %dma_start3A_66 = tpu.memref_squeeze %dma_start3A_65 : memref<1x1x50x64xf32, #tpu.memory_space<vmem>> -> memref<50x64xf32, #tpu.memory_space<vmem>>
    %dma_start3A_67 = arith.constant 0 : i32
    %dma_start3A_68 = tpu.memref_slice %arg2[%add3A_60, %dma_start3A_67] : memref<80000x128xf32, #tpu.memory_space<hbm>> -> memref<50x64xf32, #tpu.memory_space<hbm>>
    %dma_start3A_69 = arith.constant 0 : i32
    %dma_start3A_70 = arith.constant 0 : i32
    %dma_start3A_71 = tpu.memref_slice %arg6[%dma_start3A_61, %dma_start3A_62, %dma_start3A_69, %dma_start3A_70] : memref<2x2x50x64xf32, #tpu.memory_space<vmem>> -> memref<1x1x50x64xf32, #tpu.memory_space<vmem>>
    %dma_start3A_72 = tpu.memref_squeeze %dma_start3A_71 : memref<1x1x50x64xf32, #tpu.memory_space<vmem>> -> memref<50x64xf32, #tpu.memory_space<vmem>>
    %dma_start3A_73 = arith.constant 0 : i32
    %dma_start3A_74 = tpu.memref_slice %arg2[%add3A_60, %dma_start3A_73] : memref<80000x128xf32, #tpu.memory_space<hbm>> -> memref<50x64xf32, #tpu.memory_space<hbm>>
    tpu.enqueue_dma source(%dma_start3A_74 : memref<50x64xf32, #tpu.memory_space<hbm>>) target(%dma_start3A_72 : memref<50x64xf32, #tpu.memory_space<vmem>>) target_semaphore(%arg10 : memref<!tpu.dma_semaphore, #tpu.memory_space<semaphore_mem>>)
    %add3A_75 = arith.constant 50 : i32
    %add3A_76 = arith.addi %mul3A_2, %add3A_75 : i32
    %dma_start3A_77 = arith.constant 1 : i32
    %dma_start3A_78 = arith.constant 1 : i32
    %dma_start3A_79 = arith.constant 0 : i32
    %dma_start3A_80 = arith.constant 0 : i32
    %dma_start3A_81 = tpu.memref_slice %arg6[%dma_start3A_77, %dma_start3A_78, %dma_start3A_79, %dma_start3A_80] : memref<2x2x50x64xf32, #tpu.memory_space<vmem>> -> memref<1x1x50x64xf32, #tpu.memory_space<vmem>>
    %dma_start3A_82 = tpu.memref_squeeze %dma_start3A_81 : memref<1x1x50x64xf32, #tpu.memory_space<vmem>> -> memref<50x64xf32, #tpu.memory_space<vmem>>
    %dma_start3A_83 = arith.constant 64 : i32
    %dma_start3A_84 = tpu.memref_slice %arg2[%add3A_76, %dma_start3A_83] : memref<80000x128xf32, #tpu.memory_space<hbm>> -> memref<50x64xf32, #tpu.memory_space<hbm>>
    %dma_start3A_85 = arith.constant 0 : i32
    %dma_start3A_86 = arith.constant 0 : i32
    %dma_start3A_87 = tpu.memref_slice %arg6[%dma_start3A_77, %dma_start3A_78, %dma_start3A_85, %dma_start3A_86] : memref<2x2x50x64xf32, #tpu.memory_space<vmem>> -> memref<1x1x50x64xf32, #tpu.memory_space<vmem>>
    %dma_start3A_88 = tpu.memref_squeeze %dma_start3A_87 : memref<1x1x50x64xf32, #tpu.memory_space<vmem>> -> memref<50x64xf32, #tpu.memory_space<vmem>>
    %dma_start3A_89 = arith.constant 64 : i32
    %dma_start3A_90 = tpu.memref_slice %arg2[%add3A_76, %dma_start3A_89] : memref<80000x128xf32, #tpu.memory_space<hbm>> -> memref<50x64xf32, #tpu.memory_space<hbm>>
    tpu.enqueue_dma source(%dma_start3A_90 : memref<50x64xf32, #tpu.memory_space<hbm>>) target(%dma_start3A_88 : memref<50x64xf32, #tpu.memory_space<vmem>>) target_semaphore(%arg12 : memref<!tpu.dma_semaphore, #tpu.memory_space<semaphore_mem>>)
    %scan3A_91 = arith.constant 0 : i32
    %scan3A_92 = arith.constant 0 : i32
    %scan3A_93 = arith.constant 25 : i32
    %scan3A_94 = arith.addi %scan3A_92, %scan3A_93 : i32
    %scan3A_95 = arith.constant 1 : i32
    scf.for %scan3A_102 = %scan3A_92 to %scan3A_94 step %scan3A_95  : i32 {
      %mul3A_103 = arith.constant 2 : i32
      %mul3A_104 = arith.muli %mul3A_103, %scan3A_102 : i32
      %add3A_105 = arith.constant 0 : i32
      %add3A_106 = arith.addi %mul3A_104, %add3A_105 : i32
      %mul3A_107 = arith.constant 50 : i32
      %mul3A_108 = arith.muli %add3A_106, %mul3A_107 : i32
      %add3A_109 = arith.addi %mul3A_2, %mul3A_108 : i32
      %dma_wait3A = arith.constant 0 : i32
      %dma_wait3A_110 = arith.constant 0 : i32
      %dma_wait3A_111 = arith.constant 0 : i32
      %dma_wait3A_112 = arith.constant 0 : i32
      %dma_wait3A_113 = tpu.memref_slice %arg6[%dma_wait3A, %dma_wait3A_110, %dma_wait3A_111, %dma_wait3A_112] : memref<2x2x50x64xf32, #tpu.memory_space<vmem>> -> memref<1x1x50x64xf32, #tpu.memory_space<vmem>>
      %dma_wait3A_114 = tpu.memref_squeeze %dma_wait3A_113 : memref<1x1x50x64xf32, #tpu.memory_space<vmem>> -> memref<50x64xf32, #tpu.memory_space<vmem>>
      %dma_wait3A_115 = arith.constant 0 : i32
      %dma_wait3A_116 = tpu.memref_slice %arg2[%add3A_109, %dma_wait3A_115] : memref<80000x128xf32, #tpu.memory_space<hbm>> -> memref<50x64xf32, #tpu.memory_space<hbm>>
      %dma_wait3A_117 = arith.constant 0 : i32
      %dma_wait3A_118 = arith.constant 0 : i32
      %dma_wait3A_119 = tpu.memref_slice %arg6[%dma_wait3A, %dma_wait3A_110, %dma_wait3A_117, %dma_wait3A_118] : memref<2x2x50x64xf32, #tpu.memory_space<vmem>> -> memref<1x1x50x64xf32, #tpu.memory_space<vmem>>
      %dma_wait3A_120 = tpu.memref_squeeze %dma_wait3A_119 : memref<1x1x50x64xf32, #tpu.memory_space<vmem>> -> memref<50x64xf32, #tpu.memory_space<vmem>>
      %dma_wait3A_121 = arith.constant 0 : i32
      %dma_wait3A_122 = tpu.memref_slice %arg2[%add3A_109, %dma_wait3A_121] : memref<80000x128xf32, #tpu.memory_space<hbm>> -> memref<50x64xf32, #tpu.memory_space<hbm>>
      tpu.wait_dma2 semaphore(%arg9 : memref<!tpu.dma_semaphore, #tpu.memory_space<semaphore_mem>>) src(%dma_wait3A_122 : memref<50x64xf32, #tpu.memory_space<hbm>>) dst(%dma_wait3A_120 : memref<50x64xf32, #tpu.memory_space<vmem>>)
      %run_scoped3A = arith.constant 0 : i32
      %run_scoped3A_123 = arith.constant 0 : i32
      %run_scoped3A_124 = arith.constant 0 : i32
      "tpu.region"() ({
        %run_scoped3A_198 = tpu.sem_alloc : memref<!tpu.dma_semaphore, #tpu.memory_space<semaphore_mem>>
        %dma_start3A_199 = arith.constant 0 : i32
        %dma_start3A_200 = arith.constant 0 : i32
        %dma_start3A_201 = tpu.memref_slice %arg6[%run_scoped3A, %run_scoped3A_123, %dma_start3A_199, %dma_start3A_200] : memref<2x2x50x64xf32, #tpu.memory_space<vmem>> -> memref<1x1x50x64xf32, #tpu.memory_space<vmem>>
        %dma_start3A_202 = tpu.memref_squeeze %dma_start3A_201 : memref<1x1x50x64xf32, #tpu.memory_space<vmem>> -> memref<50x64xf32, #tpu.memory_space<vmem>>
        %dma_start3A_203 = arith.constant 0 : i32
        %dma_start3A_204 = tpu.memref_slice %arg5[%run_scoped3A_124, %add3A_106, %dma_start3A_203] : memref<2x50x50xi32, #tpu.memory_space<vmem>> -> memref<1x1x50xi32, #tpu.memory_space<vmem>>
        %dma_start3A_205 = tpu.memref_squeeze %dma_start3A_204 : memref<1x1x50xi32, #tpu.memory_space<vmem>> -> memref<50xi32, #tpu.memory_space<vmem>>
        %dma_start3A_206 = arith.constant 0 : i32
        %dma_start3A_207 = arith.constant 0 : i32
        %dma_start3A_208 = tpu.memref_slice %arg8[%dma_start3A_206, %dma_start3A_207] : memref<10240x64xf32, #tpu.memory_space<vmem_shared>> -> memref<10240x64xf32, #tpu.memory_space<vmem_shared>>
        tpu.enqueue_indirect_dma source(%dma_start3A_202 : memref<50x64xf32, #tpu.memory_space<vmem>>) target(%dma_start3A_208 : memref<10240x64xf32, #tpu.memory_space<vmem_shared>>) offsets(%dma_start3A_205 : memref<50xi32, #tpu.memory_space<vmem>>) semaphore(%run_scoped3A_198 : memref<!tpu.dma_semaphore, #tpu.memory_space<semaphore_mem>>) {add = true}
        %dma_wait3A_209 = arith.constant 0 : i32
        %dma_wait3A_210 = arith.constant 0 : i32
        %dma_wait3A_211 = tpu.memref_slice %arg6[%run_scoped3A, %run_scoped3A_123, %dma_wait3A_209, %dma_wait3A_210] : memref<2x2x50x64xf32, #tpu.memory_space<vmem>> -> memref<1x1x50x64xf32, #tpu.memory_space<vmem>>
        %dma_wait3A_212 = tpu.memref_squeeze %dma_wait3A_211 : memref<1x1x50x64xf32, #tpu.memory_space<vmem>> -> memref<50x64xf32, #tpu.memory_space<vmem>>
        %dma_wait3A_213 = arith.constant 0 : i32
        %dma_wait3A_214 = tpu.memref_slice %arg5[%run_scoped3A_124, %add3A_106, %dma_wait3A_213] : memref<2x50x50xi32, #tpu.memory_space<vmem>> -> memref<1x1x50xi32, #tpu.memory_space<vmem>>
        %dma_wait3A_215 = tpu.memref_squeeze %dma_wait3A_214 : memref<1x1x50xi32, #tpu.memory_space<vmem>> -> memref<50xi32, #tpu.memory_space<vmem>>
        %dma_wait3A_216 = arith.constant 0 : i32
        %dma_wait3A_217 = arith.constant 0 : i32
        %dma_wait3A_218 = tpu.memref_slice %arg8[%dma_wait3A_216, %dma_wait3A_217] : memref<10240x64xf32, #tpu.memory_space<vmem_shared>> -> memref<10240x64xf32, #tpu.memory_space<vmem_shared>>
        tpu.wait_indirect_dma semaphore(%run_scoped3A_198 : memref<!tpu.dma_semaphore, #tpu.memory_space<semaphore_mem>>) src(%dma_wait3A_212 : memref<50x64xf32, #tpu.memory_space<vmem>>) dst(%dma_wait3A_218 : memref<10240x64xf32, #tpu.memory_space<vmem_shared>>)
        tpu.yield
      }) : () -> ()
      %mul3A_125 = arith.constant 50 : i32
      %mul3A_126 = arith.muli %add3A_106, %mul3A_125 : i32
      %add3A_127 = arith.addi %mul3A_2, %mul3A_126 : i32
      %dma_wait3A_128 = arith.constant 1 : i32
      %dma_wait3A_129 = arith.constant 0 : i32
      %dma_wait3A_130 = arith.constant 0 : i32
      %dma_wait3A_131 = arith.constant 0 : i32
      %dma_wait3A_132 = tpu.memref_slice %arg6[%dma_wait3A_128, %dma_wait3A_129, %dma_wait3A_130, %dma_wait3A_131] : memref<2x2x50x64xf32, #tpu.memory_space<vmem>> -> memref<1x1x50x64xf32, #tpu.memory_space<vmem>>
      %dma_wait3A_133 = tpu.memref_squeeze %dma_wait3A_132 : memref<1x1x50x64xf32, #tpu.memory_space<vmem>> -> memref<50x64xf32, #tpu.memory_space<vmem>>
      %dma_wait3A_134 = arith.constant 64 : i32
      %dma_wait3A_135 = tpu.memref_slice %arg2[%add3A_127, %dma_wait3A_134] : memref<80000x128xf32, #tpu.memory_space<hbm>> -> memref<50x64xf32, #tpu.memory_space<hbm>>
      %dma_wait3A_136 = arith.constant 0 : i32
      %dma_wait3A_137 = arith.constant 0 : i32
      %dma_wait3A_138 = tpu.memref_slice %arg6[%dma_wait3A_128, %dma_wait3A_129, %dma_wait3A_136, %dma_wait3A_137] : memref<2x2x50x64xf32, #tpu.memory_space<vmem>> -> memref<1x1x50x64xf32, #tpu.memory_space<vmem>>
      %dma_wait3A_139 = tpu.memref_squeeze %dma_wait3A_138 : memref<1x1x50x64xf32, #tpu.memory_space<vmem>> -> memref<50x64xf32, #tpu.memory_space<vmem>>
      %dma_wait3A_140 = arith.constant 64 : i32
      %dma_wait3A_141 = tpu.memref_slice %arg2[%add3A_127, %dma_wait3A_140] : memref<80000x128xf32, #tpu.memory_space<hbm>> -> memref<50x64xf32, #tpu.memory_space<hbm>>
      tpu.wait_dma2 semaphore(%arg11 : memref<!tpu.dma_semaphore, #tpu.memory_space<semaphore_mem>>) src(%dma_wait3A_141 : memref<50x64xf32, #tpu.memory_space<hbm>>) dst(%dma_wait3A_139 : memref<50x64xf32, #tpu.memory_space<vmem>>)
      %run_scoped3A_142 = arith.constant 1 : i32
      %run_scoped3A_143 = arith.constant 0 : i32
      %run_scoped3A_144 = arith.constant 1 : i32
      "tpu.region"() ({
        %run_scoped3A_198 = tpu.sem_alloc : memref<!tpu.dma_semaphore, #tpu.memory_space<semaphore_mem>>
        %dma_start3A_199 = arith.constant 0 : i32
        %dma_start3A_200 = arith.constant 0 : i32
        %dma_start3A_201 = tpu.memref_slice %arg6[%run_scoped3A_142, %run_scoped3A_143, %dma_start3A_199, %dma_start3A_200] : memref<2x2x50x64xf32, #tpu.memory_space<vmem>> -> memref<1x1x50x64xf32, #tpu.memory_space<vmem>>
        %dma_start3A_202 = tpu.memref_squeeze %dma_start3A_201 : memref<1x1x50x64xf32, #tpu.memory_space<vmem>> -> memref<50x64xf32, #tpu.memory_space<vmem>>
        %dma_start3A_203 = arith.constant 0 : i32
        %dma_start3A_204 = tpu.memref_slice %arg5[%run_scoped3A_144, %add3A_106, %dma_start3A_203] : memref<2x50x50xi32, #tpu.memory_space<vmem>> -> memref<1x1x50xi32, #tpu.memory_space<vmem>>
        %dma_start3A_205 = tpu.memref_squeeze %dma_start3A_204 : memref<1x1x50xi32, #tpu.memory_space<vmem>> -> memref<50xi32, #tpu.memory_space<vmem>>
        %dma_start3A_206 = arith.constant 0 : i32
        %dma_start3A_207 = arith.constant 0 : i32
        %dma_start3A_208 = tpu.memref_slice %arg8[%dma_start3A_206, %dma_start3A_207] : memref<10240x64xf32, #tpu.memory_space<vmem_shared>> -> memref<10240x64xf32, #tpu.memory_space<vmem_shared>>
        tpu.enqueue_indirect_dma source(%dma_start3A_202 : memref<50x64xf32, #tpu.memory_space<vmem>>) target(%dma_start3A_208 : memref<10240x64xf32, #tpu.memory_space<vmem_shared>>) offsets(%dma_start3A_205 : memref<50xi32, #tpu.memory_space<vmem>>) semaphore(%run_scoped3A_198 : memref<!tpu.dma_semaphore, #tpu.memory_space<semaphore_mem>>) {add = true}
        %dma_wait3A_209 = arith.constant 0 : i32
        %dma_wait3A_210 = arith.constant 0 : i32
        %dma_wait3A_211 = tpu.memref_slice %arg6[%run_scoped3A_142, %run_scoped3A_143, %dma_wait3A_209, %dma_wait3A_210] : memref<2x2x50x64xf32, #tpu.memory_space<vmem>> -> memref<1x1x50x64xf32, #tpu.memory_space<vmem>>
        %dma_wait3A_212 = tpu.memref_squeeze %dma_wait3A_211 : memref<1x1x50x64xf32, #tpu.memory_space<vmem>> -> memref<50x64xf32, #tpu.memory_space<vmem>>
        %dma_wait3A_213 = arith.constant 0 : i32
        %dma_wait3A_214 = tpu.memref_slice %arg5[%run_scoped3A_144, %add3A_106, %dma_wait3A_213] : memref<2x50x50xi32, #tpu.memory_space<vmem>> -> memref<1x1x50xi32, #tpu.memory_space<vmem>>
        %dma_wait3A_215 = tpu.memref_squeeze %dma_wait3A_214 : memref<1x1x50xi32, #tpu.memory_space<vmem>> -> memref<50xi32, #tpu.memory_space<vmem>>
        %dma_wait3A_216 = arith.constant 0 : i32
        %dma_wait3A_217 = arith.constant 0 : i32
        %dma_wait3A_218 = tpu.memref_slice %arg8[%dma_wait3A_216, %dma_wait3A_217] : memref<10240x64xf32, #tpu.memory_space<vmem_shared>> -> memref<10240x64xf32, #tpu.memory_space<vmem_shared>>
        tpu.wait_indirect_dma semaphore(%run_scoped3A_198 : memref<!tpu.dma_semaphore, #tpu.memory_space<semaphore_mem>>) src(%dma_wait3A_212 : memref<50x64xf32, #tpu.memory_space<vmem>>) dst(%dma_wait3A_218 : memref<10240x64xf32, #tpu.memory_space<vmem_shared>>)
        tpu.yield
      }) : () -> ()
      %add3A_145 = arith.constant 2 : i32
      %add3A_146 = arith.addi %add3A_106, %add3A_145 : i32
      %lt3A = arith.constant 50 : i32
      %lt3A_147 = arith.cmpi slt, %add3A_146, %lt3A : i32
      %convert_element_type3A = arith.extui %lt3A_147 : i1 to i32
      %cond3A = arith.constant 0 : i32
      %cond3A_148 = arith.cmpi ne, %convert_element_type3A, %cond3A : i32
      scf.if %cond3A_148 {
        %add3A_198 = arith.constant 2 : i32
        %add3A_199 = arith.addi %add3A_106, %add3A_198 : i32
        %mul3A_200 = arith.constant 50 : i32
        %mul3A_201 = arith.muli %add3A_199, %mul3A_200 : i32
        %add3A_202 = arith.addi %mul3A_2, %mul3A_201 : i32
        %dma_start3A_203 = arith.constant 0 : i32
        %dma_start3A_204 = arith.constant 0 : i32
        %dma_start3A_205 = arith.constant 0 : i32
        %dma_start3A_206 = arith.constant 0 : i32
        %dma_start3A_207 = tpu.memref_slice %arg6[%dma_start3A_203, %dma_start3A_204, %dma_start3A_205, %dma_start3A_206] : memref<2x2x50x64xf32, #tpu.memory_space<vmem>> -> memref<1x1x50x64xf32, #tpu.memory_space<vmem>>
        %dma_start3A_208 = tpu.memref_squeeze %dma_start3A_207 : memref<1x1x50x64xf32, #tpu.memory_space<vmem>> -> memref<50x64xf32, #tpu.memory_space<vmem>>
        %dma_start3A_209 = arith.constant 0 : i32
        %dma_start3A_210 = tpu.memref_slice %arg2[%add3A_202, %dma_start3A_209] : memref<80000x128xf32, #tpu.memory_space<hbm>> -> memref<50x64xf32, #tpu.memory_space<hbm>>
        %dma_start3A_211 = arith.constant 0 : i32
        %dma_start3A_212 = arith.constant 0 : i32
        %dma_start3A_213 = tpu.memref_slice %arg6[%dma_start3A_203, %dma_start3A_204, %dma_start3A_211, %dma_start3A_212] : memref<2x2x50x64xf32, #tpu.memory_space<vmem>> -> memref<1x1x50x64xf32, #tpu.memory_space<vmem>>
        %dma_start3A_214 = tpu.memref_squeeze %dma_start3A_213 : memref<1x1x50x64xf32, #tpu.memory_space<vmem>> -> memref<50x64xf32, #tpu.memory_space<vmem>>
        %dma_start3A_215 = arith.constant 0 : i32
        %dma_start3A_216 = tpu.memref_slice %arg2[%add3A_202, %dma_start3A_215] : memref<80000x128xf32, #tpu.memory_space<hbm>> -> memref<50x64xf32, #tpu.memory_space<hbm>>
        tpu.enqueue_dma source(%dma_start3A_216 : memref<50x64xf32, #tpu.memory_space<hbm>>) target(%dma_start3A_214 : memref<50x64xf32, #tpu.memory_space<vmem>>) target_semaphore(%arg9 : memref<!tpu.dma_semaphore, #tpu.memory_space<semaphore_mem>>)
        %mul3A_217 = arith.constant 50 : i32
        %mul3A_218 = arith.muli %add3A_199, %mul3A_217 : i32
        %add3A_219 = arith.addi %mul3A_2, %mul3A_218 : i32
        %dma_start3A_220 = arith.constant 1 : i32
        %dma_start3A_221 = arith.constant 0 : i32
        %dma_start3A_222 = arith.constant 0 : i32
        %dma_start3A_223 = arith.constant 0 : i32
        %dma_start3A_224 = tpu.memref_slice %arg6[%dma_start3A_220, %dma_start3A_221, %dma_start3A_222, %dma_start3A_223] : memref<2x2x50x64xf32, #tpu.memory_space<vmem>> -> memref<1x1x50x64xf32, #tpu.memory_space<vmem>>
        %dma_start3A_225 = tpu.memref_squeeze %dma_start3A_224 : memref<1x1x50x64xf32, #tpu.memory_space<vmem>> -> memref<50x64xf32, #tpu.memory_space<vmem>>
        %dma_start3A_226 = arith.constant 64 : i32
        %dma_start3A_227 = tpu.memref_slice %arg2[%add3A_219, %dma_start3A_226] : memref<80000x128xf32, #tpu.memory_space<hbm>> -> memref<50x64xf32, #tpu.memory_space<hbm>>
        %dma_start3A_228 = arith.constant 0 : i32
        %dma_start3A_229 = arith.constant 0 : i32
        %dma_start3A_230 = tpu.memref_slice %arg6[%dma_start3A_220, %dma_start3A_221, %dma_start3A_228, %dma_start3A_229] : memref<2x2x50x64xf32, #tpu.memory_space<vmem>> -> memref<1x1x50x64xf32, #tpu.memory_space<vmem>>
        %dma_start3A_231 = tpu.memref_squeeze %dma_start3A_230 : memref<1x1x50x64xf32, #tpu.memory_space<vmem>> -> memref<50x64xf32, #tpu.memory_space<vmem>>
        %dma_start3A_232 = arith.constant 64 : i32
        %dma_start3A_233 = tpu.memref_slice %arg2[%add3A_219, %dma_start3A_232] : memref<80000x128xf32, #tpu.memory_space<hbm>> -> memref<50x64xf32, #tpu.memory_space<hbm>>
        tpu.enqueue_dma source(%dma_start3A_233 : memref<50x64xf32, #tpu.memory_space<hbm>>) target(%dma_start3A_231 : memref<50x64xf32, #tpu.memory_space<vmem>>) target_semaphore(%arg11 : memref<!tpu.dma_semaphore, #tpu.memory_space<semaphore_mem>>)
      } else {
      }
      %add3A_149 = arith.constant 1 : i32
      %add3A_150 = arith.addi %mul3A_104, %add3A_149 : i32
      %mul3A_151 = arith.constant 50 : i32
      %mul3A_152 = arith.muli %add3A_150, %mul3A_151 : i32
      %add3A_153 = arith.addi %mul3A_2, %mul3A_152 : i32
      %dma_wait3A_154 = arith.constant 0 : i32
      %dma_wait3A_155 = arith.constant 1 : i32
      %dma_wait3A_156 = arith.constant 0 : i32
      %dma_wait3A_157 = arith.constant 0 : i32
      %dma_wait3A_158 = tpu.memref_slice %arg6[%dma_wait3A_154, %dma_wait3A_155, %dma_wait3A_156, %dma_wait3A_157] : memref<2x2x50x64xf32, #tpu.memory_space<vmem>> -> memref<1x1x50x64xf32, #tpu.memory_space<vmem>>
      %dma_wait3A_159 = tpu.memref_squeeze %dma_wait3A_158 : memref<1x1x50x64xf32, #tpu.memory_space<vmem>> -> memref<50x64xf32, #tpu.memory_space<vmem>>
      %dma_wait3A_160 = arith.constant 0 : i32
      %dma_wait3A_161 = tpu.memref_slice %arg2[%add3A_153, %dma_wait3A_160] : memref<80000x128xf32, #tpu.memory_space<hbm>> -> memref<50x64xf32, #tpu.memory_space<hbm>>
      %dma_wait3A_162 = arith.constant 0 : i32
      %dma_wait3A_163 = arith.constant 0 : i32
      %dma_wait3A_164 = tpu.memref_slice %arg6[%dma_wait3A_154, %dma_wait3A_155, %dma_wait3A_162, %dma_wait3A_163] : memref<2x2x50x64xf32, #tpu.memory_space<vmem>> -> memref<1x1x50x64xf32, #tpu.memory_space<vmem>>
      %dma_wait3A_165 = tpu.memref_squeeze %dma_wait3A_164 : memref<1x1x50x64xf32, #tpu.memory_space<vmem>> -> memref<50x64xf32, #tpu.memory_space<vmem>>
      %dma_wait3A_166 = arith.constant 0 : i32
      %dma_wait3A_167 = tpu.memref_slice %arg2[%add3A_153, %dma_wait3A_166] : memref<80000x128xf32, #tpu.memory_space<hbm>> -> memref<50x64xf32, #tpu.memory_space<hbm>>
      tpu.wait_dma2 semaphore(%arg10 : memref<!tpu.dma_semaphore, #tpu.memory_space<semaphore_mem>>) src(%dma_wait3A_167 : memref<50x64xf32, #tpu.memory_space<hbm>>) dst(%dma_wait3A_165 : memref<50x64xf32, #tpu.memory_space<vmem>>)
      %run_scoped3A_168 = arith.constant 0 : i32
      %run_scoped3A_169 = arith.constant 1 : i32
      %run_scoped3A_170 = arith.constant 0 : i32
      "tpu.region"() ({
        %run_scoped3A_198 = tpu.sem_alloc : memref<!tpu.dma_semaphore, #tpu.memory_space<semaphore_mem>>
        %dma_start3A_199 = arith.constant 0 : i32
        %dma_start3A_200 = arith.constant 0 : i32
        %dma_start3A_201 = tpu.memref_slice %arg6[%run_scoped3A_168, %run_scoped3A_169, %dma_start3A_199, %dma_start3A_200] : memref<2x2x50x64xf32, #tpu.memory_space<vmem>> -> memref<1x1x50x64xf32, #tpu.memory_space<vmem>>
        %dma_start3A_202 = tpu.memref_squeeze %dma_start3A_201 : memref<1x1x50x64xf32, #tpu.memory_space<vmem>> -> memref<50x64xf32, #tpu.memory_space<vmem>>
        %dma_start3A_203 = arith.constant 0 : i32
        %dma_start3A_204 = tpu.memref_slice %arg5[%run_scoped3A_170, %add3A_150, %dma_start3A_203] : memref<2x50x50xi32, #tpu.memory_space<vmem>> -> memref<1x1x50xi32, #tpu.memory_space<vmem>>
        %dma_start3A_205 = tpu.memref_squeeze %dma_start3A_204 : memref<1x1x50xi32, #tpu.memory_space<vmem>> -> memref<50xi32, #tpu.memory_space<vmem>>
        %dma_start3A_206 = arith.constant 0 : i32
        %dma_start3A_207 = arith.constant 0 : i32
        %dma_start3A_208 = tpu.memref_slice %arg8[%dma_start3A_206, %dma_start3A_207] : memref<10240x64xf32, #tpu.memory_space<vmem_shared>> -> memref<10240x64xf32, #tpu.memory_space<vmem_shared>>
        tpu.enqueue_indirect_dma source(%dma_start3A_202 : memref<50x64xf32, #tpu.memory_space<vmem>>) target(%dma_start3A_208 : memref<10240x64xf32, #tpu.memory_space<vmem_shared>>) offsets(%dma_start3A_205 : memref<50xi32, #tpu.memory_space<vmem>>) semaphore(%run_scoped3A_198 : memref<!tpu.dma_semaphore, #tpu.memory_space<semaphore_mem>>) {add = true}
        %dma_wait3A_209 = arith.constant 0 : i32
        %dma_wait3A_210 = arith.constant 0 : i32
        %dma_wait3A_211 = tpu.memref_slice %arg6[%run_scoped3A_168, %run_scoped3A_169, %dma_wait3A_209, %dma_wait3A_210] : memref<2x2x50x64xf32, #tpu.memory_space<vmem>> -> memref<1x1x50x64xf32, #tpu.memory_space<vmem>>
        %dma_wait3A_212 = tpu.memref_squeeze %dma_wait3A_211 : memref<1x1x50x64xf32, #tpu.memory_space<vmem>> -> memref<50x64xf32, #tpu.memory_space<vmem>>
        %dma_wait3A_213 = arith.constant 0 : i32
        %dma_wait3A_214 = tpu.memref_slice %arg5[%run_scoped3A_170, %add3A_150, %dma_wait3A_213] : memref<2x50x50xi32, #tpu.memory_space<vmem>> -> memref<1x1x50xi32, #tpu.memory_space<vmem>>
        %dma_wait3A_215 = tpu.memref_squeeze %dma_wait3A_214 : memref<1x1x50xi32, #tpu.memory_space<vmem>> -> memref<50xi32, #tpu.memory_space<vmem>>
        %dma_wait3A_216 = arith.constant 0 : i32
        %dma_wait3A_217 = arith.constant 0 : i32
        %dma_wait3A_218 = tpu.memref_slice %arg8[%dma_wait3A_216, %dma_wait3A_217] : memref<10240x64xf32, #tpu.memory_space<vmem_shared>> -> memref<10240x64xf32, #tpu.memory_space<vmem_shared>>
        tpu.wait_indirect_dma semaphore(%run_scoped3A_198 : memref<!tpu.dma_semaphore, #tpu.memory_space<semaphore_mem>>) src(%dma_wait3A_212 : memref<50x64xf32, #tpu.memory_space<vmem>>) dst(%dma_wait3A_218 : memref<10240x64xf32, #tpu.memory_space<vmem_shared>>)
        tpu.yield
      }) : () -> ()
      %mul3A_171 = arith.constant 50 : i32
      %mul3A_172 = arith.muli %add3A_150, %mul3A_171 : i32
      %add3A_173 = arith.addi %mul3A_2, %mul3A_172 : i32
      %dma_wait3A_174 = arith.constant 1 : i32
      %dma_wait3A_175 = arith.constant 1 : i32
      %dma_wait3A_176 = arith.constant 0 : i32
      %dma_wait3A_177 = arith.constant 0 : i32
      %dma_wait3A_178 = tpu.memref_slice %arg6[%dma_wait3A_174, %dma_wait3A_175, %dma_wait3A_176, %dma_wait3A_177] : memref<2x2x50x64xf32, #tpu.memory_space<vmem>> -> memref<1x1x50x64xf32, #tpu.memory_space<vmem>>
      %dma_wait3A_179 = tpu.memref_squeeze %dma_wait3A_178 : memref<1x1x50x64xf32, #tpu.memory_space<vmem>> -> memref<50x64xf32, #tpu.memory_space<vmem>>
      %dma_wait3A_180 = arith.constant 64 : i32
      %dma_wait3A_181 = tpu.memref_slice %arg2[%add3A_173, %dma_wait3A_180] : memref<80000x128xf32, #tpu.memory_space<hbm>> -> memref<50x64xf32, #tpu.memory_space<hbm>>
      %dma_wait3A_182 = arith.constant 0 : i32
      %dma_wait3A_183 = arith.constant 0 : i32
      %dma_wait3A_184 = tpu.memref_slice %arg6[%dma_wait3A_174, %dma_wait3A_175, %dma_wait3A_182, %dma_wait3A_183] : memref<2x2x50x64xf32, #tpu.memory_space<vmem>> -> memref<1x1x50x64xf32, #tpu.memory_space<vmem>>
      %dma_wait3A_185 = tpu.memref_squeeze %dma_wait3A_184 : memref<1x1x50x64xf32, #tpu.memory_space<vmem>> -> memref<50x64xf32, #tpu.memory_space<vmem>>
      %dma_wait3A_186 = arith.constant 64 : i32
      %dma_wait3A_187 = tpu.memref_slice %arg2[%add3A_173, %dma_wait3A_186] : memref<80000x128xf32, #tpu.memory_space<hbm>> -> memref<50x64xf32, #tpu.memory_space<hbm>>
      tpu.wait_dma2 semaphore(%arg12 : memref<!tpu.dma_semaphore, #tpu.memory_space<semaphore_mem>>) src(%dma_wait3A_187 : memref<50x64xf32, #tpu.memory_space<hbm>>) dst(%dma_wait3A_185 : memref<50x64xf32, #tpu.memory_space<vmem>>)
      %run_scoped3A_188 = arith.constant 1 : i32
      %run_scoped3A_189 = arith.constant 1 : i32
      %run_scoped3A_190 = arith.constant 1 : i32
      "tpu.region"() ({
        %run_scoped3A_198 = tpu.sem_alloc : memref<!tpu.dma_semaphore, #tpu.memory_space<semaphore_mem>>
        %dma_start3A_199 = arith.constant 0 : i32
        %dma_start3A_200 = arith.constant 0 : i32
        %dma_start3A_201 = tpu.memref_slice %arg6[%run_scoped3A_188, %run_scoped3A_189, %dma_start3A_199, %dma_start3A_200] : memref<2x2x50x64xf32, #tpu.memory_space<vmem>> -> memref<1x1x50x64xf32, #tpu.memory_space<vmem>>
        %dma_start3A_202 = tpu.memref_squeeze %dma_start3A_201 : memref<1x1x50x64xf32, #tpu.memory_space<vmem>> -> memref<50x64xf32, #tpu.memory_space<vmem>>
        %dma_start3A_203 = arith.constant 0 : i32
        %dma_start3A_204 = tpu.memref_slice %arg5[%run_scoped3A_190, %add3A_150, %dma_start3A_203] : memref<2x50x50xi32, #tpu.memory_space<vmem>> -> memref<1x1x50xi32, #tpu.memory_space<vmem>>
        %dma_start3A_205 = tpu.memref_squeeze %dma_start3A_204 : memref<1x1x50xi32, #tpu.memory_space<vmem>> -> memref<50xi32, #tpu.memory_space<vmem>>
        %dma_start3A_206 = arith.constant 0 : i32
        %dma_start3A_207 = arith.constant 0 : i32
        %dma_start3A_208 = tpu.memref_slice %arg8[%dma_start3A_206, %dma_start3A_207] : memref<10240x64xf32, #tpu.memory_space<vmem_shared>> -> memref<10240x64xf32, #tpu.memory_space<vmem_shared>>
        tpu.enqueue_indirect_dma source(%dma_start3A_202 : memref<50x64xf32, #tpu.memory_space<vmem>>) target(%dma_start3A_208 : memref<10240x64xf32, #tpu.memory_space<vmem_shared>>) offsets(%dma_start3A_205 : memref<50xi32, #tpu.memory_space<vmem>>) semaphore(%run_scoped3A_198 : memref<!tpu.dma_semaphore, #tpu.memory_space<semaphore_mem>>) {add = true}
        %dma_wait3A_209 = arith.constant 0 : i32
        %dma_wait3A_210 = arith.constant 0 : i32
        %dma_wait3A_211 = tpu.memref_slice %arg6[%run_scoped3A_188, %run_scoped3A_189, %dma_wait3A_209, %dma_wait3A_210] : memref<2x2x50x64xf32, #tpu.memory_space<vmem>> -> memref<1x1x50x64xf32, #tpu.memory_space<vmem>>
        %dma_wait3A_212 = tpu.memref_squeeze %dma_wait3A_211 : memref<1x1x50x64xf32, #tpu.memory_space<vmem>> -> memref<50x64xf32, #tpu.memory_space<vmem>>
        %dma_wait3A_213 = arith.constant 0 : i32
        %dma_wait3A_214 = tpu.memref_slice %arg5[%run_scoped3A_190, %add3A_150, %dma_wait3A_213] : memref<2x50x50xi32, #tpu.memory_space<vmem>> -> memref<1x1x50xi32, #tpu.memory_space<vmem>>
        %dma_wait3A_215 = tpu.memref_squeeze %dma_wait3A_214 : memref<1x1x50xi32, #tpu.memory_space<vmem>> -> memref<50xi32, #tpu.memory_space<vmem>>
        %dma_wait3A_216 = arith.constant 0 : i32
        %dma_wait3A_217 = arith.constant 0 : i32
        %dma_wait3A_218 = tpu.memref_slice %arg8[%dma_wait3A_216, %dma_wait3A_217] : memref<10240x64xf32, #tpu.memory_space<vmem_shared>> -> memref<10240x64xf32, #tpu.memory_space<vmem_shared>>
        tpu.wait_indirect_dma semaphore(%run_scoped3A_198 : memref<!tpu.dma_semaphore, #tpu.memory_space<semaphore_mem>>) src(%dma_wait3A_212 : memref<50x64xf32, #tpu.memory_space<vmem>>) dst(%dma_wait3A_218 : memref<10240x64xf32, #tpu.memory_space<vmem_shared>>)
        tpu.yield
      }) : () -> ()
      %add3A_191 = arith.constant 2 : i32
      %add3A_192 = arith.addi %add3A_150, %add3A_191 : i32
      %lt3A_193 = arith.constant 50 : i32
      %lt3A_194 = arith.cmpi slt, %add3A_192, %lt3A_193 : i32
      %convert_element_type3A_195 = arith.extui %lt3A_194 : i1 to i32
      %cond3A_196 = arith.constant 0 : i32
      %cond3A_197 = arith.cmpi ne, %convert_element_type3A_195, %cond3A_196 : i32
      scf.if %cond3A_197 {
        %add3A_198 = arith.constant 2 : i32
        %add3A_199 = arith.addi %add3A_150, %add3A_198 : i32
        %mul3A_200 = arith.constant 50 : i32
        %mul3A_201 = arith.muli %add3A_199, %mul3A_200 : i32
        %add3A_202 = arith.addi %mul3A_2, %mul3A_201 : i32
        %dma_start3A_203 = arith.constant 0 : i32
        %dma_start3A_204 = arith.constant 1 : i32
        %dma_start3A_205 = arith.constant 0 : i32
        %dma_start3A_206 = arith.constant 0 : i32
        %dma_start3A_207 = tpu.memref_slice %arg6[%dma_start3A_203, %dma_start3A_204, %dma_start3A_205, %dma_start3A_206] : memref<2x2x50x64xf32, #tpu.memory_space<vmem>> -> memref<1x1x50x64xf32, #tpu.memory_space<vmem>>
        %dma_start3A_208 = tpu.memref_squeeze %dma_start3A_207 : memref<1x1x50x64xf32, #tpu.memory_space<vmem>> -> memref<50x64xf32, #tpu.memory_space<vmem>>
        %dma_start3A_209 = arith.constant 0 : i32
        %dma_start3A_210 = tpu.memref_slice %arg2[%add3A_202, %dma_start3A_209] : memref<80000x128xf32, #tpu.memory_space<hbm>> -> memref<50x64xf32, #tpu.memory_space<hbm>>
        %dma_start3A_211 = arith.constant 0 : i32
        %dma_start3A_212 = arith.constant 0 : i32
        %dma_start3A_213 = tpu.memref_slice %arg6[%dma_start3A_203, %dma_start3A_204, %dma_start3A_211, %dma_start3A_212] : memref<2x2x50x64xf32, #tpu.memory_space<vmem>> -> memref<1x1x50x64xf32, #tpu.memory_space<vmem>>
        %dma_start3A_214 = tpu.memref_squeeze %dma_start3A_213 : memref<1x1x50x64xf32, #tpu.memory_space<vmem>> -> memref<50x64xf32, #tpu.memory_space<vmem>>
        %dma_start3A_215 = arith.constant 0 : i32
        %dma_start3A_216 = tpu.memref_slice %arg2[%add3A_202, %dma_start3A_215] : memref<80000x128xf32, #tpu.memory_space<hbm>> -> memref<50x64xf32, #tpu.memory_space<hbm>>
        tpu.enqueue_dma source(%dma_start3A_216 : memref<50x64xf32, #tpu.memory_space<hbm>>) target(%dma_start3A_214 : memref<50x64xf32, #tpu.memory_space<vmem>>) target_semaphore(%arg10 : memref<!tpu.dma_semaphore, #tpu.memory_space<semaphore_mem>>)
        %mul3A_217 = arith.constant 50 : i32
        %mul3A_218 = arith.muli %add3A_199, %mul3A_217 : i32
        %add3A_219 = arith.addi %mul3A_2, %mul3A_218 : i32
        %dma_start3A_220 = arith.constant 1 : i32
        %dma_start3A_221 = arith.constant 1 : i32
        %dma_start3A_222 = arith.constant 0 : i32
        %dma_start3A_223 = arith.constant 0 : i32
        %dma_start3A_224 = tpu.memref_slice %arg6[%dma_start3A_220, %dma_start3A_221, %dma_start3A_222, %dma_start3A_223] : memref<2x2x50x64xf32, #tpu.memory_space<vmem>> -> memref<1x1x50x64xf32, #tpu.memory_space<vmem>>
        %dma_start3A_225 = tpu.memref_squeeze %dma_start3A_224 : memref<1x1x50x64xf32, #tpu.memory_space<vmem>> -> memref<50x64xf32, #tpu.memory_space<vmem>>
        %dma_start3A_226 = arith.constant 64 : i32
        %dma_start3A_227 = tpu.memref_slice %arg2[%add3A_219, %dma_start3A_226] : memref<80000x128xf32, #tpu.memory_space<hbm>> -> memref<50x64xf32, #tpu.memory_space<hbm>>
        %dma_start3A_228 = arith.constant 0 : i32
        %dma_start3A_229 = arith.constant 0 : i32
        %dma_start3A_230 = tpu.memref_slice %arg6[%dma_start3A_220, %dma_start3A_221, %dma_start3A_228, %dma_start3A_229] : memref<2x2x50x64xf32, #tpu.memory_space<vmem>> -> memref<1x1x50x64xf32, #tpu.memory_space<vmem>>
        %dma_start3A_231 = tpu.memref_squeeze %dma_start3A_230 : memref<1x1x50x64xf32, #tpu.memory_space<vmem>> -> memref<50x64xf32, #tpu.memory_space<vmem>>
        %dma_start3A_232 = arith.constant 64 : i32
        %dma_start3A_233 = tpu.memref_slice %arg2[%add3A_219, %dma_start3A_232] : memref<80000x128xf32, #tpu.memory_space<hbm>> -> memref<50x64xf32, #tpu.memory_space<hbm>>
        tpu.enqueue_dma source(%dma_start3A_233 : memref<50x64xf32, #tpu.memory_space<hbm>>) target(%dma_start3A_231 : memref<50x64xf32, #tpu.memory_space<vmem>>) target_semaphore(%arg12 : memref<!tpu.dma_semaphore, #tpu.memory_space<semaphore_mem>>)
      } else {
      }
    }
    %scan3A_96 = arith.constant 25 : i32
    %barrier3A_97 = arith.constant 0 : index
    tpu.barrier barrier_id(%barrier3A_97)
    %mul3A_98 = arith.constant 640 : i32
    %mul3A_99 = arith.muli %arg1, %mul3A_98 : i32
    %mul3A_100 = arith.constant 640 : i32
    %mul3A_101 = arith.muli %arg1, %mul3A_100 : i32
    "tpu.region"() ({
      %run_scoped3A = tpu.sem_alloc : memref<!tpu.dma_semaphore, #tpu.memory_space<semaphore_mem>>
      %dma_start3A_102 = arith.constant 0 : i32
      %dma_start3A_103 = tpu.memref_slice %arg4[%arg0, %mul3A_101, %dma_start3A_102] : memref<2x10240x64xf32, #tpu.memory_space<hbm>> -> memref<1x640x64xf32, #tpu.memory_space<hbm>>
      %dma_start3A_104 = tpu.memref_squeeze %dma_start3A_103 : memref<1x640x64xf32, #tpu.memory_space<hbm>> -> memref<640x64xf32, #tpu.memory_space<hbm>>
      %dma_start3A_105 = arith.constant 0 : i32
      %dma_start3A_106 = tpu.memref_slice %arg8[%mul3A_99, %dma_start3A_105] : memref<10240x64xf32, #tpu.memory_space<vmem_shared>> -> memref<640x64xf32, #tpu.memory_space<vmem_shared>>
      tpu.enqueue_dma source(%dma_start3A_106 : memref<640x64xf32, #tpu.memory_space<vmem_shared>>) target(%dma_start3A_104 : memref<640x64xf32, #tpu.memory_space<hbm>>) target_semaphore(%run_scoped3A : memref<!tpu.dma_semaphore, #tpu.memory_space<semaphore_mem>>)
      %dma_wait3A = arith.constant 0 : i32
      %dma_wait3A_107 = tpu.memref_slice %arg4[%arg0, %mul3A_101, %dma_wait3A] : memref<2x10240x64xf32, #tpu.memory_space<hbm>> -> memref<1x640x64xf32, #tpu.memory_space<hbm>>
      %dma_wait3A_108 = tpu.memref_squeeze %dma_wait3A_107 : memref<1x640x64xf32, #tpu.memory_space<hbm>> -> memref<640x64xf32, #tpu.memory_space<hbm>>
      %dma_wait3A_109 = arith.constant 0 : i32
      %dma_wait3A_110 = tpu.memref_slice %arg8[%mul3A_99, %dma_wait3A_109] : memref<10240x64xf32, #tpu.memory_space<vmem_shared>> -> memref<640x64xf32, #tpu.memory_space<vmem_shared>>
      tpu.wait_dma2 semaphore(%run_scoped3A : memref<!tpu.dma_semaphore, #tpu.memory_space<semaphore_mem>>) src(%dma_wait3A_110 : memref<640x64xf32, #tpu.memory_space<vmem_shared>>) dst(%dma_wait3A_108 : memref<640x64xf32, #tpu.memory_space<hbm>>)
      tpu.yield
    }) : () -> ()
    return
  }
}

module attributes {stable_mosaic.version = 14 : i64} {
  func.func @body(%arg0: memref<10000x128xf32, #tpu.memory_space<vmem>>, %arg1: memref<128x64xf32, #tpu.memory_space<vmem>>, %arg2: memref<1x64xf32, #tpu.memory_space<vmem>>, %arg3: memref<10000x64xf32, #tpu.memory_space<vmem>>) attributes {dimension_semantics = [], scalar_prefetch = 0 : i64, scratch_operands = 0 : i64, tpu.core_type = #tpu.core_type<tc>} {
    %get3A = arith.constant 0 : index
    %get3A_0 = arith.constant 0 : index
    %get3A_1 = vector.load %arg0[%get3A, %get3A_0] : memref<10000x128xf32, #tpu.memory_space<vmem>>, vector<10000x128xf32>
    %get3A_2 = arith.constant 0 : index
    %get3A_3 = arith.constant 0 : index
    %get3A_4 = vector.load %arg1[%get3A_2, %get3A_3] : memref<128x64xf32, #tpu.memory_space<vmem>>, vector<128x64xf32>
    %dot_general3A = arith.constant dense<0.000000e+00> : vector<10000x64xf32>
    %dot_general3A_5 = tpu.matmul %get3A_1, %get3A_4, %dot_general3A {dimension_numbers = #tpu.dot_dimension_numbers<[1], [0], [0], [1], [0, 0, 1, 1], [], []>, transpose_lhs_hint = false} : vector<10000x128xf32>, vector<128x64xf32>, vector<10000x64xf32> -> vector<10000x64xf32>
    %get3A_6 = arith.constant 0 : index
    %get3A_7 = arith.constant 0 : index
    %get3A_8 = vector.load %arg2[%get3A_6, %get3A_7] : memref<1x64xf32, #tpu.memory_space<vmem>>, vector<1x64xf32>
    %add3A = vector.broadcast %get3A_8 : vector<1x64xf32> to vector<10000x64xf32>
    %add3A_9 = arith.addf %dot_general3A_5, %add3A : vector<10000x64xf32>
    %swap3A = arith.constant 0 : index
    %swap3A_10 = arith.constant 0 : index
    %swap3A_11 = vector.load %arg3[%swap3A, %swap3A_10] : memref<10000x64xf32, #tpu.memory_space<vmem>>, vector<10000x64xf32>
    tpu.vector_store %arg3[%swap3A, %swap3A_10], %add3A_9 {strides = array<i32>} : memref<10000x64xf32, #tpu.memory_space<vmem>>, vector<10000x64xf32>,
    return
  }
}

module attributes {stable_mosaic.version = 14 : i64} {
  func.func @body(%arg0: i32, %arg1: memref<6400x128xf32, #tpu.memory_space<vmem>>, %arg2: memref<128x48xf32, #tpu.memory_space<vmem>>, %arg3: memref<48x1xf32, #tpu.memory_space<vmem>>, %arg4: memref<1x1x6400xf32, #tpu.memory_space<vmem>>, %arg5: memref<48x1xf32, #tpu.memory_space<vmem>>, %arg6: memref<48x64xf32, #tpu.memory_space<vmem>>, %arg7: memref<41x6400xf32, #tpu.memory_space<vmem>>, %arg8: memref<3200x128xf32, #tpu.memory_space<vmem>>) attributes {dimension_semantics = [#tpu.dimension_semantics<arbitrary>], iteration_bounds = array<i64: 25>, scalar_prefetch = 0 : i64, scratch_operands = 0 : i64, tpu.core_type = #tpu.core_type<tc>, window_params = [{transform_indices = @transform_0, window_bounds = array<i64: 6400, 128>}, {pipeline_mode = #tpu.pipeline_mode<synchronous>, transform_indices = @transform_1, window_bounds = array<i64: 128, 48>}, {pipeline_mode = #tpu.pipeline_mode<synchronous>, transform_indices = @transform_2, window_bounds = array<i64: 48, 1>}, {transform_indices = @transform_3, window_bounds = array<i64: 1, 1, 6400>}, {pipeline_mode = #tpu.pipeline_mode<synchronous>, transform_indices = @transform_4, window_bounds = array<i64: 48, 1>}, {pipeline_mode = #tpu.pipeline_mode<synchronous>, transform_indices = @transform_5, window_bounds = array<i64: 48, 64>}, {transform_indices = @transform_6, window_bounds = array<i64: 41, 6400>}, {transform_indices = @transform_7, window_bounds = array<i64: 3200, 128>}]} {
    %get3A = arith.constant 0 : index
    %get3A_0 = arith.constant 0 : index
    %get3A_1 = vector.load %arg1[%get3A, %get3A_0] : memref<6400x128xf32, #tpu.memory_space<vmem>>, vector<6400x128xf32>
    %slice3A = vector.extract_strided_slice %get3A_1 {offsets = [0, 0], sizes = [6400, 64], strides = [1, 1]} : vector<6400x128xf32> to vector<6400x64xf32>
    %slice3A_2 = vector.extract_strided_slice %get3A_1 {offsets = [0, 64], sizes = [6400, 64], strides = [1, 1]} : vector<6400x128xf32> to vector<6400x64xf32>
    %add3A = arith.addf %slice3A, %slice3A_2 : vector<6400x64xf32>
    %mul3A = arith.constant 5.000000e-01 : f32
    %mul3A_3 = vector.broadcast %mul3A : f32 to vector<6400x64xf32>
    %mul3A_4 = arith.mulf %add3A, %mul3A_3 : vector<6400x64xf32>
    %sub3A = arith.subf %slice3A, %slice3A_2 : vector<6400x64xf32>
    %mul3A_5 = arith.mulf %sub3A, %sub3A : vector<6400x64xf32>
    %concatenate3A = tpu.concatenate %mul3A_4, %mul3A_5 in 1 : vector<6400x64xf32>, vector<6400x64xf32> -> vector<6400x128xf32>
    %get3A_6 = arith.constant 0 : index
    %get3A_7 = arith.constant 0 : index
    %get3A_8 = vector.load %arg2[%get3A_6, %get3A_7] : memref<128x48xf32, #tpu.memory_space<vmem>>, vector<128x48xf32>
    %dot_general3A = arith.constant dense<0.000000e+00> : vector<48x6400xf32>
    %dot_general3A_9 = tpu.matmul %get3A_8, %concatenate3A, %dot_general3A {dimension_numbers = #tpu.dot_dimension_numbers<[0], [1], [1], [0], [0, 1, 1, 0], [], []>, transpose_lhs_hint = true} : vector<128x48xf32>, vector<6400x128xf32>, vector<48x6400xf32> -> vector<48x6400xf32>
    %get3A_10 = arith.constant 0 : index
    %get3A_11 = arith.constant 0 : index
    %get3A_12 = vector.load %arg3[%get3A_10, %get3A_11] : memref<48x1xf32, #tpu.memory_space<vmem>>, vector<48x1xf32>
    %add3A_13 = vector.broadcast %get3A_12 : vector<48x1xf32> to vector<48x6400xf32>
    %add3A_14 = arith.addf %dot_general3A_9, %add3A_13 : vector<48x6400xf32>
    %reduce_max3A = arith.constant dense<0xFF800000> : vector<6400xf32>
    %reduce_max3A_15 = vector.multi_reduction <maximumf>, %add3A_14, %reduce_max3A [0] : vector<48x6400xf32> to vector<6400xf32>
    %broadcast_in_dim3A = vector.shape_cast %reduce_max3A_15 : vector<6400xf32> to vector<1x6400xf32>
    %sub3A_16 = vector.broadcast %broadcast_in_dim3A : vector<1x6400xf32> to vector<48x6400xf32>
    %sub3A_17 = arith.subf %add3A_14, %sub3A_16 : vector<48x6400xf32>
    %exp3A = math.exp %sub3A_17 : vector<48x6400xf32>
    %reduce_sum3A = arith.constant dense<0.000000e+00> : vector<6400xf32>
    %reduce_sum3A_18 = vector.multi_reduction <add>, %exp3A, %reduce_sum3A [0] : vector<48x6400xf32> to vector<6400xf32>
    %broadcast_in_dim3A_19 = vector.shape_cast %reduce_sum3A_18 : vector<6400xf32> to vector<1x6400xf32>
    %div3A = vector.broadcast %broadcast_in_dim3A_19 : vector<1x6400xf32> to vector<48x6400xf32>
    %div3A_20 = arith.divf %exp3A, %div3A : vector<48x6400xf32>
    %slice3A_21 = vector.extract_strided_slice %div3A_20 {offsets = [0, 0], sizes = [41, 6400], strides = [1, 1]} : vector<48x6400xf32> to vector<41x6400xf32>
    %swap3A = arith.constant 0 : index
    %swap3A_22 = arith.constant 0 : index
    %swap3A_23 = vector.load %arg7[%swap3A, %swap3A_22] : memref<41x6400xf32, #tpu.memory_space<vmem>>, vector<41x6400xf32>
    tpu.vector_store %arg7[%swap3A, %swap3A_22], %slice3A_21 {strides = array<i32>} : memref<41x6400xf32, #tpu.memory_space<vmem>>, vector<41x6400xf32>,
    %get3A_24 = arith.constant 0 : index
    %get3A_25 = arith.constant 0 : index
    %get3A_26 = vector.load %arg5[%get3A_24, %get3A_25] : memref<48x1xf32, #tpu.memory_space<vmem>>, vector<48x1xf32>
    %add3A_27 = vector.broadcast %get3A_26 : vector<48x1xf32> to vector<48x6400xf32>
    %add3A_28 = arith.addf %div3A_20, %add3A_27 : vector<48x6400xf32>
    %get3A_29 = arith.constant 0 : index
    %get3A_30 = arith.constant 0 : index
    %get3A_31 = arith.constant 0 : index
    %get3A_32 = vector.load %arg4[%get3A_29, %get3A_30, %get3A_31] : memref<1x1x6400xf32, #tpu.memory_space<vmem>>, vector<1x1x6400xf32>
    %get3A_33 = vector.shape_cast %get3A_32 : vector<1x1x6400xf32> to vector<1x6400xf32>
    %mul3A_34 = vector.broadcast %get3A_33 : vector<1x6400xf32> to vector<48x6400xf32>
    %mul3A_35 = arith.mulf %add3A_28, %mul3A_34 : vector<48x6400xf32>
    %slice3A_36 = vector.extract_strided_slice %mul3A_35 {offsets = [0, 0], sizes = [48, 3200], strides = [1, 1]} : vector<48x6400xf32> to vector<48x3200xf32>
    %get3A_37 = arith.constant 0 : index
    %get3A_38 = arith.constant 0 : index
    %get3A_39 = vector.load %arg6[%get3A_37, %get3A_38] : memref<48x64xf32, #tpu.memory_space<vmem>>, vector<48x64xf32>
    %dot_general3A_40 = arith.constant dense<0.000000e+00> : vector<3200x64xf32>
    %dot_general3A_41 = tpu.matmul %slice3A_36, %get3A_39, %dot_general3A_40 {dimension_numbers = #tpu.dot_dimension_numbers<[0], [0], [1], [1], [0, 1, 1, 1], [], []>, transpose_lhs_hint = true} : vector<48x3200xf32>, vector<48x64xf32>, vector<3200x64xf32> -> vector<3200x64xf32>
    %slice3A_42 = vector.extract_strided_slice %mul3A_35 {offsets = [0, 3200], sizes = [48, 3200], strides = [1, 1]} : vector<48x6400xf32> to vector<48x3200xf32>
    %get3A_43 = arith.constant 0 : index
    %get3A_44 = arith.constant 0 : index
    %get3A_45 = vector.load %arg6[%get3A_43, %get3A_44] : memref<48x64xf32, #tpu.memory_space<vmem>>, vector<48x64xf32>
    %dot_general3A_46 = arith.constant dense<0.000000e+00> : vector<3200x64xf32>
    %dot_general3A_47 = tpu.matmul %slice3A_42, %get3A_45, %dot_general3A_46 {dimension_numbers = #tpu.dot_dimension_numbers<[0], [0], [1], [1], [0, 1, 1, 1], [], []>, transpose_lhs_hint = true} : vector<48x3200xf32>, vector<48x64xf32>, vector<3200x64xf32> -> vector<3200x64xf32>
    %concatenate3A_48 = tpu.concatenate %dot_general3A_41, %dot_general3A_47 in 1 : vector<3200x64xf32>, vector<3200x64xf32> -> vector<3200x128xf32>
    %swap3A_49 = arith.constant 0 : index
    %swap3A_50 = arith.constant 0 : index
    %swap3A_51 = vector.load %arg8[%swap3A_49, %swap3A_50] : memref<3200x128xf32, #tpu.memory_space<vmem>>, vector<3200x128xf32>
    tpu.vector_store %arg8[%swap3A_49, %swap3A_50], %concatenate3A_48 {strides = array<i32>} : memref<3200x128xf32, #tpu.memory_space<vmem>>, vector<3200x128xf32>,
    return
  }
  func.func @transform_0(%arg0: i32) -> (i32, i32) {
    %c0_i32 = arith.constant 0 : i32
    %c0_i32_0 = arith.constant 0 : i32
    return %arg0, %c0_i32 : i32, i32
  }
  func.func @transform_1(%arg0: i32) -> (i32, i32) {
    %c0_i32 = arith.constant 0 : i32
    %c0_i32_0 = arith.constant 0 : i32
    %c0_i32_1 = arith.constant 0 : i32
    return %c0_i32, %c0_i32_0 : i32, i32
  }
  func.func @transform_2(%arg0: i32) -> (i32, i32) {
    %c0_i32 = arith.constant 0 : i32
    %c0_i32_0 = arith.constant 0 : i32
    %c0_i32_1 = arith.constant 0 : i32
    return %c0_i32, %c0_i32_0 : i32, i32
  }
  func.func @transform_3(%arg0: i32) -> (i32, i32, i32) {
    %c0_i32 = arith.constant 0 : i32
    %c0_i32_0 = arith.constant 0 : i32
    %c0_i32_1 = arith.constant 0 : i32
    return %arg0, %c0_i32, %c0_i32_0 : i32, i32, i32
  }
  func.func @transform_4(%arg0: i32) -> (i32, i32) {
    %c0_i32 = arith.constant 0 : i32
    %c0_i32_0 = arith.constant 0 : i32
    %c0_i32_1 = arith.constant 0 : i32
    return %c0_i32, %c0_i32_0 : i32, i32
  }
  func.func @transform_5(%arg0: i32) -> (i32, i32) {
    %c0_i32 = arith.constant 0 : i32
    %c0_i32_0 = arith.constant 0 : i32
    %c0_i32_1 = arith.constant 0 : i32
    return %c0_i32, %c0_i32_0 : i32, i32
  }
  func.func @transform_6(%arg0: i32) -> (i32, i32) {
    %add3A = arith.constant 0 : i32
    %add3A_0 = arith.addi %arg0, %add3A : i32
    %c0_i32 = arith.constant 0 : i32
    %c0_i32_1 = arith.constant 0 : i32
    return %c0_i32, %add3A_0 : i32, i32
  }
  func.func @transform_7(%arg0: i32) -> (i32, i32) {
    %c0_i32 = arith.constant 0 : i32
    %c0_i32_0 = arith.constant 0 : i32
    return %arg0, %c0_i32 : i32, i32
  }
}

module attributes {stable_mosaic.version = 14 : i64} {
  func.func @body(%arg0: i32, %arg1: memref<6400x128xf32, #tpu.memory_space<vmem>>, %arg2: memref<128x48xf32, #tpu.memory_space<vmem>>, %arg3: memref<48x1xf32, #tpu.memory_space<vmem>>, %arg4: memref<1x1x6400xf32, #tpu.memory_space<vmem>>, %arg5: memref<48x1xf32, #tpu.memory_space<vmem>>, %arg6: memref<48x64xf32, #tpu.memory_space<vmem>>, %arg7: memref<41x320000xf32, #tpu.memory_space<any>>, %arg8: memref<41x6400xf32, #tpu.memory_space<vmem>>, %arg9: memref<3200x128xf32, #tpu.memory_space<vmem>>) attributes {dimension_semantics = [#tpu.dimension_semantics<arbitrary>], iteration_bounds = array<i64: 25>, scalar_prefetch = 0 : i64, scratch_operands = 0 : i64, tpu.core_type = #tpu.core_type<tc>, window_params = [{transform_indices = @transform_0, window_bounds = array<i64: 6400, 128>}, {pipeline_mode = #tpu.pipeline_mode<synchronous>, transform_indices = @transform_1, window_bounds = array<i64: 128, 48>}, {pipeline_mode = #tpu.pipeline_mode<synchronous>, transform_indices = @transform_2, window_bounds = array<i64: 48, 1>}, {transform_indices = @transform_3, window_bounds = array<i64: 1, 1, 6400>}, {pipeline_mode = #tpu.pipeline_mode<synchronous>, transform_indices = @transform_4, window_bounds = array<i64: 48, 1>}, {pipeline_mode = #tpu.pipeline_mode<synchronous>, transform_indices = @transform_5, window_bounds = array<i64: 48, 64>}, {}, {transform_indices = @transform_7, window_bounds = array<i64: 41, 6400>}, {transform_indices = @transform_8, window_bounds = array<i64: 3200, 128>}]} {
    %get3A = arith.constant 0 : index
    %get3A_0 = arith.constant 0 : index
    %get3A_1 = vector.load %arg1[%get3A, %get3A_0] : memref<6400x128xf32, #tpu.memory_space<vmem>>, vector<6400x128xf32>
    %slice3A = vector.extract_strided_slice %get3A_1 {offsets = [0, 0], sizes = [6400, 64], strides = [1, 1]} : vector<6400x128xf32> to vector<6400x64xf32>
    %slice3A_2 = vector.extract_strided_slice %get3A_1 {offsets = [0, 64], sizes = [6400, 64], strides = [1, 1]} : vector<6400x128xf32> to vector<6400x64xf32>
    %add3A = arith.addf %slice3A, %slice3A_2 : vector<6400x64xf32>
    %mul3A = arith.constant 5.000000e-01 : f32
    %mul3A_3 = vector.broadcast %mul3A : f32 to vector<6400x64xf32>
    %mul3A_4 = arith.mulf %add3A, %mul3A_3 : vector<6400x64xf32>
    %sub3A = arith.subf %slice3A, %slice3A_2 : vector<6400x64xf32>
    %mul3A_5 = arith.mulf %sub3A, %sub3A : vector<6400x64xf32>
    %concatenate3A = tpu.concatenate %mul3A_4, %mul3A_5 in 1 : vector<6400x64xf32>, vector<6400x64xf32> -> vector<6400x128xf32>
    %get3A_6 = arith.constant 0 : index
    %get3A_7 = arith.constant 0 : index
    %get3A_8 = vector.load %arg2[%get3A_6, %get3A_7] : memref<128x48xf32, #tpu.memory_space<vmem>>, vector<128x48xf32>
    %dot_general3A = arith.constant dense<0.000000e+00> : vector<48x6400xf32>
    %dot_general3A_9 = tpu.matmul %get3A_8, %concatenate3A, %dot_general3A {dimension_numbers = #tpu.dot_dimension_numbers<[0], [1], [1], [0], [0, 1, 1, 0], [], []>, transpose_lhs_hint = true} : vector<128x48xf32>, vector<6400x128xf32>, vector<48x6400xf32> -> vector<48x6400xf32>
    %get3A_10 = arith.constant 0 : index
    %get3A_11 = arith.constant 0 : index
    %get3A_12 = vector.load %arg3[%get3A_10, %get3A_11] : memref<48x1xf32, #tpu.memory_space<vmem>>, vector<48x1xf32>
    %add3A_13 = vector.broadcast %get3A_12 : vector<48x1xf32> to vector<48x6400xf32>
    %add3A_14 = arith.addf %dot_general3A_9, %add3A_13 : vector<48x6400xf32>
    %reduce_max3A = arith.constant dense<0xFF800000> : vector<6400xf32>
    %reduce_max3A_15 = vector.multi_reduction <maximumf>, %add3A_14, %reduce_max3A [0] : vector<48x6400xf32> to vector<6400xf32>
    %broadcast_in_dim3A = vector.shape_cast %reduce_max3A_15 : vector<6400xf32> to vector<1x6400xf32>
    %sub3A_16 = vector.broadcast %broadcast_in_dim3A : vector<1x6400xf32> to vector<48x6400xf32>
    %sub3A_17 = arith.subf %add3A_14, %sub3A_16 : vector<48x6400xf32>
    %exp3A = math.exp %sub3A_17 : vector<48x6400xf32>
    %reduce_sum3A = arith.constant dense<0.000000e+00> : vector<6400xf32>
    %reduce_sum3A_18 = vector.multi_reduction <add>, %exp3A, %reduce_sum3A [0] : vector<48x6400xf32> to vector<6400xf32>
    %broadcast_in_dim3A_19 = vector.shape_cast %reduce_sum3A_18 : vector<6400xf32> to vector<1x6400xf32>
    %div3A = vector.broadcast %broadcast_in_dim3A_19 : vector<1x6400xf32> to vector<48x6400xf32>
    %div3A_20 = arith.divf %exp3A, %div3A : vector<48x6400xf32>
    %slice3A_21 = vector.extract_strided_slice %div3A_20 {offsets = [0, 0], sizes = [41, 6400], strides = [1, 1]} : vector<48x6400xf32> to vector<41x6400xf32>
    %swap3A = arith.constant 0 : index
    %swap3A_22 = arith.constant 0 : index
    %swap3A_23 = vector.load %arg8[%swap3A, %swap3A_22] : memref<41x6400xf32, #tpu.memory_space<vmem>>, vector<41x6400xf32>
    tpu.vector_store %arg8[%swap3A, %swap3A_22], %slice3A_21 {strides = array<i32>} : memref<41x6400xf32, #tpu.memory_space<vmem>>, vector<41x6400xf32>,
    %get3A_24 = arith.constant 0 : index
    %get3A_25 = arith.constant 0 : index
    %get3A_26 = vector.load %arg5[%get3A_24, %get3A_25] : memref<48x1xf32, #tpu.memory_space<vmem>>, vector<48x1xf32>
    %add3A_27 = vector.broadcast %get3A_26 : vector<48x1xf32> to vector<48x6400xf32>
    %add3A_28 = arith.addf %div3A_20, %add3A_27 : vector<48x6400xf32>
    %get3A_29 = arith.constant 0 : index
    %get3A_30 = arith.constant 0 : index
    %get3A_31 = arith.constant 0 : index
    %get3A_32 = vector.load %arg4[%get3A_29, %get3A_30, %get3A_31] : memref<1x1x6400xf32, #tpu.memory_space<vmem>>, vector<1x1x6400xf32>
    %get3A_33 = vector.shape_cast %get3A_32 : vector<1x1x6400xf32> to vector<1x6400xf32>
    %mul3A_34 = vector.broadcast %get3A_33 : vector<1x6400xf32> to vector<48x6400xf32>
    %mul3A_35 = arith.mulf %add3A_28, %mul3A_34 : vector<48x6400xf32>
    %slice3A_36 = vector.extract_strided_slice %mul3A_35 {offsets = [0, 0], sizes = [48, 3200], strides = [1, 1]} : vector<48x6400xf32> to vector<48x3200xf32>
    %get3A_37 = arith.constant 0 : index
    %get3A_38 = arith.constant 0 : index
    %get3A_39 = vector.load %arg6[%get3A_37, %get3A_38] : memref<48x64xf32, #tpu.memory_space<vmem>>, vector<48x64xf32>
    %dot_general3A_40 = arith.constant dense<0.000000e+00> : vector<3200x64xf32>
    %dot_general3A_41 = tpu.matmul %slice3A_36, %get3A_39, %dot_general3A_40 {dimension_numbers = #tpu.dot_dimension_numbers<[0], [0], [1], [1], [0, 1, 1, 1], [], []>, transpose_lhs_hint = true} : vector<48x3200xf32>, vector<48x64xf32>, vector<3200x64xf32> -> vector<3200x64xf32>
    %slice3A_42 = vector.extract_strided_slice %mul3A_35 {offsets = [0, 3200], sizes = [48, 3200], strides = [1, 1]} : vector<48x6400xf32> to vector<48x3200xf32>
    %get3A_43 = arith.constant 0 : index
    %get3A_44 = arith.constant 0 : index
    %get3A_45 = vector.load %arg6[%get3A_43, %get3A_44] : memref<48x64xf32, #tpu.memory_space<vmem>>, vector<48x64xf32>
    %dot_general3A_46 = arith.constant dense<0.000000e+00> : vector<3200x64xf32>
    %dot_general3A_47 = tpu.matmul %slice3A_42, %get3A_45, %dot_general3A_46 {dimension_numbers = #tpu.dot_dimension_numbers<[0], [0], [1], [1], [0, 1, 1, 1], [], []>, transpose_lhs_hint = true} : vector<48x3200xf32>, vector<48x64xf32>, vector<3200x64xf32> -> vector<3200x64xf32>
    %concatenate3A_48 = tpu.concatenate %dot_general3A_41, %dot_general3A_47 in 1 : vector<3200x64xf32>, vector<3200x64xf32> -> vector<3200x128xf32>
    %swap3A_49 = arith.constant 0 : index
    %swap3A_50 = arith.constant 0 : index
    %swap3A_51 = vector.load %arg9[%swap3A_49, %swap3A_50] : memref<3200x128xf32, #tpu.memory_space<vmem>>, vector<3200x128xf32>
    tpu.vector_store %arg9[%swap3A_49, %swap3A_50], %concatenate3A_48 {strides = array<i32>} : memref<3200x128xf32, #tpu.memory_space<vmem>>, vector<3200x128xf32>,
    return
  }
  func.func @transform_0(%arg0: i32) -> (i32, i32) {
    %c0_i32 = arith.constant 0 : i32
    %c0_i32_0 = arith.constant 0 : i32
    return %arg0, %c0_i32 : i32, i32
  }
  func.func @transform_1(%arg0: i32) -> (i32, i32) {
    %c0_i32 = arith.constant 0 : i32
    %c0_i32_0 = arith.constant 0 : i32
    %c0_i32_1 = arith.constant 0 : i32
    return %c0_i32, %c0_i32_0 : i32, i32
  }
  func.func @transform_2(%arg0: i32) -> (i32, i32) {
    %c0_i32 = arith.constant 0 : i32
    %c0_i32_0 = arith.constant 0 : i32
    %c0_i32_1 = arith.constant 0 : i32
    return %c0_i32, %c0_i32_0 : i32, i32
  }
  func.func @transform_3(%arg0: i32) -> (i32, i32, i32) {
    %c0_i32 = arith.constant 0 : i32
    %c0_i32_0 = arith.constant 0 : i32
    %c0_i32_1 = arith.constant 0 : i32
    return %arg0, %c0_i32, %c0_i32_0 : i32, i32, i32
  }
  func.func @transform_4(%arg0: i32) -> (i32, i32) {
    %c0_i32 = arith.constant 0 : i32
    %c0_i32_0 = arith.constant 0 : i32
    %c0_i32_1 = arith.constant 0 : i32
    return %c0_i32, %c0_i32_0 : i32, i32
  }
  func.func @transform_5(%arg0: i32) -> (i32, i32) {
    %c0_i32 = arith.constant 0 : i32
    %c0_i32_0 = arith.constant 0 : i32
    %c0_i32_1 = arith.constant 0 : i32
    return %c0_i32, %c0_i32_0 : i32, i32
  }
  func.func @transform_7(%arg0: i32) -> (i32, i32) {
    %add3A = arith.constant 25 : i32
    %add3A_0 = arith.addi %arg0, %add3A : i32
    %c0_i32 = arith.constant 0 : i32
    %c0_i32_1 = arith.constant 0 : i32
    return %c0_i32, %add3A_0 : i32, i32
  }
  func.func @transform_8(%arg0: i32) -> (i32, i32) {
    %c0_i32 = arith.constant 0 : i32
    %c0_i32_0 = arith.constant 0 : i32
    return %arg0, %c0_i32 : i32, i32
  }
}

module attributes {stable_mosaic.version = 14 : i64} {
  func.func @body(%arg0: memref<2x10240x64xf32, #tpu.memory_space<vmem>>, %arg1: memref<2x10240x64xf32, #tpu.memory_space<vmem>>, %arg2: memref<10000x41xf32, #tpu.memory_space<vmem>>, %arg3: memref<10000x41xf32, #tpu.memory_space<vmem>>) attributes {dimension_semantics = [], scalar_prefetch = 0 : i64, scratch_operands = 0 : i64, tpu.core_type = #tpu.core_type<tc>} {
    %get3A = arith.constant 0 : index
    %get3A_0 = arith.constant 0 : index
    %get3A_1 = arith.constant 0 : index
    %get3A_2 = vector.load %arg0[%get3A, %get3A_0, %get3A_1] : memref<2x10240x64xf32, #tpu.memory_space<vmem>>, vector<1x10240x64xf32>
    %get3A_3 = vector.shape_cast %get3A_2 : vector<1x10240x64xf32> to vector<10240x64xf32>
    %get3A_4 = arith.constant 1 : index
    %get3A_5 = arith.constant 0 : index
    %get3A_6 = arith.constant 0 : index
    %get3A_7 = vector.load %arg0[%get3A_4, %get3A_5, %get3A_6] : memref<2x10240x64xf32, #tpu.memory_space<vmem>>, vector<1x10240x64xf32>
    %get3A_8 = vector.shape_cast %get3A_7 : vector<1x10240x64xf32> to vector<10240x64xf32>
    %add3A = arith.addf %get3A_3, %get3A_8 : vector<10240x64xf32>
    %get3A_9 = arith.constant 0 : index
    %get3A_10 = arith.constant 0 : index
    %get3A_11 = arith.constant 0 : index
    %get3A_12 = vector.load %arg1[%get3A_9, %get3A_10, %get3A_11] : memref<2x10240x64xf32, #tpu.memory_space<vmem>>, vector<1x10240x64xf32>
    %get3A_13 = vector.shape_cast %get3A_12 : vector<1x10240x64xf32> to vector<10240x64xf32>
    %get3A_14 = arith.constant 1 : index
    %get3A_15 = arith.constant 0 : index
    %get3A_16 = arith.constant 0 : index
    %get3A_17 = vector.load %arg1[%get3A_14, %get3A_15, %get3A_16] : memref<2x10240x64xf32, #tpu.memory_space<vmem>>, vector<1x10240x64xf32>
    %get3A_18 = vector.shape_cast %get3A_17 : vector<1x10240x64xf32> to vector<10240x64xf32>
    %add3A_19 = arith.addf %get3A_13, %get3A_18 : vector<10240x64xf32>
    %add3A_20 = arith.addf %add3A, %add3A_19 : vector<10240x64xf32>
    %slice3A = vector.extract_strided_slice %add3A_20 {offsets = [0, 0], sizes = [10000, 41], strides = [1, 1]} : vector<10240x64xf32> to vector<10000x41xf32>
    %slice3A_21 = vector.extract_strided_slice %add3A_20 {offsets = [0, 41], sizes = [10000, 1], strides = [1, 1]} : vector<10240x64xf32> to vector<10000x1xf32>
    %max3A = arith.constant 9.99999996E-13 : f32
    %max3A_22 = vector.broadcast %max3A : f32 to vector<10000x1xf32>
    %max3A_23 = arith.maximumf %slice3A_21, %max3A_22 : vector<10000x1xf32>
    %swap3A = arith.constant 0 : index
    %swap3A_24 = arith.constant 0 : index
    %swap3A_25 = vector.load %arg3[%swap3A, %swap3A_24] : memref<10000x41xf32, #tpu.memory_space<vmem>>, vector<10000x41xf32>
    tpu.vector_store %arg3[%swap3A, %swap3A_24], %slice3A {strides = array<i32>} : memref<10000x41xf32, #tpu.memory_space<vmem>>, vector<10000x41xf32>,
    %div3A = vector.broadcast %max3A_23 : vector<10000x1xf32> to vector<10000x41xf32>
    %div3A_26 = arith.divf %slice3A, %div3A : vector<10000x41xf32>
    %swap3A_27 = arith.constant 0 : index
    %swap3A_28 = arith.constant 0 : index
    %swap3A_29 = vector.load %arg2[%swap3A_27, %swap3A_28] : memref<10000x41xf32, #tpu.memory_space<vmem>>, vector<10000x41xf32>
    tpu.vector_store %arg2[%swap3A_27, %swap3A_28], %div3A_26 {strides = array<i32>} : memref<10000x41xf32, #tpu.memory_space<vmem>>, vector<10000x41xf32>,
    return
  }
}

</mosaic_0001>

<sc_bundles>
// kernel: kernel.10.cloned.1.call-start
scs
__scs_entry_jumppad:
0x0: {  	(pc) =	sbr.rel $0x88, $3  }
0x1: {  	(tag) =	ssettag $0x0;
	lr =	simm.s32 $0x1  }
0x2: {  	[smem:$0x3F9A] =	sst lr;
	_ =	strace $0xD0000000  }
0x3: {  	_ = 	snop  }
0x4: {  	_ = 	snop  }
0x5: {  	_ = 	snop  }
0x6: {  	_ = 	snop  }
0x7: {  	_ = 	snop  }
__scs_overlays_trampoline_lowered:
0x8: {  	[smem:$0x3FA9] =	sst s0  }
0x9: {  	[smem:$0x3FAA] =	sst s1  }
0xa: {  	[smem:$0x3FAB] =	sst s2  }
0xb: {  	[smem:$0x3FAC] =	sst s3  }
0xc: {  	[smem:$0x3FAD] =	sst s4  }
0xd: {  	[smem:$0x3FAE] =	sst s5  }
0xe: {  	[smem:$0x3FAF] =	sst s6  }
0xf: {  	[smem:$0x3FB0] =	sst s7  }
0x10: {  	[smem:$0x3FB1] =	sst s8  }
0x11: {  	[smem:$0x3FB2] =	sst s9;
	s0 =	simm.s32 @!p0 $0x0  }
0x12: {  	s1 =	sld [smem:$0x3F98];
	s0 =	simm.s32 @p0 $0x1  }
0x13: {  	[smem:$0x3FB3] =	sst s0;
	s0 =	simm.s32 @!p1 $0x0  }
0x14: {  	s2 =	sld [smem:$0x3F97];
	s0 =	simm.s32 @p1 $0x1  }
0x15: {  	[smem:$0x3FB4] =	sst s0;
	s0 =	simm.s32 @!p2 $0x0  }
0x16: {  	s3 =	sld [smem:$0x3FDB];
	s0 =	simm.s32 @p2 $0x1  }
0x17: {  	s4 =	simm.s32 $0x1BF5;
	[smem:$0x3FB6] =	sst s0  }
0x18: {  	s0 =	sld [smem:$0x3F99];
	_ =	swait.ge [sflag:s4], $0x0  }
0x19: {  	s7 =	sld [smem:$0x3F9A]  }
0x1a: {  	s8 =	sadd.s32 $0xFFFFE003, lr  }
0x1b: {  	s9 =	sadd.s32 $0xFFFFFEF7, lr;
	s5 =	simm.s32 $0xFFFFFFFF;
	p2 =	slt.u32 s8, $0xFFFFF086  }
0x1c: {  	p1 =	slt.u32 s9, $0xF7A;
	s5 =	simm.s32 @!p2 $0x0  }
0x1d: {  	s5 =	simm.s32 @p1 $0x1;
	p0 =	seq.s32 s7, s2  }
0x1e: {  	s7 =	smul.u32 @!p0 $0xF7A, s2;
	p2 =	seq.s32 @!p0 s5, $0x0  }
0x1f: {  	s9 =	smul.u32 $0xF7A, s1;
	s8 =	simm.s32 @!p0 $0x1BF5;
	p2 =	por !p2, p0  }
0x20: {  	[sflag:s8] =	ssyncset.s32 @!p0 $0xFFFFF086;
	s6 =	sadd.s32 @!p0 s3, s7;
	s7 =	simm.s32 @!p0 $0x108  }
0x21: {  	s3 =	sadd.s32 s3, s9;
	s6 =	sadd.s32 @!p0 $0x88, s6;
	s7 =	simm.s32 @p2 $0x1082  }
0x22: {  	[simem:s7], [sflag:s8] =	dma.local @!p0 [hbm:s6], $0xF7A  }
0x23: {  	s9 =	sor.u32 $0xD0000000, s2;
	s6 =	simm.s32 $0x108;
	_ =	swait.ge @!p0 [sflag:s8], $0x0  }
0x24: {  	s3 =	sadd.s32 $0x88, s3;
	s6 =	simm.s32 @!p1 $0x1082;
	[sflag:s4] =	ssyncset.s32 $0xFFFFF086  }
0x25: {  	[simem:s6], [sflag:s4] =	dma.local [hbm:s3], $0xF7A  }
0x26: {  	[smem:$0x3F9A] =	sst s1;
	(tag) =	ssettag s2;
	_ =	strace s9  }
0x27: {  	s1 =	sld [smem:$0x3FAA]  }
0x28: {  	s2 =	sld [smem:$0x3FAB]  }
0x29: {  	s4 =	sld [smem:$0x3FAD]  }
0x2a: {  	p0 =	seq.s32 s5, $0x0;
	s5 =	sld [smem:$0x3FAE]  }
0x2b: {  	s6 =	sld [smem:$0x3FAF]  }
0x2c: {  	s7 =	sld [smem:$0x3FB0]  }
0x2d: {  	s3 =	simm.s32 $0x108;
	s8 =	sld [smem:$0x3FB1]  }
0x2e: {  	s3 =	simm.s32 @!p0 $0x1082;
	s9 =	sld [smem:$0x3FB2]  }
0x2f: {  	lr =	sadd.s32 s0, s3;
	s0 =	sld [smem:$0x3FA9]  }
0x30: {  	s3 =	sld [smem:$0x3FAC]  }
0x31: {  	[smem:$0x3FB5] =	sst s10  }
0x32: {  	s10 =	sld [smem:$0x3FB3];
	_ =	sdelay $0x3  }
0x33: {  	p0 =	seq.s32 s10, $0x1;
	s10 =	sld [smem:$0x3FB5];
	_ =	sdelay $0x3  }
0x34: {  	[smem:$0x3FB5] =	sst s10  }
0x35: {  	s10 =	sld [smem:$0x3FB4];
	_ =	sdelay $0x3  }
0x36: {  	p1 =	seq.s32 s10, $0x1;
	s10 =	sld [smem:$0x3FB5];
	_ =	sdelay $0x3  }
0x37: {  	[smem:$0x3FB5] =	sst s10  }
0x38: {  	s10 =	sld [smem:$0x3FB6]  }
0x39: {  	_ = 	snop;
	(pc) =	sbr.ind lr, $3  }
0x3a: {  	_ = 	snop  }
0x3b: {  	_ = 	snop  }
0x3c: {  	p2 =	seq.s32 s10, $0x1;
	s10 =	sld [smem:$0x3FB5]  }
0x3d: {  	_ =	shalt  }
0x3e: {  	_ =	shalt  }
0x3f: {  	_ =	shalt  }
0x40: {  	_ =	shalt  }
0x41: {  	_ =	shalt  }
0x42: {  	_ =	shalt  }
0x43: {  	_ =	shalt  }
0x44: {  	_ =	shalt  }
0x45: {  	_ =	shalt  }
0x46: {  	_ =	shalt  }
0x47: {  	_ =	shalt  }
0x48: {  	_ =	shalt  }
0x49: {  	_ =	shalt  }
0x4a: {  	_ =	shalt  }
0x4b: {  	_ =	shalt  }
0x4c: {  	_ =	shalt  }
0x4d: {  	_ =	shalt  }
0x4e: {  	_ =	shalt  }
0x4f: {  	_ =	shalt  }
0x50: {  	_ =	shalt  }
0x51: {  	_ =	shalt  }
0x52: {  	_ =	shalt  }
0x53: {  	_ =	shalt  }
0x54: {  	_ =	shalt  }
0x55: {  	_ =	shalt  }
0x56: {  	_ =	shalt  }
0x57: {  	_ =	shalt  }
0x58: {  	_ =	shalt  }
0x59: {  	_ =	shalt  }
0x5a: {  	_ =	shalt  }
0x5b: {  	_ =	shalt  }
0x5c: {  	_ =	shalt  }
0x5d: {  	_ =	shalt  }
0x5e: {  	_ =	shalt  }
0x5f: {  	_ =	shalt  }
0x60: {  	_ =	shalt  }
0x61: {  	_ =	shalt  }
0x62: {  	_ =	shalt  }
0x63: {  	_ =	shalt  }
0x64: {  	_ =	shalt  }
0x65: {  	_ =	shalt  }
0x66: {  	_ =	shalt  }
0x67: {  	_ =	shalt  }
0x68: {  	_ =	shalt  }
0x69: {  	_ =	shalt  }
0x6a: {  	_ =	shalt  }
0x6b: {  	_ =	shalt  }
0x6c: {  	_ =	shalt  }
0x6d: {  	_ =	shalt  }
0x6e: {  	_ =	shalt  }
0x6f: {  	_ =	shalt  }
0x70: {  	_ =	shalt  }
0x71: {  	_ =	shalt  }
0x72: {  	_ =	shalt  }
0x73: {  	_ =	shalt  }
0x74: {  	_ =	shalt  }
0x75: {  	_ =	shalt  }
0x76: {  	_ =	shalt  }
0x77: {  	_ =	shalt  }
0x78: {  	_ =	shalt  }
0x79: {  	_ =	shalt  }
0x7a: {  	_ =	shalt  }
0x7b: {  	_ =	shalt  }
0x7c: {  	_ =	shalt  }
0x7d: {  	_ =	shalt  }
0x7e: {  	_ =	shalt  }
0x7f: {  	_ =	shalt  }
0x80: {  	_ =	shalt  }
0x81: {  	_ =	shalt  }
0x82: {  	_ =	shalt  }
0x83: {  	_ =	shalt  }
0x84: {  	_ =	shalt  }
0x85: {  	_ =	shalt  }
0x86: {  	_ =	shalt  }
0x87: {  	_ =	shalt  }
.Lfunc_end0:
.L_simem_size_0:
called_computation_lowered:
.L_overlay_start_0:
0x88: {  	s2 =	sld [smem:$0x3FD9]  }
0x89: {  	s3 =	sld [smem:$0x3FFE];
	_ =	sdelay $0x1  }
0x8a: {  	s1 =	srdreg.scid  }
0x8b: {  	s0 =	sand.u32 $0x1, s1  }
0x8c: {  	s14 =	sshll.u32 s0, $0xA;
	s2 =	sadd.s32 s3, s2  }
0x8d: {  	s2 =	sadd.s32 s2, s14  }
0x8e: {  	[smem:$0x3FC1] =	sst s2  }
0x8f: {  	_ = 	snop  }
0x90: {  	s2 =	sld [smem:$0x3FD0];
	_ =	sdelay $0x2  }
0x91: {  	s15 =	simm.s32 $0xB;
	s4 =	simm.s32 $0x10  }
0x92: {  	[smem:s4], [sflag:s15] =	dma.local [hbm:s2], $0x1  }
0x93: {  	_ =	swait.eq [sflag:s15], $0x1  }
0x94: {  	[sflag:s15] =	ssyncset.done $0x0  }
0x95: {  	[sflag:s15] =	ssyncadd.s32 $0xFFFFFFFF  }
0x96: {  	s16 =	sld [smem:$0x12];
	(tm) =	ssettm $0x1  }
0x97: {  	s17 =	sld [smem:$0x3FFB];
	_ =	sdelay $0x3  }
0x98: {  	_ =	strace s17  }
0x99: {  	s3 =	sld [smem:$0x3FFC];
	_ =	sdelay $0x3  }
0x9a: {  	_ =	strace s3  }
0x9b: {  	s3 =	sld [smem:$0x3FFD];
	_ =	sdelay $0x3  }
0x9c: {  	_ =	strace s3  }
0x9d: {  	_ =	strace $0x8FFFFFFF  }
0x9e: {  	s18 =	sld [smem:$0x3FDB];
	_ =	sdelay $0x1  }
0x9f: {  	s19 =	simm.s32 $_scs_section_size  }
0xa0: {  	s5 =	simm.s32 $_size__tile_overlayer_lowered;
	s6 =	simm.s32 $_tile_overlayer_lowered  }
0xa1: {  	s22 =	simm.s32 $0x1BFF;
	s21 =	sshll.u32 s6, $0x1;
	s3 =	sadd.s32 s19, s18  }
0xa2: {  	s7 =	simm.s32 $0x0;
	s20 =	sshll.u32 s5, $0x1;
	s5 =	sadd.s32 s21, s3  }
0xa3: {  	[timem:s7], [sflag:s22] =	dma.local [hbm:s5], s20  }
0xa4: {  	_ =	swait.ge [sflag:s22], s20  }
0xa5: {  	s4 =	ssub.s32 $0x0, s20;
	[sflag:s22] =	ssyncset.done $0x0  }
0xa6: {  	[sflag:s22] =	ssyncadd.s32 s4;
	_ =	sdelay $0x1  }
0xa7: {  	s23 =	simm.s32 $0x1B8B  }
0xa8: {  	_ =	swait.ge [sflag:s23], $0x1  }
0xa9: {  	[sflag:s23] =	ssyncset.done $0x0  }
0xaa: {  	s25 =	simm.s32 $0x1B8E;
	s24 =	sld [smem:$0x3FFE];
	[sflag:s23] =	ssyncadd.s32 $0xFFFFFFFF  }
0xab: {  	s26 =	simm.s32 $execute0_lowered;
	[smem:$0x3FD2] =	sst s25  }
0xac: {  	s5 =	sshll.u32 s26, $0x1;
	_ =	strace $0x80000046;
	[dreg:$0x1] =	wrdreg $0xFFFFFFFF  }
0xad: {  	s28 =	simm.s32 $_size_execute0_lowered;
	s3 =	sadd.s32 s3, s5;
	[dreg:$0x0] =	wrdreg $0x0  }
0xae: {  	s5 =	sshll.u32 s28, $0x1;
	[dreg:$0x2] =	wrdreg s3  }
0xaf: {  	[dreg:$0x3] =	wrdreg s5  }
0xb0: {  	[dreg:$0x4] =	wrdreg $0xC0  }
0xb1: {  	_ =	task [dreg:s7], $0x5FFFF  }
0xb2: {  	[dreg:$0x1] =	wrdreg $0xFFFFFFFF  }
0xb3: {  	[dreg:$0x0] =	wrdreg $0x60  }
0xb4: {  	[dreg:$0x2] =	wrdreg s16  }
0xb5: {  	[dreg:$0x3] =	wrdreg s24  }
0xb6: {  	[dreg:$0x4] =	wrdreg $0x9  }
0xb7: {  	_ =	task.clear_ibuf [dreg:s7], $0x5FFFF;
	_ =	strace $0x90000046  }
0xb8: {  	s29 =	simm.s32 $0x9;
	_ =	strace $0x80000048  }
0xb9: {  	_ =	swait.ge [sflag:s29], $0x1  }
0xba: {  	[sflag:s29] =	ssyncadd.s32 $0xFFFFFFFF  }
0xbb: {  	_ =	strace $0x90000048  }
0xbc: {  	_ =	sfence  }
0xbd: {  	s30 =	sld [smem:$0x0];
	_ =	sdelay $0x2  }
0xbe: {  	s31 =	sshll.u32 s1, $0xD;
	s1 =	sshrl.u32 s1, $0x2  }
0xbf: {  	s3 =	sand.u32 $0x4000, s31;
	s1 =	sadd.s32 s1, s30  }
0xc0: {  	s0 =	sor.u32 s3, s0;
	s1 =	sshll.u32 s1, $0x11  }
0xc1: {  	s0 =	sor.u32 s1, s0  }
0xc2: {  	s0 =	sadd.s32 $0x8F2B, s0  }
0xc3: {  	[sflag:s0] =	ssyncadd.remote.s32 $0x1  }
0xc4: {  	_ =	sfence.sel $0xFFFF  }
0xc5: {  	[dreg:$0x0] =	wrdreg $0xFFFFFFFF;
	(pc) =	sbr.abs _section_cstart, $3  }
0xc6: {  	[dreg:$0x1] =	wrdreg $0xFFFFFFFF  }
0xc7: {  	_ =	task.clear_ibuf [dreg:s7], $0x2FFFF;
	_ =	strace $0x9FFFFFFF  }
0xc8: {  	(tm) =	ssettm $0x7FFFFFFF  }
0xc9: {  	_ =	shalt  }
tec
execute0_lowered:
.L_overlay_start_1:
0x0: {  	(tag) =	ssettag $0x1  }
0x1: {  	s0 =	rddreg [dreg:$0x0];
	s1 =	srdreg.scid  }
0x2: {  	s13 =	stileid.u32;
	s5 =	rddreg [dreg:$0x1];
	s2 =	simm.s32 $0x0  }
0x3: {  	s15 =	simm.s32 $0x5;
	s16 =	simm.s32 $0x28;
	s17 =	simm.s32 $0x2710  }
0x4: {  	s18 =	simm.s32 $0x3B10;
	s19 =	simm.s32 $0x3110;
	s21 =	simm.s32 $0x4510  }
0x5: {  	s22 =	simm.s32 $0x1;
	s28 =	simm.s32 $0x4;
	s29 =	simm.s32 $0x1360  }
0x6: {  	s30 =	simm.s32 $0x26E8;
	s31 =	simm.s32 $0x0;
	s1 =	sand.u32 $0x1, s1  }
0x7: {  	s3 =	sshll.u32 s13, $0x1;
	[smem:$0x7FF] =	sst s2;
	s24 =	smul.u32 $0x27100, s13  }
0x8: {  	s6 =	sor.u32 s1, s3;
	s7 =	ssub.s32 $0x2, s1;
	s1 =	smul.u32 $0x13880, s1  }
0x9: {  	s10 =	sadd.s32 $0x16000, s5;
	s12 =	sadd.s32 $0x16008, s5;
	s4 =	smul.u32 $0x1388, s6  }
0xa: {  	_ =	strace $0x80000047;
	s3 =	sadd.s32 $0x2600, s5;
	s8 =	smul.u32 $0x9C400, s6  }
0xb: {  	s9 =	sshrl.u32 s7, $0x1;
	s11 =	smul.u32 $0x13880, s6;
	s13 =	sadd.s32 s24, s10  }
0xc: {  	s24 =	simm.s32 $0x80;
	s7 =	ssub.s32 s7, s9;
	s1 =	sadd.s32 s1, s13  }
0xd: {  	s13 =	simm.s32 $0x1388;
	s4 =	sshrl.u32 s4, $0x3;
	s8 =	sshrl.u32 s8, $0x3  }
0xe: {  	s25 =	sadd.s32 $0x13100, s11;
	s7 =	smax.u32 s7, $0x1;
	s26 =	sadd.s32 $0x13380, s11  }
0xf: {  	s4 =	sadd.s32 s0, s4;
	s23 =	sadd.s32 s10, s8;
	s8 =	sadd.s32 s10, s25  }
0x10: {  	s9 =	sadd.s32 s25, s12;
	s10 =	sadd.s32 s10, s26;
	s11 =	sadd.s32 s26, s12  }
0x11: {  	s12 =	sadd.s32 $0x288, s1;
	s25 =	simm.s32 $0x3;
	s26 =	simm.s32 $0x2  }
0x12: {  	s5 =	sadd.s32 $0x13600, s23;
	s6 =	sadd.s32 $0x13608, s23;
	s23 =	simm.s32 $0x40  }
.LBB2_1:
0x13: {  	s0 =	simm.s32 $0x27100  }
0x14: {  	[tilespmem:s2], [sflag:$0x5] =	stream.strided.gather [hbm4b:s4+s13], $0x2710, s0, s13, $0x38;
	[tilespmem:$0x4F10] =	vst v63  }
0x15: {  	_ =	swait.ge [sflag:s15], $0x2710  }
0x16: {  	[sflag:s15] =	ssyncset.done $0x0  }
0x17: {  	[sflag:s15] =	ssyncadd.s32 $0xFFFFD8F0  }
0x18: {  	[tilespmem:s17], [sflag:$0x1] =	stream.indirect.gather [hbm4b:s3+s16], $0x40, s2, s16, $0xb8;
	[tilespmem:$0x4F10] =	vst v63  }
0x19: {  	_ = 	snop  }
0x1a: {  	[tilespmem:s18], [sflag:$0x3] =	stream.indirect.gather [hbm4b:s3+s16], $0x40, s13, s16, $0xb8;
	[tilespmem:$0x4F10] =	vst v63  }
0x1b: {  	_ = 	snop  }
0x1c: {  	[tilespmem:s19], [sflag:$0x2] =	stream.indirect.gather [hbm4b:s3+s16], $0x40, s16, s16, $0xb8;
	[tilespmem:$0x4F10] =	vst v63  }
0x1d: {  	s20 =	simm.s32 $0x13B0  }
0x1e: {  	[tilespmem:s21], [sflag:$0x4] =	stream.indirect.gather [hbm4b:s3+s16], $0x40, s20, s16, $0xb8;
	[tilespmem:$0x4F10] =	vst v63  }
0x1f: {  	_ =	swait.ge [sflag:s22], $0xA00  }
0x20: {  	[sflag:s22] =	ssyncset.done $0x0  }
0x21: {  	s1 =	sadd.s32 $0xFFFFFD78, s12;
	[sflag:s22] =	ssyncadd.s32 $0xFFFFF600  }
0x22: {  	[hbm4b:s1+s23] =	stream.strided.scatter [tilespmem:s17], [sflag:$0x5], $0xA00, s24, s23, $0x38;
	[tilespmem:$0x4F10] =	vst v63  }
0x23: {  	_ =	swait.ge [sflag:s15], $0xA00  }
0x24: {  	[sflag:s15] =	ssyncset.done $0x0  }
0x25: {  	s14 =	simm.s32 $0x50;
	[sflag:s15] =	ssyncadd.s32 $0xFFFFF600  }
0x26: {  	[tilespmem:s17], [sflag:$0x1] =	stream.indirect.gather [hbm4b:s3+s16], $0x40, s14, s16, $0xb8;
	[tilespmem:$0x4F10] =	vst v63  }
0x27: {  	_ =	swait.ge [sflag:s25], $0xA00  }
0x28: {  	[sflag:s25] =	ssyncset.done $0x0  }
0x29: {  	s20 =	sadd.s32 $0xFFFFFD80, s12;
	[sflag:s25] =	ssyncadd.s32 $0xFFFFF600  }
0x2a: {  	[hbm4b:s20+s23] =	stream.strided.scatter [tilespmem:s18], [sflag:$0x5], $0xA00, s24, s23, $0x38;
	[tilespmem:$0x4F10] =	vst v63  }
0x2b: {  	_ =	swait.ge [sflag:s15], $0xA00  }
0x2c: {  	[sflag:s15] =	ssyncset.done $0x0  }
0x2d: {  	s1 =	simm.s32 $0x13D8;
	[sflag:s15] =	ssyncadd.s32 $0xFFFFF600  }
0x2e: {  	[tilespmem:s18], [sflag:$0x3] =	stream.indirect.gather [hbm4b:s3+s16], $0x40, s1, s16, $0xb8;
	[tilespmem:$0x4F10] =	vst v63  }
0x2f: {  	_ =	swait.ge [sflag:s26], $0xA00  }
0x30: {  	[sflag:s26] =	ssyncset.done $0x0  }
0x31: {  	s14 =	sadd.s32 $0xFFFFFFF8, s12;
	[sflag:s26] =	ssyncadd.s32 $0xFFFFF600  }
0x32: {  	[hbm4b:s14+s23] =	stream.strided.scatter [tilespmem:s19], [sflag:$0x5], $0xA00, s24, s23, $0x38;
	[tilespmem:$0x4F10] =	vst v63  }
0x33: {  	_ =	swait.ge [sflag:s15], $0xA00  }
0x34: {  	[sflag:s15] =	ssyncset.done $0x0  }
0x35: {  	s20 =	simm.s32 $0x78;
	[sflag:s15] =	ssyncadd.s32 $0xFFFFF600  }
0x36: {  	[tilespmem:s19], [sflag:$0x2] =	stream.indirect.gather [hbm4b:s3+s16], $0x40, s20, s16, $0xb8;
	[tilespmem:$0x4F10] =	vst v63  }
0x37: {  	_ =	swait.ge [sflag:s28], $0xA00  }
0x38: {  	[sflag:s28] =	ssyncset.done $0x0  }
0x39: {  	[sflag:s28] =	ssyncadd.s32 $0xFFFFF600  }
0x3a: {  	[hbm4b:s12+s23] =	stream.strided.scatter [tilespmem:s21], [sflag:$0x5], $0xA00, s24, s23, $0x38;
	[tilespmem:$0x4F10] =	vst v63  }
0x3b: {  	_ =	swait.ge [sflag:s15], $0xA00  }
0x3c: {  	s0 =	sadd.s32 $0x500, s12;
	[sflag:s15] =	ssyncset.done $0x0  }
0x3d: {  	s1 =	simm.s32 $0x140;
	s14 =	simm.s32 $0x1400;
	[sflag:s15] =	ssyncadd.s32 $0xFFFFF600  }
.LBB2_2:
0x3e: {  	[tilespmem:s21], [sflag:$0x4] =	stream.indirect.gather [hbm4b:s3+s16], $0x40, s14, s16, $0xb8;
	[tilespmem:$0x4F10] =	vst v63  }
0x3f: {  	s14 =	smov.u32 s1  }
0x40: {  	p0 =	sne.s32 s1, $0x4B00;
	s1 =	sadd.s32 $0x140, s1;
	_ =	swait.ge [sflag:s22], $0xA00  }
0x41: {  	[sflag:s22] =	ssyncset.done $0x0  }
0x42: {  	s20 =	sadd.s32 $0xFFFFFD78, s0;
	[sflag:s22] =	ssyncadd.s32 $0xFFFFF600  }
0x43: {  	[hbm4b:s20+s23] =	stream.strided.scatter [tilespmem:s17], [sflag:$0x5], $0xA00, s24, s23, $0x38;
	[tilespmem:$0x4F10] =	vst v63  }
0x44: {  	_ =	swait.ge [sflag:s15], $0xA00  }
0x45: {  	s14 =	sshra.s32 s14, $0x2;
	[sflag:s15] =	ssyncset.done $0x0  }
0x46: {  	s20 =	sadd.s32 $0x50, s14;
	[sflag:s15] =	ssyncadd.s32 $0xFFFFF600  }
0x47: {  	[tilespmem:s17], [sflag:$0x1] =	stream.indirect.gather [hbm4b:s3+s16], $0x40, s20, s16, $0xb8;
	[tilespmem:$0x4F10] =	vst v63  }
0x48: {  	_ =	swait.ge [sflag:s25], $0xA00  }
0x49: {  	[sflag:s25] =	ssyncset.done $0x0  }
0x4a: {  	s20 =	sadd.s32 $0xFFFFFD80, s0;
	[sflag:s25] =	ssyncadd.s32 $0xFFFFF600  }
0x4b: {  	[hbm4b:s20+s23] =	stream.strided.scatter [tilespmem:s18], [sflag:$0x5], $0xA00, s24, s23, $0x38;
	[tilespmem:$0x4F10] =	vst v63  }
0x4c: {  	_ =	swait.ge [sflag:s15], $0xA00  }
0x4d: {  	[sflag:s15] =	ssyncset.done $0x0  }
0x4e: {  	s20 =	sadd.s32 $0x13D8, s14;
	[sflag:s15] =	ssyncadd.s32 $0xFFFFF600  }
0x4f: {  	[tilespmem:s18], [sflag:$0x3] =	stream.indirect.gather [hbm4b:s3+s16], $0x40, s20, s16, $0xb8;
	[tilespmem:$0x4F10] =	vst v63  }
0x50: {  	_ =	swait.ge [sflag:s26], $0xA00  }
0x51: {  	[sflag:s26] =	ssyncset.done $0x0  }
0x52: {  	s20 =	sadd.s32 $0xFFFFFFF8, s0;
	[sflag:s26] =	ssyncadd.s32 $0xFFFFF600  }
0x53: {  	[hbm4b:s20+s23] =	stream.strided.scatter [tilespmem:s19], [sflag:$0x5], $0xA00, s24, s23, $0x38;
	[tilespmem:$0x4F10] =	vst v63  }
0x54: {  	_ =	swait.ge [sflag:s15], $0xA00  }
0x55: {  	[sflag:s15] =	ssyncset.done $0x0  }
0x56: {  	s20 =	sadd.s32 $0x78, s14;
	[sflag:s15] =	ssyncadd.s32 $0xFFFFF600  }
0x57: {  	[tilespmem:s19], [sflag:$0x2] =	stream.indirect.gather [hbm4b:s3+s16], $0x40, s20, s16, $0xb8;
	[tilespmem:$0x4F10] =	vst v63  }
0x58: {  	_ =	swait.ge [sflag:s28], $0xA00  }
0x59: {  	[sflag:s28] =	ssyncset.done $0x0  }
.Ltmp0:
0x5a: {  	[sflag:s28] =	ssyncadd.s32 $0xFFFFF600;
	(pc) =	sbr.rel @p0 .LBB2_2-.Ltmp0, $4  }
0x5b: {  	[hbm4b:s0+s23] =	stream.strided.scatter [tilespmem:s21], [sflag:$0x5], $0xA00, s24, s23, $0x38;
	[tilespmem:$0x4F10] =	vst v63  }
0x5c: {  	_ =	swait.ge [sflag:s15], $0xA00  }
0x5d: {  	[sflag:s15] =	ssyncset.done $0x0  }
0x5e: {  	s14 =	sadd.s32 $0x1400, s14;
	s0 =	sadd.s32 $0x500, s0;
	[sflag:s15] =	ssyncadd.s32 $0xFFFFF600  }
0x5f: {  	[tilespmem:s21], [sflag:$0x4] =	stream.indirect.gather [hbm4b:s3+s16], $0x40, s14, s16, $0xb8;
	[tilespmem:$0x4F10] =	vst v63  }
0x60: {  	_ =	swait.ge [sflag:s22], $0xA00  }
0x61: {  	[sflag:s22] =	ssyncset.done $0x0  }
0x62: {  	[sflag:s22] =	ssyncadd.s32 $0xFFFFF600  }
0x63: {  	[hbm4b:s8+s23] =	stream.strided.scatter [tilespmem:s17], [sflag:$0x5], $0xA00, s24, s23, $0x38;
	[tilespmem:$0x4F10] =	vst v63  }
0x64: {  	_ =	swait.ge [sflag:s15], $0xA00  }
0x65: {  	[sflag:s15] =	ssyncset.done $0x0  }
0x66: {  	[sflag:s15] =	ssyncadd.s32 $0xFFFFF600  }
0x67: {  	[tilespmem:s17], [sflag:$0x1] =	stream.indirect.gather [hbm4b:s3+s16], $0x40, s29, s16, $0xb8;
	[tilespmem:$0x4F10] =	vst v63  }
0x68: {  	_ =	swait.ge [sflag:s25], $0xA00  }
0x69: {  	[sflag:s25] =	ssyncset.done $0x0  }
0x6a: {  	[sflag:s25] =	ssyncadd.s32 $0xFFFFF600  }
0x6b: {  	[hbm4b:s9+s23] =	stream.strided.scatter [tilespmem:s18], [sflag:$0x5], $0xA00, s24, s23, $0x38;
	[tilespmem:$0x4F10] =	vst v63  }
0x6c: {  	_ =	swait.ge [sflag:s15], $0xA00  }
0x6d: {  	[sflag:s15] =	ssyncset.done $0x0  }
0x6e: {  	[sflag:s15] =	ssyncadd.s32 $0xFFFFF600  }
0x6f: {  	[tilespmem:s18], [sflag:$0x3] =	stream.indirect.gather [hbm4b:s3+s16], $0x40, s30, s16, $0xb8;
	[tilespmem:$0x4F10] =	vst v63  }
0x70: {  	_ =	swait.ge [sflag:s26], $0xA00  }
0x71: {  	[sflag:s26] =	ssyncset.done $0x0  }
0x72: {  	[sflag:s26] =	ssyncadd.s32 $0xFFFFF600  }
0x73: {  	[hbm4b:s10+s23] =	stream.strided.scatter [tilespmem:s19], [sflag:$0x5], $0xA00, s24, s23, $0x38;
	[tilespmem:$0x4F10] =	vst v63  }
0x74: {  	_ =	swait.ge [sflag:s15], $0xA00  }
0x75: {  	[sflag:s15] =	ssyncset.done $0x0  }
0x76: {  	[sflag:s15] =	ssyncadd.s32 $0xFFFFF600  }
0x77: {  	_ =	swait.ge [sflag:s28], $0xA00  }
0x78: {  	[sflag:s28] =	ssyncset.done $0x0  }
0x79: {  	[sflag:s28] =	ssyncadd.s32 $0xFFFFF600  }
0x7a: {  	[hbm4b:s11+s23] =	stream.strided.scatter [tilespmem:s21], [sflag:$0x5], $0xA00, s24, s23, $0x38;
	[tilespmem:$0x4F10] =	vst v63  }
0x7b: {  	_ =	swait.ge [sflag:s15], $0xA00  }
0x7c: {  	[sflag:s15] =	ssyncset.done $0x0  }
0x7d: {  	[sflag:s15] =	ssyncadd.s32 $0xFFFFF600  }
0x7e: {  	_ =	swait.ge [sflag:s22], $0xA00  }
0x7f: {  	[sflag:s22] =	ssyncset.done $0x0  }
0x80: {  	[sflag:s22] =	ssyncadd.s32 $0xFFFFF600  }
0x81: {  	[hbm4b:s5+s23] =	stream.strided.scatter [tilespmem:s17], [sflag:$0x5], $0xA00, s24, s23, $0x38;
	[tilespmem:$0x4F10] =	vst v63  }
0x82: {  	_ =	swait.ge [sflag:s15], $0xA00  }
0x83: {  	[sflag:s15] =	ssyncset.done $0x0  }
0x84: {  	[sflag:s15] =	ssyncadd.s32 $0xFFFFF600  }
0x85: {  	s31 =	sadd.s32 $0x1, s31;
	_ =	swait.ge [sflag:s25], $0xA00  }
0x86: {  	p0 =	sne.s32 s31, s7;
	[sflag:s25] =	ssyncset.done $0x0  }
.Ltmp1:
0x87: {  	[sflag:s25] =	ssyncadd.s32 $0xFFFFF600;
	(pc) =	sbr.rel @p0 .LBB2_1-.Ltmp1, $4  }
0x88: {  	[hbm4b:s6+s23] =	stream.strided.scatter [tilespmem:s18], [sflag:$0x5], $0xA00, s24, s23, $0x38;
	[tilespmem:$0x4F10] =	vst v63  }
0x89: {  	_ =	swait.ge [sflag:s15], $0xA00  }
0x8a: {  	[sflag:s15] =	ssyncset.done $0x0  }
0x8b: {  	[sflag:s15] =	ssyncadd.s32 $0xFFFFF600  }
0x8c: {  	_ =	sfence.sel $0x180000  }
0x8d: {  	[bflag:$0x0] =	sbarrier.arrive $0xFFFF  }
0x8e: {  	_ =	strace $0x90000047  }
0x8f: {  	s0 =	stileid.u32;
	[bflag:$0x2] =	sbarrier.arrive $0xFFFF  }
0x90: {  	p0 =	sne.s32 s0, $0x0;
	s0 =	rddreg [dreg:$0x2]  }
0x91: {  	s0 =	sadd.s32 @!p0 $0x100000, s0  }
0x92: {  	[sflag:s0] =	ssyncadd.tile.s32 @!p0 $0x1;
	_ =	shalt  }
.Lfunc_end2:
_tile_overlayer_lowered:
.L_overlay_start_2:
0x93: {  	(tag) =	ssettag $0x2  }
0x94: {  	s0 =	rddreg [dreg:$0x0];
	s2 =	stileid.u32  }
0x95: {  	s1 =	rddreg [dreg:$0x1];
	p0 =	sne.s32 s2, $0x0  }
0x96: {  	s3 =	rddreg [dreg:$0x2];
	[bflag:$0x3] =	sbarrier.arrive $0xFFFF;
	s2 =	simm.s32 @!p0 $0x1C05  }
0x97: {  	[timem:s3], [sflag:s2] =	dma.local @!p0 [hbm:s0], s1  }
0x98: {  	s0 =	simm.s32 @!p0 $0x5  }
0x99: {  	_ =	swait.ge @!p0 [sflag:s0], s1  }
0x9a: {  	s1 =	ssub.s32 @!p0 $0x0, s1;
	[sflag:s0] =	ssyncset.done @!p0 $0x0  }
0x9b: {  	[sflag:s0] =	ssyncadd.s32 @!p0 s1  }
0x9c: {  	[bflag:$0x3] =	sbarrier.arrive $0xFFFF  }
0x9d: {  	_ =	shalt  }

// kernel: kernel.13.cloned.1.call-start
scs
__scs_entry_jumppad:
0x0: {  	(pc) =	sbr.rel $0x88, $3  }
0x1: {  	(tag) =	ssettag $0x0;
	lr =	simm.s32 $0x1  }
0x2: {  	[smem:$0x3F9A] =	sst lr;
	_ =	strace $0xD0000000  }
0x3: {  	_ = 	snop  }
0x4: {  	_ = 	snop  }
0x5: {  	_ = 	snop  }
0x6: {  	_ = 	snop  }
0x7: {  	_ = 	snop  }
__scs_overlays_trampoline_lowered:
0x8: {  	[smem:$0x3FA9] =	sst s0  }
0x9: {  	[smem:$0x3FAA] =	sst s1  }
0xa: {  	[smem:$0x3FAB] =	sst s2  }
0xb: {  	[smem:$0x3FAC] =	sst s3  }
0xc: {  	[smem:$0x3FAD] =	sst s4  }
0xd: {  	[smem:$0x3FAE] =	sst s5  }
0xe: {  	[smem:$0x3FAF] =	sst s6  }
0xf: {  	[smem:$0x3FB0] =	sst s7  }
0x10: {  	[smem:$0x3FB1] =	sst s8  }
0x11: {  	[smem:$0x3FB2] =	sst s9;
	s0 =	simm.s32 @!p0 $0x0  }
0x12: {  	s1 =	sld [smem:$0x3F98];
	s0 =	simm.s32 @p0 $0x1  }
0x13: {  	[smem:$0x3FB3] =	sst s0;
	s0 =	simm.s32 @!p1 $0x0  }
0x14: {  	s2 =	sld [smem:$0x3F97];
	s0 =	simm.s32 @p1 $0x1  }
0x15: {  	[smem:$0x3FB4] =	sst s0;
	s0 =	simm.s32 @!p2 $0x0  }
0x16: {  	s3 =	sld [smem:$0x3FDB];
	s0 =	simm.s32 @p2 $0x1  }
0x17: {  	s4 =	simm.s32 $0x1BF5;
	[smem:$0x3FB6] =	sst s0  }
0x18: {  	s0 =	sld [smem:$0x3F99];
	_ =	swait.ge [sflag:s4], $0x0  }
0x19: {  	s7 =	sld [smem:$0x3F9A]  }
0x1a: {  	s8 =	sadd.s32 $0xFFFFE003, lr  }
0x1b: {  	s9 =	sadd.s32 $0xFFFFFEF7, lr;
	s5 =	simm.s32 $0xFFFFFFFF;
	p2 =	slt.u32 s8, $0xFFFFF086  }
0x1c: {  	p1 =	slt.u32 s9, $0xF7A;
	s5 =	simm.s32 @!p2 $0x0  }
0x1d: {  	s5 =	simm.s32 @p1 $0x1;
	p0 =	seq.s32 s7, s2  }
0x1e: {  	s7 =	smul.u32 @!p0 $0xF7A, s2;
	p2 =	seq.s32 @!p0 s5, $0x0  }
0x1f: {  	s9 =	smul.u32 $0xF7A, s1;
	s8 =	simm.s32 @!p0 $0x1BF5;
	p2 =	por !p2, p0  }
0x20: {  	[sflag:s8] =	ssyncset.s32 @!p0 $0xFFFFF086;
	s6 =	sadd.s32 @!p0 s3, s7;
	s7 =	simm.s32 @!p0 $0x108  }
0x21: {  	s3 =	sadd.s32 s3, s9;
	s6 =	sadd.s32 @!p0 $0x88, s6;
	s7 =	simm.s32 @p2 $0x1082  }
0x22: {  	[simem:s7], [sflag:s8] =	dma.local @!p0 [hbm:s6], $0xF7A  }
0x23: {  	s9 =	sor.u32 $0xD0000000, s2;
	s6 =	simm.s32 $0x108;
	_ =	swait.ge @!p0 [sflag:s8], $0x0  }
0x24: {  	s3 =	sadd.s32 $0x88, s3;
	s6 =	simm.s32 @!p1 $0x1082;
	[sflag:s4] =	ssyncset.s32 $0xFFFFF086  }
0x25: {  	[simem:s6], [sflag:s4] =	dma.local [hbm:s3], $0xF7A  }
0x26: {  	[smem:$0x3F9A] =	sst s1;
	(tag) =	ssettag s2;
	_ =	strace s9  }
0x27: {  	s1 =	sld [smem:$0x3FAA]  }
0x28: {  	s2 =	sld [smem:$0x3FAB]  }
0x29: {  	s4 =	sld [smem:$0x3FAD]  }
0x2a: {  	p0 =	seq.s32 s5, $0x0;
	s5 =	sld [smem:$0x3FAE]  }
0x2b: {  	s6 =	sld [smem:$0x3FAF]  }
0x2c: {  	s7 =	sld [smem:$0x3FB0]  }
0x2d: {  	s3 =	simm.s32 $0x108;
	s8 =	sld [smem:$0x3FB1]  }
0x2e: {  	s3 =	simm.s32 @!p0 $0x1082;
	s9 =	sld [smem:$0x3FB2]  }
0x2f: {  	lr =	sadd.s32 s0, s3;
	s0 =	sld [smem:$0x3FA9]  }
0x30: {  	s3 =	sld [smem:$0x3FAC]  }
0x31: {  	[smem:$0x3FB5] =	sst s10  }
0x32: {  	s10 =	sld [smem:$0x3FB3];
	_ =	sdelay $0x3  }
0x33: {  	p0 =	seq.s32 s10, $0x1;
	s10 =	sld [smem:$0x3FB5];
	_ =	sdelay $0x3  }
0x34: {  	[smem:$0x3FB5] =	sst s10  }
0x35: {  	s10 =	sld [smem:$0x3FB4];
	_ =	sdelay $0x3  }
0x36: {  	p1 =	seq.s32 s10, $0x1;
	s10 =	sld [smem:$0x3FB5];
	_ =	sdelay $0x3  }
0x37: {  	[smem:$0x3FB5] =	sst s10  }
0x38: {  	s10 =	sld [smem:$0x3FB6]  }
0x39: {  	_ = 	snop;
	(pc) =	sbr.ind lr, $3  }
0x3a: {  	_ = 	snop  }
0x3b: {  	_ = 	snop  }
0x3c: {  	p2 =	seq.s32 s10, $0x1;
	s10 =	sld [smem:$0x3FB5]  }
0x3d: {  	_ =	shalt  }
0x3e: {  	_ =	shalt  }
0x3f: {  	_ =	shalt  }
0x40: {  	_ =	shalt  }
0x41: {  	_ =	shalt  }
0x42: {  	_ =	shalt  }
0x43: {  	_ =	shalt  }
0x44: {  	_ =	shalt  }
0x45: {  	_ =	shalt  }
0x46: {  	_ =	shalt  }
0x47: {  	_ =	shalt  }
0x48: {  	_ =	shalt  }
0x49: {  	_ =	shalt  }
0x4a: {  	_ =	shalt  }
0x4b: {  	_ =	shalt  }
0x4c: {  	_ =	shalt  }
0x4d: {  	_ =	shalt  }
0x4e: {  	_ =	shalt  }
0x4f: {  	_ =	shalt  }
0x50: {  	_ =	shalt  }
0x51: {  	_ =	shalt  }
0x52: {  	_ =	shalt  }
0x53: {  	_ =	shalt  }
0x54: {  	_ =	shalt  }
0x55: {  	_ =	shalt  }
0x56: {  	_ =	shalt  }
0x57: {  	_ =	shalt  }
0x58: {  	_ =	shalt  }
0x59: {  	_ =	shalt  }
0x5a: {  	_ =	shalt  }
0x5b: {  	_ =	shalt  }
0x5c: {  	_ =	shalt  }
0x5d: {  	_ =	shalt  }
0x5e: {  	_ =	shalt  }
0x5f: {  	_ =	shalt  }
0x60: {  	_ =	shalt  }
0x61: {  	_ =	shalt  }
0x62: {  	_ =	shalt  }
0x63: {  	_ =	shalt  }
0x64: {  	_ =	shalt  }
0x65: {  	_ =	shalt  }
0x66: {  	_ =	shalt  }
0x67: {  	_ =	shalt  }
0x68: {  	_ =	shalt  }
0x69: {  	_ =	shalt  }
0x6a: {  	_ =	shalt  }
0x6b: {  	_ =	shalt  }
0x6c: {  	_ =	shalt  }
0x6d: {  	_ =	shalt  }
0x6e: {  	_ =	shalt  }
0x6f: {  	_ =	shalt  }
0x70: {  	_ =	shalt  }
0x71: {  	_ =	shalt  }
0x72: {  	_ =	shalt  }
0x73: {  	_ =	shalt  }
0x74: {  	_ =	shalt  }
0x75: {  	_ =	shalt  }
0x76: {  	_ =	shalt  }
0x77: {  	_ =	shalt  }
0x78: {  	_ =	shalt  }
0x79: {  	_ =	shalt  }
0x7a: {  	_ =	shalt  }
0x7b: {  	_ =	shalt  }
0x7c: {  	_ =	shalt  }
0x7d: {  	_ =	shalt  }
0x7e: {  	_ =	shalt  }
0x7f: {  	_ =	shalt  }
0x80: {  	_ =	shalt  }
0x81: {  	_ =	shalt  }
0x82: {  	_ =	shalt  }
0x83: {  	_ =	shalt  }
0x84: {  	_ =	shalt  }
0x85: {  	_ =	shalt  }
0x86: {  	_ =	shalt  }
0x87: {  	_ =	shalt  }
.Lfunc_end0:
.L_simem_size_0:
called_computation.1_lowered:
.L_overlay_start_0:
0x88: {  	s2 =	sld [smem:$0x3FD9]  }
0x89: {  	s3 =	sld [smem:$0x3FFE];
	_ =	sdelay $0x1  }
0x8a: {  	s1 =	srdreg.scid  }
0x8b: {  	s0 =	sand.u32 $0x1, s1  }
0x8c: {  	s17 =	sshll.u32 s0, $0xA;
	s2 =	sadd.s32 s3, s2  }
0x8d: {  	s2 =	sadd.s32 s2, s17  }
0x8e: {  	[smem:$0x3FC1] =	sst s2  }
0x8f: {  	_ = 	snop  }
0x90: {  	(tm) =	ssettm $0x1  }
0x91: {  	s18 =	sld [smem:$0x3FFB];
	_ =	sdelay $0x3  }
0x92: {  	_ =	strace s18  }
0x93: {  	s2 =	sld [smem:$0x3FFC];
	_ =	sdelay $0x3  }
0x94: {  	_ =	strace s2  }
0x95: {  	s2 =	sld [smem:$0x3FFD];
	_ =	sdelay $0x3  }
0x96: {  	_ =	strace s2  }
0x97: {  	_ =	strace $0x8FFFFFFF  }
0x98: {  	s19 =	sld [smem:$0x3FDB];
	_ =	sdelay $0x1  }
0x99: {  	s20 =	simm.s32 $_scs_section_size  }
0x9a: {  	s4 =	simm.s32 $_size__tile_overlayer_lowered;
	s5 =	simm.s32 $_tile_overlayer_lowered  }
0x9b: {  	s6 =	simm.s32 $0x1BFF;
	s21 =	sshll.u32 s5, $0x1;
	s3 =	sadd.s32 s20, s19  }
0x9c: {  	s22 =	simm.s32 $0x0;
	s4 =	sshll.u32 s4, $0x1;
	s5 =	sadd.s32 s21, s3  }
0x9d: {  	[timem:s22], [sflag:s6] =	dma.local [hbm:s5], s4  }
0x9e: {  	_ =	swait.ge [sflag:s6], s4  }
0x9f: {  	s4 =	ssub.s32 $0x0, s4;
	[sflag:s6] =	ssyncset.done $0x0  }
0xa0: {  	[sflag:s6] =	ssyncadd.s32 s4;
	_ =	sdelay $0x1  }
0xa1: {  	s23 =	simm.s32 $0x1B8B  }
0xa2: {  	_ =	swait.ge [sflag:s23], $0x1  }
0xa3: {  	[sflag:s23] =	ssyncset.done $0x0  }
0xa4: {  	[sflag:s23] =	ssyncadd.s32 $0xFFFFFFFF  }
0xa5: {  	s4 =	sld [smem:$0x0]  }
0xa6: {  	s5 =	sand.u32 $0xFFFFFFFE, s1  }
0xa7: {  	p0 =	sne.s32 s1, s5  }
0xa8: {  	s5 =	sshll.u32 @p0 s5, $0xE  }
0xa9: {  	s5 =	sadd.s32 @p0 $0x11B8D, s5;
	s6 =	sshll.u32 @p0 s4, $0x11  }
0xaa: {  	s5 =	sor.u32 @p0 s6, s5  }
0xab: {  	[sflag:s5] =	ssyncadd.remote.s32 @p0 $0x1;
	_ =	sdelay $0x1  }
0xac: {  	s5 =	simm.s32 @p0 $0x1B8D  }
0xad: {  	_ =	swait.eq @p0 [sflag:s5], $0x1  }
0xae: {  	[sflag:s5] =	ssyncadd.s32 @p0 $0xFFFFFFFF  }
0xaf: {  	s6 =	sshll.u32 @!p0 s1, $0xE  }
0xb0: {  	s6 =	sor.u32 @!p0 $0x4000, s6;
	s5 =	simm.s32 @!p0 $0x1B8D  }
0xb1: {  	s4 =	sshll.u32 @!p0 s4, $0x11;
	s6 =	sadd.s32 @!p0 $0x11B8D, s6;
	_ =	swait.eq @!p0 [sflag:s5], $0x1  }
0xb2: {  	s4 =	sor.u32 @!p0 s4, s6;
	[sflag:s5] =	ssyncadd.s32 @!p0 $0xFFFFFFFF  }
0xb3: {  	s25 =	simm.s32 $0x1B8E;
	s24 =	sld [smem:$0x3FFE];
	[sflag:s4] =	ssyncadd.remote.s32 @!p0 $0x1  }
0xb4: {  	s26 =	simm.s32 $execute0_lowered;
	[smem:$0x3FD2] =	sst s25  }
0xb5: {  	s5 =	sshll.u32 s26, $0x1;
	_ =	strace $0x8000004C;
	[dreg:$0x1] =	wrdreg $0xFFFFFFFF  }
0xb6: {  	s28 =	simm.s32 $_size_execute0_lowered;
	s3 =	sadd.s32 s3, s5;
	[dreg:$0x0] =	wrdreg $0x0  }
0xb7: {  	s5 =	sshll.u32 s28, $0x1;
	[dreg:$0x2] =	wrdreg s3  }
0xb8: {  	[dreg:$0x3] =	wrdreg s5  }
0xb9: {  	[dreg:$0x4] =	wrdreg $0xC0  }
0xba: {  	_ =	task [dreg:s22], $0x5FFFF  }
0xbb: {  	[dreg:$0x1] =	wrdreg $0xFFFFFFFF  }
0xbc: {  	[dreg:$0x0] =	wrdreg $0x60  }
0xbd: {  	[dreg:$0x2] =	wrdreg s24  }
0xbe: {  	[dreg:$0x3] =	wrdreg $0x67E00  }
0xbf: {  	[dreg:$0x4] =	wrdreg $0x9  }
0xc0: {  	_ =	task.clear_ibuf [dreg:s22], $0x5FFFF;
	_ =	strace $0x9000004C  }
0xc1: {  	s29 =	simm.s32 $0x9;
	_ =	strace $0x8000004E  }
0xc2: {  	_ =	swait.ge [sflag:s29], $0x1  }
0xc3: {  	[sflag:s29] =	ssyncadd.s32 $0xFFFFFFFF  }
0xc4: {  	_ =	strace $0x9000004E  }
0xc5: {  	_ =	sfence  }
0xc6: {  	s30 =	sld [smem:$0x0];
	_ =	sdelay $0x2  }
0xc7: {  	s31 =	sshll.u32 s1, $0xD;
	s1 =	sshrl.u32 s1, $0x2  }
0xc8: {  	s4 =	sand.u32 $0x4000, s31;
	s1 =	sadd.s32 s1, s30  }
0xc9: {  	s0 =	sor.u32 s4, s0;
	s1 =	sshll.u32 s1, $0x11  }
0xca: {  	s0 =	sor.u32 s1, s0  }
0xcb: {  	s0 =	sadd.s32 $0x8F2B, s0  }
0xcc: {  	[sflag:s0] =	ssyncadd.remote.s32 $0x1  }
0xcd: {  	_ =	sfence.sel $0xFFFF  }
0xce: {  	[dreg:$0x0] =	wrdreg $0xFFFFFFFF;
	(pc) =	sbr.abs _section_cstart, $3  }
0xcf: {  	[dreg:$0x1] =	wrdreg $0xFFFFFFFF  }
0xd0: {  	_ =	task.clear_ibuf [dreg:s22], $0x2FFFF;
	_ =	strace $0x9FFFFFFF  }
0xd1: {  	(tm) =	ssettm $0x7FFFFFFF  }
tec
execute0_lowered:
.L_overlay_start_1:
0x0: {  	(tag) =	ssettag $0x1  }
0x1: {  	s0 =	rddreg [dreg:$0x0]  }
0x2: {  	s2 =	rddreg [dreg:$0x1]  }
0x3: {  	s3 =	simm.s32 $0x0;
	s1 =	srdreg.scid;
	s11 =	stileid.u32  }
0x4: {  	s18 =	simm.s32 $0x5;
	s21 =	simm.s32 $0x40;
	s22 =	simm.s32 $0x80  }
0x5: {  	s28 =	simm.s32 $0x1;
	s29 =	simm.s32 $0x32;
	s5 =	smul.u32 $0xA000, s11  }
0x6: {  	s30 =	simm.s32 $0x3;
	s31 =	simm.s32 $0x2;
	s8 =	smul.u32 $0x28000, s11  }
0x7: {  	s1 =	sand.u32 $0x1, s1;
	s4 =	sshll.u32 s11, $0x1;
	s17 =	smul.u32 $0x13880, s11  }
0x8: {  	[smem:$0x7FF] =	sst s3;
	s15 =	sadd.s32 $0x4FD800, s0;
	s6 =	smul.u32 $0xA0000, s1  }
0x9: {  	s4 =	sor.u32 s1, s4;
	s23 =	ssub.s32 $0x2, s1;
	s1 =	smul.u32 $0x9C40, s1  }
0xa: {  	_ =	strace $0x8000004D;
	s7 =	smul.u32 $0x15E, s4;
	s24 =	sshrl.u32 s23, $0x1  }
0xb: {  	s8 =	sshrl.u32 s8, $0x2;
	s10 =	smul.u32 $0x4E200, s4;
	s4 =	sadd.s32 s5, s2  }
0xc: {  	s26 =	sadd.s32 s17, s15;
	s17 =	simm.s32 $0x47E0;
	s6 =	sadd.s32 s5, s6  }
0xd: {  	s16 =	ssub.s32 s23, s24;
	s8 =	sadd.s32 s8, s2;
	s23 =	simm.s32 $0x15E0  }
0xe: {  	s24 =	simm.s32 $0x2EE0;
	s9 =	sadd.s32 s7, s0;
	s6 =	sshrl.u32 s6, $0x3  }
0xf: {  	s25 =	sadd.s32 $0x2000, s8;
	s7 =	sadd.s32 $0x6000, s8;
	s10 =	sshrl.u32 s10, $0x3  }
0x10: {  	s0 =	sadd.s32 s6, s0;
	[dreg:$0x3] =	wrdreg s25;
	s6 =	sadd.s32 $0x4000, s8  }
0x11: {  	s8 =	sadd.s32 $0x8000, s8;
	s9 =	sadd.s32 $0x4F8000, s9;
	s10 =	sadd.s32 s15, s10  }
0x12: {  	s15 =	smax.u32 s16, $0x1;
	s16 =	sadd.s32 s1, s26;
	s25 =	simm.s32 $0x2260  }
0x13: {  	s26 =	simm.s32 $0x3B60;
	s11 =	sadd.s32 $0x8, s10;
	s12 =	sadd.s32 $0x320, s10  }
0x14: {  	v0 =	vimm.f32 $0.0e+00;
	s13 =	sadd.s32 $0x328, s10;
	s14 =	sadd.s32 $0x16000, s0;
	s0 =	simm.s32 $0x4  }
.LBB2_1:
0x15: {  	s20 =	simm.s32 $0x100;
	s19 =	simm.s32 $0x0  }
.LBB2_2:
0x16: {  	p0 =	sne.s32 s20, $0x7F00;
	[tilespmem:s19+$0x4810] =	vst v0;
	s1 =	smov.u32 s20;
	s20 =	sadd.s32 $0x100, s20  }
.Ltmp0:
0x17: {  	[tilespmem:s19+$0x4800] =	vst v0;
	(pc) =	sbr.rel @p0 .LBB2_2-.Ltmp0, $3  }
0x18: {  	[tilespmem:s19+$0x47E0] =	vst v0  }
0x19: {  	[tilespmem:s19+$0x47F0] =	vst v0;
	_ =	sdelay $0x1  }
0x1a: {  	s19 =	sshra.s32 s1, $0x2  }
0x1b: {  	[tilespmem:s19+$0x4810] =	vst v0  }
0x1c: {  	[tilespmem:s19+$0x4800] =	vst v0  }
0x1d: {  	[tilespmem:s19+$0x47E0] =	vst v0  }
0x1e: {  	[tilespmem:s19+$0x47F0] =	vst v0  }
0x1f: {  	[spmem:s4] =	stream.linear.scatter [tilespmem:s17], [sflag:$0x5], $0x2000, $0x38;
	[tilespmem:$0x107E0] =	vst v63  }
0x20: {  	_ =	swait.ge [sflag:s18], $0x2000  }
0x21: {  	[sflag:s18] =	ssyncset.done $0x0  }
0x22: {  	s1 =	rddreg [dreg:$0x3];
	[sflag:s18] =	ssyncadd.s32 $0xFFFFE000  }
0x23: {  	[spmem:s1] =	stream.linear.scatter [tilespmem:s17], [sflag:$0x5], $0x2000, $0x38;
	[tilespmem:$0x107E0] =	vst v63  }
0x24: {  	_ =	swait.ge [sflag:s18], $0x2000  }
0x25: {  	[sflag:s18] =	ssyncset.done $0x0  }
0x26: {  	[sflag:s18] =	ssyncadd.s32 $0xFFFFE000  }
0x27: {  	[spmem:s6] =	stream.linear.scatter [tilespmem:s17], [sflag:$0x5], $0x2000, $0x38;
	[tilespmem:$0x107E0] =	vst v63  }
0x28: {  	_ =	swait.ge [sflag:s18], $0x2000  }
0x29: {  	[sflag:s18] =	ssyncset.done $0x0  }
0x2a: {  	[sflag:s18] =	ssyncadd.s32 $0xFFFFE000  }
0x2b: {  	[spmem:s7] =	stream.linear.scatter [tilespmem:s17], [sflag:$0x5], $0x2000, $0x38;
	[tilespmem:$0x107E0] =	vst v63  }
0x2c: {  	_ =	swait.ge [sflag:s18], $0x2000  }
0x2d: {  	[sflag:s18] =	ssyncset.done $0x0  }
0x2e: {  	[sflag:s18] =	ssyncadd.s32 $0xFFFFE000  }
0x2f: {  	[spmem:s8] =	stream.linear.scatter [tilespmem:s17], [sflag:$0x5], $0x2000, $0x38;
	[tilespmem:$0x107E0] =	vst v63  }
0x30: {  	_ =	swait.ge [sflag:s18], $0x2000  }
0x31: {  	[sflag:s18] =	ssyncset.done $0x0  }
0x32: {  	s5 =	simm.s32 $0xAF0;
	[sflag:s18] =	ssyncadd.s32 $0xFFFFE000  }
0x33: {  	s20 =	simm.s32 $0x15E00;
	s1 =	simm.s32 $0x0;
	[bflag:$0x0] =	sbarrier.arrive $0xFFFF  }
0x34: {  	[tilespmem:s1], [sflag:$0x5] =	stream.strided.gather [hbm4b:s9+s5], $0x15E0, s20, s5, $0x38;
	[tilespmem:$0x107E0] =	vst v63  }
0x35: {  	_ =	swait.ge [sflag:s18], $0x15E0  }
0x36: {  	[sflag:s18] =	ssyncset.done $0x0  }
0x37: {  	[sflag:s18] =	ssyncadd.s32 $0xFFFFEA20  }
0x38: {  	[tilespmem:s23], [sflag:$0x1] =	stream.strided.gather [hbm4b:s10+s21], $0xC80, s22, s21, $0x38;
	[tilespmem:$0x107E0] =	vst v63  }
0x39: {  	_ = 	snop  }
0x3a: {  	[tilespmem:s24], [sflag:$0x3] =	stream.strided.gather [hbm4b:s11+s21], $0xC80, s22, s21, $0x38;
	[tilespmem:$0x107E0] =	vst v63  }
0x3b: {  	_ = 	snop  }
0x3c: {  	[tilespmem:s25], [sflag:$0x2] =	stream.strided.gather [hbm4b:s12+s21], $0xC80, s22, s21, $0x38;
	[tilespmem:$0x107E0] =	vst v63  }
0x3d: {  	_ = 	snop  }
0x3e: {  	[tilespmem:s26], [sflag:$0x4] =	stream.strided.gather [hbm4b:s13+s21], $0xC80, s22, s21, $0x38;
	[tilespmem:$0x107E0] =	vst v63  }
0x3f: {  	_ =	swait.ge [sflag:s28], $0xC80  }
0x40: {  	[sflag:s28] =	ssyncset.done $0x0  }
0x41: {  	[sflag:s28] =	ssyncadd.s32 $0xFFFFF380  }
0x42: {  	[spmem:s2] =	stream.indirect.scatter.add.f32 [tilespmem:s23], [sflag:$0x5], $0x40, s1, s29, $0xb8;
	[tilespmem:$0x107E0] =	vst v63  }
0x43: {  	_ =	swait.ge [sflag:s18], $0xC80  }
0x44: {  	[sflag:s18] =	ssyncset.done $0x0  }
0x45: {  	[sflag:s18] =	ssyncadd.s32 $0xFFFFF380  }
0x46: {  	_ =	swait.ge [sflag:s30], $0xC80  }
0x47: {  	[sflag:s30] =	ssyncset.done $0x0  }
0x48: {  	s19 =	simm.s32 $0xAF0;
	[sflag:s30] =	ssyncadd.s32 $0xFFFFF380  }
0x49: {  	[spmem:s2] =	stream.indirect.scatter.add.f32 [tilespmem:s24], [sflag:$0x5], $0x40, s19, s29, $0xb8;
	[tilespmem:$0x107E0] =	vst v63  }
0x4a: {  	_ =	swait.ge [sflag:s18], $0xC80  }
0x4b: {  	s1 =	sadd.s32 $0x0, s16;
	[sflag:s18] =	ssyncset.done $0x0  }
0x4c: {  	s20 =	sadd.s32 $0x640, s1;
	[sflag:s18] =	ssyncadd.s32 $0xFFFFF380  }
0x4d: {  	[tilespmem:s23], [sflag:$0x1] =	stream.strided.gather [hbm4b:s20+s21], $0xC80, s22, s21, $0x38;
	[tilespmem:$0x107E0] =	vst v63  }
0x4e: {  	s5 =	sadd.s32 $0x648, s1  }
0x4f: {  	[tilespmem:s24], [sflag:$0x3] =	stream.strided.gather [hbm4b:s5+s21], $0xC80, s22, s21, $0x38;
	[tilespmem:$0x107E0] =	vst v63  }
0x50: {  	_ =	swait.ge [sflag:s31], $0xC80  }
0x51: {  	[sflag:s31] =	ssyncset.done $0x0  }
0x52: {  	s20 =	simm.s32 $0x38;
	[sflag:s31] =	ssyncadd.s32 $0xFFFFF380  }
0x53: {  	[spmem:s2] =	stream.indirect.scatter.add.f32 [tilespmem:s25], [sflag:$0x5], $0x40, s20, s29, $0xb8;
	[tilespmem:$0x107E0] =	vst v63  }
0x54: {  	_ =	swait.ge [sflag:s18], $0xC80  }
0x55: {  	[sflag:s18] =	ssyncset.done $0x0  }
0x56: {  	[sflag:s18] =	ssyncadd.s32 $0xFFFFF380  }
0x57: {  	_ =	swait.ge [sflag:s0], $0xC80  }
0x58: {  	[sflag:s0] =	ssyncset.done $0x0  }
0x59: {  	s5 =	simm.s32 $0xB28;
	[sflag:s0] =	ssyncadd.s32 $0xFFFFF380  }
0x5a: {  	[spmem:s2] =	stream.indirect.scatter.add.f32 [tilespmem:s26], [sflag:$0x5], $0x40, s5, s29, $0xb8;
	[tilespmem:$0x107E0] =	vst v63  }
0x5b: {  	_ =	swait.ge [sflag:s18], $0xC80  }
0x5c: {  	[sflag:s18] =	ssyncset.done $0x0  }
0x5d: {  	s20 =	sadd.s32 $0x960, s1;
	[sflag:s18] =	ssyncadd.s32 $0xFFFFF380  }
0x5e: {  	[tilespmem:s25], [sflag:$0x2] =	stream.strided.gather [hbm4b:s20+s21], $0xC80, s22, s21, $0x38;
	[tilespmem:$0x107E0] =	vst v63  }
0x5f: {  	s19 =	simm.s32 $0x640;
	s1 =	sadd.s32 $0x968, s1;
	s20 =	simm.s32 $0x70  }
.LBB2_4:
0x60: {  	[tilespmem:s26], [sflag:$0x4] =	stream.strided.gather [hbm4b:s1+s21], $0xC80, s22, s21, $0x38;
	[tilespmem:$0x107E0] =	vst v63  }
0x61: {  	s1 =	smov.u32 s19  }
0x62: {  	p0 =	sne.s32 s19, $0x8FC0;
	s19 =	sadd.s32 $0x640, s19;
	_ =	swait.ge [sflag:s28], $0xC80  }
0x63: {  	[sflag:s28] =	ssyncset.done $0x0  }
0x64: {  	[sflag:s28] =	ssyncadd.s32 $0xFFFFF380  }
0x65: {  	[spmem:s2] =	stream.indirect.scatter.add.f32 [tilespmem:s23], [sflag:$0x5], $0x40, s20, s29, $0xb8;
	[tilespmem:$0x107E0] =	vst v63  }
0x66: {  	_ =	swait.ge [sflag:s18], $0xC80  }
0x67: {  	[sflag:s18] =	ssyncset.done $0x0  }
0x68: {  	[sflag:s18] =	ssyncadd.s32 $0xFFFFF380  }
0x69: {  	_ =	swait.ge [sflag:s30], $0xC80  }
0x6a: {  	[sflag:s30] =	ssyncset.done $0x0  }
0x6b: {  	s5 =	sadd.s32 $0xAF0, s20;
	[sflag:s30] =	ssyncadd.s32 $0xFFFFF380  }
0x6c: {  	[spmem:s2] =	stream.indirect.scatter.add.f32 [tilespmem:s24], [sflag:$0x5], $0x40, s5, s29, $0xb8;
	[tilespmem:$0x107E0] =	vst v63  }
0x6d: {  	_ =	swait.ge [sflag:s18], $0xC80  }
0x6e: {  	s1 =	sadd.s32 s1, s16;
	[sflag:s18] =	ssyncset.done $0x0  }
0x6f: {  	s5 =	sadd.s32 $0x640, s1;
	[sflag:s18] =	ssyncadd.s32 $0xFFFFF380  }
0x70: {  	[tilespmem:s23], [sflag:$0x1] =	stream.strided.gather [hbm4b:s5+s21], $0xC80, s22, s21, $0x38;
	[tilespmem:$0x107E0] =	vst v63  }
0x71: {  	s5 =	sadd.s32 $0x648, s1  }
0x72: {  	[tilespmem:s24], [sflag:$0x3] =	stream.strided.gather [hbm4b:s5+s21], $0xC80, s22, s21, $0x38;
	[tilespmem:$0x107E0] =	vst v63  }
0x73: {  	_ =	swait.ge [sflag:s31], $0xC80  }
0x74: {  	[sflag:s31] =	ssyncset.done $0x0  }
0x75: {  	s5 =	sadd.s32 $0x38, s20;
	[sflag:s31] =	ssyncadd.s32 $0xFFFFF380  }
0x76: {  	[spmem:s2] =	stream.indirect.scatter.add.f32 [tilespmem:s25], [sflag:$0x5], $0x40, s5, s29, $0xb8;
	[tilespmem:$0x107E0] =	vst v63  }
0x77: {  	_ =	swait.ge [sflag:s18], $0xC80  }
0x78: {  	[sflag:s18] =	ssyncset.done $0x0  }
0x79: {  	[sflag:s18] =	ssyncadd.s32 $0xFFFFF380  }
0x7a: {  	_ =	swait.ge [sflag:s0], $0xC80  }
0x7b: {  	[sflag:s0] =	ssyncset.done $0x0  }
0x7c: {  	s5 =	sadd.s32 $0xB28, s20;
	[sflag:s0] =	ssyncadd.s32 $0xFFFFF380  }
0x7d: {  	[spmem:s2] =	stream.indirect.scatter.add.f32 [tilespmem:s26], [sflag:$0x5], $0x40, s5, s29, $0xb8;
	[tilespmem:$0x107E0] =	vst v63  }
.Ltmp1:
0x7e: {  	_ =	swait.ge [sflag:s18], $0xC80;
	(pc) =	sbr.rel @p0 .LBB2_4-.Ltmp1, $4  }
0x7f: {  	[sflag:s18] =	ssyncset.done $0x0  }
0x80: {  	s5 =	sadd.s32 $0x960, s1;
	[sflag:s18] =	ssyncadd.s32 $0xFFFFF380  }
0x81: {  	[tilespmem:s25], [sflag:$0x2] =	stream.strided.gather [hbm4b:s5+s21], $0xC80, s22, s21, $0x38;
	[tilespmem:$0x107E0] =	vst v63  }
0x82: {  	s20 =	sadd.s32 $0x70, s20;
	s1 =	sadd.s32 $0x968, s1  }
0x83: {  	[tilespmem:s26], [sflag:$0x4] =	stream.strided.gather [hbm4b:s1+s21], $0xC80, s22, s21, $0x38;
	[tilespmem:$0x107E0] =	vst v63  }
0x84: {  	_ =	swait.ge [sflag:s28], $0xC80  }
0x85: {  	[sflag:s28] =	ssyncset.done $0x0  }
0x86: {  	s19 =	simm.s32 $0xA80;
	[sflag:s28] =	ssyncadd.s32 $0xFFFFF380  }
0x87: {  	[spmem:s2] =	stream.indirect.scatter.add.f32 [tilespmem:s23], [sflag:$0x5], $0x40, s19, s29, $0xb8;
	[tilespmem:$0x107E0] =	vst v63  }
0x88: {  	_ =	swait.ge [sflag:s18], $0xC80  }
0x89: {  	[sflag:s18] =	ssyncset.done $0x0  }
0x8a: {  	[sflag:s18] =	ssyncadd.s32 $0xFFFFF380  }
0x8b: {  	_ =	swait.ge [sflag:s30], $0xC80  }
0x8c: {  	[sflag:s30] =	ssyncset.done $0x0  }
0x8d: {  	s20 =	simm.s32 $0x1570;
	[sflag:s30] =	ssyncadd.s32 $0xFFFFF380  }
0x8e: {  	[spmem:s2] =	stream.indirect.scatter.add.f32 [tilespmem:s24], [sflag:$0x5], $0x40, s20, s29, $0xb8;
	[tilespmem:$0x107E0] =	vst v63  }
0x8f: {  	_ =	swait.ge [sflag:s18], $0xC80  }
0x90: {  	[sflag:s18] =	ssyncset.done $0x0  }
0x91: {  	[sflag:s18] =	ssyncadd.s32 $0xFFFFF380  }
0x92: {  	_ =	swait.ge [sflag:s31], $0xC80  }
0x93: {  	[sflag:s31] =	ssyncset.done $0x0  }
0x94: {  	s5 =	simm.s32 $0xAB8;
	[sflag:s31] =	ssyncadd.s32 $0xFFFFF380  }
0x95: {  	[spmem:s2] =	stream.indirect.scatter.add.f32 [tilespmem:s25], [sflag:$0x5], $0x40, s5, s29, $0xb8;
	[tilespmem:$0x107E0] =	vst v63  }
0x96: {  	_ =	swait.ge [sflag:s18], $0xC80  }
0x97: {  	[sflag:s18] =	ssyncset.done $0x0  }
0x98: {  	[sflag:s18] =	ssyncadd.s32 $0xFFFFF380  }
0x99: {  	_ =	swait.ge [sflag:s0], $0xC80  }
0x9a: {  	[sflag:s0] =	ssyncset.done $0x0  }
0x9b: {  	s19 =	simm.s32 $0x15A8;
	[sflag:s0] =	ssyncadd.s32 $0xFFFFF380  }
0x9c: {  	[spmem:s2] =	stream.indirect.scatter.add.f32 [tilespmem:s26], [sflag:$0x5], $0x40, s19, s29, $0xb8;
	[tilespmem:$0x107E0] =	vst v63  }
0x9d: {  	s20 =	stileid.u32;
	_ =	swait.ge [sflag:s18], $0xC80  }
0x9e: {  	s3 =	sadd.s32 $0x1, s3;
	s1 =	sshll.u32 s20, $0x6;
	[sflag:s18] =	ssyncset.done $0x0  }
0x9f: {  	p0 =	sne.s32 s3, s15;
	s1 =	sor.u32 $0x1C05, s1;
	[sflag:s18] =	ssyncadd.s32 $0xFFFFF380  }
.Ltmp2:
0xa0: {  	s5 =	sshrl.u32 s4, $0x3;
	[bflag:$0x0] =	sbarrier.arrive $0xFFFF;
	(pc) =	sbr.rel @p0 .LBB2_1-.Ltmp2, $4  }
0xa1: {  	[hbm:s14], [sflag:s1] =	dma.local [spmem:s5], $0x1400  }
0xa2: {  	_ =	swait.ge [sflag:s18], $0x1400  }
0xa3: {  	[sflag:s18] =	ssyncset.done $0x0  }
0xa4: {  	[sflag:s18] =	ssyncadd.s32 $0xFFFFEC00  }
0xa5: {  	_ =	sfence.sel $0x180000  }
0xa6: {  	[bflag:$0x0] =	sbarrier.arrive $0xFFFF  }
0xa7: {  	_ =	strace $0x9000004D  }
0xa8: {  	s0 =	stileid.u32;
	[bflag:$0x2] =	sbarrier.arrive $0xFFFF  }
0xa9: {  	p0 =	sne.s32 s0, $0x0;
	s0 =	rddreg [dreg:$0x2]  }
0xaa: {  	s0 =	sadd.s32 @!p0 $0x100000, s0  }
0xab: {  	[sflag:s0] =	ssyncadd.tile.s32 @!p0 $0x1;
	_ =	shalt  }
.Lfunc_end2:
_tile_overlayer_lowered:
.L_overlay_start_2:
0xac: {  	(tag) =	ssettag $0x2  }
0xad: {  	s0 =	rddreg [dreg:$0x0];
	s2 =	stileid.u32  }
0xae: {  	s1 =	rddreg [dreg:$0x1];
	p0 =	sne.s32 s2, $0x0  }
0xaf: {  	s3 =	rddreg [dreg:$0x2];
	[bflag:$0x3] =	sbarrier.arrive $0xFFFF;
	s2 =	simm.s32 @!p0 $0x1C05  }
0xb0: {  	[timem:s3], [sflag:s2] =	dma.local @!p0 [hbm:s0], s1  }
0xb1: {  	s0 =	simm.s32 @!p0 $0x5  }
0xb2: {  	_ =	swait.ge @!p0 [sflag:s0], s1  }
0xb3: {  	s1 =	ssub.s32 @!p0 $0x0, s1;
	[sflag:s0] =	ssyncset.done @!p0 $0x0  }
0xb4: {  	[sflag:s0] =	ssyncadd.s32 @!p0 s1  }
0xb5: {  	[bflag:$0x3] =	sbarrier.arrive $0xFFFF  }
0xb6: {  	_ =	shalt  }

// kernel: kernel.16.cloned.1.call-start
scs
__scs_entry_jumppad:
0x0: {  	(pc) =	sbr.rel $0x88, $3  }
0x1: {  	(tag) =	ssettag $0x0;
	lr =	simm.s32 $0x1  }
0x2: {  	[smem:$0x3F9A] =	sst lr;
	_ =	strace $0xD0000000  }
0x3: {  	_ = 	snop  }
0x4: {  	_ = 	snop  }
0x5: {  	_ = 	snop  }
0x6: {  	_ = 	snop  }
0x7: {  	_ = 	snop  }
__scs_overlays_trampoline_lowered:
0x8: {  	[smem:$0x3FA9] =	sst s0  }
0x9: {  	[smem:$0x3FAA] =	sst s1  }
0xa: {  	[smem:$0x3FAB] =	sst s2  }
0xb: {  	[smem:$0x3FAC] =	sst s3  }
0xc: {  	[smem:$0x3FAD] =	sst s4  }
0xd: {  	[smem:$0x3FAE] =	sst s5  }
0xe: {  	[smem:$0x3FAF] =	sst s6  }
0xf: {  	[smem:$0x3FB0] =	sst s7  }
0x10: {  	[smem:$0x3FB1] =	sst s8  }
0x11: {  	[smem:$0x3FB2] =	sst s9;
	s0 =	simm.s32 @!p0 $0x0  }
0x12: {  	s1 =	sld [smem:$0x3F98];
	s0 =	simm.s32 @p0 $0x1  }
0x13: {  	[smem:$0x3FB3] =	sst s0;
	s0 =	simm.s32 @!p1 $0x0  }
0x14: {  	s2 =	sld [smem:$0x3F97];
	s0 =	simm.s32 @p1 $0x1  }
0x15: {  	[smem:$0x3FB4] =	sst s0;
	s0 =	simm.s32 @!p2 $0x0  }
0x16: {  	s3 =	sld [smem:$0x3FDB];
	s0 =	simm.s32 @p2 $0x1  }
0x17: {  	s4 =	simm.s32 $0x1BF5;
	[smem:$0x3FB6] =	sst s0  }
0x18: {  	s0 =	sld [smem:$0x3F99];
	_ =	swait.ge [sflag:s4], $0x0  }
0x19: {  	s7 =	sld [smem:$0x3F9A]  }
0x1a: {  	s8 =	sadd.s32 $0xFFFFE003, lr  }
0x1b: {  	s9 =	sadd.s32 $0xFFFFFEF7, lr;
	s5 =	simm.s32 $0xFFFFFFFF;
	p2 =	slt.u32 s8, $0xFFFFF086  }
0x1c: {  	p1 =	slt.u32 s9, $0xF7A;
	s5 =	simm.s32 @!p2 $0x0  }
0x1d: {  	s5 =	simm.s32 @p1 $0x1;
	p0 =	seq.s32 s7, s2  }
0x1e: {  	s7 =	smul.u32 @!p0 $0xF7A, s2;
	p2 =	seq.s32 @!p0 s5, $0x0  }
0x1f: {  	s9 =	smul.u32 $0xF7A, s1;
	s8 =	simm.s32 @!p0 $0x1BF5;
	p2 =	por !p2, p0  }
0x20: {  	[sflag:s8] =	ssyncset.s32 @!p0 $0xFFFFF086;
	s6 =	sadd.s32 @!p0 s3, s7;
	s7 =	simm.s32 @!p0 $0x108  }
0x21: {  	s3 =	sadd.s32 s3, s9;
	s6 =	sadd.s32 @!p0 $0x88, s6;
	s7 =	simm.s32 @p2 $0x1082  }
0x22: {  	[simem:s7], [sflag:s8] =	dma.local @!p0 [hbm:s6], $0xF7A  }
0x23: {  	s9 =	sor.u32 $0xD0000000, s2;
	s6 =	simm.s32 $0x108;
	_ =	swait.ge @!p0 [sflag:s8], $0x0  }
0x24: {  	s3 =	sadd.s32 $0x88, s3;
	s6 =	simm.s32 @!p1 $0x1082;
	[sflag:s4] =	ssyncset.s32 $0xFFFFF086  }
0x25: {  	[simem:s6], [sflag:s4] =	dma.local [hbm:s3], $0xF7A  }
0x26: {  	[smem:$0x3F9A] =	sst s1;
	(tag) =	ssettag s2;
	_ =	strace s9  }
0x27: {  	s1 =	sld [smem:$0x3FAA]  }
0x28: {  	s2 =	sld [smem:$0x3FAB]  }
0x29: {  	s4 =	sld [smem:$0x3FAD]  }
0x2a: {  	p0 =	seq.s32 s5, $0x0;
	s5 =	sld [smem:$0x3FAE]  }
0x2b: {  	s6 =	sld [smem:$0x3FAF]  }
0x2c: {  	s7 =	sld [smem:$0x3FB0]  }
0x2d: {  	s3 =	simm.s32 $0x108;
	s8 =	sld [smem:$0x3FB1]  }
0x2e: {  	s3 =	simm.s32 @!p0 $0x1082;
	s9 =	sld [smem:$0x3FB2]  }
0x2f: {  	lr =	sadd.s32 s0, s3;
	s0 =	sld [smem:$0x3FA9]  }
0x30: {  	s3 =	sld [smem:$0x3FAC]  }
0x31: {  	[smem:$0x3FB5] =	sst s10  }
0x32: {  	s10 =	sld [smem:$0x3FB3];
	_ =	sdelay $0x3  }
0x33: {  	p0 =	seq.s32 s10, $0x1;
	s10 =	sld [smem:$0x3FB5];
	_ =	sdelay $0x3  }
0x34: {  	[smem:$0x3FB5] =	sst s10  }
0x35: {  	s10 =	sld [smem:$0x3FB4];
	_ =	sdelay $0x3  }
0x36: {  	p1 =	seq.s32 s10, $0x1;
	s10 =	sld [smem:$0x3FB5];
	_ =	sdelay $0x3  }
0x37: {  	[smem:$0x3FB5] =	sst s10  }
0x38: {  	s10 =	sld [smem:$0x3FB6]  }
0x39: {  	_ = 	snop;
	(pc) =	sbr.ind lr, $3  }
0x3a: {  	_ = 	snop  }
0x3b: {  	_ = 	snop  }
0x3c: {  	p2 =	seq.s32 s10, $0x1;
	s10 =	sld [smem:$0x3FB5]  }
0x3d: {  	_ =	shalt  }
0x3e: {  	_ =	shalt  }
0x3f: {  	_ =	shalt  }
0x40: {  	_ =	shalt  }
0x41: {  	_ =	shalt  }
0x42: {  	_ =	shalt  }
0x43: {  	_ =	shalt  }
0x44: {  	_ =	shalt  }
0x45: {  	_ =	shalt  }
0x46: {  	_ =	shalt  }
0x47: {  	_ =	shalt  }
0x48: {  	_ =	shalt  }
0x49: {  	_ =	shalt  }
0x4a: {  	_ =	shalt  }
0x4b: {  	_ =	shalt  }
0x4c: {  	_ =	shalt  }
0x4d: {  	_ =	shalt  }
0x4e: {  	_ =	shalt  }
0x4f: {  	_ =	shalt  }
0x50: {  	_ =	shalt  }
0x51: {  	_ =	shalt  }
0x52: {  	_ =	shalt  }
0x53: {  	_ =	shalt  }
0x54: {  	_ =	shalt  }
0x55: {  	_ =	shalt  }
0x56: {  	_ =	shalt  }
0x57: {  	_ =	shalt  }
0x58: {  	_ =	shalt  }
0x59: {  	_ =	shalt  }
0x5a: {  	_ =	shalt  }
0x5b: {  	_ =	shalt  }
0x5c: {  	_ =	shalt  }
0x5d: {  	_ =	shalt  }
0x5e: {  	_ =	shalt  }
0x5f: {  	_ =	shalt  }
0x60: {  	_ =	shalt  }
0x61: {  	_ =	shalt  }
0x62: {  	_ =	shalt  }
0x63: {  	_ =	shalt  }
0x64: {  	_ =	shalt  }
0x65: {  	_ =	shalt  }
0x66: {  	_ =	shalt  }
0x67: {  	_ =	shalt  }
0x68: {  	_ =	shalt  }
0x69: {  	_ =	shalt  }
0x6a: {  	_ =	shalt  }
0x6b: {  	_ =	shalt  }
0x6c: {  	_ =	shalt  }
0x6d: {  	_ =	shalt  }
0x6e: {  	_ =	shalt  }
0x6f: {  	_ =	shalt  }
0x70: {  	_ =	shalt  }
0x71: {  	_ =	shalt  }
0x72: {  	_ =	shalt  }
0x73: {  	_ =	shalt  }
0x74: {  	_ =	shalt  }
0x75: {  	_ =	shalt  }
0x76: {  	_ =	shalt  }
0x77: {  	_ =	shalt  }
0x78: {  	_ =	shalt  }
0x79: {  	_ =	shalt  }
0x7a: {  	_ =	shalt  }
0x7b: {  	_ =	shalt  }
0x7c: {  	_ =	shalt  }
0x7d: {  	_ =	shalt  }
0x7e: {  	_ =	shalt  }
0x7f: {  	_ =	shalt  }
0x80: {  	_ =	shalt  }
0x81: {  	_ =	shalt  }
0x82: {  	_ =	shalt  }
0x83: {  	_ =	shalt  }
0x84: {  	_ =	shalt  }
0x85: {  	_ =	shalt  }
0x86: {  	_ =	shalt  }
0x87: {  	_ =	shalt  }
.Lfunc_end0:
.L_simem_size_0:
called_computation.2_lowered:
.L_overlay_start_0:
0x88: {  	s2 =	sld [smem:$0x3FD9]  }
0x89: {  	s3 =	sld [smem:$0x3FFE];
	_ =	sdelay $0x1  }
0x8a: {  	s1 =	srdreg.scid  }
0x8b: {  	s0 =	sand.u32 $0x1, s1  }
0x8c: {  	s15 =	sshll.u32 s0, $0xA;
	s2 =	sadd.s32 s3, s2  }
0x8d: {  	s2 =	sadd.s32 s2, s15  }
0x8e: {  	[smem:$0x3FC1] =	sst s2  }
0x8f: {  	_ = 	snop  }
0x90: {  	s2 =	sld [smem:$0x3FD0];
	_ =	sdelay $0x2  }
0x91: {  	s16 =	simm.s32 $0xB;
	s4 =	simm.s32 $0x10  }
0x92: {  	[smem:s4], [sflag:s16] =	dma.local [hbm:s2], $0x1  }
0x93: {  	_ =	swait.eq [sflag:s16], $0x1  }
0x94: {  	[sflag:s16] =	ssyncset.done $0x0  }
0x95: {  	[sflag:s16] =	ssyncadd.s32 $0xFFFFFFFF  }
0x96: {  	s17 =	sld [smem:$0x10];
	(tm) =	ssettm $0x1  }
0x97: {  	s18 =	sld [smem:$0x3FFB];
	_ =	sdelay $0x3  }
0x98: {  	_ =	strace s18  }
0x99: {  	s2 =	sld [smem:$0x3FFC];
	_ =	sdelay $0x3  }
0x9a: {  	_ =	strace s2  }
0x9b: {  	s2 =	sld [smem:$0x3FFD];
	_ =	sdelay $0x3  }
0x9c: {  	_ =	strace s2  }
0x9d: {  	_ =	strace $0x8FFFFFFF  }
0x9e: {  	s19 =	sld [smem:$0x3FDB];
	_ =	sdelay $0x1  }
0x9f: {  	s20 =	simm.s32 $_scs_section_size  }
0xa0: {  	s5 =	simm.s32 $_size__tile_overlayer_lowered;
	s6 =	simm.s32 $_tile_overlayer_lowered  }
0xa1: {  	s7 =	simm.s32 $0x1BFF;
	s21 =	sshll.u32 s6, $0x1;
	s4 =	sadd.s32 s20, s19  }
0xa2: {  	s22 =	simm.s32 $0x0;
	s5 =	sshll.u32 s5, $0x1;
	s6 =	sadd.s32 s21, s4  }
0xa3: {  	[timem:s22], [sflag:s7] =	dma.local [hbm:s6], s5  }
0xa4: {  	_ =	swait.ge [sflag:s7], s5  }
0xa5: {  	s5 =	ssub.s32 $0x0, s5;
	[sflag:s7] =	ssyncset.done $0x0  }
0xa6: {  	[sflag:s7] =	ssyncadd.s32 s5;
	_ =	sdelay $0x1  }
0xa7: {  	s23 =	simm.s32 $0x1B8B  }
0xa8: {  	_ =	swait.ge [sflag:s23], $0x1  }
0xa9: {  	[sflag:s23] =	ssyncset.done $0x0  }
0xaa: {  	[sflag:s23] =	ssyncadd.s32 $0xFFFFFFFF  }
0xab: {  	s5 =	sld [smem:$0x0]  }
0xac: {  	s6 =	sand.u32 $0xFFFFFFFE, s1  }
0xad: {  	p0 =	sne.s32 s1, s6  }
0xae: {  	s6 =	sshll.u32 @p0 s6, $0xE  }
0xaf: {  	s6 =	sadd.s32 @p0 $0x11B8D, s6;
	s7 =	sshll.u32 @p0 s5, $0x11  }
0xb0: {  	s6 =	sor.u32 @p0 s7, s6  }
0xb1: {  	[sflag:s6] =	ssyncadd.remote.s32 @p0 $0x1;
	_ =	sdelay $0x1  }
0xb2: {  	s6 =	simm.s32 @p0 $0x1B8D  }
0xb3: {  	_ =	swait.eq @p0 [sflag:s6], $0x1  }
0xb4: {  	[sflag:s6] =	ssyncadd.s32 @p0 $0xFFFFFFFF  }
0xb5: {  	s7 =	sshll.u32 @!p0 s1, $0xE  }
0xb6: {  	s7 =	sor.u32 @!p0 $0x4000, s7;
	s6 =	simm.s32 @!p0 $0x1B8D  }
0xb7: {  	s5 =	sshll.u32 @!p0 s5, $0x11;
	s7 =	sadd.s32 @!p0 $0x11B8D, s7;
	_ =	swait.eq @!p0 [sflag:s6], $0x1  }
0xb8: {  	s5 =	sor.u32 @!p0 s5, s7;
	[sflag:s6] =	ssyncadd.s32 @!p0 $0xFFFFFFFF  }
0xb9: {  	s25 =	simm.s32 $0x1B8E;
	s24 =	sld [smem:$0x3FFE];
	[sflag:s5] =	ssyncadd.remote.s32 @!p0 $0x1  }
0xba: {  	s26 =	simm.s32 $execute0_lowered;
	[smem:$0x3FD2] =	sst s25  }
0xbb: {  	s6 =	sshll.u32 s26, $0x1;
	_ =	strace $0x80000049;
	[dreg:$0x1] =	wrdreg $0xFFFFFFFF  }
0xbc: {  	s28 =	simm.s32 $_size_execute0_lowered;
	s4 =	sadd.s32 s4, s6;
	[dreg:$0x0] =	wrdreg $0x0  }
0xbd: {  	s6 =	sshll.u32 s28, $0x1;
	[dreg:$0x2] =	wrdreg s4  }
0xbe: {  	[dreg:$0x3] =	wrdreg s6  }
0xbf: {  	[dreg:$0x4] =	wrdreg $0xC0  }
0xc0: {  	_ =	task [dreg:s22], $0x5FFFF  }
0xc1: {  	[dreg:$0x1] =	wrdreg $0xFFFFFFFF  }
0xc2: {  	[dreg:$0x0] =	wrdreg $0x60  }
0xc3: {  	[dreg:$0x2] =	wrdreg s17  }
0xc4: {  	[dreg:$0x3] =	wrdreg s24  }
0xc5: {  	[dreg:$0x4] =	wrdreg $0xA  }
0xc6: {  	_ =	task.clear_ibuf [dreg:s22], $0x5FFFF;
	_ =	strace $0x90000049  }
0xc7: {  	s29 =	simm.s32 $0xA;
	_ =	strace $0x8000004B  }
0xc8: {  	_ =	swait.ge [sflag:s29], $0x1  }
0xc9: {  	[sflag:s29] =	ssyncadd.s32 $0xFFFFFFFF  }
0xca: {  	_ =	strace $0x9000004B  }
0xcb: {  	_ =	sfence  }
0xcc: {  	s30 =	sld [smem:$0x0];
	_ =	sdelay $0x2  }
0xcd: {  	s31 =	sshll.u32 s1, $0xD;
	s1 =	sshrl.u32 s1, $0x2  }
0xce: {  	s4 =	sand.u32 $0x4000, s31;
	s1 =	sadd.s32 s1, s30  }
0xcf: {  	s0 =	sor.u32 s4, s0;
	s1 =	sshll.u32 s1, $0x11  }
0xd0: {  	s0 =	sor.u32 s1, s0  }
0xd1: {  	s0 =	sadd.s32 $0x8F2B, s0  }
0xd2: {  	[sflag:s0] =	ssyncadd.remote.s32 $0x1  }
0xd3: {  	_ =	sfence.sel $0xFFFF  }
0xd4: {  	[dreg:$0x0] =	wrdreg $0xFFFFFFFF;
	(pc) =	sbr.abs _section_cstart, $3  }
0xd5: {  	[dreg:$0x1] =	wrdreg $0xFFFFFFFF  }
0xd6: {  	_ =	task.clear_ibuf [dreg:s22], $0x2FFFF;
	_ =	strace $0x9FFFFFFF  }
0xd7: {  	(tm) =	ssettm $0x7FFFFFFF  }
tec
execute0_lowered:
.L_overlay_start_1:
0x0: {  	(tag) =	ssettag $0x1  }
0x1: {  	s0 =	rddreg [dreg:$0x0];
	s1 =	srdreg.scid  }
0x2: {  	s13 =	stileid.u32;
	s5 =	rddreg [dreg:$0x1];
	s2 =	simm.s32 $0x0  }
0x3: {  	s15 =	simm.s32 $0x5;
	s16 =	simm.s32 $0x28;
	s17 =	simm.s32 $0x2710  }
0x4: {  	s18 =	simm.s32 $0x3B10;
	s19 =	simm.s32 $0x3110;
	s21 =	simm.s32 $0x4510  }
0x5: {  	s22 =	simm.s32 $0x1;
	s28 =	simm.s32 $0x4;
	s29 =	simm.s32 $0x1360  }
0x6: {  	s30 =	simm.s32 $0x26E8;
	s31 =	simm.s32 $0x0;
	s1 =	sand.u32 $0x1, s1  }
0x7: {  	s3 =	sshll.u32 s13, $0x1;
	[smem:$0x7FF] =	sst s2;
	s24 =	smul.u32 $0x27100, s13  }
0x8: {  	s6 =	sor.u32 s1, s3;
	s7 =	ssub.s32 $0x2, s1;
	s1 =	smul.u32 $0x13880, s1  }
0x9: {  	s10 =	sadd.s32 $0x287000, s5;
	s12 =	sadd.s32 $0x287008, s5;
	s4 =	smul.u32 $0x1388, s6  }
0xa: {  	_ =	strace $0x8000004A;
	s3 =	sadd.s32 $0x2600, s5;
	s8 =	smul.u32 $0x9C400, s6  }
0xb: {  	s9 =	sshrl.u32 s7, $0x1;
	s11 =	smul.u32 $0x13880, s6;
	s13 =	sadd.s32 s24, s10  }
0xc: {  	s24 =	simm.s32 $0x80;
	s7 =	ssub.s32 s7, s9;
	s1 =	sadd.s32 s1, s13  }
0xd: {  	s13 =	simm.s32 $0x1388;
	s4 =	sshrl.u32 s4, $0x3;
	s8 =	sshrl.u32 s8, $0x3  }
0xe: {  	s25 =	sadd.s32 $0x13100, s11;
	s7 =	smax.u32 s7, $0x1;
	s26 =	sadd.s32 $0x13380, s11  }
0xf: {  	s4 =	sadd.s32 s0, s4;
	s23 =	sadd.s32 s10, s8;
	s8 =	sadd.s32 s10, s25  }
0x10: {  	s9 =	sadd.s32 s25, s12;
	s10 =	sadd.s32 s10, s26;
	s11 =	sadd.s32 s26, s12  }
0x11: {  	s12 =	sadd.s32 $0x288, s1;
	s25 =	simm.s32 $0x3;
	s26 =	simm.s32 $0x2  }
0x12: {  	s5 =	sadd.s32 $0x13600, s23;
	s6 =	sadd.s32 $0x13608, s23;
	s23 =	simm.s32 $0x40  }
.LBB2_1:
0x13: {  	s0 =	simm.s32 $0x27100  }
0x14: {  	[tilespmem:s2], [sflag:$0x5] =	stream.strided.gather [hbm4b:s4+s13], $0x2710, s0, s13, $0x38;
	[tilespmem:$0x4F10] =	vst v63  }
0x15: {  	_ =	swait.ge [sflag:s15], $0x2710  }
0x16: {  	[sflag:s15] =	ssyncset.done $0x0  }
0x17: {  	[sflag:s15] =	ssyncadd.s32 $0xFFFFD8F0  }
0x18: {  	[tilespmem:s17], [sflag:$0x1] =	stream.indirect.gather [hbm4b:s3+s16], $0x40, s2, s16, $0xb8;
	[tilespmem:$0x4F10] =	vst v63  }
0x19: {  	_ = 	snop  }
0x1a: {  	[tilespmem:s18], [sflag:$0x3] =	stream.indirect.gather [hbm4b:s3+s16], $0x40, s13, s16, $0xb8;
	[tilespmem:$0x4F10] =	vst v63  }
0x1b: {  	_ = 	snop  }
0x1c: {  	[tilespmem:s19], [sflag:$0x2] =	stream.indirect.gather [hbm4b:s3+s16], $0x40, s16, s16, $0xb8;
	[tilespmem:$0x4F10] =	vst v63  }
0x1d: {  	s20 =	simm.s32 $0x13B0  }
0x1e: {  	[tilespmem:s21], [sflag:$0x4] =	stream.indirect.gather [hbm4b:s3+s16], $0x40, s20, s16, $0xb8;
	[tilespmem:$0x4F10] =	vst v63  }
0x1f: {  	_ =	swait.ge [sflag:s22], $0xA00  }
0x20: {  	[sflag:s22] =	ssyncset.done $0x0  }
0x21: {  	s1 =	sadd.s32 $0xFFFFFD78, s12;
	[sflag:s22] =	ssyncadd.s32 $0xFFFFF600  }
0x22: {  	[hbm4b:s1+s23] =	stream.strided.scatter [tilespmem:s17], [sflag:$0x5], $0xA00, s24, s23, $0x38;
	[tilespmem:$0x4F10] =	vst v63  }
0x23: {  	_ =	swait.ge [sflag:s15], $0xA00  }
0x24: {  	[sflag:s15] =	ssyncset.done $0x0  }
0x25: {  	s14 =	simm.s32 $0x50;
	[sflag:s15] =	ssyncadd.s32 $0xFFFFF600  }
0x26: {  	[tilespmem:s17], [sflag:$0x1] =	stream.indirect.gather [hbm4b:s3+s16], $0x40, s14, s16, $0xb8;
	[tilespmem:$0x4F10] =	vst v63  }
0x27: {  	_ =	swait.ge [sflag:s25], $0xA00  }
0x28: {  	[sflag:s25] =	ssyncset.done $0x0  }
0x29: {  	s20 =	sadd.s32 $0xFFFFFD80, s12;
	[sflag:s25] =	ssyncadd.s32 $0xFFFFF600  }
0x2a: {  	[hbm4b:s20+s23] =	stream.strided.scatter [tilespmem:s18], [sflag:$0x5], $0xA00, s24, s23, $0x38;
	[tilespmem:$0x4F10] =	vst v63  }
0x2b: {  	_ =	swait.ge [sflag:s15], $0xA00  }
0x2c: {  	[sflag:s15] =	ssyncset.done $0x0  }
0x2d: {  	s1 =	simm.s32 $0x13D8;
	[sflag:s15] =	ssyncadd.s32 $0xFFFFF600  }
0x2e: {  	[tilespmem:s18], [sflag:$0x3] =	stream.indirect.gather [hbm4b:s3+s16], $0x40, s1, s16, $0xb8;
	[tilespmem:$0x4F10] =	vst v63  }
0x2f: {  	_ =	swait.ge [sflag:s26], $0xA00  }
0x30: {  	[sflag:s26] =	ssyncset.done $0x0  }
0x31: {  	s14 =	sadd.s32 $0xFFFFFFF8, s12;
	[sflag:s26] =	ssyncadd.s32 $0xFFFFF600  }
0x32: {  	[hbm4b:s14+s23] =	stream.strided.scatter [tilespmem:s19], [sflag:$0x5], $0xA00, s24, s23, $0x38;
	[tilespmem:$0x4F10] =	vst v63  }
0x33: {  	_ =	swait.ge [sflag:s15], $0xA00  }
0x34: {  	[sflag:s15] =	ssyncset.done $0x0  }
0x35: {  	s20 =	simm.s32 $0x78;
	[sflag:s15] =	ssyncadd.s32 $0xFFFFF600  }
0x36: {  	[tilespmem:s19], [sflag:$0x2] =	stream.indirect.gather [hbm4b:s3+s16], $0x40, s20, s16, $0xb8;
	[tilespmem:$0x4F10] =	vst v63  }
0x37: {  	_ =	swait.ge [sflag:s28], $0xA00  }
0x38: {  	[sflag:s28] =	ssyncset.done $0x0  }
0x39: {  	[sflag:s28] =	ssyncadd.s32 $0xFFFFF600  }
0x3a: {  	[hbm4b:s12+s23] =	stream.strided.scatter [tilespmem:s21], [sflag:$0x5], $0xA00, s24, s23, $0x38;
	[tilespmem:$0x4F10] =	vst v63  }
0x3b: {  	_ =	swait.ge [sflag:s15], $0xA00  }
0x3c: {  	s0 =	sadd.s32 $0x500, s12;
	[sflag:s15] =	ssyncset.done $0x0  }
0x3d: {  	s1 =	simm.s32 $0x140;
	s14 =	simm.s32 $0x1400;
	[sflag:s15] =	ssyncadd.s32 $0xFFFFF600  }
.LBB2_2:
0x3e: {  	[tilespmem:s21], [sflag:$0x4] =	stream.indirect.gather [hbm4b:s3+s16], $0x40, s14, s16, $0xb8;
	[tilespmem:$0x4F10] =	vst v63  }
0x3f: {  	s14 =	smov.u32 s1  }
0x40: {  	p0 =	sne.s32 s1, $0x4B00;
	s1 =	sadd.s32 $0x140, s1;
	_ =	swait.ge [sflag:s22], $0xA00  }
0x41: {  	[sflag:s22] =	ssyncset.done $0x0  }
0x42: {  	s20 =	sadd.s32 $0xFFFFFD78, s0;
	[sflag:s22] =	ssyncadd.s32 $0xFFFFF600  }
0x43: {  	[hbm4b:s20+s23] =	stream.strided.scatter [tilespmem:s17], [sflag:$0x5], $0xA00, s24, s23, $0x38;
	[tilespmem:$0x4F10] =	vst v63  }
0x44: {  	_ =	swait.ge [sflag:s15], $0xA00  }
0x45: {  	s14 =	sshra.s32 s14, $0x2;
	[sflag:s15] =	ssyncset.done $0x0  }
0x46: {  	s20 =	sadd.s32 $0x50, s14;
	[sflag:s15] =	ssyncadd.s32 $0xFFFFF600  }
0x47: {  	[tilespmem:s17], [sflag:$0x1] =	stream.indirect.gather [hbm4b:s3+s16], $0x40, s20, s16, $0xb8;
	[tilespmem:$0x4F10] =	vst v63  }
0x48: {  	_ =	swait.ge [sflag:s25], $0xA00  }
0x49: {  	[sflag:s25] =	ssyncset.done $0x0  }
0x4a: {  	s20 =	sadd.s32 $0xFFFFFD80, s0;
	[sflag:s25] =	ssyncadd.s32 $0xFFFFF600  }
0x4b: {  	[hbm4b:s20+s23] =	stream.strided.scatter [tilespmem:s18], [sflag:$0x5], $0xA00, s24, s23, $0x38;
	[tilespmem:$0x4F10] =	vst v63  }
0x4c: {  	_ =	swait.ge [sflag:s15], $0xA00  }
0x4d: {  	[sflag:s15] =	ssyncset.done $0x0  }
0x4e: {  	s20 =	sadd.s32 $0x13D8, s14;
	[sflag:s15] =	ssyncadd.s32 $0xFFFFF600  }
0x4f: {  	[tilespmem:s18], [sflag:$0x3] =	stream.indirect.gather [hbm4b:s3+s16], $0x40, s20, s16, $0xb8;
	[tilespmem:$0x4F10] =	vst v63  }
0x50: {  	_ =	swait.ge [sflag:s26], $0xA00  }
0x51: {  	[sflag:s26] =	ssyncset.done $0x0  }
0x52: {  	s20 =	sadd.s32 $0xFFFFFFF8, s0;
	[sflag:s26] =	ssyncadd.s32 $0xFFFFF600  }
0x53: {  	[hbm4b:s20+s23] =	stream.strided.scatter [tilespmem:s19], [sflag:$0x5], $0xA00, s24, s23, $0x38;
	[tilespmem:$0x4F10] =	vst v63  }
0x54: {  	_ =	swait.ge [sflag:s15], $0xA00  }
0x55: {  	[sflag:s15] =	ssyncset.done $0x0  }
0x56: {  	s20 =	sadd.s32 $0x78, s14;
	[sflag:s15] =	ssyncadd.s32 $0xFFFFF600  }
0x57: {  	[tilespmem:s19], [sflag:$0x2] =	stream.indirect.gather [hbm4b:s3+s16], $0x40, s20, s16, $0xb8;
	[tilespmem:$0x4F10] =	vst v63  }
0x58: {  	_ =	swait.ge [sflag:s28], $0xA00  }
0x59: {  	[sflag:s28] =	ssyncset.done $0x0  }
.Ltmp0:
0x5a: {  	[sflag:s28] =	ssyncadd.s32 $0xFFFFF600;
	(pc) =	sbr.rel @p0 .LBB2_2-.Ltmp0, $4  }
0x5b: {  	[hbm4b:s0+s23] =	stream.strided.scatter [tilespmem:s21], [sflag:$0x5], $0xA00, s24, s23, $0x38;
	[tilespmem:$0x4F10] =	vst v63  }
0x5c: {  	_ =	swait.ge [sflag:s15], $0xA00  }
0x5d: {  	[sflag:s15] =	ssyncset.done $0x0  }
0x5e: {  	s14 =	sadd.s32 $0x1400, s14;
	s0 =	sadd.s32 $0x500, s0;
	[sflag:s15] =	ssyncadd.s32 $0xFFFFF600  }
0x5f: {  	[tilespmem:s21], [sflag:$0x4] =	stream.indirect.gather [hbm4b:s3+s16], $0x40, s14, s16, $0xb8;
	[tilespmem:$0x4F10] =	vst v63  }
0x60: {  	_ =	swait.ge [sflag:s22], $0xA00  }
0x61: {  	[sflag:s22] =	ssyncset.done $0x0  }
0x62: {  	[sflag:s22] =	ssyncadd.s32 $0xFFFFF600  }
0x63: {  	[hbm4b:s8+s23] =	stream.strided.scatter [tilespmem:s17], [sflag:$0x5], $0xA00, s24, s23, $0x38;
	[tilespmem:$0x4F10] =	vst v63  }
0x64: {  	_ =	swait.ge [sflag:s15], $0xA00  }
0x65: {  	[sflag:s15] =	ssyncset.done $0x0  }
0x66: {  	[sflag:s15] =	ssyncadd.s32 $0xFFFFF600  }
0x67: {  	[tilespmem:s17], [sflag:$0x1] =	stream.indirect.gather [hbm4b:s3+s16], $0x40, s29, s16, $0xb8;
	[tilespmem:$0x4F10] =	vst v63  }
0x68: {  	_ =	swait.ge [sflag:s25], $0xA00  }
0x69: {  	[sflag:s25] =	ssyncset.done $0x0  }
0x6a: {  	[sflag:s25] =	ssyncadd.s32 $0xFFFFF600  }
0x6b: {  	[hbm4b:s9+s23] =	stream.strided.scatter [tilespmem:s18], [sflag:$0x5], $0xA00, s24, s23, $0x38;
	[tilespmem:$0x4F10] =	vst v63  }
0x6c: {  	_ =	swait.ge [sflag:s15], $0xA00  }
0x6d: {  	[sflag:s15] =	ssyncset.done $0x0  }
0x6e: {  	[sflag:s15] =	ssyncadd.s32 $0xFFFFF600  }
0x6f: {  	[tilespmem:s18], [sflag:$0x3] =	stream.indirect.gather [hbm4b:s3+s16], $0x40, s30, s16, $0xb8;
	[tilespmem:$0x4F10] =	vst v63  }
0x70: {  	_ =	swait.ge [sflag:s26], $0xA00  }
0x71: {  	[sflag:s26] =	ssyncset.done $0x0  }
0x72: {  	[sflag:s26] =	ssyncadd.s32 $0xFFFFF600  }
0x73: {  	[hbm4b:s10+s23] =	stream.strided.scatter [tilespmem:s19], [sflag:$0x5], $0xA00, s24, s23, $0x38;
	[tilespmem:$0x4F10] =	vst v63  }
0x74: {  	_ =	swait.ge [sflag:s15], $0xA00  }
0x75: {  	[sflag:s15] =	ssyncset.done $0x0  }
0x76: {  	[sflag:s15] =	ssyncadd.s32 $0xFFFFF600  }
0x77: {  	_ =	swait.ge [sflag:s28], $0xA00  }
0x78: {  	[sflag:s28] =	ssyncset.done $0x0  }
0x79: {  	[sflag:s28] =	ssyncadd.s32 $0xFFFFF600  }
0x7a: {  	[hbm4b:s11+s23] =	stream.strided.scatter [tilespmem:s21], [sflag:$0x5], $0xA00, s24, s23, $0x38;
	[tilespmem:$0x4F10] =	vst v63  }
0x7b: {  	_ =	swait.ge [sflag:s15], $0xA00  }
0x7c: {  	[sflag:s15] =	ssyncset.done $0x0  }
0x7d: {  	[sflag:s15] =	ssyncadd.s32 $0xFFFFF600  }
0x7e: {  	_ =	swait.ge [sflag:s22], $0xA00  }
0x7f: {  	[sflag:s22] =	ssyncset.done $0x0  }
0x80: {  	[sflag:s22] =	ssyncadd.s32 $0xFFFFF600  }
0x81: {  	[hbm4b:s5+s23] =	stream.strided.scatter [tilespmem:s17], [sflag:$0x5], $0xA00, s24, s23, $0x38;
	[tilespmem:$0x4F10] =	vst v63  }
0x82: {  	_ =	swait.ge [sflag:s15], $0xA00  }
0x83: {  	[sflag:s15] =	ssyncset.done $0x0  }
0x84: {  	[sflag:s15] =	ssyncadd.s32 $0xFFFFF600  }
0x85: {  	s31 =	sadd.s32 $0x1, s31;
	_ =	swait.ge [sflag:s25], $0xA00  }
0x86: {  	p0 =	sne.s32 s31, s7;
	[sflag:s25] =	ssyncset.done $0x0  }
.Ltmp1:
0x87: {  	[sflag:s25] =	ssyncadd.s32 $0xFFFFF600;
	(pc) =	sbr.rel @p0 .LBB2_1-.Ltmp1, $4  }
0x88: {  	[hbm4b:s6+s23] =	stream.strided.scatter [tilespmem:s18], [sflag:$0x5], $0xA00, s24, s23, $0x38;
	[tilespmem:$0x4F10] =	vst v63  }
0x89: {  	_ =	swait.ge [sflag:s15], $0xA00  }
0x8a: {  	[sflag:s15] =	ssyncset.done $0x0  }
0x8b: {  	[sflag:s15] =	ssyncadd.s32 $0xFFFFF600  }
0x8c: {  	_ =	sfence.sel $0x180000  }
0x8d: {  	[bflag:$0x0] =	sbarrier.arrive $0xFFFF  }
0x8e: {  	_ =	strace $0x9000004A  }
0x8f: {  	s0 =	stileid.u32;
	[bflag:$0x2] =	sbarrier.arrive $0xFFFF  }
0x90: {  	p0 =	sne.s32 s0, $0x0;
	s0 =	rddreg [dreg:$0x2]  }
0x91: {  	s0 =	sadd.s32 @!p0 $0x100000, s0  }
0x92: {  	[sflag:s0] =	ssyncadd.tile.s32 @!p0 $0x1;
	_ =	shalt  }
.Lfunc_end2:
_tile_overlayer_lowered:
.L_overlay_start_2:
0x93: {  	(tag) =	ssettag $0x2  }
0x94: {  	s0 =	rddreg [dreg:$0x0];
	s2 =	stileid.u32  }
0x95: {  	s1 =	rddreg [dreg:$0x1];
	p0 =	sne.s32 s2, $0x0  }
0x96: {  	s3 =	rddreg [dreg:$0x2];
	[bflag:$0x3] =	sbarrier.arrive $0xFFFF;
	s2 =	simm.s32 @!p0 $0x1C05  }
0x97: {  	[timem:s3], [sflag:s2] =	dma.local @!p0 [hbm:s0], s1  }
0x98: {  	s0 =	simm.s32 @!p0 $0x5  }
0x99: {  	_ =	swait.ge @!p0 [sflag:s0], s1  }
0x9a: {  	s1 =	ssub.s32 @!p0 $0x0, s1;
	[sflag:s0] =	ssyncset.done @!p0 $0x0  }
0x9b: {  	[sflag:s0] =	ssyncadd.s32 @!p0 s1  }
0x9c: {  	[bflag:$0x3] =	sbarrier.arrive $0xFFFF  }
0x9d: {  	_ =	shalt  }

// kernel: kernel.19.cloned.1.call-start
scs
__scs_entry_jumppad:
0x0: {  	(pc) =	sbr.rel $0x88, $3  }
0x1: {  	(tag) =	ssettag $0x0;
	lr =	simm.s32 $0x1  }
0x2: {  	[smem:$0x3F9A] =	sst lr;
	_ =	strace $0xD0000000  }
0x3: {  	_ = 	snop  }
0x4: {  	_ = 	snop  }
0x5: {  	_ = 	snop  }
0x6: {  	_ = 	snop  }
0x7: {  	_ = 	snop  }
__scs_overlays_trampoline_lowered:
0x8: {  	[smem:$0x3FA9] =	sst s0  }
0x9: {  	[smem:$0x3FAA] =	sst s1  }
0xa: {  	[smem:$0x3FAB] =	sst s2  }
0xb: {  	[smem:$0x3FAC] =	sst s3  }
0xc: {  	[smem:$0x3FAD] =	sst s4  }
0xd: {  	[smem:$0x3FAE] =	sst s5  }
0xe: {  	[smem:$0x3FAF] =	sst s6  }
0xf: {  	[smem:$0x3FB0] =	sst s7  }
0x10: {  	[smem:$0x3FB1] =	sst s8  }
0x11: {  	[smem:$0x3FB2] =	sst s9;
	s0 =	simm.s32 @!p0 $0x0  }
0x12: {  	s1 =	sld [smem:$0x3F98];
	s0 =	simm.s32 @p0 $0x1  }
0x13: {  	[smem:$0x3FB3] =	sst s0;
	s0 =	simm.s32 @!p1 $0x0  }
0x14: {  	s2 =	sld [smem:$0x3F97];
	s0 =	simm.s32 @p1 $0x1  }
0x15: {  	[smem:$0x3FB4] =	sst s0;
	s0 =	simm.s32 @!p2 $0x0  }
0x16: {  	s3 =	sld [smem:$0x3FDB];
	s0 =	simm.s32 @p2 $0x1  }
0x17: {  	s4 =	simm.s32 $0x1BF5;
	[smem:$0x3FB6] =	sst s0  }
0x18: {  	s0 =	sld [smem:$0x3F99];
	_ =	swait.ge [sflag:s4], $0x0  }
0x19: {  	s7 =	sld [smem:$0x3F9A]  }
0x1a: {  	s8 =	sadd.s32 $0xFFFFE003, lr  }
0x1b: {  	s9 =	sadd.s32 $0xFFFFFEF7, lr;
	s5 =	simm.s32 $0xFFFFFFFF;
	p2 =	slt.u32 s8, $0xFFFFF086  }
0x1c: {  	p1 =	slt.u32 s9, $0xF7A;
	s5 =	simm.s32 @!p2 $0x0  }
0x1d: {  	s5 =	simm.s32 @p1 $0x1;
	p0 =	seq.s32 s7, s2  }
0x1e: {  	s7 =	smul.u32 @!p0 $0xF7A, s2;
	p2 =	seq.s32 @!p0 s5, $0x0  }
0x1f: {  	s9 =	smul.u32 $0xF7A, s1;
	s8 =	simm.s32 @!p0 $0x1BF5;
	p2 =	por !p2, p0  }
0x20: {  	[sflag:s8] =	ssyncset.s32 @!p0 $0xFFFFF086;
	s6 =	sadd.s32 @!p0 s3, s7;
	s7 =	simm.s32 @!p0 $0x108  }
0x21: {  	s3 =	sadd.s32 s3, s9;
	s6 =	sadd.s32 @!p0 $0x88, s6;
	s7 =	simm.s32 @p2 $0x1082  }
0x22: {  	[simem:s7], [sflag:s8] =	dma.local @!p0 [hbm:s6], $0xF7A  }
0x23: {  	s9 =	sor.u32 $0xD0000000, s2;
	s6 =	simm.s32 $0x108;
	_ =	swait.ge @!p0 [sflag:s8], $0x0  }
0x24: {  	s3 =	sadd.s32 $0x88, s3;
	s6 =	simm.s32 @!p1 $0x1082;
	[sflag:s4] =	ssyncset.s32 $0xFFFFF086  }
0x25: {  	[simem:s6], [sflag:s4] =	dma.local [hbm:s3], $0xF7A  }
0x26: {  	[smem:$0x3F9A] =	sst s1;
	(tag) =	ssettag s2;
	_ =	strace s9  }
0x27: {  	s1 =	sld [smem:$0x3FAA]  }
0x28: {  	s2 =	sld [smem:$0x3FAB]  }
0x29: {  	s4 =	sld [smem:$0x3FAD]  }
0x2a: {  	p0 =	seq.s32 s5, $0x0;
	s5 =	sld [smem:$0x3FAE]  }
0x2b: {  	s6 =	sld [smem:$0x3FAF]  }
0x2c: {  	s7 =	sld [smem:$0x3FB0]  }
0x2d: {  	s3 =	simm.s32 $0x108;
	s8 =	sld [smem:$0x3FB1]  }
0x2e: {  	s3 =	simm.s32 @!p0 $0x1082;
	s9 =	sld [smem:$0x3FB2]  }
0x2f: {  	lr =	sadd.s32 s0, s3;
	s0 =	sld [smem:$0x3FA9]  }
0x30: {  	s3 =	sld [smem:$0x3FAC]  }
0x31: {  	[smem:$0x3FB5] =	sst s10  }
0x32: {  	s10 =	sld [smem:$0x3FB3];
	_ =	sdelay $0x3  }
0x33: {  	p0 =	seq.s32 s10, $0x1;
	s10 =	sld [smem:$0x3FB5];
	_ =	sdelay $0x3  }
0x34: {  	[smem:$0x3FB5] =	sst s10  }
0x35: {  	s10 =	sld [smem:$0x3FB4];
	_ =	sdelay $0x3  }
0x36: {  	p1 =	seq.s32 s10, $0x1;
	s10 =	sld [smem:$0x3FB5];
	_ =	sdelay $0x3  }
0x37: {  	[smem:$0x3FB5] =	sst s10  }
0x38: {  	s10 =	sld [smem:$0x3FB6]  }
0x39: {  	_ = 	snop;
	(pc) =	sbr.ind lr, $3  }
0x3a: {  	_ = 	snop  }
0x3b: {  	_ = 	snop  }
0x3c: {  	p2 =	seq.s32 s10, $0x1;
	s10 =	sld [smem:$0x3FB5]  }
0x3d: {  	_ =	shalt  }
0x3e: {  	_ =	shalt  }
0x3f: {  	_ =	shalt  }
0x40: {  	_ =	shalt  }
0x41: {  	_ =	shalt  }
0x42: {  	_ =	shalt  }
0x43: {  	_ =	shalt  }
0x44: {  	_ =	shalt  }
0x45: {  	_ =	shalt  }
0x46: {  	_ =	shalt  }
0x47: {  	_ =	shalt  }
0x48: {  	_ =	shalt  }
0x49: {  	_ =	shalt  }
0x4a: {  	_ =	shalt  }
0x4b: {  	_ =	shalt  }
0x4c: {  	_ =	shalt  }
0x4d: {  	_ =	shalt  }
0x4e: {  	_ =	shalt  }
0x4f: {  	_ =	shalt  }
0x50: {  	_ =	shalt  }
0x51: {  	_ =	shalt  }
0x52: {  	_ =	shalt  }
0x53: {  	_ =	shalt  }
0x54: {  	_ =	shalt  }
0x55: {  	_ =	shalt  }
0x56: {  	_ =	shalt  }
0x57: {  	_ =	shalt  }
0x58: {  	_ =	shalt  }
0x59: {  	_ =	shalt  }
0x5a: {  	_ =	shalt  }
0x5b: {  	_ =	shalt  }
0x5c: {  	_ =	shalt  }
0x5d: {  	_ =	shalt  }
0x5e: {  	_ =	shalt  }
0x5f: {  	_ =	shalt  }
0x60: {  	_ =	shalt  }
0x61: {  	_ =	shalt  }
0x62: {  	_ =	shalt  }
0x63: {  	_ =	shalt  }
0x64: {  	_ =	shalt  }
0x65: {  	_ =	shalt  }
0x66: {  	_ =	shalt  }
0x67: {  	_ =	shalt  }
0x68: {  	_ =	shalt  }
0x69: {  	_ =	shalt  }
0x6a: {  	_ =	shalt  }
0x6b: {  	_ =	shalt  }
0x6c: {  	_ =	shalt  }
0x6d: {  	_ =	shalt  }
0x6e: {  	_ =	shalt  }
0x6f: {  	_ =	shalt  }
0x70: {  	_ =	shalt  }
0x71: {  	_ =	shalt  }
0x72: {  	_ =	shalt  }
0x73: {  	_ =	shalt  }
0x74: {  	_ =	shalt  }
0x75: {  	_ =	shalt  }
0x76: {  	_ =	shalt  }
0x77: {  	_ =	shalt  }
0x78: {  	_ =	shalt  }
0x79: {  	_ =	shalt  }
0x7a: {  	_ =	shalt  }
0x7b: {  	_ =	shalt  }
0x7c: {  	_ =	shalt  }
0x7d: {  	_ =	shalt  }
0x7e: {  	_ =	shalt  }
0x7f: {  	_ =	shalt  }
0x80: {  	_ =	shalt  }
0x81: {  	_ =	shalt  }
0x82: {  	_ =	shalt  }
0x83: {  	_ =	shalt  }
0x84: {  	_ =	shalt  }
0x85: {  	_ =	shalt  }
0x86: {  	_ =	shalt  }
0x87: {  	_ =	shalt  }
.Lfunc_end0:
.L_simem_size_0:
called_computation.3_lowered:
.L_overlay_start_0:
0x88: {  	s2 =	sld [smem:$0x3FD9]  }
0x89: {  	s3 =	sld [smem:$0x3FFE];
	_ =	sdelay $0x1  }
0x8a: {  	s1 =	srdreg.scid  }
0x8b: {  	s0 =	sand.u32 $0x1, s1  }
0x8c: {  	s15 =	sshll.u32 s0, $0xA;
	s2 =	sadd.s32 s3, s2  }
0x8d: {  	s2 =	sadd.s32 s2, s15  }
0x8e: {  	[smem:$0x3FC1] =	sst s2  }
0x8f: {  	_ = 	snop  }
0x90: {  	s2 =	sld [smem:$0x3FD0];
	_ =	sdelay $0x2  }
0x91: {  	s16 =	simm.s32 $0xB;
	s4 =	simm.s32 $0x10  }
0x92: {  	[smem:s4], [sflag:s16] =	dma.local [hbm:s2], $0x1  }
0x93: {  	_ =	swait.eq [sflag:s16], $0x1  }
0x94: {  	[sflag:s16] =	ssyncset.done $0x0  }
0x95: {  	[sflag:s16] =	ssyncadd.s32 $0xFFFFFFFF  }
0x96: {  	s17 =	sld [smem:$0x12];
	(tm) =	ssettm $0x1  }
0x97: {  	s18 =	sld [smem:$0x3FFB];
	_ =	sdelay $0x3  }
0x98: {  	_ =	strace s18  }
0x99: {  	s2 =	sld [smem:$0x3FFC];
	_ =	sdelay $0x3  }
0x9a: {  	_ =	strace s2  }
0x9b: {  	s2 =	sld [smem:$0x3FFD];
	_ =	sdelay $0x3  }
0x9c: {  	_ =	strace s2  }
0x9d: {  	_ =	strace $0x8FFFFFFF  }
0x9e: {  	s19 =	sld [smem:$0x3FDB];
	_ =	sdelay $0x1  }
0x9f: {  	s20 =	simm.s32 $_scs_section_size  }
0xa0: {  	s5 =	simm.s32 $_size__tile_overlayer_lowered;
	s6 =	simm.s32 $_tile_overlayer_lowered  }
0xa1: {  	s7 =	simm.s32 $0x1BFF;
	s21 =	sshll.u32 s6, $0x1;
	s4 =	sadd.s32 s20, s19  }
0xa2: {  	s22 =	simm.s32 $0x0;
	s5 =	sshll.u32 s5, $0x1;
	s6 =	sadd.s32 s21, s4  }
0xa3: {  	[timem:s22], [sflag:s7] =	dma.local [hbm:s6], s5  }
0xa4: {  	_ =	swait.ge [sflag:s7], s5  }
0xa5: {  	s5 =	ssub.s32 $0x0, s5;
	[sflag:s7] =	ssyncset.done $0x0  }
0xa6: {  	[sflag:s7] =	ssyncadd.s32 s5;
	_ =	sdelay $0x1  }
0xa7: {  	s23 =	simm.s32 $0x1B8B  }
0xa8: {  	_ =	swait.ge [sflag:s23], $0x1  }
0xa9: {  	[sflag:s23] =	ssyncset.done $0x0  }
0xaa: {  	[sflag:s23] =	ssyncadd.s32 $0xFFFFFFFF  }
0xab: {  	s5 =	sld [smem:$0x0]  }
0xac: {  	s6 =	sand.u32 $0xFFFFFFFE, s1  }
0xad: {  	p0 =	sne.s32 s1, s6  }
0xae: {  	s6 =	sshll.u32 @p0 s6, $0xE  }
0xaf: {  	s6 =	sadd.s32 @p0 $0x11B8D, s6;
	s7 =	sshll.u32 @p0 s5, $0x11  }
0xb0: {  	s6 =	sor.u32 @p0 s7, s6  }
0xb1: {  	[sflag:s6] =	ssyncadd.remote.s32 @p0 $0x1;
	_ =	sdelay $0x1  }
0xb2: {  	s6 =	simm.s32 @p0 $0x1B8D  }
0xb3: {  	_ =	swait.eq @p0 [sflag:s6], $0x1  }
0xb4: {  	[sflag:s6] =	ssyncadd.s32 @p0 $0xFFFFFFFF  }
0xb5: {  	s7 =	sshll.u32 @!p0 s1, $0xE  }
0xb6: {  	s7 =	sor.u32 @!p0 $0x4000, s7;
	s6 =	simm.s32 @!p0 $0x1B8D  }
0xb7: {  	s5 =	sshll.u32 @!p0 s5, $0x11;
	s7 =	sadd.s32 @!p0 $0x11B8D, s7;
	_ =	swait.eq @!p0 [sflag:s6], $0x1  }
0xb8: {  	s5 =	sor.u32 @!p0 s5, s7;
	[sflag:s6] =	ssyncadd.s32 @!p0 $0xFFFFFFFF  }
0xb9: {  	s25 =	simm.s32 $0x1B8E;
	s24 =	sld [smem:$0x3FFE];
	[sflag:s5] =	ssyncadd.remote.s32 @!p0 $0x1  }
0xba: {  	s26 =	simm.s32 $execute0_lowered;
	[smem:$0x3FD2] =	sst s25  }
0xbb: {  	s6 =	sshll.u32 s26, $0x1;
	_ =	strace $0x8000004F;
	[dreg:$0x1] =	wrdreg $0xFFFFFFFF  }
0xbc: {  	s28 =	simm.s32 $_size_execute0_lowered;
	s4 =	sadd.s32 s4, s6;
	[dreg:$0x0] =	wrdreg $0x0  }
0xbd: {  	s6 =	sshll.u32 s28, $0x1;
	[dreg:$0x2] =	wrdreg s4  }
0xbe: {  	[dreg:$0x3] =	wrdreg s6  }
0xbf: {  	[dreg:$0x4] =	wrdreg $0xC0  }
0xc0: {  	_ =	task [dreg:s22], $0x5FFFF  }
0xc1: {  	[dreg:$0x1] =	wrdreg $0xFFFFFFFF  }
0xc2: {  	[dreg:$0x0] =	wrdreg $0x60  }
0xc3: {  	[dreg:$0x2] =	wrdreg s24  }
0xc4: {  	[dreg:$0x3] =	wrdreg s17  }
0xc5: {  	[dreg:$0x4] =	wrdreg $0x67E00  }
0xc6: {  	[dreg:$0x5] =	wrdreg $0xA  }
0xc7: {  	_ =	task.clear_ibuf [dreg:s22], $0x6FFFF;
	_ =	strace $0x9000004F  }
0xc8: {  	s29 =	simm.s32 $0xA;
	_ =	strace $0x80000051  }
0xc9: {  	_ =	swait.ge [sflag:s29], $0x1  }
0xca: {  	[sflag:s29] =	ssyncadd.s32 $0xFFFFFFFF  }
0xcb: {  	_ =	strace $0x90000051  }
0xcc: {  	_ =	sfence  }
0xcd: {  	s30 =	sld [smem:$0x0];
	_ =	sdelay $0x2  }
0xce: {  	s31 =	sshll.u32 s1, $0xD;
	s1 =	sshrl.u32 s1, $0x2  }
0xcf: {  	s4 =	sand.u32 $0x4000, s31;
	s1 =	sadd.s32 s1, s30  }
0xd0: {  	s0 =	sor.u32 s4, s0;
	s1 =	sshll.u32 s1, $0x11  }
0xd1: {  	s0 =	sor.u32 s1, s0  }
0xd2: {  	s0 =	sadd.s32 $0x8F2B, s0  }
0xd3: {  	[sflag:s0] =	ssyncadd.remote.s32 $0x1  }
0xd4: {  	_ =	sfence.sel $0xFFFF  }
0xd5: {  	[dreg:$0x0] =	wrdreg $0xFFFFFFFF;
	(pc) =	sbr.abs _section_cstart, $3  }
0xd6: {  	[dreg:$0x1] =	wrdreg $0xFFFFFFFF  }
0xd7: {  	_ =	task.clear_ibuf [dreg:s22], $0x2FFFF;
	_ =	strace $0x9FFFFFFF  }
0xd8: {  	(tm) =	ssettm $0x7FFFFFFF  }
0xd9: {  	_ =	shalt  }
tec
execute0_lowered:
.L_overlay_start_1:
0x0: {  	(tag) =	ssettag $0x1  }
0x1: {  	s0 =	rddreg [dreg:$0x0]  }
0x2: {  	s1 =	rddreg [dreg:$0x1];
	s3 =	srdreg.scid  }
0x3: {  	s12 =	stileid.u32;
	s2 =	rddreg [dreg:$0x2]  }
0x4: {  	s18 =	simm.s32 $0x5;
	s21 =	simm.s32 $0x40;
	s22 =	simm.s32 $0x80  }
0x5: {  	s28 =	simm.s32 $0x1;
	s29 =	simm.s32 $0x32;
	s4 =	smul.u32 $0xA000, s12  }
0x6: {  	s30 =	simm.s32 $0x3;
	s31 =	simm.s32 $0x2;
	s7 =	smul.u32 $0x28000, s12  }
0x7: {  	s13 =	sand.u32 $0x1, s3;
	s3 =	simm.s32 $0x0;
	s25 =	smul.u32 $0x13880, s12  }
0x8: {  	s15 =	sadd.s32 $0x3E000, s0;
	s8 =	sshll.u32 s12, $0x1;
	s5 =	smul.u32 $0xA0000, s13  }
0x9: {  	[smem:$0x7FF] =	sst s3;
	s8 =	sor.u32 s13, s8;
	s17 =	smul.u32 $0x9C40, s13  }
0xa: {  	s6 =	ssub.s32 $0x2, s13;
	_ =	strace $0x80000050;
	s10 =	smul.u32 $0x4E200, s8  }
0xb: {  	s23 =	sshrl.u32 s6, $0x1;
	s24 =	sshrl.u32 s7, $0x2;
	s11 =	smul.u32 $0x15E, s8  }
0xc: {  	s26 =	sadd.s32 s25, s15;
	s25 =	simm.s32 $0x2260;
	s5 =	sadd.s32 s4, s5  }
0xd: {  	s16 =	ssub.s32 s6, s23;
	s4 =	sadd.s32 s4, s2;
	s9 =	sadd.s32 s24, s2  }
0xe: {  	s23 =	simm.s32 $0x15E0;
	s24 =	simm.s32 $0x2EE0;
	s5 =	sshrl.u32 s5, $0x3  }
0xf: {  	s6 =	sadd.s32 $0x4000, s9;
	s7 =	sadd.s32 $0x6000, s9;
	s8 =	sadd.s32 $0x8000, s9  }
0x10: {  	s10 =	sshrl.u32 s10, $0x3;
	s0 =	sadd.s32 s5, s0;
	s5 =	sadd.s32 $0x2000, s9  }
0x11: {  	s9 =	sadd.s32 s1, s11;
	s10 =	sadd.s32 s15, s10;
	s15 =	smax.u32 s16, $0x1  }
0x12: {  	s16 =	sadd.s32 s17, s26;
	s17 =	simm.s32 $0x47E0;
	s26 =	simm.s32 $0x3B60  }
0x13: {  	s1 =	simm.s32 $0x4;
	[dreg:$0x4] =	wrdreg s5;
	s11 =	sadd.s32 $0x8, s10  }
0x14: {  	v0 =	vimm.f32 $0.0e+00;
	s12 =	sadd.s32 $0x320, s10;
	s13 =	sadd.s32 $0x328, s10;
	s14 =	sadd.s32 $0x176800, s0  }
.LBB2_1:
0x15: {  	s20 =	simm.s32 $0x100;
	s19 =	simm.s32 $0x0  }
.LBB2_2:
0x16: {  	p0 =	sne.s32 s20, $0x7F00;
	[tilespmem:s19+$0x4810] =	vst v0;
	s0 =	smov.u32 s20;
	s20 =	sadd.s32 $0x100, s20  }
.Ltmp0:
0x17: {  	[tilespmem:s19+$0x4800] =	vst v0;
	(pc) =	sbr.rel @p0 .LBB2_2-.Ltmp0, $3  }
0x18: {  	[tilespmem:s19+$0x47E0] =	vst v0  }
0x19: {  	[tilespmem:s19+$0x47F0] =	vst v0;
	_ =	sdelay $0x1  }
0x1a: {  	s19 =	sshra.s32 s0, $0x2  }
0x1b: {  	[tilespmem:s19+$0x4810] =	vst v0  }
0x1c: {  	[tilespmem:s19+$0x4800] =	vst v0  }
0x1d: {  	[tilespmem:s19+$0x47E0] =	vst v0  }
0x1e: {  	[tilespmem:s19+$0x47F0] =	vst v0  }
0x1f: {  	[spmem:s4] =	stream.linear.scatter [tilespmem:s17], [sflag:$0x5], $0x2000, $0x38;
	[tilespmem:$0x107E0] =	vst v63  }
0x20: {  	_ =	swait.ge [sflag:s18], $0x2000  }
0x21: {  	[sflag:s18] =	ssyncset.done $0x0  }
0x22: {  	s0 =	rddreg [dreg:$0x4];
	[sflag:s18] =	ssyncadd.s32 $0xFFFFE000  }
0x23: {  	[spmem:s0] =	stream.linear.scatter [tilespmem:s17], [sflag:$0x5], $0x2000, $0x38;
	[tilespmem:$0x107E0] =	vst v63  }
0x24: {  	_ =	swait.ge [sflag:s18], $0x2000  }
0x25: {  	[sflag:s18] =	ssyncset.done $0x0  }
0x26: {  	[sflag:s18] =	ssyncadd.s32 $0xFFFFE000  }
0x27: {  	[spmem:s6] =	stream.linear.scatter [tilespmem:s17], [sflag:$0x5], $0x2000, $0x38;
	[tilespmem:$0x107E0] =	vst v63  }
0x28: {  	_ =	swait.ge [sflag:s18], $0x2000  }
0x29: {  	[sflag:s18] =	ssyncset.done $0x0  }
0x2a: {  	[sflag:s18] =	ssyncadd.s32 $0xFFFFE000  }
0x2b: {  	[spmem:s7] =	stream.linear.scatter [tilespmem:s17], [sflag:$0x5], $0x2000, $0x38;
	[tilespmem:$0x107E0] =	vst v63  }
0x2c: {  	_ =	swait.ge [sflag:s18], $0x2000  }
0x2d: {  	[sflag:s18] =	ssyncset.done $0x0  }
0x2e: {  	[sflag:s18] =	ssyncadd.s32 $0xFFFFE000  }
0x2f: {  	[spmem:s8] =	stream.linear.scatter [tilespmem:s17], [sflag:$0x5], $0x2000, $0x38;
	[tilespmem:$0x107E0] =	vst v63  }
0x30: {  	_ =	swait.ge [sflag:s18], $0x2000  }
0x31: {  	[sflag:s18] =	ssyncset.done $0x0  }
0x32: {  	s5 =	simm.s32 $0xAF0;
	[sflag:s18] =	ssyncadd.s32 $0xFFFFE000  }
0x33: {  	s20 =	simm.s32 $0x15E00;
	s0 =	simm.s32 $0x0;
	[bflag:$0x0] =	sbarrier.arrive $0xFFFF  }
0x34: {  	[tilespmem:s0], [sflag:$0x5] =	stream.strided.gather [hbm4b:s9+s5], $0x15E0, s20, s5, $0x38;
	[tilespmem:$0x107E0] =	vst v63  }
0x35: {  	_ =	swait.ge [sflag:s18], $0x15E0  }
0x36: {  	[sflag:s18] =	ssyncset.done $0x0  }
0x37: {  	[sflag:s18] =	ssyncadd.s32 $0xFFFFEA20  }
0x38: {  	[tilespmem:s23], [sflag:$0x1] =	stream.strided.gather [hbm4b:s10+s21], $0xC80, s22, s21, $0x38;
	[tilespmem:$0x107E0] =	vst v63  }
0x39: {  	_ = 	snop  }
0x3a: {  	[tilespmem:s24], [sflag:$0x3] =	stream.strided.gather [hbm4b:s11+s21], $0xC80, s22, s21, $0x38;
	[tilespmem:$0x107E0] =	vst v63  }
0x3b: {  	_ = 	snop  }
0x3c: {  	[tilespmem:s25], [sflag:$0x2] =	stream.strided.gather [hbm4b:s12+s21], $0xC80, s22, s21, $0x38;
	[tilespmem:$0x107E0] =	vst v63  }
0x3d: {  	_ = 	snop  }
0x3e: {  	[tilespmem:s26], [sflag:$0x4] =	stream.strided.gather [hbm4b:s13+s21], $0xC80, s22, s21, $0x38;
	[tilespmem:$0x107E0] =	vst v63  }
0x3f: {  	_ =	swait.ge [sflag:s28], $0xC80  }
0x40: {  	[sflag:s28] =	ssyncset.done $0x0  }
0x41: {  	[sflag:s28] =	ssyncadd.s32 $0xFFFFF380  }
0x42: {  	[spmem:s2] =	stream.indirect.scatter.add.f32 [tilespmem:s23], [sflag:$0x5], $0x40, s0, s29, $0xb8;
	[tilespmem:$0x107E0] =	vst v63  }
0x43: {  	_ =	swait.ge [sflag:s18], $0xC80  }
0x44: {  	[sflag:s18] =	ssyncset.done $0x0  }
0x45: {  	[sflag:s18] =	ssyncadd.s32 $0xFFFFF380  }
0x46: {  	_ =	swait.ge [sflag:s30], $0xC80  }
0x47: {  	[sflag:s30] =	ssyncset.done $0x0  }
0x48: {  	s19 =	simm.s32 $0xAF0;
	[sflag:s30] =	ssyncadd.s32 $0xFFFFF380  }
0x49: {  	[spmem:s2] =	stream.indirect.scatter.add.f32 [tilespmem:s24], [sflag:$0x5], $0x40, s19, s29, $0xb8;
	[tilespmem:$0x107E0] =	vst v63  }
0x4a: {  	_ =	swait.ge [sflag:s18], $0xC80  }
0x4b: {  	s0 =	sadd.s32 $0x0, s16;
	[sflag:s18] =	ssyncset.done $0x0  }
0x4c: {  	s20 =	sadd.s32 $0x640, s0;
	[sflag:s18] =	ssyncadd.s32 $0xFFFFF380  }
0x4d: {  	[tilespmem:s23], [sflag:$0x1] =	stream.strided.gather [hbm4b:s20+s21], $0xC80, s22, s21, $0x38;
	[tilespmem:$0x107E0] =	vst v63  }
0x4e: {  	s5 =	sadd.s32 $0x648, s0  }
0x4f: {  	[tilespmem:s24], [sflag:$0x3] =	stream.strided.gather [hbm4b:s5+s21], $0xC80, s22, s21, $0x38;
	[tilespmem:$0x107E0] =	vst v63  }
0x50: {  	_ =	swait.ge [sflag:s31], $0xC80  }
0x51: {  	[sflag:s31] =	ssyncset.done $0x0  }
0x52: {  	s20 =	simm.s32 $0x38;
	[sflag:s31] =	ssyncadd.s32 $0xFFFFF380  }
0x53: {  	[spmem:s2] =	stream.indirect.scatter.add.f32 [tilespmem:s25], [sflag:$0x5], $0x40, s20, s29, $0xb8;
	[tilespmem:$0x107E0] =	vst v63  }
0x54: {  	_ =	swait.ge [sflag:s18], $0xC80  }
0x55: {  	[sflag:s18] =	ssyncset.done $0x0  }
0x56: {  	[sflag:s18] =	ssyncadd.s32 $0xFFFFF380  }
0x57: {  	_ =	swait.ge [sflag:s1], $0xC80  }
0x58: {  	[sflag:s1] =	ssyncset.done $0x0  }
0x59: {  	s5 =	simm.s32 $0xB28;
	[sflag:s1] =	ssyncadd.s32 $0xFFFFF380  }
0x5a: {  	[spmem:s2] =	stream.indirect.scatter.add.f32 [tilespmem:s26], [sflag:$0x5], $0x40, s5, s29, $0xb8;
	[tilespmem:$0x107E0] =	vst v63  }
0x5b: {  	_ =	swait.ge [sflag:s18], $0xC80  }
0x5c: {  	[sflag:s18] =	ssyncset.done $0x0  }
0x5d: {  	s20 =	sadd.s32 $0x960, s0;
	[sflag:s18] =	ssyncadd.s32 $0xFFFFF380  }
0x5e: {  	[tilespmem:s25], [sflag:$0x2] =	stream.strided.gather [hbm4b:s20+s21], $0xC80, s22, s21, $0x38;
	[tilespmem:$0x107E0] =	vst v63  }
0x5f: {  	s19 =	simm.s32 $0x640;
	s0 =	sadd.s32 $0x968, s0;
	s20 =	simm.s32 $0x70  }
.LBB2_4:
0x60: {  	[tilespmem:s26], [sflag:$0x4] =	stream.strided.gather [hbm4b:s0+s21], $0xC80, s22, s21, $0x38;
	[tilespmem:$0x107E0] =	vst v63  }
0x61: {  	s0 =	smov.u32 s19  }
0x62: {  	p0 =	sne.s32 s19, $0x8FC0;
	s19 =	sadd.s32 $0x640, s19;
	_ =	swait.ge [sflag:s28], $0xC80  }
0x63: {  	[sflag:s28] =	ssyncset.done $0x0  }
0x64: {  	[sflag:s28] =	ssyncadd.s32 $0xFFFFF380  }
0x65: {  	[spmem:s2] =	stream.indirect.scatter.add.f32 [tilespmem:s23], [sflag:$0x5], $0x40, s20, s29, $0xb8;
	[tilespmem:$0x107E0] =	vst v63  }
0x66: {  	_ =	swait.ge [sflag:s18], $0xC80  }
0x67: {  	[sflag:s18] =	ssyncset.done $0x0  }
0x68: {  	[sflag:s18] =	ssyncadd.s32 $0xFFFFF380  }
0x69: {  	_ =	swait.ge [sflag:s30], $0xC80  }
0x6a: {  	[sflag:s30] =	ssyncset.done $0x0  }
0x6b: {  	s5 =	sadd.s32 $0xAF0, s20;
	[sflag:s30] =	ssyncadd.s32 $0xFFFFF380  }
0x6c: {  	[spmem:s2] =	stream.indirect.scatter.add.f32 [tilespmem:s24], [sflag:$0x5], $0x40, s5, s29, $0xb8;
	[tilespmem:$0x107E0] =	vst v63  }
0x6d: {  	_ =	swait.ge [sflag:s18], $0xC80  }
0x6e: {  	s0 =	sadd.s32 s0, s16;
	[sflag:s18] =	ssyncset.done $0x0  }
0x6f: {  	s5 =	sadd.s32 $0x640, s0;
	[sflag:s18] =	ssyncadd.s32 $0xFFFFF380  }
0x70: {  	[tilespmem:s23], [sflag:$0x1] =	stream.strided.gather [hbm4b:s5+s21], $0xC80, s22, s21, $0x38;
	[tilespmem:$0x107E0] =	vst v63  }
0x71: {  	s5 =	sadd.s32 $0x648, s0  }
0x72: {  	[tilespmem:s24], [sflag:$0x3] =	stream.strided.gather [hbm4b:s5+s21], $0xC80, s22, s21, $0x38;
	[tilespmem:$0x107E0] =	vst v63  }
0x73: {  	_ =	swait.ge [sflag:s31], $0xC80  }
0x74: {  	[sflag:s31] =	ssyncset.done $0x0  }
0x75: {  	s5 =	sadd.s32 $0x38, s20;
	[sflag:s31] =	ssyncadd.s32 $0xFFFFF380  }
0x76: {  	[spmem:s2] =	stream.indirect.scatter.add.f32 [tilespmem:s25], [sflag:$0x5], $0x40, s5, s29, $0xb8;
	[tilespmem:$0x107E0] =	vst v63  }
0x77: {  	_ =	swait.ge [sflag:s18], $0xC80  }
0x78: {  	[sflag:s18] =	ssyncset.done $0x0  }
0x79: {  	[sflag:s18] =	ssyncadd.s32 $0xFFFFF380  }
0x7a: {  	_ =	swait.ge [sflag:s1], $0xC80  }
0x7b: {  	[sflag:s1] =	ssyncset.done $0x0  }
0x7c: {  	s5 =	sadd.s32 $0xB28, s20;
	[sflag:s1] =	ssyncadd.s32 $0xFFFFF380  }
0x7d: {  	[spmem:s2] =	stream.indirect.scatter.add.f32 [tilespmem:s26], [sflag:$0x5], $0x40, s5, s29, $0xb8;
	[tilespmem:$0x107E0] =	vst v63  }
.Ltmp1:
0x7e: {  	_ =	swait.ge [sflag:s18], $0xC80;
	(pc) =	sbr.rel @p0 .LBB2_4-.Ltmp1, $4  }
0x7f: {  	[sflag:s18] =	ssyncset.done $0x0  }
0x80: {  	s5 =	sadd.s32 $0x960, s0;
	[sflag:s18] =	ssyncadd.s32 $0xFFFFF380  }
0x81: {  	[tilespmem:s25], [sflag:$0x2] =	stream.strided.gather [hbm4b:s5+s21], $0xC80, s22, s21, $0x38;
	[tilespmem:$0x107E0] =	vst v63  }
0x82: {  	s20 =	sadd.s32 $0x70, s20;
	s0 =	sadd.s32 $0x968, s0  }
0x83: {  	[tilespmem:s26], [sflag:$0x4] =	stream.strided.gather [hbm4b:s0+s21], $0xC80, s22, s21, $0x38;
	[tilespmem:$0x107E0] =	vst v63  }
0x84: {  	_ =	swait.ge [sflag:s28], $0xC80  }
0x85: {  	[sflag:s28] =	ssyncset.done $0x0  }
0x86: {  	s19 =	simm.s32 $0xA80;
	[sflag:s28] =	ssyncadd.s32 $0xFFFFF380  }
0x87: {  	[spmem:s2] =	stream.indirect.scatter.add.f32 [tilespmem:s23], [sflag:$0x5], $0x40, s19, s29, $0xb8;
	[tilespmem:$0x107E0] =	vst v63  }
0x88: {  	_ =	swait.ge [sflag:s18], $0xC80  }
0x89: {  	[sflag:s18] =	ssyncset.done $0x0  }
0x8a: {  	[sflag:s18] =	ssyncadd.s32 $0xFFFFF380  }
0x8b: {  	_ =	swait.ge [sflag:s30], $0xC80  }
0x8c: {  	[sflag:s30] =	ssyncset.done $0x0  }
0x8d: {  	s20 =	simm.s32 $0x1570;
	[sflag:s30] =	ssyncadd.s32 $0xFFFFF380  }
0x8e: {  	[spmem:s2] =	stream.indirect.scatter.add.f32 [tilespmem:s24], [sflag:$0x5], $0x40, s20, s29, $0xb8;
	[tilespmem:$0x107E0] =	vst v63  }
0x8f: {  	_ =	swait.ge [sflag:s18], $0xC80  }
0x90: {  	[sflag:s18] =	ssyncset.done $0x0  }
0x91: {  	[sflag:s18] =	ssyncadd.s32 $0xFFFFF380  }
0x92: {  	_ =	swait.ge [sflag:s31], $0xC80  }
0x93: {  	[sflag:s31] =	ssyncset.done $0x0  }
0x94: {  	s5 =	simm.s32 $0xAB8;
	[sflag:s31] =	ssyncadd.s32 $0xFFFFF380  }
0x95: {  	[spmem:s2] =	stream.indirect.scatter.add.f32 [tilespmem:s25], [sflag:$0x5], $0x40, s5, s29, $0xb8;
	[tilespmem:$0x107E0] =	vst v63  }
0x96: {  	_ =	swait.ge [sflag:s18], $0xC80  }
0x97: {  	[sflag:s18] =	ssyncset.done $0x0  }
0x98: {  	[sflag:s18] =	ssyncadd.s32 $0xFFFFF380  }
0x99: {  	_ =	swait.ge [sflag:s1], $0xC80  }
0x9a: {  	[sflag:s1] =	ssyncset.done $0x0  }
0x9b: {  	s19 =	simm.s32 $0x15A8;
	[sflag:s1] =	ssyncadd.s32 $0xFFFFF380  }
0x9c: {  	[spmem:s2] =	stream.indirect.scatter.add.f32 [tilespmem:s26], [sflag:$0x5], $0x40, s19, s29, $0xb8;
	[tilespmem:$0x107E0] =	vst v63  }
0x9d: {  	s20 =	stileid.u32;
	_ =	swait.ge [sflag:s18], $0xC80  }
0x9e: {  	s3 =	sadd.s32 $0x1, s3;
	s0 =	sshll.u32 s20, $0x6;
	[sflag:s18] =	ssyncset.done $0x0  }
0x9f: {  	p0 =	sne.s32 s3, s15;
	s0 =	sor.u32 $0x1C05, s0;
	[sflag:s18] =	ssyncadd.s32 $0xFFFFF380  }
.Ltmp2:
0xa0: {  	s5 =	sshrl.u32 s4, $0x3;
	[bflag:$0x0] =	sbarrier.arrive $0xFFFF;
	(pc) =	sbr.rel @p0 .LBB2_1-.Ltmp2, $4  }
0xa1: {  	[hbm:s14], [sflag:s0] =	dma.local [spmem:s5], $0x1400  }
0xa2: {  	_ =	swait.ge [sflag:s18], $0x1400  }
0xa3: {  	[sflag:s18] =	ssyncset.done $0x0  }
0xa4: {  	[sflag:s18] =	ssyncadd.s32 $0xFFFFEC00  }
0xa5: {  	_ =	sfence.sel $0x180000  }
0xa6: {  	[bflag:$0x0] =	sbarrier.arrive $0xFFFF  }
0xa7: {  	_ =	strace $0x90000050  }
0xa8: {  	s0 =	stileid.u32;
	[bflag:$0x2] =	sbarrier.arrive $0xFFFF  }
0xa9: {  	p0 =	sne.s32 s0, $0x0;
	s0 =	rddreg [dreg:$0x3]  }
0xaa: {  	s0 =	sadd.s32 @!p0 $0x100000, s0  }
0xab: {  	[sflag:s0] =	ssyncadd.tile.s32 @!p0 $0x1;
	_ =	shalt  }
.Lfunc_end2:
_tile_overlayer_lowered:
.L_overlay_start_2:
0xac: {  	(tag) =	ssettag $0x2  }
0xad: {  	s0 =	rddreg [dreg:$0x0];
	s2 =	stileid.u32  }
0xae: {  	s1 =	rddreg [dreg:$0x1];
	p0 =	sne.s32 s2, $0x0  }
0xaf: {  	s3 =	rddreg [dreg:$0x2];
	[bflag:$0x3] =	sbarrier.arrive $0xFFFF;
	s2 =	simm.s32 @!p0 $0x1C05  }
0xb0: {  	[timem:s3], [sflag:s2] =	dma.local @!p0 [hbm:s0], s1  }
0xb1: {  	s0 =	simm.s32 @!p0 $0x5  }
0xb2: {  	_ =	swait.ge @!p0 [sflag:s0], s1  }
0xb3: {  	s1 =	ssub.s32 @!p0 $0x0, s1;
	[sflag:s0] =	ssyncset.done @!p0 $0x0  }
0xb4: {  	[sflag:s0] =	ssyncadd.s32 @!p0 s1  }
0xb5: {  	[bflag:$0x3] =	sbarrier.arrive $0xFFFF  }
0xb6: {  	_ =	shalt  }

</sc_bundles>
